<compile_context>
chip_gen: v7x
topology: tpu7x:2x2x1
jax: 0.10.2.dev20260603
libtpu: 0.0.44.dev20260713+nightly
codegen_flags: <defaults>
</compile_context>

<pallas_src>
import functools

import jax
import jax.numpy as jnp
from jax import lax
from jax.experimental import pallas as pl
from jax.experimental.pallas import tpu as pltpu
from jax.experimental.pallas import tpu_sc as plsc


_K = 10
_LANES = 128
_PAD = 16


def _oddeven_merge_sort(n):
    pairs = []

    def merge(lo, m, r):
        step = r * 2
        if step < m:
            merge(lo, m, step)
            merge(lo + r, m, step)
            for i in range(lo + r, lo + m - r, step):
                pairs.append((i, i + r))
        else:
            pairs.append((lo, lo + r))

    def sort(lo, m):
        if m > 1:
            h = m // 2
            sort(lo, h)
            sort(lo + h, h)
            merge(lo, m, 1)

    sort(0, n)
    return pairs


def _topk_sort_net(n, keep):
    pairs = _oddeven_merge_sort(n)
    needed = set(range(keep))
    kept = []
    for i, j in reversed(pairs):
        if i in needed or j in needed:
            kept.append((i, j))
            needed.add(i)
            needed.add(j)
    kept.reverse()
    return kept


def _tc_body(state_blk_ref, state_ref, w_ref, b_ref, ac_ref,
             idx_ref, corr_ref, cb_ref):
    state_row = state_ref[0]
    state_blk = state_blk_ref[0]
    w = w_ref[...]
    b2 = b_ref[...]
    embT = jnp.tanh(w * state_row + b2)
    embT_blk = jnp.tanh(w * state_blk + b2)

    R = state_blk.shape[1]
    N = state_row.shape[1]

    scores = lax.dot_general(
        embT_blk, embT, (((0,), (0,)), ((), ())),
        preferred_element_type=jnp.float32)
    scores = jnp.maximum(scores, 0.0)

    idx_bits = (N - 1).bit_length()
    idx_mask = (1 << idx_bits) - 1
    iota = lax.broadcasted_iota(jnp.int32, (R, N), 1)
    bits = lax.bitcast_convert_type(scores, jnp.int32)
    keys = lax.bitcast_convert_type(
        (bits & ~idx_mask) | ((N - 1) - iota), jnp.float32)

    nchunks = N // _LANES
    ncols = max(nchunks, _K + 1)
    m_sort = 1
    while m_sort < ncols:
        m_sort *= 2
    cols = [keys[:, i * _LANES:(i + 1) * _LANES] for i in range(nchunks)]
    neg1 = jnp.full((R, _LANES), -1.0, jnp.float32)
    cols += [neg1] * (m_sort - nchunks)
    for i, j in _topk_sort_net(m_sort, _K):
        hi = jnp.maximum(cols[i], cols[j])
        lo = jnp.minimum(cols[i], cols[j])
        cols[i], cols[j] = hi, lo

    mk = jnp.max(cols[0], axis=1, keepdims=True)
    ks = [mk]
    for p in range(1, _K):
        is_max = cols[0] == mk
        for j in range(_K - p):
            cols[j] = jnp.where(is_max, cols[j + 1], cols[j])
        mk = jnp.max(cols[0], axis=1, keepdims=True)
        ks.append(mk)

    idx_cols = []
    e_cols = []
    m1 = None
    for p in range(_K):
        kb = lax.bitcast_convert_type(ks[p], jnp.int32)
        idx_cols.append((N - 1) - (kb & idx_mask))
        vp = lax.bitcast_convert_type(
            (kb & ~idx_mask) | (1 << (idx_bits - 1)), jnp.float32)
        if m1 is None:
            m1 = vp
        e_cols.append(jnp.exp(vp - m1))
    em1 = jnp.exp(-m1)
    z = (N - _K) * em1
    for ep in e_cols:
        z = z + ep
    wz = (1.0 - ac_ref[0, 0]) / z
    cbase = wz * em1
    corr_cols = [wz * ep for ep in e_cols]

    npad = _PAD - _K
    idx_ref[0] = jnp.concatenate(idx_cols + idx_cols[:npad], axis=1)
    corr_ref[0] = jnp.concatenate(corr_cols + corr_cols[:npad], axis=1)
    cb_ref[0] = jnp.concatenate([cbase] * _PAD, axis=1)


def _tc_call(state3d, W, b2, ac, R, N, B):
    grid = (N // R, B)
    shape16 = jax.ShapeDtypeStruct((B, N, _PAD), jnp.float32)
    return pl.pallas_call(
        _tc_body,
        grid=grid,
        in_specs=[
            pl.BlockSpec((1, 1, R), lambda r, bb: (bb, 0, r)),
            pl.BlockSpec((1, 1, N), lambda r, bb: (bb, 0, 0)),
            pl.BlockSpec((W.shape[0], 1), lambda r, bb: (0, 0)),
            pl.BlockSpec((W.shape[0], 1), lambda r, bb: (0, 0)),
            pl.BlockSpec((1, 1), lambda r, bb: (0, 0)),
        ],
        out_specs=[
            pl.BlockSpec((1, R, _PAD), lambda r, bb: (bb, r, 0)),
            pl.BlockSpec((1, R, _PAD), lambda r, bb: (bb, r, 0)),
            pl.BlockSpec((1, R, _PAD), lambda r, bb: (bb, r, 0)),
        ],
        out_shape=[
            jax.ShapeDtypeStruct((B, N, _PAD), jnp.int32),
            shape16, shape16,
        ],
    )(state3d, state3d, W, b2, ac)


def _sc_assemble(N, B):
    info = plsc.get_sparse_core_info()
    nw = info.num_cores * info.num_subcores
    rows_per = N // nw
    mesh = plsc.VectorSubcoreMesh(core_axis_name="c", subcore_axis_name="s")
    uf = 8

    @functools.partial(
        pl.kernel,
        out_type=jax.ShapeDtypeStruct((B, N, N), jnp.float32),
        mesh=mesh,
        compiler_params=pltpu.CompilerParams(needs_layout_passes=False),
        scratch_types=[
            pltpu.VMEM((N,), jnp.float32),
            pltpu.VMEM((rows_per, B * _PAD), jnp.int32),
            pltpu.VMEM((rows_per, B * _PAD), jnp.float32),
            pltpu.VMEM((rows_per, B * _PAD), jnp.float32),
            pltpu.VMEM((16,), jnp.float32),
            pltpu.VMEM((B, N), jnp.float32),
        ],
    )
    def sc(ap_hbm, idx_hbm, corr_hbm, cb_hbm, av_hbm, out_hbm,
           apv, idxv, corrv, cbv, avv, rowbuf):
        wid = lax.axis_index("s") * info.num_cores + lax.axis_index("c")
        n0 = wid * rows_per
        pltpu.sync_copy(av_hbm, avv)
        pltpu.sync_copy(idx_hbm.at[pl.ds(n0, rows_per)], idxv)
        pltpu.sync_copy(corr_hbm.at[pl.ds(n0, rows_per)], corrv)
        pltpu.sync_copy(cb_hbm.at[pl.ds(n0, rows_per)], cbv)
        a_reg = avv[...]

        def n_body(nl, carry):
            n = n0 + nl
            pltpu.sync_copy(ap_hbm.at[n], apv)
            for bb in range(B):
                cb_reg = cbv[nl, pl.ds(bb * _PAD, _PAD)]
                def fma_body(ci, c2, bb=bb, cb_reg=cb_reg):
                    base = ci * (16 * uf)
                    for u in range(uf):
                        off = base + u * 16
                        s = apv[pl.ds(off, 16)]
                        rowbuf[bb, pl.ds(off, 16)] = a_reg * s + cb_reg
                    return c2
                lax.fori_loop(0, N // (16 * uf), fma_body, 0, unroll=False)
                idx_reg = idxv[nl, pl.ds(bb * _PAD, _PAD)]
                apg = plsc.load_gather(apv, [idx_reg])
                fin = a_reg * apg + corrv[nl, pl.ds(bb * _PAD, _PAD)]
                bb_splat = jnp.full((_PAD,), bb, jnp.int32)
                plsc.store_scatter(rowbuf, [bb_splat, idx_reg], fin)
            pltpu.sync_copy(rowbuf, out_hbm.at[:, n, :])
            return carry

        lax.fori_loop(0, rows_per, n_body, 0)

    return sc


@jax.jit
def kernel(x, A_physical, W, b, alpha):
    B, T, N, _ = x.shape
    del T
    state3d = x[:, -1, :, 0][:, None, :]
    b2 = b[:, None]
    acs = jax.nn.sigmoid(alpha)
    ac = acs.reshape(1, 1)

    R = 512
    while N % R:
        R //= 2

    idx16, corr16, cb16 = _tc_call(state3d, W, b2, ac, R, N, B)
    idx_t = jnp.transpose(idx16, (1, 0, 2)).reshape(N, B * _PAD)
    corr_t = jnp.transpose(corr16, (1, 0, 2)).reshape(N, B * _PAD)
    cb_t = jnp.transpose(cb16, (1, 0, 2)).reshape(N, B * _PAD)
    avec = jnp.full((16,), acs, jnp.float32)

    out = _sc_assemble(N, B)(A_physical, idx_t, corr_t, cb_t, avec)
    return out

# --- scband reference (transcript-rebuilt; emitter-appended) ---
"""Pipeline reference for scband-dynamic-graph-generator-74277164417281 (READ-ONLY COPY).

The authoritative reference and input builder live on the scoring server;
editing this copy changes nothing except your own understanding.
"""

import jax, jax.numpy as jnp
import numpy as np


def setup_inputs(seed: int = 0) -> dict:
    key = jax.random.key(seed)
    k1, k2, k3 = jax.random.split(key, 3)
    B, T, N = 16, 12, 2048
    x = jax.random.normal(k1, (B, T, N, 1), dtype=jnp.float32)
    A_physical = jax.random.uniform(k2, (N, N), dtype=jnp.float32)
    # learned params: fc_start = nn.Linear(1, 16), alpha scalar
    W = jax.random.normal(k3, (16, 1), dtype=jnp.float32) * 0.5
    b = jnp.zeros((16,), dtype=jnp.float32)
    alpha = jnp.asarray(0.5, dtype=jnp.float32)
    return {"x": x, "A_physical": A_physical, "W": W, "b": b, "alpha": alpha}


def reference(x, A_physical, W, b, alpha):
    B, T, N, _ = x.shape
    state = x[:, -1, :, :]                      # [B, N, 1]
    state_emb = jnp.tanh(state @ W.T + b)       # [B, N, 16]
    A_dyn = jnp.einsum('bnk,bmk->bnm', state_emb, state_emb)  # [B, N, N]
    A_dyn = jax.nn.relu(A_dyn)
    k = 10
    topk_values, topk_indices = jax.lax.top_k(A_dyn, k)       # [B, N, k]
    bi = jnp.arange(B)[:, None, None]
    ni = jnp.arange(N)[None, :, None]
    sparse_A_dyn = jnp.zeros_like(A_dyn).at[bi, ni, topk_indices].set(topk_values)
    A_dyn = jax.nn.softmax(sparse_A_dyn, axis=2)
    A_phys_batch = jnp.broadcast_to(A_physical[None, :, :], (B, N, N))
    alpha_clamped = jax.nn.sigmoid(alpha)
    A_final = alpha_clamped * A_phys_batch + (1.0 - alpha_clamped) * A_dyn
    return A_final

if __name__ == "__main__":
    import jax
    _d = setup_inputs()
    print(jax.jit(kernel)(*tuple(_d.values())))

</pallas_src>

<mosaic_0001>
#map = affine_map<(d0, d1) -> (0, 0)>
#map1 = affine_map<(d0, d1) -> (0)>
#map2 = affine_map<(d0, d1) -> (0, 0, 0)>
module attributes {stable_mosaic.version = 14 : i64} {
  func.func @sc(%arg0: i32, %arg1: i32, %arg2: memref<2048x2048xf32, #tpu.memory_space<hbm>>, %arg3: memref<2048x256xi32, #tpu.memory_space<hbm>>, %arg4: memref<2048x256xf32, #tpu.memory_space<hbm>>, %arg5: memref<2048x256xf32, #tpu.memory_space<hbm>>, %arg6: memref<16xf32, #tpu.memory_space<hbm>>, %arg7: memref<16x2048x2048xf32, #tpu.memory_space<hbm>>, %arg8: memref<2048xf32, #tpu.memory_space<vmem>>, %arg9: memref<64x256xi32, #tpu.memory_space<vmem>>, %arg10: memref<64x256xf32, #tpu.memory_space<vmem>>, %arg11: memref<64x256xf32, #tpu.memory_space<vmem>>, %arg12: memref<16xf32, #tpu.memory_space<vmem>>, %arg13: memref<16x2048xf32, #tpu.memory_space<vmem>>) attributes {dimension_semantics = [#tpu.dimension_semantics<core_parallel>, #tpu.dimension_semantics<subcore_parallel>], iteration_bounds = array<i64: 2, 16>, scalar_prefetch = 0 : i64, scratch_operands = 6 : i64, tpu.core_type = #tpu.core_type<sc_vector_subcore>, window_params = [{transform_indices = #map}, {transform_indices = #map}, {transform_indices = #map}, {transform_indices = #map}, {transform_indices = #map1}, {transform_indices = #map2}]} {
    %mul3A = arith.constant 2 : i32
    %mul3A_0 = arith.muli %arg1, %mul3A : i32
    %add3A = arith.addi %mul3A_0, %arg0 : i32
    %mul3A_1 = arith.constant 64 : i32
    %mul3A_2 = arith.muli %add3A, %mul3A_1 : i32
    "tpu.region"() ({
      %run_scoped3A = tpu.sem_alloc : memref<!tpu.dma_semaphore, #tpu.memory_space<semaphore_mem>>
      tpu.enqueue_dma source(%arg6 : memref<16xf32, #tpu.memory_space<hbm>>) target(%arg12 : memref<16xf32, #tpu.memory_space<vmem>>) target_semaphore(%run_scoped3A : memref<!tpu.dma_semaphore, #tpu.memory_space<semaphore_mem>>)
      tpu.wait_dma2 semaphore(%run_scoped3A : memref<!tpu.dma_semaphore, #tpu.memory_space<semaphore_mem>>) src(%arg6 : memref<16xf32, #tpu.memory_space<hbm>>) dst(%arg12 : memref<16xf32, #tpu.memory_space<vmem>>)
      tpu.yield
    }) : () -> ()
    "tpu.region"() ({
      %run_scoped3A = tpu.sem_alloc : memref<!tpu.dma_semaphore, #tpu.memory_space<semaphore_mem>>
      %dma_start3A = arith.constant 0 : i32
      %dma_start3A_9 = tpu.memref_slice %arg3[%mul3A_2, %dma_start3A] : memref<2048x256xi32, #tpu.memory_space<hbm>> -> memref<64x256xi32, #tpu.memory_space<hbm>>
      %dma_start3A_10 = arith.constant 0 : i32
      %dma_start3A_11 = tpu.memref_slice %arg3[%mul3A_2, %dma_start3A_10] : memref<2048x256xi32, #tpu.memory_space<hbm>> -> memref<64x256xi32, #tpu.memory_space<hbm>>
      tpu.enqueue_dma source(%dma_start3A_11 : memref<64x256xi32, #tpu.memory_space<hbm>>) target(%arg9 : memref<64x256xi32, #tpu.memory_space<vmem>>) target_semaphore(%run_scoped3A : memref<!tpu.dma_semaphore, #tpu.memory_space<semaphore_mem>>)
      %dma_wait3A = arith.constant 0 : i32
      %dma_wait3A_12 = tpu.memref_slice %arg3[%mul3A_2, %dma_wait3A] : memref<2048x256xi32, #tpu.memory_space<hbm>> -> memref<64x256xi32, #tpu.memory_space<hbm>>
      %dma_wait3A_13 = arith.constant 0 : i32
      %dma_wait3A_14 = tpu.memref_slice %arg3[%mul3A_2, %dma_wait3A_13] : memref<2048x256xi32, #tpu.memory_space<hbm>> -> memref<64x256xi32, #tpu.memory_space<hbm>>
      tpu.wait_dma2 semaphore(%run_scoped3A : memref<!tpu.dma_semaphore, #tpu.memory_space<semaphore_mem>>) src(%dma_wait3A_14 : memref<64x256xi32, #tpu.memory_space<hbm>>) dst(%arg9 : memref<64x256xi32, #tpu.memory_space<vmem>>)
      tpu.yield
    }) : () -> ()
    "tpu.region"() ({
      %run_scoped3A = tpu.sem_alloc : memref<!tpu.dma_semaphore, #tpu.memory_space<semaphore_mem>>
      %dma_start3A = arith.constant 0 : i32
      %dma_start3A_9 = tpu.memref_slice %arg4[%mul3A_2, %dma_start3A] : memref<2048x256xf32, #tpu.memory_space<hbm>> -> memref<64x256xf32, #tpu.memory_space<hbm>>
      %dma_start3A_10 = arith.constant 0 : i32
      %dma_start3A_11 = tpu.memref_slice %arg4[%mul3A_2, %dma_start3A_10] : memref<2048x256xf32, #tpu.memory_space<hbm>> -> memref<64x256xf32, #tpu.memory_space<hbm>>
      tpu.enqueue_dma source(%dma_start3A_11 : memref<64x256xf32, #tpu.memory_space<hbm>>) target(%arg10 : memref<64x256xf32, #tpu.memory_space<vmem>>) target_semaphore(%run_scoped3A : memref<!tpu.dma_semaphore, #tpu.memory_space<semaphore_mem>>)
      %dma_wait3A = arith.constant 0 : i32
      %dma_wait3A_12 = tpu.memref_slice %arg4[%mul3A_2, %dma_wait3A] : memref<2048x256xf32, #tpu.memory_space<hbm>> -> memref<64x256xf32, #tpu.memory_space<hbm>>
      %dma_wait3A_13 = arith.constant 0 : i32
      %dma_wait3A_14 = tpu.memref_slice %arg4[%mul3A_2, %dma_wait3A_13] : memref<2048x256xf32, #tpu.memory_space<hbm>> -> memref<64x256xf32, #tpu.memory_space<hbm>>
      tpu.wait_dma2 semaphore(%run_scoped3A : memref<!tpu.dma_semaphore, #tpu.memory_space<semaphore_mem>>) src(%dma_wait3A_14 : memref<64x256xf32, #tpu.memory_space<hbm>>) dst(%arg10 : memref<64x256xf32, #tpu.memory_space<vmem>>)
      tpu.yield
    }) : () -> ()
    "tpu.region"() ({
      %run_scoped3A = tpu.sem_alloc : memref<!tpu.dma_semaphore, #tpu.memory_space<semaphore_mem>>
      %dma_start3A = arith.constant 0 : i32
      %dma_start3A_9 = tpu.memref_slice %arg5[%mul3A_2, %dma_start3A] : memref<2048x256xf32, #tpu.memory_space<hbm>> -> memref<64x256xf32, #tpu.memory_space<hbm>>
      %dma_start3A_10 = arith.constant 0 : i32
      %dma_start3A_11 = tpu.memref_slice %arg5[%mul3A_2, %dma_start3A_10] : memref<2048x256xf32, #tpu.memory_space<hbm>> -> memref<64x256xf32, #tpu.memory_space<hbm>>
      tpu.enqueue_dma source(%dma_start3A_11 : memref<64x256xf32, #tpu.memory_space<hbm>>) target(%arg11 : memref<64x256xf32, #tpu.memory_space<vmem>>) target_semaphore(%run_scoped3A : memref<!tpu.dma_semaphore, #tpu.memory_space<semaphore_mem>>)
      %dma_wait3A = arith.constant 0 : i32
      %dma_wait3A_12 = tpu.memref_slice %arg5[%mul3A_2, %dma_wait3A] : memref<2048x256xf32, #tpu.memory_space<hbm>> -> memref<64x256xf32, #tpu.memory_space<hbm>>
      %dma_wait3A_13 = arith.constant 0 : i32
      %dma_wait3A_14 = tpu.memref_slice %arg5[%mul3A_2, %dma_wait3A_13] : memref<2048x256xf32, #tpu.memory_space<hbm>> -> memref<64x256xf32, #tpu.memory_space<hbm>>
      tpu.wait_dma2 semaphore(%run_scoped3A : memref<!tpu.dma_semaphore, #tpu.memory_space<semaphore_mem>>) src(%dma_wait3A_14 : memref<64x256xf32, #tpu.memory_space<hbm>>) dst(%arg11 : memref<64x256xf32, #tpu.memory_space<vmem>>)
      tpu.yield
    }) : () -> ()
    %get3A = arith.constant 0 : index
    %get3A_3 = tpu.vector_load %arg12[%get3A] {strides = array<i32>} : memref<16xf32, #tpu.memory_space<vmem>>, vector<16xf32>,
    %scan3A = arith.constant 0 : i32
    %scan3A_4 = arith.constant 0 : i32
    %scan3A_5 = arith.constant 64 : i32
    %scan3A_6 = arith.addi %scan3A_4, %scan3A_5 : i32
    %scan3A_7 = arith.constant 1 : i32
    scf.for %scan3A_9 = %scan3A_4 to %scan3A_6 step %scan3A_7  : i32 {
      %add3A_10 = arith.addi %mul3A_2, %scan3A_9 : i32
      "tpu.region"() ({
        %run_scoped3A = tpu.sem_alloc : memref<!tpu.dma_semaphore, #tpu.memory_space<semaphore_mem>>
        %dma_start3A = arith.constant 0 : i32
        %dma_start3A_329 = tpu.memref_slice %arg2[%add3A_10, %dma_start3A] : memref<2048x2048xf32, #tpu.memory_space<hbm>> -> memref<1x2048xf32, #tpu.memory_space<hbm>>
        %dma_start3A_330 = tpu.memref_squeeze %dma_start3A_329 : memref<1x2048xf32, #tpu.memory_space<hbm>> -> memref<2048xf32, #tpu.memory_space<hbm>>
        %dma_start3A_331 = arith.constant 0 : i32
        %dma_start3A_332 = tpu.memref_slice %arg2[%add3A_10, %dma_start3A_331] : memref<2048x2048xf32, #tpu.memory_space<hbm>> -> memref<1x2048xf32, #tpu.memory_space<hbm>>
        %dma_start3A_333 = tpu.memref_squeeze %dma_start3A_332 : memref<1x2048xf32, #tpu.memory_space<hbm>> -> memref<2048xf32, #tpu.memory_space<hbm>>
        tpu.enqueue_dma source(%dma_start3A_333 : memref<2048xf32, #tpu.memory_space<hbm>>) target(%arg8 : memref<2048xf32, #tpu.memory_space<vmem>>) target_semaphore(%run_scoped3A : memref<!tpu.dma_semaphore, #tpu.memory_space<semaphore_mem>>)
        %dma_wait3A = arith.constant 0 : i32
        %dma_wait3A_334 = tpu.memref_slice %arg2[%add3A_10, %dma_wait3A] : memref<2048x2048xf32, #tpu.memory_space<hbm>> -> memref<1x2048xf32, #tpu.memory_space<hbm>>
        %dma_wait3A_335 = tpu.memref_squeeze %dma_wait3A_334 : memref<1x2048xf32, #tpu.memory_space<hbm>> -> memref<2048xf32, #tpu.memory_space<hbm>>
        %dma_wait3A_336 = arith.constant 0 : i32
        %dma_wait3A_337 = tpu.memref_slice %arg2[%add3A_10, %dma_wait3A_336] : memref<2048x2048xf32, #tpu.memory_space<hbm>> -> memref<1x2048xf32, #tpu.memory_space<hbm>>
        %dma_wait3A_338 = tpu.memref_squeeze %dma_wait3A_337 : memref<1x2048xf32, #tpu.memory_space<hbm>> -> memref<2048xf32, #tpu.memory_space<hbm>>
        tpu.wait_dma2 semaphore(%run_scoped3A : memref<!tpu.dma_semaphore, #tpu.memory_space<semaphore_mem>>) src(%dma_wait3A_338 : memref<2048xf32, #tpu.memory_space<hbm>>) dst(%arg8 : memref<2048xf32, #tpu.memory_space<vmem>>)
        tpu.yield
      }) : () -> ()
      %get3A_11 = arith.index_cast %scan3A_9 : i32 to index
      %get3A_12 = arith.constant 0 : index
      %get3A_13 = tpu.vector_load %arg11[%get3A_11, %get3A_12] {strides = array<i32>} : memref<64x256xf32, #tpu.memory_space<vmem>>, vector<16xf32>,
      %scan3A_14 = arith.constant 0 : i32
      %scan3A_15 = arith.constant 0 : i32
      %scan3A_16 = arith.constant 16 : i32
      %scan3A_17 = arith.addi %scan3A_15, %scan3A_16 : i32
      %scan3A_18 = arith.constant 1 : i32
      scf.for %scan3A_329 = %scan3A_15 to %scan3A_17 step %scan3A_18  : i32 {
        %mul3A_330 = arith.constant 128 : i32
        %mul3A_331 = arith.muli %scan3A_329, %mul3A_330 : i32
        %add3A_332 = arith.constant 0 : i32
        %add3A_333 = arith.addi %mul3A_331, %add3A_332 : i32
        %get3A_334 = arith.index_cast %add3A_333 : i32 to index
        %get3A_335 = tpu.vector_load %arg8[%get3A_334] {strides = array<i32>} : memref<2048xf32, #tpu.memory_space<vmem>>, vector<16xf32>,
        %mul3A_336 = arith.mulf %get3A_3, %get3A_335 : vector<16xf32>
        %add3A_337 = arith.addf %mul3A_336, %get3A_13 : vector<16xf32>
        %swap3A = arith.constant 0 : i32
        %swap3A_338 = arith.index_cast %swap3A : i32 to index
        %swap3A_339 = arith.index_cast %add3A_333 : i32 to index
        %swap3A_340 = tpu.vector_load %arg13[%swap3A_338, %swap3A_339] {strides = array<i32>} : memref<16x2048xf32, #tpu.memory_space<vmem>>, vector<16xf32>,
        tpu.vector_store %arg13[%swap3A_338, %swap3A_339], %add3A_337 {strides = array<i32>} : memref<16x2048xf32, #tpu.memory_space<vmem>>, vector<16xf32>,
        %add3A_341 = arith.constant 16 : i32
        %add3A_342 = arith.addi %mul3A_331, %add3A_341 : i32
        %get3A_343 = arith.index_cast %add3A_342 : i32 to index
        %get3A_344 = tpu.vector_load %arg8[%get3A_343] {strides = array<i32>} : memref<2048xf32, #tpu.memory_space<vmem>>, vector<16xf32>,
        %mul3A_345 = arith.mulf %get3A_3, %get3A_344 : vector<16xf32>
        %add3A_346 = arith.addf %mul3A_345, %get3A_13 : vector<16xf32>
        %swap3A_347 = arith.constant 0 : i32
        %swap3A_348 = arith.index_cast %swap3A_347 : i32 to index
        %swap3A_349 = arith.index_cast %add3A_342 : i32 to index
        %swap3A_350 = tpu.vector_load %arg13[%swap3A_348, %swap3A_349] {strides = array<i32>} : memref<16x2048xf32, #tpu.memory_space<vmem>>, vector<16xf32>,
        tpu.vector_store %arg13[%swap3A_348, %swap3A_349], %add3A_346 {strides = array<i32>} : memref<16x2048xf32, #tpu.memory_space<vmem>>, vector<16xf32>,
        %add3A_351 = arith.constant 32 : i32
        %add3A_352 = arith.addi %mul3A_331, %add3A_351 : i32
        %get3A_353 = arith.index_cast %add3A_352 : i32 to index
        %get3A_354 = tpu.vector_load %arg8[%get3A_353] {strides = array<i32>} : memref<2048xf32, #tpu.memory_space<vmem>>, vector<16xf32>,
        %mul3A_355 = arith.mulf %get3A_3, %get3A_354 : vector<16xf32>
        %add3A_356 = arith.addf %mul3A_355, %get3A_13 : vector<16xf32>
        %swap3A_357 = arith.constant 0 : i32
        %swap3A_358 = arith.index_cast %swap3A_357 : i32 to index
        %swap3A_359 = arith.index_cast %add3A_352 : i32 to index
        %swap3A_360 = tpu.vector_load %arg13[%swap3A_358, %swap3A_359] {strides = array<i32>} : memref<16x2048xf32, #tpu.memory_space<vmem>>, vector<16xf32>,
        tpu.vector_store %arg13[%swap3A_358, %swap3A_359], %add3A_356 {strides = array<i32>} : memref<16x2048xf32, #tpu.memory_space<vmem>>, vector<16xf32>,
        %add3A_361 = arith.constant 48 : i32
        %add3A_362 = arith.addi %mul3A_331, %add3A_361 : i32
        %get3A_363 = arith.index_cast %add3A_362 : i32 to index
        %get3A_364 = tpu.vector_load %arg8[%get3A_363] {strides = array<i32>} : memref<2048xf32, #tpu.memory_space<vmem>>, vector<16xf32>,
        %mul3A_365 = arith.mulf %get3A_3, %get3A_364 : vector<16xf32>
        %add3A_366 = arith.addf %mul3A_365, %get3A_13 : vector<16xf32>
        %swap3A_367 = arith.constant 0 : i32
        %swap3A_368 = arith.index_cast %swap3A_367 : i32 to index
        %swap3A_369 = arith.index_cast %add3A_362 : i32 to index
        %swap3A_370 = tpu.vector_load %arg13[%swap3A_368, %swap3A_369] {strides = array<i32>} : memref<16x2048xf32, #tpu.memory_space<vmem>>, vector<16xf32>,
        tpu.vector_store %arg13[%swap3A_368, %swap3A_369], %add3A_366 {strides = array<i32>} : memref<16x2048xf32, #tpu.memory_space<vmem>>, vector<16xf32>,
        %add3A_371 = arith.constant 64 : i32
        %add3A_372 = arith.addi %mul3A_331, %add3A_371 : i32
        %get3A_373 = arith.index_cast %add3A_372 : i32 to index
        %get3A_374 = tpu.vector_load %arg8[%get3A_373] {strides = array<i32>} : memref<2048xf32, #tpu.memory_space<vmem>>, vector<16xf32>,
        %mul3A_375 = arith.mulf %get3A_3, %get3A_374 : vector<16xf32>
        %add3A_376 = arith.addf %mul3A_375, %get3A_13 : vector<16xf32>
        %swap3A_377 = arith.constant 0 : i32
        %swap3A_378 = arith.index_cast %swap3A_377 : i32 to index
        %swap3A_379 = arith.index_cast %add3A_372 : i32 to index
        %swap3A_380 = tpu.vector_load %arg13[%swap3A_378, %swap3A_379] {strides = array<i32>} : memref<16x2048xf32, #tpu.memory_space<vmem>>, vector<16xf32>,
        tpu.vector_store %arg13[%swap3A_378, %swap3A_379], %add3A_376 {strides = array<i32>} : memref<16x2048xf32, #tpu.memory_space<vmem>>, vector<16xf32>,
        %add3A_381 = arith.constant 80 : i32
        %add3A_382 = arith.addi %mul3A_331, %add3A_381 : i32
        %get3A_383 = arith.index_cast %add3A_382 : i32 to index
        %get3A_384 = tpu.vector_load %arg8[%get3A_383] {strides = array<i32>} : memref<2048xf32, #tpu.memory_space<vmem>>, vector<16xf32>,
        %mul3A_385 = arith.mulf %get3A_3, %get3A_384 : vector<16xf32>
        %add3A_386 = arith.addf %mul3A_385, %get3A_13 : vector<16xf32>
        %swap3A_387 = arith.constant 0 : i32
        %swap3A_388 = arith.index_cast %swap3A_387 : i32 to index
        %swap3A_389 = arith.index_cast %add3A_382 : i32 to index
        %swap3A_390 = tpu.vector_load %arg13[%swap3A_388, %swap3A_389] {strides = array<i32>} : memref<16x2048xf32, #tpu.memory_space<vmem>>, vector<16xf32>,
        tpu.vector_store %arg13[%swap3A_388, %swap3A_389], %add3A_386 {strides = array<i32>} : memref<16x2048xf32, #tpu.memory_space<vmem>>, vector<16xf32>,
        %add3A_391 = arith.constant 96 : i32
        %add3A_392 = arith.addi %mul3A_331, %add3A_391 : i32
        %get3A_393 = arith.index_cast %add3A_392 : i32 to index
        %get3A_394 = tpu.vector_load %arg8[%get3A_393] {strides = array<i32>} : memref<2048xf32, #tpu.memory_space<vmem>>, vector<16xf32>,
        %mul3A_395 = arith.mulf %get3A_3, %get3A_394 : vector<16xf32>
        %add3A_396 = arith.addf %mul3A_395, %get3A_13 : vector<16xf32>
        %swap3A_397 = arith.constant 0 : i32
        %swap3A_398 = arith.index_cast %swap3A_397 : i32 to index
        %swap3A_399 = arith.index_cast %add3A_392 : i32 to index
        %swap3A_400 = tpu.vector_load %arg13[%swap3A_398, %swap3A_399] {strides = array<i32>} : memref<16x2048xf32, #tpu.memory_space<vmem>>, vector<16xf32>,
        tpu.vector_store %arg13[%swap3A_398, %swap3A_399], %add3A_396 {strides = array<i32>} : memref<16x2048xf32, #tpu.memory_space<vmem>>, vector<16xf32>,
        %add3A_401 = arith.constant 112 : i32
        %add3A_402 = arith.addi %mul3A_331, %add3A_401 : i32
        %get3A_403 = arith.index_cast %add3A_402 : i32 to index
        %get3A_404 = tpu.vector_load %arg8[%get3A_403] {strides = array<i32>} : memref<2048xf32, #tpu.memory_space<vmem>>, vector<16xf32>,
        %mul3A_405 = arith.mulf %get3A_3, %get3A_404 : vector<16xf32>
        %add3A_406 = arith.addf %mul3A_405, %get3A_13 : vector<16xf32>
        %swap3A_407 = arith.constant 0 : i32
        %swap3A_408 = arith.index_cast %swap3A_407 : i32 to index
        %swap3A_409 = arith.index_cast %add3A_402 : i32 to index
        %swap3A_410 = tpu.vector_load %arg13[%swap3A_408, %swap3A_409] {strides = array<i32>} : memref<16x2048xf32, #tpu.memory_space<vmem>>, vector<16xf32>,
        tpu.vector_store %arg13[%swap3A_408, %swap3A_409], %add3A_406 {strides = array<i32>} : memref<16x2048xf32, #tpu.memory_space<vmem>>, vector<16xf32>,
      }
      %scan3A_19 = arith.constant 16 : i32
      %get3A_20 = arith.index_cast %scan3A_9 : i32 to index
      %get3A_21 = arith.constant 0 : index
      %get3A_22 = tpu.vector_load %arg9[%get3A_20, %get3A_21] {strides = array<i32>} : memref<64x256xi32, #tpu.memory_space<vmem>>, vector<16xi32>,
      %gather3A = tpu.vector_load_idx %arg8[%get3A_22] : memref<2048xf32, #tpu.memory_space<vmem>>[vector<16xi32>], vector<16xf32>,
      %mul3A_23 = arith.mulf %get3A_3, %gather3A : vector<16xf32>
      %get3A_24 = arith.index_cast %scan3A_9 : i32 to index
      %get3A_25 = arith.constant 0 : index
      %get3A_26 = tpu.vector_load %arg10[%get3A_24, %get3A_25] {strides = array<i32>} : memref<64x256xf32, #tpu.memory_space<vmem>>, vector<16xf32>,
      %add3A_27 = arith.addf %mul3A_23, %get3A_26 : vector<16xf32>
      %broadcast_in_dim3A = arith.constant 0 : i32
      %broadcast_in_dim3A_28 = vector.broadcast %broadcast_in_dim3A : i32 to vector<16xi32>
      tpu.vector_store_idx %arg13[%broadcast_in_dim3A_28, %get3A_22], %add3A_27 : memref<16x2048xf32, #tpu.memory_space<vmem>>[vector<16xi32>, vector<16xi32>], vector<16xf32>,
      %get3A_29 = arith.index_cast %scan3A_9 : i32 to index
      %get3A_30 = arith.constant 16 : index
      %get3A_31 = tpu.vector_load %arg11[%get3A_29, %get3A_30] {strides = array<i32>} : memref<64x256xf32, #tpu.memory_space<vmem>>, vector<16xf32>,
      %scan3A_32 = arith.constant 0 : i32
      %scan3A_33 = arith.constant 0 : i32
      %scan3A_34 = arith.constant 16 : i32
      %scan3A_35 = arith.addi %scan3A_33, %scan3A_34 : i32
      %scan3A_36 = arith.constant 1 : i32
      scf.for %scan3A_329 = %scan3A_33 to %scan3A_35 step %scan3A_36  : i32 {
        %mul3A_330 = arith.constant 128 : i32
        %mul3A_331 = arith.muli %scan3A_329, %mul3A_330 : i32
        %add3A_332 = arith.constant 0 : i32
        %add3A_333 = arith.addi %mul3A_331, %add3A_332 : i32
        %get3A_334 = arith.index_cast %add3A_333 : i32 to index
        %get3A_335 = tpu.vector_load %arg8[%get3A_334] {strides = array<i32>} : memref<2048xf32, #tpu.memory_space<vmem>>, vector<16xf32>,
        %mul3A_336 = arith.mulf %get3A_3, %get3A_335 : vector<16xf32>
        %add3A_337 = arith.addf %mul3A_336, %get3A_31 : vector<16xf32>
        %swap3A = arith.constant 1 : i32
        %swap3A_338 = arith.index_cast %swap3A : i32 to index
        %swap3A_339 = arith.index_cast %add3A_333 : i32 to index
        %swap3A_340 = tpu.vector_load %arg13[%swap3A_338, %swap3A_339] {strides = array<i32>} : memref<16x2048xf32, #tpu.memory_space<vmem>>, vector<16xf32>,
        tpu.vector_store %arg13[%swap3A_338, %swap3A_339], %add3A_337 {strides = array<i32>} : memref<16x2048xf32, #tpu.memory_space<vmem>>, vector<16xf32>,
        %add3A_341 = arith.constant 16 : i32
        %add3A_342 = arith.addi %mul3A_331, %add3A_341 : i32
        %get3A_343 = arith.index_cast %add3A_342 : i32 to index
        %get3A_344 = tpu.vector_load %arg8[%get3A_343] {strides = array<i32>} : memref<2048xf32, #tpu.memory_space<vmem>>, vector<16xf32>,
        %mul3A_345 = arith.mulf %get3A_3, %get3A_344 : vector<16xf32>
        %add3A_346 = arith.addf %mul3A_345, %get3A_31 : vector<16xf32>
        %swap3A_347 = arith.constant 1 : i32
        %swap3A_348 = arith.index_cast %swap3A_347 : i32 to index
        %swap3A_349 = arith.index_cast %add3A_342 : i32 to index
        %swap3A_350 = tpu.vector_load %arg13[%swap3A_348, %swap3A_349] {strides = array<i32>} : memref<16x2048xf32, #tpu.memory_space<vmem>>, vector<16xf32>,
        tpu.vector_store %arg13[%swap3A_348, %swap3A_349], %add3A_346 {strides = array<i32>} : memref<16x2048xf32, #tpu.memory_space<vmem>>, vector<16xf32>,
        %add3A_351 = arith.constant 32 : i32
        %add3A_352 = arith.addi %mul3A_331, %add3A_351 : i32
        %get3A_353 = arith.index_cast %add3A_352 : i32 to index
        %get3A_354 = tpu.vector_load %arg8[%get3A_353] {strides = array<i32>} : memref<2048xf32, #tpu.memory_space<vmem>>, vector<16xf32>,
        %mul3A_355 = arith.mulf %get3A_3, %get3A_354 : vector<16xf32>
        %add3A_356 = arith.addf %mul3A_355, %get3A_31 : vector<16xf32>
        %swap3A_357 = arith.constant 1 : i32
        %swap3A_358 = arith.index_cast %swap3A_357 : i32 to index
        %swap3A_359 = arith.index_cast %add3A_352 : i32 to index
        %swap3A_360 = tpu.vector_load %arg13[%swap3A_358, %swap3A_359] {strides = array<i32>} : memref<16x2048xf32, #tpu.memory_space<vmem>>, vector<16xf32>,
        tpu.vector_store %arg13[%swap3A_358, %swap3A_359], %add3A_356 {strides = array<i32>} : memref<16x2048xf32, #tpu.memory_space<vmem>>, vector<16xf32>,
        %add3A_361 = arith.constant 48 : i32
        %add3A_362 = arith.addi %mul3A_331, %add3A_361 : i32
        %get3A_363 = arith.index_cast %add3A_362 : i32 to index
        %get3A_364 = tpu.vector_load %arg8[%get3A_363] {strides = array<i32>} : memref<2048xf32, #tpu.memory_space<vmem>>, vector<16xf32>,
        %mul3A_365 = arith.mulf %get3A_3, %get3A_364 : vector<16xf32>
        %add3A_366 = arith.addf %mul3A_365, %get3A_31 : vector<16xf32>
        %swap3A_367 = arith.constant 1 : i32
        %swap3A_368 = arith.index_cast %swap3A_367 : i32 to index
        %swap3A_369 = arith.index_cast %add3A_362 : i32 to index
        %swap3A_370 = tpu.vector_load %arg13[%swap3A_368, %swap3A_369] {strides = array<i32>} : memref<16x2048xf32, #tpu.memory_space<vmem>>, vector<16xf32>,
        tpu.vector_store %arg13[%swap3A_368, %swap3A_369], %add3A_366 {strides = array<i32>} : memref<16x2048xf32, #tpu.memory_space<vmem>>, vector<16xf32>,
        %add3A_371 = arith.constant 64 : i32
        %add3A_372 = arith.addi %mul3A_331, %add3A_371 : i32
        %get3A_373 = arith.index_cast %add3A_372 : i32 to index
        %get3A_374 = tpu.vector_load %arg8[%get3A_373] {strides = array<i32>} : memref<2048xf32, #tpu.memory_space<vmem>>, vector<16xf32>,
        %mul3A_375 = arith.mulf %get3A_3, %get3A_374 : vector<16xf32>
        %add3A_376 = arith.addf %mul3A_375, %get3A_31 : vector<16xf32>
        %swap3A_377 = arith.constant 1 : i32
        %swap3A_378 = arith.index_cast %swap3A_377 : i32 to index
        %swap3A_379 = arith.index_cast %add3A_372 : i32 to index
        %swap3A_380 = tpu.vector_load %arg13[%swap3A_378, %swap3A_379] {strides = array<i32>} : memref<16x2048xf32, #tpu.memory_space<vmem>>, vector<16xf32>,
        tpu.vector_store %arg13[%swap3A_378, %swap3A_379], %add3A_376 {strides = array<i32>} : memref<16x2048xf32, #tpu.memory_space<vmem>>, vector<16xf32>,
        %add3A_381 = arith.constant 80 : i32
        %add3A_382 = arith.addi %mul3A_331, %add3A_381 : i32
        %get3A_383 = arith.index_cast %add3A_382 : i32 to index
        %get3A_384 = tpu.vector_load %arg8[%get3A_383] {strides = array<i32>} : memref<2048xf32, #tpu.memory_space<vmem>>, vector<16xf32>,
        %mul3A_385 = arith.mulf %get3A_3, %get3A_384 : vector<16xf32>
        %add3A_386 = arith.addf %mul3A_385, %get3A_31 : vector<16xf32>
        %swap3A_387 = arith.constant 1 : i32
        %swap3A_388 = arith.index_cast %swap3A_387 : i32 to index
        %swap3A_389 = arith.index_cast %add3A_382 : i32 to index
        %swap3A_390 = tpu.vector_load %arg13[%swap3A_388, %swap3A_389] {strides = array<i32>} : memref<16x2048xf32, #tpu.memory_space<vmem>>, vector<16xf32>,
        tpu.vector_store %arg13[%swap3A_388, %swap3A_389], %add3A_386 {strides = array<i32>} : memref<16x2048xf32, #tpu.memory_space<vmem>>, vector<16xf32>,
        %add3A_391 = arith.constant 96 : i32
        %add3A_392 = arith.addi %mul3A_331, %add3A_391 : i32
        %get3A_393 = arith.index_cast %add3A_392 : i32 to index
        %get3A_394 = tpu.vector_load %arg8[%get3A_393] {strides = array<i32>} : memref<2048xf32, #tpu.memory_space<vmem>>, vector<16xf32>,
        %mul3A_395 = arith.mulf %get3A_3, %get3A_394 : vector<16xf32>
        %add3A_396 = arith.addf %mul3A_395, %get3A_31 : vector<16xf32>
        %swap3A_397 = arith.constant 1 : i32
        %swap3A_398 = arith.index_cast %swap3A_397 : i32 to index
        %swap3A_399 = arith.index_cast %add3A_392 : i32 to index
        %swap3A_400 = tpu.vector_load %arg13[%swap3A_398, %swap3A_399] {strides = array<i32>} : memref<16x2048xf32, #tpu.memory_space<vmem>>, vector<16xf32>,
        tpu.vector_store %arg13[%swap3A_398, %swap3A_399], %add3A_396 {strides = array<i32>} : memref<16x2048xf32, #tpu.memory_space<vmem>>, vector<16xf32>,
        %add3A_401 = arith.constant 112 : i32
        %add3A_402 = arith.addi %mul3A_331, %add3A_401 : i32
        %get3A_403 = arith.index_cast %add3A_402 : i32 to index
        %get3A_404 = tpu.vector_load %arg8[%get3A_403] {strides = array<i32>} : memref<2048xf32, #tpu.memory_space<vmem>>, vector<16xf32>,
        %mul3A_405 = arith.mulf %get3A_3, %get3A_404 : vector<16xf32>
        %add3A_406 = arith.addf %mul3A_405, %get3A_31 : vector<16xf32>
        %swap3A_407 = arith.constant 1 : i32
        %swap3A_408 = arith.index_cast %swap3A_407 : i32 to index
        %swap3A_409 = arith.index_cast %add3A_402 : i32 to index
        %swap3A_410 = tpu.vector_load %arg13[%swap3A_408, %swap3A_409] {strides = array<i32>} : memref<16x2048xf32, #tpu.memory_space<vmem>>, vector<16xf32>,
        tpu.vector_store %arg13[%swap3A_408, %swap3A_409], %add3A_406 {strides = array<i32>} : memref<16x2048xf32, #tpu.memory_space<vmem>>, vector<16xf32>,
      }
      %scan3A_37 = arith.constant 16 : i32
      %get3A_38 = arith.index_cast %scan3A_9 : i32 to index
      %get3A_39 = arith.constant 16 : index
      %get3A_40 = tpu.vector_load %arg9[%get3A_38, %get3A_39] {strides = array<i32>} : memref<64x256xi32, #tpu.memory_space<vmem>>, vector<16xi32>,
      %gather3A_41 = tpu.vector_load_idx %arg8[%get3A_40] : memref<2048xf32, #tpu.memory_space<vmem>>[vector<16xi32>], vector<16xf32>,
      %mul3A_42 = arith.mulf %get3A_3, %gather3A_41 : vector<16xf32>
      %get3A_43 = arith.index_cast %scan3A_9 : i32 to index
      %get3A_44 = arith.constant 16 : index
      %get3A_45 = tpu.vector_load %arg10[%get3A_43, %get3A_44] {strides = array<i32>} : memref<64x256xf32, #tpu.memory_space<vmem>>, vector<16xf32>,
      %add3A_46 = arith.addf %mul3A_42, %get3A_45 : vector<16xf32>
      %broadcast_in_dim3A_47 = arith.constant 1 : i32
      %broadcast_in_dim3A_48 = vector.broadcast %broadcast_in_dim3A_47 : i32 to vector<16xi32>
      tpu.vector_store_idx %arg13[%broadcast_in_dim3A_48, %get3A_40], %add3A_46 : memref<16x2048xf32, #tpu.memory_space<vmem>>[vector<16xi32>, vector<16xi32>], vector<16xf32>,
      %get3A_49 = arith.index_cast %scan3A_9 : i32 to index
      %get3A_50 = arith.constant 32 : index
      %get3A_51 = tpu.vector_load %arg11[%get3A_49, %get3A_50] {strides = array<i32>} : memref<64x256xf32, #tpu.memory_space<vmem>>, vector<16xf32>,
      %scan3A_52 = arith.constant 0 : i32
      %scan3A_53 = arith.constant 0 : i32
      %scan3A_54 = arith.constant 16 : i32
      %scan3A_55 = arith.addi %scan3A_53, %scan3A_54 : i32
      %scan3A_56 = arith.constant 1 : i32
      scf.for %scan3A_329 = %scan3A_53 to %scan3A_55 step %scan3A_56  : i32 {
        %mul3A_330 = arith.constant 128 : i32
        %mul3A_331 = arith.muli %scan3A_329, %mul3A_330 : i32
        %add3A_332 = arith.constant 0 : i32
        %add3A_333 = arith.addi %mul3A_331, %add3A_332 : i32
        %get3A_334 = arith.index_cast %add3A_333 : i32 to index
        %get3A_335 = tpu.vector_load %arg8[%get3A_334] {strides = array<i32>} : memref<2048xf32, #tpu.memory_space<vmem>>, vector<16xf32>,
        %mul3A_336 = arith.mulf %get3A_3, %get3A_335 : vector<16xf32>
        %add3A_337 = arith.addf %mul3A_336, %get3A_51 : vector<16xf32>
        %swap3A = arith.constant 2 : i32
        %swap3A_338 = arith.index_cast %swap3A : i32 to index
        %swap3A_339 = arith.index_cast %add3A_333 : i32 to index
        %swap3A_340 = tpu.vector_load %arg13[%swap3A_338, %swap3A_339] {strides = array<i32>} : memref<16x2048xf32, #tpu.memory_space<vmem>>, vector<16xf32>,
        tpu.vector_store %arg13[%swap3A_338, %swap3A_339], %add3A_337 {strides = array<i32>} : memref<16x2048xf32, #tpu.memory_space<vmem>>, vector<16xf32>,
        %add3A_341 = arith.constant 16 : i32
        %add3A_342 = arith.addi %mul3A_331, %add3A_341 : i32
        %get3A_343 = arith.index_cast %add3A_342 : i32 to index
        %get3A_344 = tpu.vector_load %arg8[%get3A_343] {strides = array<i32>} : memref<2048xf32, #tpu.memory_space<vmem>>, vector<16xf32>,
        %mul3A_345 = arith.mulf %get3A_3, %get3A_344 : vector<16xf32>
        %add3A_346 = arith.addf %mul3A_345, %get3A_51 : vector<16xf32>
        %swap3A_347 = arith.constant 2 : i32
        %swap3A_348 = arith.index_cast %swap3A_347 : i32 to index
        %swap3A_349 = arith.index_cast %add3A_342 : i32 to index
        %swap3A_350 = tpu.vector_load %arg13[%swap3A_348, %swap3A_349] {strides = array<i32>} : memref<16x2048xf32, #tpu.memory_space<vmem>>, vector<16xf32>,
        tpu.vector_store %arg13[%swap3A_348, %swap3A_349], %add3A_346 {strides = array<i32>} : memref<16x2048xf32, #tpu.memory_space<vmem>>, vector<16xf32>,
        %add3A_351 = arith.constant 32 : i32
        %add3A_352 = arith.addi %mul3A_331, %add3A_351 : i32
        %get3A_353 = arith.index_cast %add3A_352 : i32 to index
        %get3A_354 = tpu.vector_load %arg8[%get3A_353] {strides = array<i32>} : memref<2048xf32, #tpu.memory_space<vmem>>, vector<16xf32>,
        %mul3A_355 = arith.mulf %get3A_3, %get3A_354 : vector<16xf32>
        %add3A_356 = arith.addf %mul3A_355, %get3A_51 : vector<16xf32>
        %swap3A_357 = arith.constant 2 : i32
        %swap3A_358 = arith.index_cast %swap3A_357 : i32 to index
        %swap3A_359 = arith.index_cast %add3A_352 : i32 to index
        %swap3A_360 = tpu.vector_load %arg13[%swap3A_358, %swap3A_359] {strides = array<i32>} : memref<16x2048xf32, #tpu.memory_space<vmem>>, vector<16xf32>,
        tpu.vector_store %arg13[%swap3A_358, %swap3A_359], %add3A_356 {strides = array<i32>} : memref<16x2048xf32, #tpu.memory_space<vmem>>, vector<16xf32>,
        %add3A_361 = arith.constant 48 : i32
        %add3A_362 = arith.addi %mul3A_331, %add3A_361 : i32
        %get3A_363 = arith.index_cast %add3A_362 : i32 to index
        %get3A_364 = tpu.vector_load %arg8[%get3A_363] {strides = array<i32>} : memref<2048xf32, #tpu.memory_space<vmem>>, vector<16xf32>,
        %mul3A_365 = arith.mulf %get3A_3, %get3A_364 : vector<16xf32>
        %add3A_366 = arith.addf %mul3A_365, %get3A_51 : vector<16xf32>
        %swap3A_367 = arith.constant 2 : i32
        %swap3A_368 = arith.index_cast %swap3A_367 : i32 to index
        %swap3A_369 = arith.index_cast %add3A_362 : i32 to index
        %swap3A_370 = tpu.vector_load %arg13[%swap3A_368, %swap3A_369] {strides = array<i32>} : memref<16x2048xf32, #tpu.memory_space<vmem>>, vector<16xf32>,
        tpu.vector_store %arg13[%swap3A_368, %swap3A_369], %add3A_366 {strides = array<i32>} : memref<16x2048xf32, #tpu.memory_space<vmem>>, vector<16xf32>,
        %add3A_371 = arith.constant 64 : i32
        %add3A_372 = arith.addi %mul3A_331, %add3A_371 : i32
        %get3A_373 = arith.index_cast %add3A_372 : i32 to index
        %get3A_374 = tpu.vector_load %arg8[%get3A_373] {strides = array<i32>} : memref<2048xf32, #tpu.memory_space<vmem>>, vector<16xf32>,
        %mul3A_375 = arith.mulf %get3A_3, %get3A_374 : vector<16xf32>
        %add3A_376 = arith.addf %mul3A_375, %get3A_51 : vector<16xf32>
        %swap3A_377 = arith.constant 2 : i32
        %swap3A_378 = arith.index_cast %swap3A_377 : i32 to index
        %swap3A_379 = arith.index_cast %add3A_372 : i32 to index
        %swap3A_380 = tpu.vector_load %arg13[%swap3A_378, %swap3A_379] {strides = array<i32>} : memref<16x2048xf32, #tpu.memory_space<vmem>>, vector<16xf32>,
        tpu.vector_store %arg13[%swap3A_378, %swap3A_379], %add3A_376 {strides = array<i32>} : memref<16x2048xf32, #tpu.memory_space<vmem>>, vector<16xf32>,
        %add3A_381 = arith.constant 80 : i32
        %add3A_382 = arith.addi %mul3A_331, %add3A_381 : i32
        %get3A_383 = arith.index_cast %add3A_382 : i32 to index
        %get3A_384 = tpu.vector_load %arg8[%get3A_383] {strides = array<i32>} : memref<2048xf32, #tpu.memory_space<vmem>>, vector<16xf32>,
        %mul3A_385 = arith.mulf %get3A_3, %get3A_384 : vector<16xf32>
        %add3A_386 = arith.addf %mul3A_385, %get3A_51 : vector<16xf32>
        %swap3A_387 = arith.constant 2 : i32
        %swap3A_388 = arith.index_cast %swap3A_387 : i32 to index
        %swap3A_389 = arith.index_cast %add3A_382 : i32 to index
        %swap3A_390 = tpu.vector_load %arg13[%swap3A_388, %swap3A_389] {strides = array<i32>} : memref<16x2048xf32, #tpu.memory_space<vmem>>, vector<16xf32>,
        tpu.vector_store %arg13[%swap3A_388, %swap3A_389], %add3A_386 {strides = array<i32>} : memref<16x2048xf32, #tpu.memory_space<vmem>>, vector<16xf32>,
        %add3A_391 = arith.constant 96 : i32
        %add3A_392 = arith.addi %mul3A_331, %add3A_391 : i32
        %get3A_393 = arith.index_cast %add3A_392 : i32 to index
        %get3A_394 = tpu.vector_load %arg8[%get3A_393] {strides = array<i32>} : memref<2048xf32, #tpu.memory_space<vmem>>, vector<16xf32>,
        %mul3A_395 = arith.mulf %get3A_3, %get3A_394 : vector<16xf32>
        %add3A_396 = arith.addf %mul3A_395, %get3A_51 : vector<16xf32>
        %swap3A_397 = arith.constant 2 : i32
        %swap3A_398 = arith.index_cast %swap3A_397 : i32 to index
        %swap3A_399 = arith.index_cast %add3A_392 : i32 to index
        %swap3A_400 = tpu.vector_load %arg13[%swap3A_398, %swap3A_399] {strides = array<i32>} : memref<16x2048xf32, #tpu.memory_space<vmem>>, vector<16xf32>,
        tpu.vector_store %arg13[%swap3A_398, %swap3A_399], %add3A_396 {strides = array<i32>} : memref<16x2048xf32, #tpu.memory_space<vmem>>, vector<16xf32>,
        %add3A_401 = arith.constant 112 : i32
        %add3A_402 = arith.addi %mul3A_331, %add3A_401 : i32
        %get3A_403 = arith.index_cast %add3A_402 : i32 to index
        %get3A_404 = tpu.vector_load %arg8[%get3A_403] {strides = array<i32>} : memref<2048xf32, #tpu.memory_space<vmem>>, vector<16xf32>,
        %mul3A_405 = arith.mulf %get3A_3, %get3A_404 : vector<16xf32>
        %add3A_406 = arith.addf %mul3A_405, %get3A_51 : vector<16xf32>
        %swap3A_407 = arith.constant 2 : i32
        %swap3A_408 = arith.index_cast %swap3A_407 : i32 to index
        %swap3A_409 = arith.index_cast %add3A_402 : i32 to index
        %swap3A_410 = tpu.vector_load %arg13[%swap3A_408, %swap3A_409] {strides = array<i32>} : memref<16x2048xf32, #tpu.memory_space<vmem>>, vector<16xf32>,
        tpu.vector_store %arg13[%swap3A_408, %swap3A_409], %add3A_406 {strides = array<i32>} : memref<16x2048xf32, #tpu.memory_space<vmem>>, vector<16xf32>,
      }
      %scan3A_57 = arith.constant 16 : i32
      %get3A_58 = arith.index_cast %scan3A_9 : i32 to index
      %get3A_59 = arith.constant 32 : index
      %get3A_60 = tpu.vector_load %arg9[%get3A_58, %get3A_59] {strides = array<i32>} : memref<64x256xi32, #tpu.memory_space<vmem>>, vector<16xi32>,
      %gather3A_61 = tpu.vector_load_idx %arg8[%get3A_60] : memref<2048xf32, #tpu.memory_space<vmem>>[vector<16xi32>], vector<16xf32>,
      %mul3A_62 = arith.mulf %get3A_3, %gather3A_61 : vector<16xf32>
      %get3A_63 = arith.index_cast %scan3A_9 : i32 to index
      %get3A_64 = arith.constant 32 : index
      %get3A_65 = tpu.vector_load %arg10[%get3A_63, %get3A_64] {strides = array<i32>} : memref<64x256xf32, #tpu.memory_space<vmem>>, vector<16xf32>,
      %add3A_66 = arith.addf %mul3A_62, %get3A_65 : vector<16xf32>
      %broadcast_in_dim3A_67 = arith.constant 2 : i32
      %broadcast_in_dim3A_68 = vector.broadcast %broadcast_in_dim3A_67 : i32 to vector<16xi32>
      tpu.vector_store_idx %arg13[%broadcast_in_dim3A_68, %get3A_60], %add3A_66 : memref<16x2048xf32, #tpu.memory_space<vmem>>[vector<16xi32>, vector<16xi32>], vector<16xf32>,
      %get3A_69 = arith.index_cast %scan3A_9 : i32 to index
      %get3A_70 = arith.constant 48 : index
      %get3A_71 = tpu.vector_load %arg11[%get3A_69, %get3A_70] {strides = array<i32>} : memref<64x256xf32, #tpu.memory_space<vmem>>, vector<16xf32>,
      %scan3A_72 = arith.constant 0 : i32
      %scan3A_73 = arith.constant 0 : i32
      %scan3A_74 = arith.constant 16 : i32
      %scan3A_75 = arith.addi %scan3A_73, %scan3A_74 : i32
      %scan3A_76 = arith.constant 1 : i32
      scf.for %scan3A_329 = %scan3A_73 to %scan3A_75 step %scan3A_76  : i32 {
        %mul3A_330 = arith.constant 128 : i32
        %mul3A_331 = arith.muli %scan3A_329, %mul3A_330 : i32
        %add3A_332 = arith.constant 0 : i32
        %add3A_333 = arith.addi %mul3A_331, %add3A_332 : i32
        %get3A_334 = arith.index_cast %add3A_333 : i32 to index
        %get3A_335 = tpu.vector_load %arg8[%get3A_334] {strides = array<i32>} : memref<2048xf32, #tpu.memory_space<vmem>>, vector<16xf32>,
        %mul3A_336 = arith.mulf %get3A_3, %get3A_335 : vector<16xf32>
        %add3A_337 = arith.addf %mul3A_336, %get3A_71 : vector<16xf32>
        %swap3A = arith.constant 3 : i32
        %swap3A_338 = arith.index_cast %swap3A : i32 to index
        %swap3A_339 = arith.index_cast %add3A_333 : i32 to index
        %swap3A_340 = tpu.vector_load %arg13[%swap3A_338, %swap3A_339] {strides = array<i32>} : memref<16x2048xf32, #tpu.memory_space<vmem>>, vector<16xf32>,
        tpu.vector_store %arg13[%swap3A_338, %swap3A_339], %add3A_337 {strides = array<i32>} : memref<16x2048xf32, #tpu.memory_space<vmem>>, vector<16xf32>,
        %add3A_341 = arith.constant 16 : i32
        %add3A_342 = arith.addi %mul3A_331, %add3A_341 : i32
        %get3A_343 = arith.index_cast %add3A_342 : i32 to index
        %get3A_344 = tpu.vector_load %arg8[%get3A_343] {strides = array<i32>} : memref<2048xf32, #tpu.memory_space<vmem>>, vector<16xf32>,
        %mul3A_345 = arith.mulf %get3A_3, %get3A_344 : vector<16xf32>
        %add3A_346 = arith.addf %mul3A_345, %get3A_71 : vector<16xf32>
        %swap3A_347 = arith.constant 3 : i32
        %swap3A_348 = arith.index_cast %swap3A_347 : i32 to index
        %swap3A_349 = arith.index_cast %add3A_342 : i32 to index
        %swap3A_350 = tpu.vector_load %arg13[%swap3A_348, %swap3A_349] {strides = array<i32>} : memref<16x2048xf32, #tpu.memory_space<vmem>>, vector<16xf32>,
        tpu.vector_store %arg13[%swap3A_348, %swap3A_349], %add3A_346 {strides = array<i32>} : memref<16x2048xf32, #tpu.memory_space<vmem>>, vector<16xf32>,
        %add3A_351 = arith.constant 32 : i32
        %add3A_352 = arith.addi %mul3A_331, %add3A_351 : i32
        %get3A_353 = arith.index_cast %add3A_352 : i32 to index
        %get3A_354 = tpu.vector_load %arg8[%get3A_353] {strides = array<i32>} : memref<2048xf32, #tpu.memory_space<vmem>>, vector<16xf32>,
        %mul3A_355 = arith.mulf %get3A_3, %get3A_354 : vector<16xf32>
        %add3A_356 = arith.addf %mul3A_355, %get3A_71 : vector<16xf32>
        %swap3A_357 = arith.constant 3 : i32
        %swap3A_358 = arith.index_cast %swap3A_357 : i32 to index
        %swap3A_359 = arith.index_cast %add3A_352 : i32 to index
        %swap3A_360 = tpu.vector_load %arg13[%swap3A_358, %swap3A_359] {strides = array<i32>} : memref<16x2048xf32, #tpu.memory_space<vmem>>, vector<16xf32>,
        tpu.vector_store %arg13[%swap3A_358, %swap3A_359], %add3A_356 {strides = array<i32>} : memref<16x2048xf32, #tpu.memory_space<vmem>>, vector<16xf32>,
        %add3A_361 = arith.constant 48 : i32
        %add3A_362 = arith.addi %mul3A_331, %add3A_361 : i32
        %get3A_363 = arith.index_cast %add3A_362 : i32 to index
        %get3A_364 = tpu.vector_load %arg8[%get3A_363] {strides = array<i32>} : memref<2048xf32, #tpu.memory_space<vmem>>, vector<16xf32>,
        %mul3A_365 = arith.mulf %get3A_3, %get3A_364 : vector<16xf32>
        %add3A_366 = arith.addf %mul3A_365, %get3A_71 : vector<16xf32>
        %swap3A_367 = arith.constant 3 : i32
        %swap3A_368 = arith.index_cast %swap3A_367 : i32 to index
        %swap3A_369 = arith.index_cast %add3A_362 : i32 to index
        %swap3A_370 = tpu.vector_load %arg13[%swap3A_368, %swap3A_369] {strides = array<i32>} : memref<16x2048xf32, #tpu.memory_space<vmem>>, vector<16xf32>,
        tpu.vector_store %arg13[%swap3A_368, %swap3A_369], %add3A_366 {strides = array<i32>} : memref<16x2048xf32, #tpu.memory_space<vmem>>, vector<16xf32>,
        %add3A_371 = arith.constant 64 : i32
        %add3A_372 = arith.addi %mul3A_331, %add3A_371 : i32
        %get3A_373 = arith.index_cast %add3A_372 : i32 to index
        %get3A_374 = tpu.vector_load %arg8[%get3A_373] {strides = array<i32>} : memref<2048xf32, #tpu.memory_space<vmem>>, vector<16xf32>,
        %mul3A_375 = arith.mulf %get3A_3, %get3A_374 : vector<16xf32>
        %add3A_376 = arith.addf %mul3A_375, %get3A_71 : vector<16xf32>
        %swap3A_377 = arith.constant 3 : i32
        %swap3A_378 = arith.index_cast %swap3A_377 : i32 to index
        %swap3A_379 = arith.index_cast %add3A_372 : i32 to index
        %swap3A_380 = tpu.vector_load %arg13[%swap3A_378, %swap3A_379] {strides = array<i32>} : memref<16x2048xf32, #tpu.memory_space<vmem>>, vector<16xf32>,
        tpu.vector_store %arg13[%swap3A_378, %swap3A_379], %add3A_376 {strides = array<i32>} : memref<16x2048xf32, #tpu.memory_space<vmem>>, vector<16xf32>,
        %add3A_381 = arith.constant 80 : i32
        %add3A_382 = arith.addi %mul3A_331, %add3A_381 : i32
        %get3A_383 = arith.index_cast %add3A_382 : i32 to index
        %get3A_384 = tpu.vector_load %arg8[%get3A_383] {strides = array<i32>} : memref<2048xf32, #tpu.memory_space<vmem>>, vector<16xf32>,
        %mul3A_385 = arith.mulf %get3A_3, %get3A_384 : vector<16xf32>
        %add3A_386 = arith.addf %mul3A_385, %get3A_71 : vector<16xf32>
        %swap3A_387 = arith.constant 3 : i32
        %swap3A_388 = arith.index_cast %swap3A_387 : i32 to index
        %swap3A_389 = arith.index_cast %add3A_382 : i32 to index
        %swap3A_390 = tpu.vector_load %arg13[%swap3A_388, %swap3A_389] {strides = array<i32>} : memref<16x2048xf32, #tpu.memory_space<vmem>>, vector<16xf32>,
        tpu.vector_store %arg13[%swap3A_388, %swap3A_389], %add3A_386 {strides = array<i32>} : memref<16x2048xf32, #tpu.memory_space<vmem>>, vector<16xf32>,
        %add3A_391 = arith.constant 96 : i32
        %add3A_392 = arith.addi %mul3A_331, %add3A_391 : i32
        %get3A_393 = arith.index_cast %add3A_392 : i32 to index
        %get3A_394 = tpu.vector_load %arg8[%get3A_393] {strides = array<i32>} : memref<2048xf32, #tpu.memory_space<vmem>>, vector<16xf32>,
        %mul3A_395 = arith.mulf %get3A_3, %get3A_394 : vector<16xf32>
        %add3A_396 = arith.addf %mul3A_395, %get3A_71 : vector<16xf32>
        %swap3A_397 = arith.constant 3 : i32
        %swap3A_398 = arith.index_cast %swap3A_397 : i32 to index
        %swap3A_399 = arith.index_cast %add3A_392 : i32 to index
        %swap3A_400 = tpu.vector_load %arg13[%swap3A_398, %swap3A_399] {strides = array<i32>} : memref<16x2048xf32, #tpu.memory_space<vmem>>, vector<16xf32>,
        tpu.vector_store %arg13[%swap3A_398, %swap3A_399], %add3A_396 {strides = array<i32>} : memref<16x2048xf32, #tpu.memory_space<vmem>>, vector<16xf32>,
        %add3A_401 = arith.constant 112 : i32
        %add3A_402 = arith.addi %mul3A_331, %add3A_401 : i32
        %get3A_403 = arith.index_cast %add3A_402 : i32 to index
        %get3A_404 = tpu.vector_load %arg8[%get3A_403] {strides = array<i32>} : memref<2048xf32, #tpu.memory_space<vmem>>, vector<16xf32>,
        %mul3A_405 = arith.mulf %get3A_3, %get3A_404 : vector<16xf32>
        %add3A_406 = arith.addf %mul3A_405, %get3A_71 : vector<16xf32>
        %swap3A_407 = arith.constant 3 : i32
        %swap3A_408 = arith.index_cast %swap3A_407 : i32 to index
        %swap3A_409 = arith.index_cast %add3A_402 : i32 to index
        %swap3A_410 = tpu.vector_load %arg13[%swap3A_408, %swap3A_409] {strides = array<i32>} : memref<16x2048xf32, #tpu.memory_space<vmem>>, vector<16xf32>,
        tpu.vector_store %arg13[%swap3A_408, %swap3A_409], %add3A_406 {strides = array<i32>} : memref<16x2048xf32, #tpu.memory_space<vmem>>, vector<16xf32>,
      }
      %scan3A_77 = arith.constant 16 : i32
      %get3A_78 = arith.index_cast %scan3A_9 : i32 to index
      %get3A_79 = arith.constant 48 : index
      %get3A_80 = tpu.vector_load %arg9[%get3A_78, %get3A_79] {strides = array<i32>} : memref<64x256xi32, #tpu.memory_space<vmem>>, vector<16xi32>,
      %gather3A_81 = tpu.vector_load_idx %arg8[%get3A_80] : memref<2048xf32, #tpu.memory_space<vmem>>[vector<16xi32>], vector<16xf32>,
      %mul3A_82 = arith.mulf %get3A_3, %gather3A_81 : vector<16xf32>
      %get3A_83 = arith.index_cast %scan3A_9 : i32 to index
      %get3A_84 = arith.constant 48 : index
      %get3A_85 = tpu.vector_load %arg10[%get3A_83, %get3A_84] {strides = array<i32>} : memref<64x256xf32, #tpu.memory_space<vmem>>, vector<16xf32>,
      %add3A_86 = arith.addf %mul3A_82, %get3A_85 : vector<16xf32>
      %broadcast_in_dim3A_87 = arith.constant 3 : i32
      %broadcast_in_dim3A_88 = vector.broadcast %broadcast_in_dim3A_87 : i32 to vector<16xi32>
      tpu.vector_store_idx %arg13[%broadcast_in_dim3A_88, %get3A_80], %add3A_86 : memref<16x2048xf32, #tpu.memory_space<vmem>>[vector<16xi32>, vector<16xi32>], vector<16xf32>,
      %get3A_89 = arith.index_cast %scan3A_9 : i32 to index
      %get3A_90 = arith.constant 64 : index
      %get3A_91 = tpu.vector_load %arg11[%get3A_89, %get3A_90] {strides = array<i32>} : memref<64x256xf32, #tpu.memory_space<vmem>>, vector<16xf32>,
      %scan3A_92 = arith.constant 0 : i32
      %scan3A_93 = arith.constant 0 : i32
      %scan3A_94 = arith.constant 16 : i32
      %scan3A_95 = arith.addi %scan3A_93, %scan3A_94 : i32
      %scan3A_96 = arith.constant 1 : i32
      scf.for %scan3A_329 = %scan3A_93 to %scan3A_95 step %scan3A_96  : i32 {
        %mul3A_330 = arith.constant 128 : i32
        %mul3A_331 = arith.muli %scan3A_329, %mul3A_330 : i32
        %add3A_332 = arith.constant 0 : i32
        %add3A_333 = arith.addi %mul3A_331, %add3A_332 : i32
        %get3A_334 = arith.index_cast %add3A_333 : i32 to index
        %get3A_335 = tpu.vector_load %arg8[%get3A_334] {strides = array<i32>} : memref<2048xf32, #tpu.memory_space<vmem>>, vector<16xf32>,
        %mul3A_336 = arith.mulf %get3A_3, %get3A_335 : vector<16xf32>
        %add3A_337 = arith.addf %mul3A_336, %get3A_91 : vector<16xf32>
        %swap3A = arith.constant 4 : i32
        %swap3A_338 = arith.index_cast %swap3A : i32 to index
        %swap3A_339 = arith.index_cast %add3A_333 : i32 to index
        %swap3A_340 = tpu.vector_load %arg13[%swap3A_338, %swap3A_339] {strides = array<i32>} : memref<16x2048xf32, #tpu.memory_space<vmem>>, vector<16xf32>,
        tpu.vector_store %arg13[%swap3A_338, %swap3A_339], %add3A_337 {strides = array<i32>} : memref<16x2048xf32, #tpu.memory_space<vmem>>, vector<16xf32>,
        %add3A_341 = arith.constant 16 : i32
        %add3A_342 = arith.addi %mul3A_331, %add3A_341 : i32
        %get3A_343 = arith.index_cast %add3A_342 : i32 to index
        %get3A_344 = tpu.vector_load %arg8[%get3A_343] {strides = array<i32>} : memref<2048xf32, #tpu.memory_space<vmem>>, vector<16xf32>,
        %mul3A_345 = arith.mulf %get3A_3, %get3A_344 : vector<16xf32>
        %add3A_346 = arith.addf %mul3A_345, %get3A_91 : vector<16xf32>
        %swap3A_347 = arith.constant 4 : i32
        %swap3A_348 = arith.index_cast %swap3A_347 : i32 to index
        %swap3A_349 = arith.index_cast %add3A_342 : i32 to index
        %swap3A_350 = tpu.vector_load %arg13[%swap3A_348, %swap3A_349] {strides = array<i32>} : memref<16x2048xf32, #tpu.memory_space<vmem>>, vector<16xf32>,
        tpu.vector_store %arg13[%swap3A_348, %swap3A_349], %add3A_346 {strides = array<i32>} : memref<16x2048xf32, #tpu.memory_space<vmem>>, vector<16xf32>,
        %add3A_351 = arith.constant 32 : i32
        %add3A_352 = arith.addi %mul3A_331, %add3A_351 : i32
        %get3A_353 = arith.index_cast %add3A_352 : i32 to index
        %get3A_354 = tpu.vector_load %arg8[%get3A_353] {strides = array<i32>} : memref<2048xf32, #tpu.memory_space<vmem>>, vector<16xf32>,
        %mul3A_355 = arith.mulf %get3A_3, %get3A_354 : vector<16xf32>
        %add3A_356 = arith.addf %mul3A_355, %get3A_91 : vector<16xf32>
        %swap3A_357 = arith.constant 4 : i32
        %swap3A_358 = arith.index_cast %swap3A_357 : i32 to index
        %swap3A_359 = arith.index_cast %add3A_352 : i32 to index
        %swap3A_360 = tpu.vector_load %arg13[%swap3A_358, %swap3A_359] {strides = array<i32>} : memref<16x2048xf32, #tpu.memory_space<vmem>>, vector<16xf32>,
        tpu.vector_store %arg13[%swap3A_358, %swap3A_359], %add3A_356 {strides = array<i32>} : memref<16x2048xf32, #tpu.memory_space<vmem>>, vector<16xf32>,
        %add3A_361 = arith.constant 48 : i32
        %add3A_362 = arith.addi %mul3A_331, %add3A_361 : i32
        %get3A_363 = arith.index_cast %add3A_362 : i32 to index
        %get3A_364 = tpu.vector_load %arg8[%get3A_363] {strides = array<i32>} : memref<2048xf32, #tpu.memory_space<vmem>>, vector<16xf32>,
        %mul3A_365 = arith.mulf %get3A_3, %get3A_364 : vector<16xf32>
        %add3A_366 = arith.addf %mul3A_365, %get3A_91 : vector<16xf32>
        %swap3A_367 = arith.constant 4 : i32
        %swap3A_368 = arith.index_cast %swap3A_367 : i32 to index
        %swap3A_369 = arith.index_cast %add3A_362 : i32 to index
        %swap3A_370 = tpu.vector_load %arg13[%swap3A_368, %swap3A_369] {strides = array<i32>} : memref<16x2048xf32, #tpu.memory_space<vmem>>, vector<16xf32>,
        tpu.vector_store %arg13[%swap3A_368, %swap3A_369], %add3A_366 {strides = array<i32>} : memref<16x2048xf32, #tpu.memory_space<vmem>>, vector<16xf32>,
        %add3A_371 = arith.constant 64 : i32
        %add3A_372 = arith.addi %mul3A_331, %add3A_371 : i32
        %get3A_373 = arith.index_cast %add3A_372 : i32 to index
        %get3A_374 = tpu.vector_load %arg8[%get3A_373] {strides = array<i32>} : memref<2048xf32, #tpu.memory_space<vmem>>, vector<16xf32>,
        %mul3A_375 = arith.mulf %get3A_3, %get3A_374 : vector<16xf32>
        %add3A_376 = arith.addf %mul3A_375, %get3A_91 : vector<16xf32>
        %swap3A_377 = arith.constant 4 : i32
        %swap3A_378 = arith.index_cast %swap3A_377 : i32 to index
        %swap3A_379 = arith.index_cast %add3A_372 : i32 to index
        %swap3A_380 = tpu.vector_load %arg13[%swap3A_378, %swap3A_379] {strides = array<i32>} : memref<16x2048xf32, #tpu.memory_space<vmem>>, vector<16xf32>,
        tpu.vector_store %arg13[%swap3A_378, %swap3A_379], %add3A_376 {strides = array<i32>} : memref<16x2048xf32, #tpu.memory_space<vmem>>, vector<16xf32>,
        %add3A_381 = arith.constant 80 : i32
        %add3A_382 = arith.addi %mul3A_331, %add3A_381 : i32
        %get3A_383 = arith.index_cast %add3A_382 : i32 to index
        %get3A_384 = tpu.vector_load %arg8[%get3A_383] {strides = array<i32>} : memref<2048xf32, #tpu.memory_space<vmem>>, vector<16xf32>,
        %mul3A_385 = arith.mulf %get3A_3, %get3A_384 : vector<16xf32>
        %add3A_386 = arith.addf %mul3A_385, %get3A_91 : vector<16xf32>
        %swap3A_387 = arith.constant 4 : i32
        %swap3A_388 = arith.index_cast %swap3A_387 : i32 to index
        %swap3A_389 = arith.index_cast %add3A_382 : i32 to index
        %swap3A_390 = tpu.vector_load %arg13[%swap3A_388, %swap3A_389] {strides = array<i32>} : memref<16x2048xf32, #tpu.memory_space<vmem>>, vector<16xf32>,
        tpu.vector_store %arg13[%swap3A_388, %swap3A_389], %add3A_386 {strides = array<i32>} : memref<16x2048xf32, #tpu.memory_space<vmem>>, vector<16xf32>,
        %add3A_391 = arith.constant 96 : i32
        %add3A_392 = arith.addi %mul3A_331, %add3A_391 : i32
        %get3A_393 = arith.index_cast %add3A_392 : i32 to index
        %get3A_394 = tpu.vector_load %arg8[%get3A_393] {strides = array<i32>} : memref<2048xf32, #tpu.memory_space<vmem>>, vector<16xf32>,
        %mul3A_395 = arith.mulf %get3A_3, %get3A_394 : vector<16xf32>
        %add3A_396 = arith.addf %mul3A_395, %get3A_91 : vector<16xf32>
        %swap3A_397 = arith.constant 4 : i32
        %swap3A_398 = arith.index_cast %swap3A_397 : i32 to index
        %swap3A_399 = arith.index_cast %add3A_392 : i32 to index
        %swap3A_400 = tpu.vector_load %arg13[%swap3A_398, %swap3A_399] {strides = array<i32>} : memref<16x2048xf32, #tpu.memory_space<vmem>>, vector<16xf32>,
        tpu.vector_store %arg13[%swap3A_398, %swap3A_399], %add3A_396 {strides = array<i32>} : memref<16x2048xf32, #tpu.memory_space<vmem>>, vector<16xf32>,
        %add3A_401 = arith.constant 112 : i32
        %add3A_402 = arith.addi %mul3A_331, %add3A_401 : i32
        %get3A_403 = arith.index_cast %add3A_402 : i32 to index
        %get3A_404 = tpu.vector_load %arg8[%get3A_403] {strides = array<i32>} : memref<2048xf32, #tpu.memory_space<vmem>>, vector<16xf32>,
        %mul3A_405 = arith.mulf %get3A_3, %get3A_404 : vector<16xf32>
        %add3A_406 = arith.addf %mul3A_405, %get3A_91 : vector<16xf32>
        %swap3A_407 = arith.constant 4 : i32
        %swap3A_408 = arith.index_cast %swap3A_407 : i32 to index
        %swap3A_409 = arith.index_cast %add3A_402 : i32 to index
        %swap3A_410 = tpu.vector_load %arg13[%swap3A_408, %swap3A_409] {strides = array<i32>} : memref<16x2048xf32, #tpu.memory_space<vmem>>, vector<16xf32>,
        tpu.vector_store %arg13[%swap3A_408, %swap3A_409], %add3A_406 {strides = array<i32>} : memref<16x2048xf32, #tpu.memory_space<vmem>>, vector<16xf32>,
      }
      %scan3A_97 = arith.constant 16 : i32
      %get3A_98 = arith.index_cast %scan3A_9 : i32 to index
      %get3A_99 = arith.constant 64 : index
      %get3A_100 = tpu.vector_load %arg9[%get3A_98, %get3A_99] {strides = array<i32>} : memref<64x256xi32, #tpu.memory_space<vmem>>, vector<16xi32>,
      %gather3A_101 = tpu.vector_load_idx %arg8[%get3A_100] : memref<2048xf32, #tpu.memory_space<vmem>>[vector<16xi32>], vector<16xf32>,
      %mul3A_102 = arith.mulf %get3A_3, %gather3A_101 : vector<16xf32>
      %get3A_103 = arith.index_cast %scan3A_9 : i32 to index
      %get3A_104 = arith.constant 64 : index
      %get3A_105 = tpu.vector_load %arg10[%get3A_103, %get3A_104] {strides = array<i32>} : memref<64x256xf32, #tpu.memory_space<vmem>>, vector<16xf32>,
      %add3A_106 = arith.addf %mul3A_102, %get3A_105 : vector<16xf32>
      %broadcast_in_dim3A_107 = arith.constant 4 : i32
      %broadcast_in_dim3A_108 = vector.broadcast %broadcast_in_dim3A_107 : i32 to vector<16xi32>
      tpu.vector_store_idx %arg13[%broadcast_in_dim3A_108, %get3A_100], %add3A_106 : memref<16x2048xf32, #tpu.memory_space<vmem>>[vector<16xi32>, vector<16xi32>], vector<16xf32>,
      %get3A_109 = arith.index_cast %scan3A_9 : i32 to index
      %get3A_110 = arith.constant 80 : index
      %get3A_111 = tpu.vector_load %arg11[%get3A_109, %get3A_110] {strides = array<i32>} : memref<64x256xf32, #tpu.memory_space<vmem>>, vector<16xf32>,
      %scan3A_112 = arith.constant 0 : i32
      %scan3A_113 = arith.constant 0 : i32
      %scan3A_114 = arith.constant 16 : i32
      %scan3A_115 = arith.addi %scan3A_113, %scan3A_114 : i32
      %scan3A_116 = arith.constant 1 : i32
      scf.for %scan3A_329 = %scan3A_113 to %scan3A_115 step %scan3A_116  : i32 {
        %mul3A_330 = arith.constant 128 : i32
        %mul3A_331 = arith.muli %scan3A_329, %mul3A_330 : i32
        %add3A_332 = arith.constant 0 : i32
        %add3A_333 = arith.addi %mul3A_331, %add3A_332 : i32
        %get3A_334 = arith.index_cast %add3A_333 : i32 to index
        %get3A_335 = tpu.vector_load %arg8[%get3A_334] {strides = array<i32>} : memref<2048xf32, #tpu.memory_space<vmem>>, vector<16xf32>,
        %mul3A_336 = arith.mulf %get3A_3, %get3A_335 : vector<16xf32>
        %add3A_337 = arith.addf %mul3A_336, %get3A_111 : vector<16xf32>
        %swap3A = arith.constant 5 : i32
        %swap3A_338 = arith.index_cast %swap3A : i32 to index
        %swap3A_339 = arith.index_cast %add3A_333 : i32 to index
        %swap3A_340 = tpu.vector_load %arg13[%swap3A_338, %swap3A_339] {strides = array<i32>} : memref<16x2048xf32, #tpu.memory_space<vmem>>, vector<16xf32>,
        tpu.vector_store %arg13[%swap3A_338, %swap3A_339], %add3A_337 {strides = array<i32>} : memref<16x2048xf32, #tpu.memory_space<vmem>>, vector<16xf32>,
        %add3A_341 = arith.constant 16 : i32
        %add3A_342 = arith.addi %mul3A_331, %add3A_341 : i32
        %get3A_343 = arith.index_cast %add3A_342 : i32 to index
        %get3A_344 = tpu.vector_load %arg8[%get3A_343] {strides = array<i32>} : memref<2048xf32, #tpu.memory_space<vmem>>, vector<16xf32>,
        %mul3A_345 = arith.mulf %get3A_3, %get3A_344 : vector<16xf32>
        %add3A_346 = arith.addf %mul3A_345, %get3A_111 : vector<16xf32>
        %swap3A_347 = arith.constant 5 : i32
        %swap3A_348 = arith.index_cast %swap3A_347 : i32 to index
        %swap3A_349 = arith.index_cast %add3A_342 : i32 to index
        %swap3A_350 = tpu.vector_load %arg13[%swap3A_348, %swap3A_349] {strides = array<i32>} : memref<16x2048xf32, #tpu.memory_space<vmem>>, vector<16xf32>,
        tpu.vector_store %arg13[%swap3A_348, %swap3A_349], %add3A_346 {strides = array<i32>} : memref<16x2048xf32, #tpu.memory_space<vmem>>, vector<16xf32>,
        %add3A_351 = arith.constant 32 : i32
        %add3A_352 = arith.addi %mul3A_331, %add3A_351 : i32
        %get3A_353 = arith.index_cast %add3A_352 : i32 to index
        %get3A_354 = tpu.vector_load %arg8[%get3A_353] {strides = array<i32>} : memref<2048xf32, #tpu.memory_space<vmem>>, vector<16xf32>,
        %mul3A_355 = arith.mulf %get3A_3, %get3A_354 : vector<16xf32>
        %add3A_356 = arith.addf %mul3A_355, %get3A_111 : vector<16xf32>
        %swap3A_357 = arith.constant 5 : i32
        %swap3A_358 = arith.index_cast %swap3A_357 : i32 to index
        %swap3A_359 = arith.index_cast %add3A_352 : i32 to index
        %swap3A_360 = tpu.vector_load %arg13[%swap3A_358, %swap3A_359] {strides = array<i32>} : memref<16x2048xf32, #tpu.memory_space<vmem>>, vector<16xf32>,
        tpu.vector_store %arg13[%swap3A_358, %swap3A_359], %add3A_356 {strides = array<i32>} : memref<16x2048xf32, #tpu.memory_space<vmem>>, vector<16xf32>,
        %add3A_361 = arith.constant 48 : i32
        %add3A_362 = arith.addi %mul3A_331, %add3A_361 : i32
        %get3A_363 = arith.index_cast %add3A_362 : i32 to index
        %get3A_364 = tpu.vector_load %arg8[%get3A_363] {strides = array<i32>} : memref<2048xf32, #tpu.memory_space<vmem>>, vector<16xf32>,
        %mul3A_365 = arith.mulf %get3A_3, %get3A_364 : vector<16xf32>
        %add3A_366 = arith.addf %mul3A_365, %get3A_111 : vector<16xf32>
        %swap3A_367 = arith.constant 5 : i32
        %swap3A_368 = arith.index_cast %swap3A_367 : i32 to index
        %swap3A_369 = arith.index_cast %add3A_362 : i32 to index
        %swap3A_370 = tpu.vector_load %arg13[%swap3A_368, %swap3A_369] {strides = array<i32>} : memref<16x2048xf32, #tpu.memory_space<vmem>>, vector<16xf32>,
        tpu.vector_store %arg13[%swap3A_368, %swap3A_369], %add3A_366 {strides = array<i32>} : memref<16x2048xf32, #tpu.memory_space<vmem>>, vector<16xf32>,
        %add3A_371 = arith.constant 64 : i32
        %add3A_372 = arith.addi %mul3A_331, %add3A_371 : i32
        %get3A_373 = arith.index_cast %add3A_372 : i32 to index
        %get3A_374 = tpu.vector_load %arg8[%get3A_373] {strides = array<i32>} : memref<2048xf32, #tpu.memory_space<vmem>>, vector<16xf32>,
        %mul3A_375 = arith.mulf %get3A_3, %get3A_374 : vector<16xf32>
        %add3A_376 = arith.addf %mul3A_375, %get3A_111 : vector<16xf32>
        %swap3A_377 = arith.constant 5 : i32
        %swap3A_378 = arith.index_cast %swap3A_377 : i32 to index
        %swap3A_379 = arith.index_cast %add3A_372 : i32 to index
        %swap3A_380 = tpu.vector_load %arg13[%swap3A_378, %swap3A_379] {strides = array<i32>} : memref<16x2048xf32, #tpu.memory_space<vmem>>, vector<16xf32>,
        tpu.vector_store %arg13[%swap3A_378, %swap3A_379], %add3A_376 {strides = array<i32>} : memref<16x2048xf32, #tpu.memory_space<vmem>>, vector<16xf32>,
        %add3A_381 = arith.constant 80 : i32
        %add3A_382 = arith.addi %mul3A_331, %add3A_381 : i32
        %get3A_383 = arith.index_cast %add3A_382 : i32 to index
        %get3A_384 = tpu.vector_load %arg8[%get3A_383] {strides = array<i32>} : memref<2048xf32, #tpu.memory_space<vmem>>, vector<16xf32>,
        %mul3A_385 = arith.mulf %get3A_3, %get3A_384 : vector<16xf32>
        %add3A_386 = arith.addf %mul3A_385, %get3A_111 : vector<16xf32>
        %swap3A_387 = arith.constant 5 : i32
        %swap3A_388 = arith.index_cast %swap3A_387 : i32 to index
        %swap3A_389 = arith.index_cast %add3A_382 : i32 to index
        %swap3A_390 = tpu.vector_load %arg13[%swap3A_388, %swap3A_389] {strides = array<i32>} : memref<16x2048xf32, #tpu.memory_space<vmem>>, vector<16xf32>,
        tpu.vector_store %arg13[%swap3A_388, %swap3A_389], %add3A_386 {strides = array<i32>} : memref<16x2048xf32, #tpu.memory_space<vmem>>, vector<16xf32>,
        %add3A_391 = arith.constant 96 : i32
        %add3A_392 = arith.addi %mul3A_331, %add3A_391 : i32
        %get3A_393 = arith.index_cast %add3A_392 : i32 to index
        %get3A_394 = tpu.vector_load %arg8[%get3A_393] {strides = array<i32>} : memref<2048xf32, #tpu.memory_space<vmem>>, vector<16xf32>,
        %mul3A_395 = arith.mulf %get3A_3, %get3A_394 : vector<16xf32>
        %add3A_396 = arith.addf %mul3A_395, %get3A_111 : vector<16xf32>
        %swap3A_397 = arith.constant 5 : i32
        %swap3A_398 = arith.index_cast %swap3A_397 : i32 to index
        %swap3A_399 = arith.index_cast %add3A_392 : i32 to index
        %swap3A_400 = tpu.vector_load %arg13[%swap3A_398, %swap3A_399] {strides = array<i32>} : memref<16x2048xf32, #tpu.memory_space<vmem>>, vector<16xf32>,
        tpu.vector_store %arg13[%swap3A_398, %swap3A_399], %add3A_396 {strides = array<i32>} : memref<16x2048xf32, #tpu.memory_space<vmem>>, vector<16xf32>,
        %add3A_401 = arith.constant 112 : i32
        %add3A_402 = arith.addi %mul3A_331, %add3A_401 : i32
        %get3A_403 = arith.index_cast %add3A_402 : i32 to index
        %get3A_404 = tpu.vector_load %arg8[%get3A_403] {strides = array<i32>} : memref<2048xf32, #tpu.memory_space<vmem>>, vector<16xf32>,
        %mul3A_405 = arith.mulf %get3A_3, %get3A_404 : vector<16xf32>
        %add3A_406 = arith.addf %mul3A_405, %get3A_111 : vector<16xf32>
        %swap3A_407 = arith.constant 5 : i32
        %swap3A_408 = arith.index_cast %swap3A_407 : i32 to index
        %swap3A_409 = arith.index_cast %add3A_402 : i32 to index
        %swap3A_410 = tpu.vector_load %arg13[%swap3A_408, %swap3A_409] {strides = array<i32>} : memref<16x2048xf32, #tpu.memory_space<vmem>>, vector<16xf32>,
        tpu.vector_store %arg13[%swap3A_408, %swap3A_409], %add3A_406 {strides = array<i32>} : memref<16x2048xf32, #tpu.memory_space<vmem>>, vector<16xf32>,
      }
      %scan3A_117 = arith.constant 16 : i32
      %get3A_118 = arith.index_cast %scan3A_9 : i32 to index
      %get3A_119 = arith.constant 80 : index
      %get3A_120 = tpu.vector_load %arg9[%get3A_118, %get3A_119] {strides = array<i32>} : memref<64x256xi32, #tpu.memory_space<vmem>>, vector<16xi32>,
      %gather3A_121 = tpu.vector_load_idx %arg8[%get3A_120] : memref<2048xf32, #tpu.memory_space<vmem>>[vector<16xi32>], vector<16xf32>,
      %mul3A_122 = arith.mulf %get3A_3, %gather3A_121 : vector<16xf32>
      %get3A_123 = arith.index_cast %scan3A_9 : i32 to index
      %get3A_124 = arith.constant 80 : index
      %get3A_125 = tpu.vector_load %arg10[%get3A_123, %get3A_124] {strides = array<i32>} : memref<64x256xf32, #tpu.memory_space<vmem>>, vector<16xf32>,
      %add3A_126 = arith.addf %mul3A_122, %get3A_125 : vector<16xf32>
      %broadcast_in_dim3A_127 = arith.constant 5 : i32
      %broadcast_in_dim3A_128 = vector.broadcast %broadcast_in_dim3A_127 : i32 to vector<16xi32>
      tpu.vector_store_idx %arg13[%broadcast_in_dim3A_128, %get3A_120], %add3A_126 : memref<16x2048xf32, #tpu.memory_space<vmem>>[vector<16xi32>, vector<16xi32>], vector<16xf32>,
      %get3A_129 = arith.index_cast %scan3A_9 : i32 to index
      %get3A_130 = arith.constant 96 : index
      %get3A_131 = tpu.vector_load %arg11[%get3A_129, %get3A_130] {strides = array<i32>} : memref<64x256xf32, #tpu.memory_space<vmem>>, vector<16xf32>,
      %scan3A_132 = arith.constant 0 : i32
      %scan3A_133 = arith.constant 0 : i32
      %scan3A_134 = arith.constant 16 : i32
      %scan3A_135 = arith.addi %scan3A_133, %scan3A_134 : i32
      %scan3A_136 = arith.constant 1 : i32
      scf.for %scan3A_329 = %scan3A_133 to %scan3A_135 step %scan3A_136  : i32 {
        %mul3A_330 = arith.constant 128 : i32
        %mul3A_331 = arith.muli %scan3A_329, %mul3A_330 : i32
        %add3A_332 = arith.constant 0 : i32
        %add3A_333 = arith.addi %mul3A_331, %add3A_332 : i32
        %get3A_334 = arith.index_cast %add3A_333 : i32 to index
        %get3A_335 = tpu.vector_load %arg8[%get3A_334] {strides = array<i32>} : memref<2048xf32, #tpu.memory_space<vmem>>, vector<16xf32>,
        %mul3A_336 = arith.mulf %get3A_3, %get3A_335 : vector<16xf32>
        %add3A_337 = arith.addf %mul3A_336, %get3A_131 : vector<16xf32>
        %swap3A = arith.constant 6 : i32
        %swap3A_338 = arith.index_cast %swap3A : i32 to index
        %swap3A_339 = arith.index_cast %add3A_333 : i32 to index
        %swap3A_340 = tpu.vector_load %arg13[%swap3A_338, %swap3A_339] {strides = array<i32>} : memref<16x2048xf32, #tpu.memory_space<vmem>>, vector<16xf32>,
        tpu.vector_store %arg13[%swap3A_338, %swap3A_339], %add3A_337 {strides = array<i32>} : memref<16x2048xf32, #tpu.memory_space<vmem>>, vector<16xf32>,
        %add3A_341 = arith.constant 16 : i32
        %add3A_342 = arith.addi %mul3A_331, %add3A_341 : i32
        %get3A_343 = arith.index_cast %add3A_342 : i32 to index
        %get3A_344 = tpu.vector_load %arg8[%get3A_343] {strides = array<i32>} : memref<2048xf32, #tpu.memory_space<vmem>>, vector<16xf32>,
        %mul3A_345 = arith.mulf %get3A_3, %get3A_344 : vector<16xf32>
        %add3A_346 = arith.addf %mul3A_345, %get3A_131 : vector<16xf32>
        %swap3A_347 = arith.constant 6 : i32
        %swap3A_348 = arith.index_cast %swap3A_347 : i32 to index
        %swap3A_349 = arith.index_cast %add3A_342 : i32 to index
        %swap3A_350 = tpu.vector_load %arg13[%swap3A_348, %swap3A_349] {strides = array<i32>} : memref<16x2048xf32, #tpu.memory_space<vmem>>, vector<16xf32>,
        tpu.vector_store %arg13[%swap3A_348, %swap3A_349], %add3A_346 {strides = array<i32>} : memref<16x2048xf32, #tpu.memory_space<vmem>>, vector<16xf32>,
        %add3A_351 = arith.constant 32 : i32
        %add3A_352 = arith.addi %mul3A_331, %add3A_351 : i32
        %get3A_353 = arith.index_cast %add3A_352 : i32 to index
        %get3A_354 = tpu.vector_load %arg8[%get3A_353] {strides = array<i32>} : memref<2048xf32, #tpu.memory_space<vmem>>, vector<16xf32>,
        %mul3A_355 = arith.mulf %get3A_3, %get3A_354 : vector<16xf32>
        %add3A_356 = arith.addf %mul3A_355, %get3A_131 : vector<16xf32>
        %swap3A_357 = arith.constant 6 : i32
        %swap3A_358 = arith.index_cast %swap3A_357 : i32 to index
        %swap3A_359 = arith.index_cast %add3A_352 : i32 to index
        %swap3A_360 = tpu.vector_load %arg13[%swap3A_358, %swap3A_359] {strides = array<i32>} : memref<16x2048xf32, #tpu.memory_space<vmem>>, vector<16xf32>,
        tpu.vector_store %arg13[%swap3A_358, %swap3A_359], %add3A_356 {strides = array<i32>} : memref<16x2048xf32, #tpu.memory_space<vmem>>, vector<16xf32>,
        %add3A_361 = arith.constant 48 : i32
        %add3A_362 = arith.addi %mul3A_331, %add3A_361 : i32
        %get3A_363 = arith.index_cast %add3A_362 : i32 to index
        %get3A_364 = tpu.vector_load %arg8[%get3A_363] {strides = array<i32>} : memref<2048xf32, #tpu.memory_space<vmem>>, vector<16xf32>,
        %mul3A_365 = arith.mulf %get3A_3, %get3A_364 : vector<16xf32>
        %add3A_366 = arith.addf %mul3A_365, %get3A_131 : vector<16xf32>
        %swap3A_367 = arith.constant 6 : i32
        %swap3A_368 = arith.index_cast %swap3A_367 : i32 to index
        %swap3A_369 = arith.index_cast %add3A_362 : i32 to index
        %swap3A_370 = tpu.vector_load %arg13[%swap3A_368, %swap3A_369] {strides = array<i32>} : memref<16x2048xf32, #tpu.memory_space<vmem>>, vector<16xf32>,
        tpu.vector_store %arg13[%swap3A_368, %swap3A_369], %add3A_366 {strides = array<i32>} : memref<16x2048xf32, #tpu.memory_space<vmem>>, vector<16xf32>,
        %add3A_371 = arith.constant 64 : i32
        %add3A_372 = arith.addi %mul3A_331, %add3A_371 : i32
        %get3A_373 = arith.index_cast %add3A_372 : i32 to index
        %get3A_374 = tpu.vector_load %arg8[%get3A_373] {strides = array<i32>} : memref<2048xf32, #tpu.memory_space<vmem>>, vector<16xf32>,
        %mul3A_375 = arith.mulf %get3A_3, %get3A_374 : vector<16xf32>
        %add3A_376 = arith.addf %mul3A_375, %get3A_131 : vector<16xf32>
        %swap3A_377 = arith.constant 6 : i32
        %swap3A_378 = arith.index_cast %swap3A_377 : i32 to index
        %swap3A_379 = arith.index_cast %add3A_372 : i32 to index
        %swap3A_380 = tpu.vector_load %arg13[%swap3A_378, %swap3A_379] {strides = array<i32>} : memref<16x2048xf32, #tpu.memory_space<vmem>>, vector<16xf32>,
        tpu.vector_store %arg13[%swap3A_378, %swap3A_379], %add3A_376 {strides = array<i32>} : memref<16x2048xf32, #tpu.memory_space<vmem>>, vector<16xf32>,
        %add3A_381 = arith.constant 80 : i32
        %add3A_382 = arith.addi %mul3A_331, %add3A_381 : i32
        %get3A_383 = arith.index_cast %add3A_382 : i32 to index
        %get3A_384 = tpu.vector_load %arg8[%get3A_383] {strides = array<i32>} : memref<2048xf32, #tpu.memory_space<vmem>>, vector<16xf32>,
        %mul3A_385 = arith.mulf %get3A_3, %get3A_384 : vector<16xf32>
        %add3A_386 = arith.addf %mul3A_385, %get3A_131 : vector<16xf32>
        %swap3A_387 = arith.constant 6 : i32
        %swap3A_388 = arith.index_cast %swap3A_387 : i32 to index
        %swap3A_389 = arith.index_cast %add3A_382 : i32 to index
        %swap3A_390 = tpu.vector_load %arg13[%swap3A_388, %swap3A_389] {strides = array<i32>} : memref<16x2048xf32, #tpu.memory_space<vmem>>, vector<16xf32>,
        tpu.vector_store %arg13[%swap3A_388, %swap3A_389], %add3A_386 {strides = array<i32>} : memref<16x2048xf32, #tpu.memory_space<vmem>>, vector<16xf32>,
        %add3A_391 = arith.constant 96 : i32
        %add3A_392 = arith.addi %mul3A_331, %add3A_391 : i32
        %get3A_393 = arith.index_cast %add3A_392 : i32 to index
        %get3A_394 = tpu.vector_load %arg8[%get3A_393] {strides = array<i32>} : memref<2048xf32, #tpu.memory_space<vmem>>, vector<16xf32>,
        %mul3A_395 = arith.mulf %get3A_3, %get3A_394 : vector<16xf32>
        %add3A_396 = arith.addf %mul3A_395, %get3A_131 : vector<16xf32>
        %swap3A_397 = arith.constant 6 : i32
        %swap3A_398 = arith.index_cast %swap3A_397 : i32 to index
        %swap3A_399 = arith.index_cast %add3A_392 : i32 to index
        %swap3A_400 = tpu.vector_load %arg13[%swap3A_398, %swap3A_399] {strides = array<i32>} : memref<16x2048xf32, #tpu.memory_space<vmem>>, vector<16xf32>,
        tpu.vector_store %arg13[%swap3A_398, %swap3A_399], %add3A_396 {strides = array<i32>} : memref<16x2048xf32, #tpu.memory_space<vmem>>, vector<16xf32>,
        %add3A_401 = arith.constant 112 : i32
        %add3A_402 = arith.addi %mul3A_331, %add3A_401 : i32
        %get3A_403 = arith.index_cast %add3A_402 : i32 to index
        %get3A_404 = tpu.vector_load %arg8[%get3A_403] {strides = array<i32>} : memref<2048xf32, #tpu.memory_space<vmem>>, vector<16xf32>,
        %mul3A_405 = arith.mulf %get3A_3, %get3A_404 : vector<16xf32>
        %add3A_406 = arith.addf %mul3A_405, %get3A_131 : vector<16xf32>
        %swap3A_407 = arith.constant 6 : i32
        %swap3A_408 = arith.index_cast %swap3A_407 : i32 to index
        %swap3A_409 = arith.index_cast %add3A_402 : i32 to index
        %swap3A_410 = tpu.vector_load %arg13[%swap3A_408, %swap3A_409] {strides = array<i32>} : memref<16x2048xf32, #tpu.memory_space<vmem>>, vector<16xf32>,
        tpu.vector_store %arg13[%swap3A_408, %swap3A_409], %add3A_406 {strides = array<i32>} : memref<16x2048xf32, #tpu.memory_space<vmem>>, vector<16xf32>,
      }
      %scan3A_137 = arith.constant 16 : i32
      %get3A_138 = arith.index_cast %scan3A_9 : i32 to index
      %get3A_139 = arith.constant 96 : index
      %get3A_140 = tpu.vector_load %arg9[%get3A_138, %get3A_139] {strides = array<i32>} : memref<64x256xi32, #tpu.memory_space<vmem>>, vector<16xi32>,
      %gather3A_141 = tpu.vector_load_idx %arg8[%get3A_140] : memref<2048xf32, #tpu.memory_space<vmem>>[vector<16xi32>], vector<16xf32>,
      %mul3A_142 = arith.mulf %get3A_3, %gather3A_141 : vector<16xf32>
      %get3A_143 = arith.index_cast %scan3A_9 : i32 to index
      %get3A_144 = arith.constant 96 : index
      %get3A_145 = tpu.vector_load %arg10[%get3A_143, %get3A_144] {strides = array<i32>} : memref<64x256xf32, #tpu.memory_space<vmem>>, vector<16xf32>,
      %add3A_146 = arith.addf %mul3A_142, %get3A_145 : vector<16xf32>
      %broadcast_in_dim3A_147 = arith.constant 6 : i32
      %broadcast_in_dim3A_148 = vector.broadcast %broadcast_in_dim3A_147 : i32 to vector<16xi32>
      tpu.vector_store_idx %arg13[%broadcast_in_dim3A_148, %get3A_140], %add3A_146 : memref<16x2048xf32, #tpu.memory_space<vmem>>[vector<16xi32>, vector<16xi32>], vector<16xf32>,
      %get3A_149 = arith.index_cast %scan3A_9 : i32 to index
      %get3A_150 = arith.constant 112 : index
      %get3A_151 = tpu.vector_load %arg11[%get3A_149, %get3A_150] {strides = array<i32>} : memref<64x256xf32, #tpu.memory_space<vmem>>, vector<16xf32>,
      %scan3A_152 = arith.constant 0 : i32
      %scan3A_153 = arith.constant 0 : i32
      %scan3A_154 = arith.constant 16 : i32
      %scan3A_155 = arith.addi %scan3A_153, %scan3A_154 : i32
      %scan3A_156 = arith.constant 1 : i32
      scf.for %scan3A_329 = %scan3A_153 to %scan3A_155 step %scan3A_156  : i32 {
        %mul3A_330 = arith.constant 128 : i32
        %mul3A_331 = arith.muli %scan3A_329, %mul3A_330 : i32
        %add3A_332 = arith.constant 0 : i32
        %add3A_333 = arith.addi %mul3A_331, %add3A_332 : i32
        %get3A_334 = arith.index_cast %add3A_333 : i32 to index
        %get3A_335 = tpu.vector_load %arg8[%get3A_334] {strides = array<i32>} : memref<2048xf32, #tpu.memory_space<vmem>>, vector<16xf32>,
        %mul3A_336 = arith.mulf %get3A_3, %get3A_335 : vector<16xf32>
        %add3A_337 = arith.addf %mul3A_336, %get3A_151 : vector<16xf32>
        %swap3A = arith.constant 7 : i32
        %swap3A_338 = arith.index_cast %swap3A : i32 to index
        %swap3A_339 = arith.index_cast %add3A_333 : i32 to index
        %swap3A_340 = tpu.vector_load %arg13[%swap3A_338, %swap3A_339] {strides = array<i32>} : memref<16x2048xf32, #tpu.memory_space<vmem>>, vector<16xf32>,
        tpu.vector_store %arg13[%swap3A_338, %swap3A_339], %add3A_337 {strides = array<i32>} : memref<16x2048xf32, #tpu.memory_space<vmem>>, vector<16xf32>,
        %add3A_341 = arith.constant 16 : i32
        %add3A_342 = arith.addi %mul3A_331, %add3A_341 : i32
        %get3A_343 = arith.index_cast %add3A_342 : i32 to index
        %get3A_344 = tpu.vector_load %arg8[%get3A_343] {strides = array<i32>} : memref<2048xf32, #tpu.memory_space<vmem>>, vector<16xf32>,
        %mul3A_345 = arith.mulf %get3A_3, %get3A_344 : vector<16xf32>
        %add3A_346 = arith.addf %mul3A_345, %get3A_151 : vector<16xf32>
        %swap3A_347 = arith.constant 7 : i32
        %swap3A_348 = arith.index_cast %swap3A_347 : i32 to index
        %swap3A_349 = arith.index_cast %add3A_342 : i32 to index
        %swap3A_350 = tpu.vector_load %arg13[%swap3A_348, %swap3A_349] {strides = array<i32>} : memref<16x2048xf32, #tpu.memory_space<vmem>>, vector<16xf32>,
        tpu.vector_store %arg13[%swap3A_348, %swap3A_349], %add3A_346 {strides = array<i32>} : memref<16x2048xf32, #tpu.memory_space<vmem>>, vector<16xf32>,
        %add3A_351 = arith.constant 32 : i32
        %add3A_352 = arith.addi %mul3A_331, %add3A_351 : i32
        %get3A_353 = arith.index_cast %add3A_352 : i32 to index
        %get3A_354 = tpu.vector_load %arg8[%get3A_353] {strides = array<i32>} : memref<2048xf32, #tpu.memory_space<vmem>>, vector<16xf32>,
        %mul3A_355 = arith.mulf %get3A_3, %get3A_354 : vector<16xf32>
        %add3A_356 = arith.addf %mul3A_355, %get3A_151 : vector<16xf32>
        %swap3A_357 = arith.constant 7 : i32
        %swap3A_358 = arith.index_cast %swap3A_357 : i32 to index
        %swap3A_359 = arith.index_cast %add3A_352 : i32 to index
        %swap3A_360 = tpu.vector_load %arg13[%swap3A_358, %swap3A_359] {strides = array<i32>} : memref<16x2048xf32, #tpu.memory_space<vmem>>, vector<16xf32>,
        tpu.vector_store %arg13[%swap3A_358, %swap3A_359], %add3A_356 {strides = array<i32>} : memref<16x2048xf32, #tpu.memory_space<vmem>>, vector<16xf32>,
        %add3A_361 = arith.constant 48 : i32
        %add3A_362 = arith.addi %mul3A_331, %add3A_361 : i32
        %get3A_363 = arith.index_cast %add3A_362 : i32 to index
        %get3A_364 = tpu.vector_load %arg8[%get3A_363] {strides = array<i32>} : memref<2048xf32, #tpu.memory_space<vmem>>, vector<16xf32>,
        %mul3A_365 = arith.mulf %get3A_3, %get3A_364 : vector<16xf32>
        %add3A_366 = arith.addf %mul3A_365, %get3A_151 : vector<16xf32>
        %swap3A_367 = arith.constant 7 : i32
        %swap3A_368 = arith.index_cast %swap3A_367 : i32 to index
        %swap3A_369 = arith.index_cast %add3A_362 : i32 to index
        %swap3A_370 = tpu.vector_load %arg13[%swap3A_368, %swap3A_369] {strides = array<i32>} : memref<16x2048xf32, #tpu.memory_space<vmem>>, vector<16xf32>,
        tpu.vector_store %arg13[%swap3A_368, %swap3A_369], %add3A_366 {strides = array<i32>} : memref<16x2048xf32, #tpu.memory_space<vmem>>, vector<16xf32>,
        %add3A_371 = arith.constant 64 : i32
        %add3A_372 = arith.addi %mul3A_331, %add3A_371 : i32
        %get3A_373 = arith.index_cast %add3A_372 : i32 to index
        %get3A_374 = tpu.vector_load %arg8[%get3A_373] {strides = array<i32>} : memref<2048xf32, #tpu.memory_space<vmem>>, vector<16xf32>,
        %mul3A_375 = arith.mulf %get3A_3, %get3A_374 : vector<16xf32>
        %add3A_376 = arith.addf %mul3A_375, %get3A_151 : vector<16xf32>
        %swap3A_377 = arith.constant 7 : i32
        %swap3A_378 = arith.index_cast %swap3A_377 : i32 to index
        %swap3A_379 = arith.index_cast %add3A_372 : i32 to index
        %swap3A_380 = tpu.vector_load %arg13[%swap3A_378, %swap3A_379] {strides = array<i32>} : memref<16x2048xf32, #tpu.memory_space<vmem>>, vector<16xf32>,
        tpu.vector_store %arg13[%swap3A_378, %swap3A_379], %add3A_376 {strides = array<i32>} : memref<16x2048xf32, #tpu.memory_space<vmem>>, vector<16xf32>,
        %add3A_381 = arith.constant 80 : i32
        %add3A_382 = arith.addi %mul3A_331, %add3A_381 : i32
        %get3A_383 = arith.index_cast %add3A_382 : i32 to index
        %get3A_384 = tpu.vector_load %arg8[%get3A_383] {strides = array<i32>} : memref<2048xf32, #tpu.memory_space<vmem>>, vector<16xf32>,
        %mul3A_385 = arith.mulf %get3A_3, %get3A_384 : vector<16xf32>
        %add3A_386 = arith.addf %mul3A_385, %get3A_151 : vector<16xf32>
        %swap3A_387 = arith.constant 7 : i32
        %swap3A_388 = arith.index_cast %swap3A_387 : i32 to index
        %swap3A_389 = arith.index_cast %add3A_382 : i32 to index
        %swap3A_390 = tpu.vector_load %arg13[%swap3A_388, %swap3A_389] {strides = array<i32>} : memref<16x2048xf32, #tpu.memory_space<vmem>>, vector<16xf32>,
        tpu.vector_store %arg13[%swap3A_388, %swap3A_389], %add3A_386 {strides = array<i32>} : memref<16x2048xf32, #tpu.memory_space<vmem>>, vector<16xf32>,
        %add3A_391 = arith.constant 96 : i32
        %add3A_392 = arith.addi %mul3A_331, %add3A_391 : i32
        %get3A_393 = arith.index_cast %add3A_392 : i32 to index
        %get3A_394 = tpu.vector_load %arg8[%get3A_393] {strides = array<i32>} : memref<2048xf32, #tpu.memory_space<vmem>>, vector<16xf32>,
        %mul3A_395 = arith.mulf %get3A_3, %get3A_394 : vector<16xf32>
        %add3A_396 = arith.addf %mul3A_395, %get3A_151 : vector<16xf32>
        %swap3A_397 = arith.constant 7 : i32
        %swap3A_398 = arith.index_cast %swap3A_397 : i32 to index
        %swap3A_399 = arith.index_cast %add3A_392 : i32 to index
        %swap3A_400 = tpu.vector_load %arg13[%swap3A_398, %swap3A_399] {strides = array<i32>} : memref<16x2048xf32, #tpu.memory_space<vmem>>, vector<16xf32>,
        tpu.vector_store %arg13[%swap3A_398, %swap3A_399], %add3A_396 {strides = array<i32>} : memref<16x2048xf32, #tpu.memory_space<vmem>>, vector<16xf32>,
        %add3A_401 = arith.constant 112 : i32
        %add3A_402 = arith.addi %mul3A_331, %add3A_401 : i32
        %get3A_403 = arith.index_cast %add3A_402 : i32 to index
        %get3A_404 = tpu.vector_load %arg8[%get3A_403] {strides = array<i32>} : memref<2048xf32, #tpu.memory_space<vmem>>, vector<16xf32>,
        %mul3A_405 = arith.mulf %get3A_3, %get3A_404 : vector<16xf32>
        %add3A_406 = arith.addf %mul3A_405, %get3A_151 : vector<16xf32>
        %swap3A_407 = arith.constant 7 : i32
        %swap3A_408 = arith.index_cast %swap3A_407 : i32 to index
        %swap3A_409 = arith.index_cast %add3A_402 : i32 to index
        %swap3A_410 = tpu.vector_load %arg13[%swap3A_408, %swap3A_409] {strides = array<i32>} : memref<16x2048xf32, #tpu.memory_space<vmem>>, vector<16xf32>,
        tpu.vector_store %arg13[%swap3A_408, %swap3A_409], %add3A_406 {strides = array<i32>} : memref<16x2048xf32, #tpu.memory_space<vmem>>, vector<16xf32>,
      }
      %scan3A_157 = arith.constant 16 : i32
      %get3A_158 = arith.index_cast %scan3A_9 : i32 to index
      %get3A_159 = arith.constant 112 : index
      %get3A_160 = tpu.vector_load %arg9[%get3A_158, %get3A_159] {strides = array<i32>} : memref<64x256xi32, #tpu.memory_space<vmem>>, vector<16xi32>,
      %gather3A_161 = tpu.vector_load_idx %arg8[%get3A_160] : memref<2048xf32, #tpu.memory_space<vmem>>[vector<16xi32>], vector<16xf32>,
      %mul3A_162 = arith.mulf %get3A_3, %gather3A_161 : vector<16xf32>
      %get3A_163 = arith.index_cast %scan3A_9 : i32 to index
      %get3A_164 = arith.constant 112 : index
      %get3A_165 = tpu.vector_load %arg10[%get3A_163, %get3A_164] {strides = array<i32>} : memref<64x256xf32, #tpu.memory_space<vmem>>, vector<16xf32>,
      %add3A_166 = arith.addf %mul3A_162, %get3A_165 : vector<16xf32>
      %broadcast_in_dim3A_167 = arith.constant 7 : i32
      %broadcast_in_dim3A_168 = vector.broadcast %broadcast_in_dim3A_167 : i32 to vector<16xi32>
      tpu.vector_store_idx %arg13[%broadcast_in_dim3A_168, %get3A_160], %add3A_166 : memref<16x2048xf32, #tpu.memory_space<vmem>>[vector<16xi32>, vector<16xi32>], vector<16xf32>,
      %get3A_169 = arith.index_cast %scan3A_9 : i32 to index
      %get3A_170 = arith.constant 128 : index
      %get3A_171 = tpu.vector_load %arg11[%get3A_169, %get3A_170] {strides = array<i32>} : memref<64x256xf32, #tpu.memory_space<vmem>>, vector<16xf32>,
      %scan3A_172 = arith.constant 0 : i32
      %scan3A_173 = arith.constant 0 : i32
      %scan3A_174 = arith.constant 16 : i32
      %scan3A_175 = arith.addi %scan3A_173, %scan3A_174 : i32
      %scan3A_176 = arith.constant 1 : i32
      scf.for %scan3A_329 = %scan3A_173 to %scan3A_175 step %scan3A_176  : i32 {
        %mul3A_330 = arith.constant 128 : i32
        %mul3A_331 = arith.muli %scan3A_329, %mul3A_330 : i32
        %add3A_332 = arith.constant 0 : i32
        %add3A_333 = arith.addi %mul3A_331, %add3A_332 : i32
        %get3A_334 = arith.index_cast %add3A_333 : i32 to index
        %get3A_335 = tpu.vector_load %arg8[%get3A_334] {strides = array<i32>} : memref<2048xf32, #tpu.memory_space<vmem>>, vector<16xf32>,
        %mul3A_336 = arith.mulf %get3A_3, %get3A_335 : vector<16xf32>
        %add3A_337 = arith.addf %mul3A_336, %get3A_171 : vector<16xf32>
        %swap3A = arith.constant 8 : i32
        %swap3A_338 = arith.index_cast %swap3A : i32 to index
        %swap3A_339 = arith.index_cast %add3A_333 : i32 to index
        %swap3A_340 = tpu.vector_load %arg13[%swap3A_338, %swap3A_339] {strides = array<i32>} : memref<16x2048xf32, #tpu.memory_space<vmem>>, vector<16xf32>,
        tpu.vector_store %arg13[%swap3A_338, %swap3A_339], %add3A_337 {strides = array<i32>} : memref<16x2048xf32, #tpu.memory_space<vmem>>, vector<16xf32>,
        %add3A_341 = arith.constant 16 : i32
        %add3A_342 = arith.addi %mul3A_331, %add3A_341 : i32
        %get3A_343 = arith.index_cast %add3A_342 : i32 to index
        %get3A_344 = tpu.vector_load %arg8[%get3A_343] {strides = array<i32>} : memref<2048xf32, #tpu.memory_space<vmem>>, vector<16xf32>,
        %mul3A_345 = arith.mulf %get3A_3, %get3A_344 : vector<16xf32>
        %add3A_346 = arith.addf %mul3A_345, %get3A_171 : vector<16xf32>
        %swap3A_347 = arith.constant 8 : i32
        %swap3A_348 = arith.index_cast %swap3A_347 : i32 to index
        %swap3A_349 = arith.index_cast %add3A_342 : i32 to index
        %swap3A_350 = tpu.vector_load %arg13[%swap3A_348, %swap3A_349] {strides = array<i32>} : memref<16x2048xf32, #tpu.memory_space<vmem>>, vector<16xf32>,
        tpu.vector_store %arg13[%swap3A_348, %swap3A_349], %add3A_346 {strides = array<i32>} : memref<16x2048xf32, #tpu.memory_space<vmem>>, vector<16xf32>,
        %add3A_351 = arith.constant 32 : i32
        %add3A_352 = arith.addi %mul3A_331, %add3A_351 : i32
        %get3A_353 = arith.index_cast %add3A_352 : i32 to index
        %get3A_354 = tpu.vector_load %arg8[%get3A_353] {strides = array<i32>} : memref<2048xf32, #tpu.memory_space<vmem>>, vector<16xf32>,
        %mul3A_355 = arith.mulf %get3A_3, %get3A_354 : vector<16xf32>
        %add3A_356 = arith.addf %mul3A_355, %get3A_171 : vector<16xf32>
        %swap3A_357 = arith.constant 8 : i32
        %swap3A_358 = arith.index_cast %swap3A_357 : i32 to index
        %swap3A_359 = arith.index_cast %add3A_352 : i32 to index
        %swap3A_360 = tpu.vector_load %arg13[%swap3A_358, %swap3A_359] {strides = array<i32>} : memref<16x2048xf32, #tpu.memory_space<vmem>>, vector<16xf32>,
        tpu.vector_store %arg13[%swap3A_358, %swap3A_359], %add3A_356 {strides = array<i32>} : memref<16x2048xf32, #tpu.memory_space<vmem>>, vector<16xf32>,
        %add3A_361 = arith.constant 48 : i32
        %add3A_362 = arith.addi %mul3A_331, %add3A_361 : i32
        %get3A_363 = arith.index_cast %add3A_362 : i32 to index
        %get3A_364 = tpu.vector_load %arg8[%get3A_363] {strides = array<i32>} : memref<2048xf32, #tpu.memory_space<vmem>>, vector<16xf32>,
        %mul3A_365 = arith.mulf %get3A_3, %get3A_364 : vector<16xf32>
        %add3A_366 = arith.addf %mul3A_365, %get3A_171 : vector<16xf32>
        %swap3A_367 = arith.constant 8 : i32
        %swap3A_368 = arith.index_cast %swap3A_367 : i32 to index
        %swap3A_369 = arith.index_cast %add3A_362 : i32 to index
        %swap3A_370 = tpu.vector_load %arg13[%swap3A_368, %swap3A_369] {strides = array<i32>} : memref<16x2048xf32, #tpu.memory_space<vmem>>, vector<16xf32>,
        tpu.vector_store %arg13[%swap3A_368, %swap3A_369], %add3A_366 {strides = array<i32>} : memref<16x2048xf32, #tpu.memory_space<vmem>>, vector<16xf32>,
        %add3A_371 = arith.constant 64 : i32
        %add3A_372 = arith.addi %mul3A_331, %add3A_371 : i32
        %get3A_373 = arith.index_cast %add3A_372 : i32 to index
        %get3A_374 = tpu.vector_load %arg8[%get3A_373] {strides = array<i32>} : memref<2048xf32, #tpu.memory_space<vmem>>, vector<16xf32>,
        %mul3A_375 = arith.mulf %get3A_3, %get3A_374 : vector<16xf32>
        %add3A_376 = arith.addf %mul3A_375, %get3A_171 : vector<16xf32>
        %swap3A_377 = arith.constant 8 : i32
        %swap3A_378 = arith.index_cast %swap3A_377 : i32 to index
        %swap3A_379 = arith.index_cast %add3A_372 : i32 to index
        %swap3A_380 = tpu.vector_load %arg13[%swap3A_378, %swap3A_379] {strides = array<i32>} : memref<16x2048xf32, #tpu.memory_space<vmem>>, vector<16xf32>,
        tpu.vector_store %arg13[%swap3A_378, %swap3A_379], %add3A_376 {strides = array<i32>} : memref<16x2048xf32, #tpu.memory_space<vmem>>, vector<16xf32>,
        %add3A_381 = arith.constant 80 : i32
        %add3A_382 = arith.addi %mul3A_331, %add3A_381 : i32
        %get3A_383 = arith.index_cast %add3A_382 : i32 to index
        %get3A_384 = tpu.vector_load %arg8[%get3A_383] {strides = array<i32>} : memref<2048xf32, #tpu.memory_space<vmem>>, vector<16xf32>,
        %mul3A_385 = arith.mulf %get3A_3, %get3A_384 : vector<16xf32>
        %add3A_386 = arith.addf %mul3A_385, %get3A_171 : vector<16xf32>
        %swap3A_387 = arith.constant 8 : i32
        %swap3A_388 = arith.index_cast %swap3A_387 : i32 to index
        %swap3A_389 = arith.index_cast %add3A_382 : i32 to index
        %swap3A_390 = tpu.vector_load %arg13[%swap3A_388, %swap3A_389] {strides = array<i32>} : memref<16x2048xf32, #tpu.memory_space<vmem>>, vector<16xf32>,
        tpu.vector_store %arg13[%swap3A_388, %swap3A_389], %add3A_386 {strides = array<i32>} : memref<16x2048xf32, #tpu.memory_space<vmem>>, vector<16xf32>,
        %add3A_391 = arith.constant 96 : i32
        %add3A_392 = arith.addi %mul3A_331, %add3A_391 : i32
        %get3A_393 = arith.index_cast %add3A_392 : i32 to index
        %get3A_394 = tpu.vector_load %arg8[%get3A_393] {strides = array<i32>} : memref<2048xf32, #tpu.memory_space<vmem>>, vector<16xf32>,
        %mul3A_395 = arith.mulf %get3A_3, %get3A_394 : vector<16xf32>
        %add3A_396 = arith.addf %mul3A_395, %get3A_171 : vector<16xf32>
        %swap3A_397 = arith.constant 8 : i32
        %swap3A_398 = arith.index_cast %swap3A_397 : i32 to index
        %swap3A_399 = arith.index_cast %add3A_392 : i32 to index
        %swap3A_400 = tpu.vector_load %arg13[%swap3A_398, %swap3A_399] {strides = array<i32>} : memref<16x2048xf32, #tpu.memory_space<vmem>>, vector<16xf32>,
        tpu.vector_store %arg13[%swap3A_398, %swap3A_399], %add3A_396 {strides = array<i32>} : memref<16x2048xf32, #tpu.memory_space<vmem>>, vector<16xf32>,
        %add3A_401 = arith.constant 112 : i32
        %add3A_402 = arith.addi %mul3A_331, %add3A_401 : i32
        %get3A_403 = arith.index_cast %add3A_402 : i32 to index
        %get3A_404 = tpu.vector_load %arg8[%get3A_403] {strides = array<i32>} : memref<2048xf32, #tpu.memory_space<vmem>>, vector<16xf32>,
        %mul3A_405 = arith.mulf %get3A_3, %get3A_404 : vector<16xf32>
        %add3A_406 = arith.addf %mul3A_405, %get3A_171 : vector<16xf32>
        %swap3A_407 = arith.constant 8 : i32
        %swap3A_408 = arith.index_cast %swap3A_407 : i32 to index
        %swap3A_409 = arith.index_cast %add3A_402 : i32 to index
        %swap3A_410 = tpu.vector_load %arg13[%swap3A_408, %swap3A_409] {strides = array<i32>} : memref<16x2048xf32, #tpu.memory_space<vmem>>, vector<16xf32>,
        tpu.vector_store %arg13[%swap3A_408, %swap3A_409], %add3A_406 {strides = array<i32>} : memref<16x2048xf32, #tpu.memory_space<vmem>>, vector<16xf32>,
      }
      %scan3A_177 = arith.constant 16 : i32
      %get3A_178 = arith.index_cast %scan3A_9 : i32 to index
      %get3A_179 = arith.constant 128 : index
      %get3A_180 = tpu.vector_load %arg9[%get3A_178, %get3A_179] {strides = array<i32>} : memref<64x256xi32, #tpu.memory_space<vmem>>, vector<16xi32>,
      %gather3A_181 = tpu.vector_load_idx %arg8[%get3A_180] : memref<2048xf32, #tpu.memory_space<vmem>>[vector<16xi32>], vector<16xf32>,
      %mul3A_182 = arith.mulf %get3A_3, %gather3A_181 : vector<16xf32>
      %get3A_183 = arith.index_cast %scan3A_9 : i32 to index
      %get3A_184 = arith.constant 128 : index
      %get3A_185 = tpu.vector_load %arg10[%get3A_183, %get3A_184] {strides = array<i32>} : memref<64x256xf32, #tpu.memory_space<vmem>>, vector<16xf32>,
      %add3A_186 = arith.addf %mul3A_182, %get3A_185 : vector<16xf32>
      %broadcast_in_dim3A_187 = arith.constant 8 : i32
      %broadcast_in_dim3A_188 = vector.broadcast %broadcast_in_dim3A_187 : i32 to vector<16xi32>
      tpu.vector_store_idx %arg13[%broadcast_in_dim3A_188, %get3A_180], %add3A_186 : memref<16x2048xf32, #tpu.memory_space<vmem>>[vector<16xi32>, vector<16xi32>], vector<16xf32>,
      %get3A_189 = arith.index_cast %scan3A_9 : i32 to index
      %get3A_190 = arith.constant 144 : index
      %get3A_191 = tpu.vector_load %arg11[%get3A_189, %get3A_190] {strides = array<i32>} : memref<64x256xf32, #tpu.memory_space<vmem>>, vector<16xf32>,
      %scan3A_192 = arith.constant 0 : i32
      %scan3A_193 = arith.constant 0 : i32
      %scan3A_194 = arith.constant 16 : i32
      %scan3A_195 = arith.addi %scan3A_193, %scan3A_194 : i32
      %scan3A_196 = arith.constant 1 : i32
      scf.for %scan3A_329 = %scan3A_193 to %scan3A_195 step %scan3A_196  : i32 {
        %mul3A_330 = arith.constant 128 : i32
        %mul3A_331 = arith.muli %scan3A_329, %mul3A_330 : i32
        %add3A_332 = arith.constant 0 : i32
        %add3A_333 = arith.addi %mul3A_331, %add3A_332 : i32
        %get3A_334 = arith.index_cast %add3A_333 : i32 to index
        %get3A_335 = tpu.vector_load %arg8[%get3A_334] {strides = array<i32>} : memref<2048xf32, #tpu.memory_space<vmem>>, vector<16xf32>,
        %mul3A_336 = arith.mulf %get3A_3, %get3A_335 : vector<16xf32>
        %add3A_337 = arith.addf %mul3A_336, %get3A_191 : vector<16xf32>
        %swap3A = arith.constant 9 : i32
        %swap3A_338 = arith.index_cast %swap3A : i32 to index
        %swap3A_339 = arith.index_cast %add3A_333 : i32 to index
        %swap3A_340 = tpu.vector_load %arg13[%swap3A_338, %swap3A_339] {strides = array<i32>} : memref<16x2048xf32, #tpu.memory_space<vmem>>, vector<16xf32>,
        tpu.vector_store %arg13[%swap3A_338, %swap3A_339], %add3A_337 {strides = array<i32>} : memref<16x2048xf32, #tpu.memory_space<vmem>>, vector<16xf32>,
        %add3A_341 = arith.constant 16 : i32
        %add3A_342 = arith.addi %mul3A_331, %add3A_341 : i32
        %get3A_343 = arith.index_cast %add3A_342 : i32 to index
        %get3A_344 = tpu.vector_load %arg8[%get3A_343] {strides = array<i32>} : memref<2048xf32, #tpu.memory_space<vmem>>, vector<16xf32>,
        %mul3A_345 = arith.mulf %get3A_3, %get3A_344 : vector<16xf32>
        %add3A_346 = arith.addf %mul3A_345, %get3A_191 : vector<16xf32>
        %swap3A_347 = arith.constant 9 : i32
        %swap3A_348 = arith.index_cast %swap3A_347 : i32 to index
        %swap3A_349 = arith.index_cast %add3A_342 : i32 to index
        %swap3A_350 = tpu.vector_load %arg13[%swap3A_348, %swap3A_349] {strides = array<i32>} : memref<16x2048xf32, #tpu.memory_space<vmem>>, vector<16xf32>,
        tpu.vector_store %arg13[%swap3A_348, %swap3A_349], %add3A_346 {strides = array<i32>} : memref<16x2048xf32, #tpu.memory_space<vmem>>, vector<16xf32>,
        %add3A_351 = arith.constant 32 : i32
        %add3A_352 = arith.addi %mul3A_331, %add3A_351 : i32
        %get3A_353 = arith.index_cast %add3A_352 : i32 to index
        %get3A_354 = tpu.vector_load %arg8[%get3A_353] {strides = array<i32>} : memref<2048xf32, #tpu.memory_space<vmem>>, vector<16xf32>,
        %mul3A_355 = arith.mulf %get3A_3, %get3A_354 : vector<16xf32>
        %add3A_356 = arith.addf %mul3A_355, %get3A_191 : vector<16xf32>
        %swap3A_357 = arith.constant 9 : i32
        %swap3A_358 = arith.index_cast %swap3A_357 : i32 to index
        %swap3A_359 = arith.index_cast %add3A_352 : i32 to index
        %swap3A_360 = tpu.vector_load %arg13[%swap3A_358, %swap3A_359] {strides = array<i32>} : memref<16x2048xf32, #tpu.memory_space<vmem>>, vector<16xf32>,
        tpu.vector_store %arg13[%swap3A_358, %swap3A_359], %add3A_356 {strides = array<i32>} : memref<16x2048xf32, #tpu.memory_space<vmem>>, vector<16xf32>,
        %add3A_361 = arith.constant 48 : i32
        %add3A_362 = arith.addi %mul3A_331, %add3A_361 : i32
        %get3A_363 = arith.index_cast %add3A_362 : i32 to index
        %get3A_364 = tpu.vector_load %arg8[%get3A_363] {strides = array<i32>} : memref<2048xf32, #tpu.memory_space<vmem>>, vector<16xf32>,
        %mul3A_365 = arith.mulf %get3A_3, %get3A_364 : vector<16xf32>
        %add3A_366 = arith.addf %mul3A_365, %get3A_191 : vector<16xf32>
        %swap3A_367 = arith.constant 9 : i32
        %swap3A_368 = arith.index_cast %swap3A_367 : i32 to index
        %swap3A_369 = arith.index_cast %add3A_362 : i32 to index
        %swap3A_370 = tpu.vector_load %arg13[%swap3A_368, %swap3A_369] {strides = array<i32>} : memref<16x2048xf32, #tpu.memory_space<vmem>>, vector<16xf32>,
        tpu.vector_store %arg13[%swap3A_368, %swap3A_369], %add3A_366 {strides = array<i32>} : memref<16x2048xf32, #tpu.memory_space<vmem>>, vector<16xf32>,
        %add3A_371 = arith.constant 64 : i32
        %add3A_372 = arith.addi %mul3A_331, %add3A_371 : i32
        %get3A_373 = arith.index_cast %add3A_372 : i32 to index
        %get3A_374 = tpu.vector_load %arg8[%get3A_373] {strides = array<i32>} : memref<2048xf32, #tpu.memory_space<vmem>>, vector<16xf32>,
        %mul3A_375 = arith.mulf %get3A_3, %get3A_374 : vector<16xf32>
        %add3A_376 = arith.addf %mul3A_375, %get3A_191 : vector<16xf32>
        %swap3A_377 = arith.constant 9 : i32
        %swap3A_378 = arith.index_cast %swap3A_377 : i32 to index
        %swap3A_379 = arith.index_cast %add3A_372 : i32 to index
        %swap3A_380 = tpu.vector_load %arg13[%swap3A_378, %swap3A_379] {strides = array<i32>} : memref<16x2048xf32, #tpu.memory_space<vmem>>, vector<16xf32>,
        tpu.vector_store %arg13[%swap3A_378, %swap3A_379], %add3A_376 {strides = array<i32>} : memref<16x2048xf32, #tpu.memory_space<vmem>>, vector<16xf32>,
        %add3A_381 = arith.constant 80 : i32
        %add3A_382 = arith.addi %mul3A_331, %add3A_381 : i32
        %get3A_383 = arith.index_cast %add3A_382 : i32 to index
        %get3A_384 = tpu.vector_load %arg8[%get3A_383] {strides = array<i32>} : memref<2048xf32, #tpu.memory_space<vmem>>, vector<16xf32>,
        %mul3A_385 = arith.mulf %get3A_3, %get3A_384 : vector<16xf32>
        %add3A_386 = arith.addf %mul3A_385, %get3A_191 : vector<16xf32>
        %swap3A_387 = arith.constant 9 : i32
        %swap3A_388 = arith.index_cast %swap3A_387 : i32 to index
        %swap3A_389 = arith.index_cast %add3A_382 : i32 to index
        %swap3A_390 = tpu.vector_load %arg13[%swap3A_388, %swap3A_389] {strides = array<i32>} : memref<16x2048xf32, #tpu.memory_space<vmem>>, vector<16xf32>,
        tpu.vector_store %arg13[%swap3A_388, %swap3A_389], %add3A_386 {strides = array<i32>} : memref<16x2048xf32, #tpu.memory_space<vmem>>, vector<16xf32>,
        %add3A_391 = arith.constant 96 : i32
        %add3A_392 = arith.addi %mul3A_331, %add3A_391 : i32
        %get3A_393 = arith.index_cast %add3A_392 : i32 to index
        %get3A_394 = tpu.vector_load %arg8[%get3A_393] {strides = array<i32>} : memref<2048xf32, #tpu.memory_space<vmem>>, vector<16xf32>,
        %mul3A_395 = arith.mulf %get3A_3, %get3A_394 : vector<16xf32>
        %add3A_396 = arith.addf %mul3A_395, %get3A_191 : vector<16xf32>
        %swap3A_397 = arith.constant 9 : i32
        %swap3A_398 = arith.index_cast %swap3A_397 : i32 to index
        %swap3A_399 = arith.index_cast %add3A_392 : i32 to index
        %swap3A_400 = tpu.vector_load %arg13[%swap3A_398, %swap3A_399] {strides = array<i32>} : memref<16x2048xf32, #tpu.memory_space<vmem>>, vector<16xf32>,
        tpu.vector_store %arg13[%swap3A_398, %swap3A_399], %add3A_396 {strides = array<i32>} : memref<16x2048xf32, #tpu.memory_space<vmem>>, vector<16xf32>,
        %add3A_401 = arith.constant 112 : i32
        %add3A_402 = arith.addi %mul3A_331, %add3A_401 : i32
        %get3A_403 = arith.index_cast %add3A_402 : i32 to index
        %get3A_404 = tpu.vector_load %arg8[%get3A_403] {strides = array<i32>} : memref<2048xf32, #tpu.memory_space<vmem>>, vector<16xf32>,
        %mul3A_405 = arith.mulf %get3A_3, %get3A_404 : vector<16xf32>
        %add3A_406 = arith.addf %mul3A_405, %get3A_191 : vector<16xf32>
        %swap3A_407 = arith.constant 9 : i32
        %swap3A_408 = arith.index_cast %swap3A_407 : i32 to index
        %swap3A_409 = arith.index_cast %add3A_402 : i32 to index
        %swap3A_410 = tpu.vector_load %arg13[%swap3A_408, %swap3A_409] {strides = array<i32>} : memref<16x2048xf32, #tpu.memory_space<vmem>>, vector<16xf32>,
        tpu.vector_store %arg13[%swap3A_408, %swap3A_409], %add3A_406 {strides = array<i32>} : memref<16x2048xf32, #tpu.memory_space<vmem>>, vector<16xf32>,
      }
      %scan3A_197 = arith.constant 16 : i32
      %get3A_198 = arith.index_cast %scan3A_9 : i32 to index
      %get3A_199 = arith.constant 144 : index
      %get3A_200 = tpu.vector_load %arg9[%get3A_198, %get3A_199] {strides = array<i32>} : memref<64x256xi32, #tpu.memory_space<vmem>>, vector<16xi32>,
      %gather3A_201 = tpu.vector_load_idx %arg8[%get3A_200] : memref<2048xf32, #tpu.memory_space<vmem>>[vector<16xi32>], vector<16xf32>,
      %mul3A_202 = arith.mulf %get3A_3, %gather3A_201 : vector<16xf32>
      %get3A_203 = arith.index_cast %scan3A_9 : i32 to index
      %get3A_204 = arith.constant 144 : index
      %get3A_205 = tpu.vector_load %arg10[%get3A_203, %get3A_204] {strides = array<i32>} : memref<64x256xf32, #tpu.memory_space<vmem>>, vector<16xf32>,
      %add3A_206 = arith.addf %mul3A_202, %get3A_205 : vector<16xf32>
      %broadcast_in_dim3A_207 = arith.constant 9 : i32
      %broadcast_in_dim3A_208 = vector.broadcast %broadcast_in_dim3A_207 : i32 to vector<16xi32>
      tpu.vector_store_idx %arg13[%broadcast_in_dim3A_208, %get3A_200], %add3A_206 : memref<16x2048xf32, #tpu.memory_space<vmem>>[vector<16xi32>, vector<16xi32>], vector<16xf32>,
      %get3A_209 = arith.index_cast %scan3A_9 : i32 to index
      %get3A_210 = arith.constant 160 : index
      %get3A_211 = tpu.vector_load %arg11[%get3A_209, %get3A_210] {strides = array<i32>} : memref<64x256xf32, #tpu.memory_space<vmem>>, vector<16xf32>,
      %scan3A_212 = arith.constant 0 : i32
      %scan3A_213 = arith.constant 0 : i32
      %scan3A_214 = arith.constant 16 : i32
      %scan3A_215 = arith.addi %scan3A_213, %scan3A_214 : i32
      %scan3A_216 = arith.constant 1 : i32
      scf.for %scan3A_329 = %scan3A_213 to %scan3A_215 step %scan3A_216  : i32 {
        %mul3A_330 = arith.constant 128 : i32
        %mul3A_331 = arith.muli %scan3A_329, %mul3A_330 : i32
        %add3A_332 = arith.constant 0 : i32
        %add3A_333 = arith.addi %mul3A_331, %add3A_332 : i32
        %get3A_334 = arith.index_cast %add3A_333 : i32 to index
        %get3A_335 = tpu.vector_load %arg8[%get3A_334] {strides = array<i32>} : memref<2048xf32, #tpu.memory_space<vmem>>, vector<16xf32>,
        %mul3A_336 = arith.mulf %get3A_3, %get3A_335 : vector<16xf32>
        %add3A_337 = arith.addf %mul3A_336, %get3A_211 : vector<16xf32>
        %swap3A = arith.constant 10 : i32
        %swap3A_338 = arith.index_cast %swap3A : i32 to index
        %swap3A_339 = arith.index_cast %add3A_333 : i32 to index
        %swap3A_340 = tpu.vector_load %arg13[%swap3A_338, %swap3A_339] {strides = array<i32>} : memref<16x2048xf32, #tpu.memory_space<vmem>>, vector<16xf32>,
        tpu.vector_store %arg13[%swap3A_338, %swap3A_339], %add3A_337 {strides = array<i32>} : memref<16x2048xf32, #tpu.memory_space<vmem>>, vector<16xf32>,
        %add3A_341 = arith.constant 16 : i32
        %add3A_342 = arith.addi %mul3A_331, %add3A_341 : i32
        %get3A_343 = arith.index_cast %add3A_342 : i32 to index
        %get3A_344 = tpu.vector_load %arg8[%get3A_343] {strides = array<i32>} : memref<2048xf32, #tpu.memory_space<vmem>>, vector<16xf32>,
        %mul3A_345 = arith.mulf %get3A_3, %get3A_344 : vector<16xf32>
        %add3A_346 = arith.addf %mul3A_345, %get3A_211 : vector<16xf32>
        %swap3A_347 = arith.constant 10 : i32
        %swap3A_348 = arith.index_cast %swap3A_347 : i32 to index
        %swap3A_349 = arith.index_cast %add3A_342 : i32 to index
        %swap3A_350 = tpu.vector_load %arg13[%swap3A_348, %swap3A_349] {strides = array<i32>} : memref<16x2048xf32, #tpu.memory_space<vmem>>, vector<16xf32>,
        tpu.vector_store %arg13[%swap3A_348, %swap3A_349], %add3A_346 {strides = array<i32>} : memref<16x2048xf32, #tpu.memory_space<vmem>>, vector<16xf32>,
        %add3A_351 = arith.constant 32 : i32
        %add3A_352 = arith.addi %mul3A_331, %add3A_351 : i32
        %get3A_353 = arith.index_cast %add3A_352 : i32 to index
        %get3A_354 = tpu.vector_load %arg8[%get3A_353] {strides = array<i32>} : memref<2048xf32, #tpu.memory_space<vmem>>, vector<16xf32>,
        %mul3A_355 = arith.mulf %get3A_3, %get3A_354 : vector<16xf32>
        %add3A_356 = arith.addf %mul3A_355, %get3A_211 : vector<16xf32>
        %swap3A_357 = arith.constant 10 : i32
        %swap3A_358 = arith.index_cast %swap3A_357 : i32 to index
        %swap3A_359 = arith.index_cast %add3A_352 : i32 to index
        %swap3A_360 = tpu.vector_load %arg13[%swap3A_358, %swap3A_359] {strides = array<i32>} : memref<16x2048xf32, #tpu.memory_space<vmem>>, vector<16xf32>,
        tpu.vector_store %arg13[%swap3A_358, %swap3A_359], %add3A_356 {strides = array<i32>} : memref<16x2048xf32, #tpu.memory_space<vmem>>, vector<16xf32>,
        %add3A_361 = arith.constant 48 : i32
        %add3A_362 = arith.addi %mul3A_331, %add3A_361 : i32
        %get3A_363 = arith.index_cast %add3A_362 : i32 to index
        %get3A_364 = tpu.vector_load %arg8[%get3A_363] {strides = array<i32>} : memref<2048xf32, #tpu.memory_space<vmem>>, vector<16xf32>,
        %mul3A_365 = arith.mulf %get3A_3, %get3A_364 : vector<16xf32>
        %add3A_366 = arith.addf %mul3A_365, %get3A_211 : vector<16xf32>
        %swap3A_367 = arith.constant 10 : i32
        %swap3A_368 = arith.index_cast %swap3A_367 : i32 to index
        %swap3A_369 = arith.index_cast %add3A_362 : i32 to index
        %swap3A_370 = tpu.vector_load %arg13[%swap3A_368, %swap3A_369] {strides = array<i32>} : memref<16x2048xf32, #tpu.memory_space<vmem>>, vector<16xf32>,
        tpu.vector_store %arg13[%swap3A_368, %swap3A_369], %add3A_366 {strides = array<i32>} : memref<16x2048xf32, #tpu.memory_space<vmem>>, vector<16xf32>,
        %add3A_371 = arith.constant 64 : i32
        %add3A_372 = arith.addi %mul3A_331, %add3A_371 : i32
        %get3A_373 = arith.index_cast %add3A_372 : i32 to index
        %get3A_374 = tpu.vector_load %arg8[%get3A_373] {strides = array<i32>} : memref<2048xf32, #tpu.memory_space<vmem>>, vector<16xf32>,
        %mul3A_375 = arith.mulf %get3A_3, %get3A_374 : vector<16xf32>
        %add3A_376 = arith.addf %mul3A_375, %get3A_211 : vector<16xf32>
        %swap3A_377 = arith.constant 10 : i32
        %swap3A_378 = arith.index_cast %swap3A_377 : i32 to index
        %swap3A_379 = arith.index_cast %add3A_372 : i32 to index
        %swap3A_380 = tpu.vector_load %arg13[%swap3A_378, %swap3A_379] {strides = array<i32>} : memref<16x2048xf32, #tpu.memory_space<vmem>>, vector<16xf32>,
        tpu.vector_store %arg13[%swap3A_378, %swap3A_379], %add3A_376 {strides = array<i32>} : memref<16x2048xf32, #tpu.memory_space<vmem>>, vector<16xf32>,
        %add3A_381 = arith.constant 80 : i32
        %add3A_382 = arith.addi %mul3A_331, %add3A_381 : i32
        %get3A_383 = arith.index_cast %add3A_382 : i32 to index
        %get3A_384 = tpu.vector_load %arg8[%get3A_383] {strides = array<i32>} : memref<2048xf32, #tpu.memory_space<vmem>>, vector<16xf32>,
        %mul3A_385 = arith.mulf %get3A_3, %get3A_384 : vector<16xf32>
        %add3A_386 = arith.addf %mul3A_385, %get3A_211 : vector<16xf32>
        %swap3A_387 = arith.constant 10 : i32
        %swap3A_388 = arith.index_cast %swap3A_387 : i32 to index
        %swap3A_389 = arith.index_cast %add3A_382 : i32 to index
        %swap3A_390 = tpu.vector_load %arg13[%swap3A_388, %swap3A_389] {strides = array<i32>} : memref<16x2048xf32, #tpu.memory_space<vmem>>, vector<16xf32>,
        tpu.vector_store %arg13[%swap3A_388, %swap3A_389], %add3A_386 {strides = array<i32>} : memref<16x2048xf32, #tpu.memory_space<vmem>>, vector<16xf32>,
        %add3A_391 = arith.constant 96 : i32
        %add3A_392 = arith.addi %mul3A_331, %add3A_391 : i32
        %get3A_393 = arith.index_cast %add3A_392 : i32 to index
        %get3A_394 = tpu.vector_load %arg8[%get3A_393] {strides = array<i32>} : memref<2048xf32, #tpu.memory_space<vmem>>, vector<16xf32>,
        %mul3A_395 = arith.mulf %get3A_3, %get3A_394 : vector<16xf32>
        %add3A_396 = arith.addf %mul3A_395, %get3A_211 : vector<16xf32>
        %swap3A_397 = arith.constant 10 : i32
        %swap3A_398 = arith.index_cast %swap3A_397 : i32 to index
        %swap3A_399 = arith.index_cast %add3A_392 : i32 to index
        %swap3A_400 = tpu.vector_load %arg13[%swap3A_398, %swap3A_399] {strides = array<i32>} : memref<16x2048xf32, #tpu.memory_space<vmem>>, vector<16xf32>,
        tpu.vector_store %arg13[%swap3A_398, %swap3A_399], %add3A_396 {strides = array<i32>} : memref<16x2048xf32, #tpu.memory_space<vmem>>, vector<16xf32>,
        %add3A_401 = arith.constant 112 : i32
        %add3A_402 = arith.addi %mul3A_331, %add3A_401 : i32
        %get3A_403 = arith.index_cast %add3A_402 : i32 to index
        %get3A_404 = tpu.vector_load %arg8[%get3A_403] {strides = array<i32>} : memref<2048xf32, #tpu.memory_space<vmem>>, vector<16xf32>,
        %mul3A_405 = arith.mulf %get3A_3, %get3A_404 : vector<16xf32>
        %add3A_406 = arith.addf %mul3A_405, %get3A_211 : vector<16xf32>
        %swap3A_407 = arith.constant 10 : i32
        %swap3A_408 = arith.index_cast %swap3A_407 : i32 to index
        %swap3A_409 = arith.index_cast %add3A_402 : i32 to index
        %swap3A_410 = tpu.vector_load %arg13[%swap3A_408, %swap3A_409] {strides = array<i32>} : memref<16x2048xf32, #tpu.memory_space<vmem>>, vector<16xf32>,
        tpu.vector_store %arg13[%swap3A_408, %swap3A_409], %add3A_406 {strides = array<i32>} : memref<16x2048xf32, #tpu.memory_space<vmem>>, vector<16xf32>,
      }
      %scan3A_217 = arith.constant 16 : i32
      %get3A_218 = arith.index_cast %scan3A_9 : i32 to index
      %get3A_219 = arith.constant 160 : index
      %get3A_220 = tpu.vector_load %arg9[%get3A_218, %get3A_219] {strides = array<i32>} : memref<64x256xi32, #tpu.memory_space<vmem>>, vector<16xi32>,
      %gather3A_221 = tpu.vector_load_idx %arg8[%get3A_220] : memref<2048xf32, #tpu.memory_space<vmem>>[vector<16xi32>], vector<16xf32>,
      %mul3A_222 = arith.mulf %get3A_3, %gather3A_221 : vector<16xf32>
      %get3A_223 = arith.index_cast %scan3A_9 : i32 to index
      %get3A_224 = arith.constant 160 : index
      %get3A_225 = tpu.vector_load %arg10[%get3A_223, %get3A_224] {strides = array<i32>} : memref<64x256xf32, #tpu.memory_space<vmem>>, vector<16xf32>,
      %add3A_226 = arith.addf %mul3A_222, %get3A_225 : vector<16xf32>
      %broadcast_in_dim3A_227 = arith.constant 10 : i32
      %broadcast_in_dim3A_228 = vector.broadcast %broadcast_in_dim3A_227 : i32 to vector<16xi32>
      tpu.vector_store_idx %arg13[%broadcast_in_dim3A_228, %get3A_220], %add3A_226 : memref<16x2048xf32, #tpu.memory_space<vmem>>[vector<16xi32>, vector<16xi32>], vector<16xf32>,
      %get3A_229 = arith.index_cast %scan3A_9 : i32 to index
      %get3A_230 = arith.constant 176 : index
      %get3A_231 = tpu.vector_load %arg11[%get3A_229, %get3A_230] {strides = array<i32>} : memref<64x256xf32, #tpu.memory_space<vmem>>, vector<16xf32>,
      %scan3A_232 = arith.constant 0 : i32
      %scan3A_233 = arith.constant 0 : i32
      %scan3A_234 = arith.constant 16 : i32
      %scan3A_235 = arith.addi %scan3A_233, %scan3A_234 : i32
      %scan3A_236 = arith.constant 1 : i32
      scf.for %scan3A_329 = %scan3A_233 to %scan3A_235 step %scan3A_236  : i32 {
        %mul3A_330 = arith.constant 128 : i32
        %mul3A_331 = arith.muli %scan3A_329, %mul3A_330 : i32
        %add3A_332 = arith.constant 0 : i32
        %add3A_333 = arith.addi %mul3A_331, %add3A_332 : i32
        %get3A_334 = arith.index_cast %add3A_333 : i32 to index
        %get3A_335 = tpu.vector_load %arg8[%get3A_334] {strides = array<i32>} : memref<2048xf32, #tpu.memory_space<vmem>>, vector<16xf32>,
        %mul3A_336 = arith.mulf %get3A_3, %get3A_335 : vector<16xf32>
        %add3A_337 = arith.addf %mul3A_336, %get3A_231 : vector<16xf32>
        %swap3A = arith.constant 11 : i32
        %swap3A_338 = arith.index_cast %swap3A : i32 to index
        %swap3A_339 = arith.index_cast %add3A_333 : i32 to index
        %swap3A_340 = tpu.vector_load %arg13[%swap3A_338, %swap3A_339] {strides = array<i32>} : memref<16x2048xf32, #tpu.memory_space<vmem>>, vector<16xf32>,
        tpu.vector_store %arg13[%swap3A_338, %swap3A_339], %add3A_337 {strides = array<i32>} : memref<16x2048xf32, #tpu.memory_space<vmem>>, vector<16xf32>,
        %add3A_341 = arith.constant 16 : i32
        %add3A_342 = arith.addi %mul3A_331, %add3A_341 : i32
        %get3A_343 = arith.index_cast %add3A_342 : i32 to index
        %get3A_344 = tpu.vector_load %arg8[%get3A_343] {strides = array<i32>} : memref<2048xf32, #tpu.memory_space<vmem>>, vector<16xf32>,
        %mul3A_345 = arith.mulf %get3A_3, %get3A_344 : vector<16xf32>
        %add3A_346 = arith.addf %mul3A_345, %get3A_231 : vector<16xf32>
        %swap3A_347 = arith.constant 11 : i32
        %swap3A_348 = arith.index_cast %swap3A_347 : i32 to index
        %swap3A_349 = arith.index_cast %add3A_342 : i32 to index
        %swap3A_350 = tpu.vector_load %arg13[%swap3A_348, %swap3A_349] {strides = array<i32>} : memref<16x2048xf32, #tpu.memory_space<vmem>>, vector<16xf32>,
        tpu.vector_store %arg13[%swap3A_348, %swap3A_349], %add3A_346 {strides = array<i32>} : memref<16x2048xf32, #tpu.memory_space<vmem>>, vector<16xf32>,
        %add3A_351 = arith.constant 32 : i32
        %add3A_352 = arith.addi %mul3A_331, %add3A_351 : i32
        %get3A_353 = arith.index_cast %add3A_352 : i32 to index
        %get3A_354 = tpu.vector_load %arg8[%get3A_353] {strides = array<i32>} : memref<2048xf32, #tpu.memory_space<vmem>>, vector<16xf32>,
        %mul3A_355 = arith.mulf %get3A_3, %get3A_354 : vector<16xf32>
        %add3A_356 = arith.addf %mul3A_355, %get3A_231 : vector<16xf32>
        %swap3A_357 = arith.constant 11 : i32
        %swap3A_358 = arith.index_cast %swap3A_357 : i32 to index
        %swap3A_359 = arith.index_cast %add3A_352 : i32 to index
        %swap3A_360 = tpu.vector_load %arg13[%swap3A_358, %swap3A_359] {strides = array<i32>} : memref<16x2048xf32, #tpu.memory_space<vmem>>, vector<16xf32>,
        tpu.vector_store %arg13[%swap3A_358, %swap3A_359], %add3A_356 {strides = array<i32>} : memref<16x2048xf32, #tpu.memory_space<vmem>>, vector<16xf32>,
        %add3A_361 = arith.constant 48 : i32
        %add3A_362 = arith.addi %mul3A_331, %add3A_361 : i32
        %get3A_363 = arith.index_cast %add3A_362 : i32 to index
        %get3A_364 = tpu.vector_load %arg8[%get3A_363] {strides = array<i32>} : memref<2048xf32, #tpu.memory_space<vmem>>, vector<16xf32>,
        %mul3A_365 = arith.mulf %get3A_3, %get3A_364 : vector<16xf32>
        %add3A_366 = arith.addf %mul3A_365, %get3A_231 : vector<16xf32>
        %swap3A_367 = arith.constant 11 : i32
        %swap3A_368 = arith.index_cast %swap3A_367 : i32 to index
        %swap3A_369 = arith.index_cast %add3A_362 : i32 to index
        %swap3A_370 = tpu.vector_load %arg13[%swap3A_368, %swap3A_369] {strides = array<i32>} : memref<16x2048xf32, #tpu.memory_space<vmem>>, vector<16xf32>,
        tpu.vector_store %arg13[%swap3A_368, %swap3A_369], %add3A_366 {strides = array<i32>} : memref<16x2048xf32, #tpu.memory_space<vmem>>, vector<16xf32>,
        %add3A_371 = arith.constant 64 : i32
        %add3A_372 = arith.addi %mul3A_331, %add3A_371 : i32
        %get3A_373 = arith.index_cast %add3A_372 : i32 to index
        %get3A_374 = tpu.vector_load %arg8[%get3A_373] {strides = array<i32>} : memref<2048xf32, #tpu.memory_space<vmem>>, vector<16xf32>,
        %mul3A_375 = arith.mulf %get3A_3, %get3A_374 : vector<16xf32>
        %add3A_376 = arith.addf %mul3A_375, %get3A_231 : vector<16xf32>
        %swap3A_377 = arith.constant 11 : i32
        %swap3A_378 = arith.index_cast %swap3A_377 : i32 to index
        %swap3A_379 = arith.index_cast %add3A_372 : i32 to index
        %swap3A_380 = tpu.vector_load %arg13[%swap3A_378, %swap3A_379] {strides = array<i32>} : memref<16x2048xf32, #tpu.memory_space<vmem>>, vector<16xf32>,
        tpu.vector_store %arg13[%swap3A_378, %swap3A_379], %add3A_376 {strides = array<i32>} : memref<16x2048xf32, #tpu.memory_space<vmem>>, vector<16xf32>,
        %add3A_381 = arith.constant 80 : i32
        %add3A_382 = arith.addi %mul3A_331, %add3A_381 : i32
        %get3A_383 = arith.index_cast %add3A_382 : i32 to index
        %get3A_384 = tpu.vector_load %arg8[%get3A_383] {strides = array<i32>} : memref<2048xf32, #tpu.memory_space<vmem>>, vector<16xf32>,
        %mul3A_385 = arith.mulf %get3A_3, %get3A_384 : vector<16xf32>
        %add3A_386 = arith.addf %mul3A_385, %get3A_231 : vector<16xf32>
        %swap3A_387 = arith.constant 11 : i32
        %swap3A_388 = arith.index_cast %swap3A_387 : i32 to index
        %swap3A_389 = arith.index_cast %add3A_382 : i32 to index
        %swap3A_390 = tpu.vector_load %arg13[%swap3A_388, %swap3A_389] {strides = array<i32>} : memref<16x2048xf32, #tpu.memory_space<vmem>>, vector<16xf32>,
        tpu.vector_store %arg13[%swap3A_388, %swap3A_389], %add3A_386 {strides = array<i32>} : memref<16x2048xf32, #tpu.memory_space<vmem>>, vector<16xf32>,
        %add3A_391 = arith.constant 96 : i32
        %add3A_392 = arith.addi %mul3A_331, %add3A_391 : i32
        %get3A_393 = arith.index_cast %add3A_392 : i32 to index
        %get3A_394 = tpu.vector_load %arg8[%get3A_393] {strides = array<i32>} : memref<2048xf32, #tpu.memory_space<vmem>>, vector<16xf32>,
        %mul3A_395 = arith.mulf %get3A_3, %get3A_394 : vector<16xf32>
        %add3A_396 = arith.addf %mul3A_395, %get3A_231 : vector<16xf32>
        %swap3A_397 = arith.constant 11 : i32
        %swap3A_398 = arith.index_cast %swap3A_397 : i32 to index
        %swap3A_399 = arith.index_cast %add3A_392 : i32 to index
        %swap3A_400 = tpu.vector_load %arg13[%swap3A_398, %swap3A_399] {strides = array<i32>} : memref<16x2048xf32, #tpu.memory_space<vmem>>, vector<16xf32>,
        tpu.vector_store %arg13[%swap3A_398, %swap3A_399], %add3A_396 {strides = array<i32>} : memref<16x2048xf32, #tpu.memory_space<vmem>>, vector<16xf32>,
        %add3A_401 = arith.constant 112 : i32
        %add3A_402 = arith.addi %mul3A_331, %add3A_401 : i32
        %get3A_403 = arith.index_cast %add3A_402 : i32 to index
        %get3A_404 = tpu.vector_load %arg8[%get3A_403] {strides = array<i32>} : memref<2048xf32, #tpu.memory_space<vmem>>, vector<16xf32>,
        %mul3A_405 = arith.mulf %get3A_3, %get3A_404 : vector<16xf32>
        %add3A_406 = arith.addf %mul3A_405, %get3A_231 : vector<16xf32>
        %swap3A_407 = arith.constant 11 : i32
        %swap3A_408 = arith.index_cast %swap3A_407 : i32 to index
        %swap3A_409 = arith.index_cast %add3A_402 : i32 to index
        %swap3A_410 = tpu.vector_load %arg13[%swap3A_408, %swap3A_409] {strides = array<i32>} : memref<16x2048xf32, #tpu.memory_space<vmem>>, vector<16xf32>,
        tpu.vector_store %arg13[%swap3A_408, %swap3A_409], %add3A_406 {strides = array<i32>} : memref<16x2048xf32, #tpu.memory_space<vmem>>, vector<16xf32>,
      }
      %scan3A_237 = arith.constant 16 : i32
      %get3A_238 = arith.index_cast %scan3A_9 : i32 to index
      %get3A_239 = arith.constant 176 : index
      %get3A_240 = tpu.vector_load %arg9[%get3A_238, %get3A_239] {strides = array<i32>} : memref<64x256xi32, #tpu.memory_space<vmem>>, vector<16xi32>,
      %gather3A_241 = tpu.vector_load_idx %arg8[%get3A_240] : memref<2048xf32, #tpu.memory_space<vmem>>[vector<16xi32>], vector<16xf32>,
      %mul3A_242 = arith.mulf %get3A_3, %gather3A_241 : vector<16xf32>
      %get3A_243 = arith.index_cast %scan3A_9 : i32 to index
      %get3A_244 = arith.constant 176 : index
      %get3A_245 = tpu.vector_load %arg10[%get3A_243, %get3A_244] {strides = array<i32>} : memref<64x256xf32, #tpu.memory_space<vmem>>, vector<16xf32>,
      %add3A_246 = arith.addf %mul3A_242, %get3A_245 : vector<16xf32>
      %broadcast_in_dim3A_247 = arith.constant 11 : i32
      %broadcast_in_dim3A_248 = vector.broadcast %broadcast_in_dim3A_247 : i32 to vector<16xi32>
      tpu.vector_store_idx %arg13[%broadcast_in_dim3A_248, %get3A_240], %add3A_246 : memref<16x2048xf32, #tpu.memory_space<vmem>>[vector<16xi32>, vector<16xi32>], vector<16xf32>,
      %get3A_249 = arith.index_cast %scan3A_9 : i32 to index
      %get3A_250 = arith.constant 192 : index
      %get3A_251 = tpu.vector_load %arg11[%get3A_249, %get3A_250] {strides = array<i32>} : memref<64x256xf32, #tpu.memory_space<vmem>>, vector<16xf32>,
      %scan3A_252 = arith.constant 0 : i32
      %scan3A_253 = arith.constant 0 : i32
      %scan3A_254 = arith.constant 16 : i32
      %scan3A_255 = arith.addi %scan3A_253, %scan3A_254 : i32
      %scan3A_256 = arith.constant 1 : i32
      scf.for %scan3A_329 = %scan3A_253 to %scan3A_255 step %scan3A_256  : i32 {
        %mul3A_330 = arith.constant 128 : i32
        %mul3A_331 = arith.muli %scan3A_329, %mul3A_330 : i32
        %add3A_332 = arith.constant 0 : i32
        %add3A_333 = arith.addi %mul3A_331, %add3A_332 : i32
        %get3A_334 = arith.index_cast %add3A_333 : i32 to index
        %get3A_335 = tpu.vector_load %arg8[%get3A_334] {strides = array<i32>} : memref<2048xf32, #tpu.memory_space<vmem>>, vector<16xf32>,
        %mul3A_336 = arith.mulf %get3A_3, %get3A_335 : vector<16xf32>
        %add3A_337 = arith.addf %mul3A_336, %get3A_251 : vector<16xf32>
        %swap3A = arith.constant 12 : i32
        %swap3A_338 = arith.index_cast %swap3A : i32 to index
        %swap3A_339 = arith.index_cast %add3A_333 : i32 to index
        %swap3A_340 = tpu.vector_load %arg13[%swap3A_338, %swap3A_339] {strides = array<i32>} : memref<16x2048xf32, #tpu.memory_space<vmem>>, vector<16xf32>,
        tpu.vector_store %arg13[%swap3A_338, %swap3A_339], %add3A_337 {strides = array<i32>} : memref<16x2048xf32, #tpu.memory_space<vmem>>, vector<16xf32>,
        %add3A_341 = arith.constant 16 : i32
        %add3A_342 = arith.addi %mul3A_331, %add3A_341 : i32
        %get3A_343 = arith.index_cast %add3A_342 : i32 to index
        %get3A_344 = tpu.vector_load %arg8[%get3A_343] {strides = array<i32>} : memref<2048xf32, #tpu.memory_space<vmem>>, vector<16xf32>,
        %mul3A_345 = arith.mulf %get3A_3, %get3A_344 : vector<16xf32>
        %add3A_346 = arith.addf %mul3A_345, %get3A_251 : vector<16xf32>
        %swap3A_347 = arith.constant 12 : i32
        %swap3A_348 = arith.index_cast %swap3A_347 : i32 to index
        %swap3A_349 = arith.index_cast %add3A_342 : i32 to index
        %swap3A_350 = tpu.vector_load %arg13[%swap3A_348, %swap3A_349] {strides = array<i32>} : memref<16x2048xf32, #tpu.memory_space<vmem>>, vector<16xf32>,
        tpu.vector_store %arg13[%swap3A_348, %swap3A_349], %add3A_346 {strides = array<i32>} : memref<16x2048xf32, #tpu.memory_space<vmem>>, vector<16xf32>,
        %add3A_351 = arith.constant 32 : i32
        %add3A_352 = arith.addi %mul3A_331, %add3A_351 : i32
        %get3A_353 = arith.index_cast %add3A_352 : i32 to index
        %get3A_354 = tpu.vector_load %arg8[%get3A_353] {strides = array<i32>} : memref<2048xf32, #tpu.memory_space<vmem>>, vector<16xf32>,
        %mul3A_355 = arith.mulf %get3A_3, %get3A_354 : vector<16xf32>
        %add3A_356 = arith.addf %mul3A_355, %get3A_251 : vector<16xf32>
        %swap3A_357 = arith.constant 12 : i32
        %swap3A_358 = arith.index_cast %swap3A_357 : i32 to index
        %swap3A_359 = arith.index_cast %add3A_352 : i32 to index
        %swap3A_360 = tpu.vector_load %arg13[%swap3A_358, %swap3A_359] {strides = array<i32>} : memref<16x2048xf32, #tpu.memory_space<vmem>>, vector<16xf32>,
        tpu.vector_store %arg13[%swap3A_358, %swap3A_359], %add3A_356 {strides = array<i32>} : memref<16x2048xf32, #tpu.memory_space<vmem>>, vector<16xf32>,
        %add3A_361 = arith.constant 48 : i32
        %add3A_362 = arith.addi %mul3A_331, %add3A_361 : i32
        %get3A_363 = arith.index_cast %add3A_362 : i32 to index
        %get3A_364 = tpu.vector_load %arg8[%get3A_363] {strides = array<i32>} : memref<2048xf32, #tpu.memory_space<vmem>>, vector<16xf32>,
        %mul3A_365 = arith.mulf %get3A_3, %get3A_364 : vector<16xf32>
        %add3A_366 = arith.addf %mul3A_365, %get3A_251 : vector<16xf32>
        %swap3A_367 = arith.constant 12 : i32
        %swap3A_368 = arith.index_cast %swap3A_367 : i32 to index
        %swap3A_369 = arith.index_cast %add3A_362 : i32 to index
        %swap3A_370 = tpu.vector_load %arg13[%swap3A_368, %swap3A_369] {strides = array<i32>} : memref<16x2048xf32, #tpu.memory_space<vmem>>, vector<16xf32>,
        tpu.vector_store %arg13[%swap3A_368, %swap3A_369], %add3A_366 {strides = array<i32>} : memref<16x2048xf32, #tpu.memory_space<vmem>>, vector<16xf32>,
        %add3A_371 = arith.constant 64 : i32
        %add3A_372 = arith.addi %mul3A_331, %add3A_371 : i32
        %get3A_373 = arith.index_cast %add3A_372 : i32 to index
        %get3A_374 = tpu.vector_load %arg8[%get3A_373] {strides = array<i32>} : memref<2048xf32, #tpu.memory_space<vmem>>, vector<16xf32>,
        %mul3A_375 = arith.mulf %get3A_3, %get3A_374 : vector<16xf32>
        %add3A_376 = arith.addf %mul3A_375, %get3A_251 : vector<16xf32>
        %swap3A_377 = arith.constant 12 : i32
        %swap3A_378 = arith.index_cast %swap3A_377 : i32 to index
        %swap3A_379 = arith.index_cast %add3A_372 : i32 to index
        %swap3A_380 = tpu.vector_load %arg13[%swap3A_378, %swap3A_379] {strides = array<i32>} : memref<16x2048xf32, #tpu.memory_space<vmem>>, vector<16xf32>,
        tpu.vector_store %arg13[%swap3A_378, %swap3A_379], %add3A_376 {strides = array<i32>} : memref<16x2048xf32, #tpu.memory_space<vmem>>, vector<16xf32>,
        %add3A_381 = arith.constant 80 : i32
        %add3A_382 = arith.addi %mul3A_331, %add3A_381 : i32
        %get3A_383 = arith.index_cast %add3A_382 : i32 to index
        %get3A_384 = tpu.vector_load %arg8[%get3A_383] {strides = array<i32>} : memref<2048xf32, #tpu.memory_space<vmem>>, vector<16xf32>,
        %mul3A_385 = arith.mulf %get3A_3, %get3A_384 : vector<16xf32>
        %add3A_386 = arith.addf %mul3A_385, %get3A_251 : vector<16xf32>
        %swap3A_387 = arith.constant 12 : i32
        %swap3A_388 = arith.index_cast %swap3A_387 : i32 to index
        %swap3A_389 = arith.index_cast %add3A_382 : i32 to index
        %swap3A_390 = tpu.vector_load %arg13[%swap3A_388, %swap3A_389] {strides = array<i32>} : memref<16x2048xf32, #tpu.memory_space<vmem>>, vector<16xf32>,
        tpu.vector_store %arg13[%swap3A_388, %swap3A_389], %add3A_386 {strides = array<i32>} : memref<16x2048xf32, #tpu.memory_space<vmem>>, vector<16xf32>,
        %add3A_391 = arith.constant 96 : i32
        %add3A_392 = arith.addi %mul3A_331, %add3A_391 : i32
        %get3A_393 = arith.index_cast %add3A_392 : i32 to index
        %get3A_394 = tpu.vector_load %arg8[%get3A_393] {strides = array<i32>} : memref<2048xf32, #tpu.memory_space<vmem>>, vector<16xf32>,
        %mul3A_395 = arith.mulf %get3A_3, %get3A_394 : vector<16xf32>
        %add3A_396 = arith.addf %mul3A_395, %get3A_251 : vector<16xf32>
        %swap3A_397 = arith.constant 12 : i32
        %swap3A_398 = arith.index_cast %swap3A_397 : i32 to index
        %swap3A_399 = arith.index_cast %add3A_392 : i32 to index
        %swap3A_400 = tpu.vector_load %arg13[%swap3A_398, %swap3A_399] {strides = array<i32>} : memref<16x2048xf32, #tpu.memory_space<vmem>>, vector<16xf32>,
        tpu.vector_store %arg13[%swap3A_398, %swap3A_399], %add3A_396 {strides = array<i32>} : memref<16x2048xf32, #tpu.memory_space<vmem>>, vector<16xf32>,
        %add3A_401 = arith.constant 112 : i32
        %add3A_402 = arith.addi %mul3A_331, %add3A_401 : i32
        %get3A_403 = arith.index_cast %add3A_402 : i32 to index
        %get3A_404 = tpu.vector_load %arg8[%get3A_403] {strides = array<i32>} : memref<2048xf32, #tpu.memory_space<vmem>>, vector<16xf32>,
        %mul3A_405 = arith.mulf %get3A_3, %get3A_404 : vector<16xf32>
        %add3A_406 = arith.addf %mul3A_405, %get3A_251 : vector<16xf32>
        %swap3A_407 = arith.constant 12 : i32
        %swap3A_408 = arith.index_cast %swap3A_407 : i32 to index
        %swap3A_409 = arith.index_cast %add3A_402 : i32 to index
        %swap3A_410 = tpu.vector_load %arg13[%swap3A_408, %swap3A_409] {strides = array<i32>} : memref<16x2048xf32, #tpu.memory_space<vmem>>, vector<16xf32>,
        tpu.vector_store %arg13[%swap3A_408, %swap3A_409], %add3A_406 {strides = array<i32>} : memref<16x2048xf32, #tpu.memory_space<vmem>>, vector<16xf32>,
      }
      %scan3A_257 = arith.constant 16 : i32
      %get3A_258 = arith.index_cast %scan3A_9 : i32 to index
      %get3A_259 = arith.constant 192 : index
      %get3A_260 = tpu.vector_load %arg9[%get3A_258, %get3A_259] {strides = array<i32>} : memref<64x256xi32, #tpu.memory_space<vmem>>, vector<16xi32>,
      %gather3A_261 = tpu.vector_load_idx %arg8[%get3A_260] : memref<2048xf32, #tpu.memory_space<vmem>>[vector<16xi32>], vector<16xf32>,
      %mul3A_262 = arith.mulf %get3A_3, %gather3A_261 : vector<16xf32>
      %get3A_263 = arith.index_cast %scan3A_9 : i32 to index
      %get3A_264 = arith.constant 192 : index
      %get3A_265 = tpu.vector_load %arg10[%get3A_263, %get3A_264] {strides = array<i32>} : memref<64x256xf32, #tpu.memory_space<vmem>>, vector<16xf32>,
      %add3A_266 = arith.addf %mul3A_262, %get3A_265 : vector<16xf32>
      %broadcast_in_dim3A_267 = arith.constant 12 : i32
      %broadcast_in_dim3A_268 = vector.broadcast %broadcast_in_dim3A_267 : i32 to vector<16xi32>
      tpu.vector_store_idx %arg13[%broadcast_in_dim3A_268, %get3A_260], %add3A_266 : memref<16x2048xf32, #tpu.memory_space<vmem>>[vector<16xi32>, vector<16xi32>], vector<16xf32>,
      %get3A_269 = arith.index_cast %scan3A_9 : i32 to index
      %get3A_270 = arith.constant 208 : index
      %get3A_271 = tpu.vector_load %arg11[%get3A_269, %get3A_270] {strides = array<i32>} : memref<64x256xf32, #tpu.memory_space<vmem>>, vector<16xf32>,
      %scan3A_272 = arith.constant 0 : i32
      %scan3A_273 = arith.constant 0 : i32
      %scan3A_274 = arith.constant 16 : i32
      %scan3A_275 = arith.addi %scan3A_273, %scan3A_274 : i32
      %scan3A_276 = arith.constant 1 : i32
      scf.for %scan3A_329 = %scan3A_273 to %scan3A_275 step %scan3A_276  : i32 {
        %mul3A_330 = arith.constant 128 : i32
        %mul3A_331 = arith.muli %scan3A_329, %mul3A_330 : i32
        %add3A_332 = arith.constant 0 : i32
        %add3A_333 = arith.addi %mul3A_331, %add3A_332 : i32
        %get3A_334 = arith.index_cast %add3A_333 : i32 to index
        %get3A_335 = tpu.vector_load %arg8[%get3A_334] {strides = array<i32>} : memref<2048xf32, #tpu.memory_space<vmem>>, vector<16xf32>,
        %mul3A_336 = arith.mulf %get3A_3, %get3A_335 : vector<16xf32>
        %add3A_337 = arith.addf %mul3A_336, %get3A_271 : vector<16xf32>
        %swap3A = arith.constant 13 : i32
        %swap3A_338 = arith.index_cast %swap3A : i32 to index
        %swap3A_339 = arith.index_cast %add3A_333 : i32 to index
        %swap3A_340 = tpu.vector_load %arg13[%swap3A_338, %swap3A_339] {strides = array<i32>} : memref<16x2048xf32, #tpu.memory_space<vmem>>, vector<16xf32>,
        tpu.vector_store %arg13[%swap3A_338, %swap3A_339], %add3A_337 {strides = array<i32>} : memref<16x2048xf32, #tpu.memory_space<vmem>>, vector<16xf32>,
        %add3A_341 = arith.constant 16 : i32
        %add3A_342 = arith.addi %mul3A_331, %add3A_341 : i32
        %get3A_343 = arith.index_cast %add3A_342 : i32 to index
        %get3A_344 = tpu.vector_load %arg8[%get3A_343] {strides = array<i32>} : memref<2048xf32, #tpu.memory_space<vmem>>, vector<16xf32>,
        %mul3A_345 = arith.mulf %get3A_3, %get3A_344 : vector<16xf32>
        %add3A_346 = arith.addf %mul3A_345, %get3A_271 : vector<16xf32>
        %swap3A_347 = arith.constant 13 : i32
        %swap3A_348 = arith.index_cast %swap3A_347 : i32 to index
        %swap3A_349 = arith.index_cast %add3A_342 : i32 to index
        %swap3A_350 = tpu.vector_load %arg13[%swap3A_348, %swap3A_349] {strides = array<i32>} : memref<16x2048xf32, #tpu.memory_space<vmem>>, vector<16xf32>,
        tpu.vector_store %arg13[%swap3A_348, %swap3A_349], %add3A_346 {strides = array<i32>} : memref<16x2048xf32, #tpu.memory_space<vmem>>, vector<16xf32>,
        %add3A_351 = arith.constant 32 : i32
        %add3A_352 = arith.addi %mul3A_331, %add3A_351 : i32
        %get3A_353 = arith.index_cast %add3A_352 : i32 to index
        %get3A_354 = tpu.vector_load %arg8[%get3A_353] {strides = array<i32>} : memref<2048xf32, #tpu.memory_space<vmem>>, vector<16xf32>,
        %mul3A_355 = arith.mulf %get3A_3, %get3A_354 : vector<16xf32>
        %add3A_356 = arith.addf %mul3A_355, %get3A_271 : vector<16xf32>
        %swap3A_357 = arith.constant 13 : i32
        %swap3A_358 = arith.index_cast %swap3A_357 : i32 to index
        %swap3A_359 = arith.index_cast %add3A_352 : i32 to index
        %swap3A_360 = tpu.vector_load %arg13[%swap3A_358, %swap3A_359] {strides = array<i32>} : memref<16x2048xf32, #tpu.memory_space<vmem>>, vector<16xf32>,
        tpu.vector_store %arg13[%swap3A_358, %swap3A_359], %add3A_356 {strides = array<i32>} : memref<16x2048xf32, #tpu.memory_space<vmem>>, vector<16xf32>,
        %add3A_361 = arith.constant 48 : i32
        %add3A_362 = arith.addi %mul3A_331, %add3A_361 : i32
        %get3A_363 = arith.index_cast %add3A_362 : i32 to index
        %get3A_364 = tpu.vector_load %arg8[%get3A_363] {strides = array<i32>} : memref<2048xf32, #tpu.memory_space<vmem>>, vector<16xf32>,
        %mul3A_365 = arith.mulf %get3A_3, %get3A_364 : vector<16xf32>
        %add3A_366 = arith.addf %mul3A_365, %get3A_271 : vector<16xf32>
        %swap3A_367 = arith.constant 13 : i32
        %swap3A_368 = arith.index_cast %swap3A_367 : i32 to index
        %swap3A_369 = arith.index_cast %add3A_362 : i32 to index
        %swap3A_370 = tpu.vector_load %arg13[%swap3A_368, %swap3A_369] {strides = array<i32>} : memref<16x2048xf32, #tpu.memory_space<vmem>>, vector<16xf32>,
        tpu.vector_store %arg13[%swap3A_368, %swap3A_369], %add3A_366 {strides = array<i32>} : memref<16x2048xf32, #tpu.memory_space<vmem>>, vector<16xf32>,
        %add3A_371 = arith.constant 64 : i32
        %add3A_372 = arith.addi %mul3A_331, %add3A_371 : i32
        %get3A_373 = arith.index_cast %add3A_372 : i32 to index
        %get3A_374 = tpu.vector_load %arg8[%get3A_373] {strides = array<i32>} : memref<2048xf32, #tpu.memory_space<vmem>>, vector<16xf32>,
        %mul3A_375 = arith.mulf %get3A_3, %get3A_374 : vector<16xf32>
        %add3A_376 = arith.addf %mul3A_375, %get3A_271 : vector<16xf32>
        %swap3A_377 = arith.constant 13 : i32
        %swap3A_378 = arith.index_cast %swap3A_377 : i32 to index
        %swap3A_379 = arith.index_cast %add3A_372 : i32 to index
        %swap3A_380 = tpu.vector_load %arg13[%swap3A_378, %swap3A_379] {strides = array<i32>} : memref<16x2048xf32, #tpu.memory_space<vmem>>, vector<16xf32>,
        tpu.vector_store %arg13[%swap3A_378, %swap3A_379], %add3A_376 {strides = array<i32>} : memref<16x2048xf32, #tpu.memory_space<vmem>>, vector<16xf32>,
        %add3A_381 = arith.constant 80 : i32
        %add3A_382 = arith.addi %mul3A_331, %add3A_381 : i32
        %get3A_383 = arith.index_cast %add3A_382 : i32 to index
        %get3A_384 = tpu.vector_load %arg8[%get3A_383] {strides = array<i32>} : memref<2048xf32, #tpu.memory_space<vmem>>, vector<16xf32>,
        %mul3A_385 = arith.mulf %get3A_3, %get3A_384 : vector<16xf32>
        %add3A_386 = arith.addf %mul3A_385, %get3A_271 : vector<16xf32>
        %swap3A_387 = arith.constant 13 : i32
        %swap3A_388 = arith.index_cast %swap3A_387 : i32 to index
        %swap3A_389 = arith.index_cast %add3A_382 : i32 to index
        %swap3A_390 = tpu.vector_load %arg13[%swap3A_388, %swap3A_389] {strides = array<i32>} : memref<16x2048xf32, #tpu.memory_space<vmem>>, vector<16xf32>,
        tpu.vector_store %arg13[%swap3A_388, %swap3A_389], %add3A_386 {strides = array<i32>} : memref<16x2048xf32, #tpu.memory_space<vmem>>, vector<16xf32>,
        %add3A_391 = arith.constant 96 : i32
        %add3A_392 = arith.addi %mul3A_331, %add3A_391 : i32
        %get3A_393 = arith.index_cast %add3A_392 : i32 to index
        %get3A_394 = tpu.vector_load %arg8[%get3A_393] {strides = array<i32>} : memref<2048xf32, #tpu.memory_space<vmem>>, vector<16xf32>,
        %mul3A_395 = arith.mulf %get3A_3, %get3A_394 : vector<16xf32>
        %add3A_396 = arith.addf %mul3A_395, %get3A_271 : vector<16xf32>
        %swap3A_397 = arith.constant 13 : i32
        %swap3A_398 = arith.index_cast %swap3A_397 : i32 to index
        %swap3A_399 = arith.index_cast %add3A_392 : i32 to index
        %swap3A_400 = tpu.vector_load %arg13[%swap3A_398, %swap3A_399] {strides = array<i32>} : memref<16x2048xf32, #tpu.memory_space<vmem>>, vector<16xf32>,
        tpu.vector_store %arg13[%swap3A_398, %swap3A_399], %add3A_396 {strides = array<i32>} : memref<16x2048xf32, #tpu.memory_space<vmem>>, vector<16xf32>,
        %add3A_401 = arith.constant 112 : i32
        %add3A_402 = arith.addi %mul3A_331, %add3A_401 : i32
        %get3A_403 = arith.index_cast %add3A_402 : i32 to index
        %get3A_404 = tpu.vector_load %arg8[%get3A_403] {strides = array<i32>} : memref<2048xf32, #tpu.memory_space<vmem>>, vector<16xf32>,
        %mul3A_405 = arith.mulf %get3A_3, %get3A_404 : vector<16xf32>
        %add3A_406 = arith.addf %mul3A_405, %get3A_271 : vector<16xf32>
        %swap3A_407 = arith.constant 13 : i32
        %swap3A_408 = arith.index_cast %swap3A_407 : i32 to index
        %swap3A_409 = arith.index_cast %add3A_402 : i32 to index
        %swap3A_410 = tpu.vector_load %arg13[%swap3A_408, %swap3A_409] {strides = array<i32>} : memref<16x2048xf32, #tpu.memory_space<vmem>>, vector<16xf32>,
        tpu.vector_store %arg13[%swap3A_408, %swap3A_409], %add3A_406 {strides = array<i32>} : memref<16x2048xf32, #tpu.memory_space<vmem>>, vector<16xf32>,
      }
      %scan3A_277 = arith.constant 16 : i32
      %get3A_278 = arith.index_cast %scan3A_9 : i32 to index
      %get3A_279 = arith.constant 208 : index
      %get3A_280 = tpu.vector_load %arg9[%get3A_278, %get3A_279] {strides = array<i32>} : memref<64x256xi32, #tpu.memory_space<vmem>>, vector<16xi32>,
      %gather3A_281 = tpu.vector_load_idx %arg8[%get3A_280] : memref<2048xf32, #tpu.memory_space<vmem>>[vector<16xi32>], vector<16xf32>,
      %mul3A_282 = arith.mulf %get3A_3, %gather3A_281 : vector<16xf32>
      %get3A_283 = arith.index_cast %scan3A_9 : i32 to index
      %get3A_284 = arith.constant 208 : index
      %get3A_285 = tpu.vector_load %arg10[%get3A_283, %get3A_284] {strides = array<i32>} : memref<64x256xf32, #tpu.memory_space<vmem>>, vector<16xf32>,
      %add3A_286 = arith.addf %mul3A_282, %get3A_285 : vector<16xf32>
      %broadcast_in_dim3A_287 = arith.constant 13 : i32
      %broadcast_in_dim3A_288 = vector.broadcast %broadcast_in_dim3A_287 : i32 to vector<16xi32>
      tpu.vector_store_idx %arg13[%broadcast_in_dim3A_288, %get3A_280], %add3A_286 : memref<16x2048xf32, #tpu.memory_space<vmem>>[vector<16xi32>, vector<16xi32>], vector<16xf32>,
      %get3A_289 = arith.index_cast %scan3A_9 : i32 to index
      %get3A_290 = arith.constant 224 : index
      %get3A_291 = tpu.vector_load %arg11[%get3A_289, %get3A_290] {strides = array<i32>} : memref<64x256xf32, #tpu.memory_space<vmem>>, vector<16xf32>,
      %scan3A_292 = arith.constant 0 : i32
      %scan3A_293 = arith.constant 0 : i32
      %scan3A_294 = arith.constant 16 : i32
      %scan3A_295 = arith.addi %scan3A_293, %scan3A_294 : i32
      %scan3A_296 = arith.constant 1 : i32
      scf.for %scan3A_329 = %scan3A_293 to %scan3A_295 step %scan3A_296  : i32 {
        %mul3A_330 = arith.constant 128 : i32
        %mul3A_331 = arith.muli %scan3A_329, %mul3A_330 : i32
        %add3A_332 = arith.constant 0 : i32
        %add3A_333 = arith.addi %mul3A_331, %add3A_332 : i32
        %get3A_334 = arith.index_cast %add3A_333 : i32 to index
        %get3A_335 = tpu.vector_load %arg8[%get3A_334] {strides = array<i32>} : memref<2048xf32, #tpu.memory_space<vmem>>, vector<16xf32>,
        %mul3A_336 = arith.mulf %get3A_3, %get3A_335 : vector<16xf32>
        %add3A_337 = arith.addf %mul3A_336, %get3A_291 : vector<16xf32>
        %swap3A = arith.constant 14 : i32
        %swap3A_338 = arith.index_cast %swap3A : i32 to index
        %swap3A_339 = arith.index_cast %add3A_333 : i32 to index
        %swap3A_340 = tpu.vector_load %arg13[%swap3A_338, %swap3A_339] {strides = array<i32>} : memref<16x2048xf32, #tpu.memory_space<vmem>>, vector<16xf32>,
        tpu.vector_store %arg13[%swap3A_338, %swap3A_339], %add3A_337 {strides = array<i32>} : memref<16x2048xf32, #tpu.memory_space<vmem>>, vector<16xf32>,
        %add3A_341 = arith.constant 16 : i32
        %add3A_342 = arith.addi %mul3A_331, %add3A_341 : i32
        %get3A_343 = arith.index_cast %add3A_342 : i32 to index
        %get3A_344 = tpu.vector_load %arg8[%get3A_343] {strides = array<i32>} : memref<2048xf32, #tpu.memory_space<vmem>>, vector<16xf32>,
        %mul3A_345 = arith.mulf %get3A_3, %get3A_344 : vector<16xf32>
        %add3A_346 = arith.addf %mul3A_345, %get3A_291 : vector<16xf32>
        %swap3A_347 = arith.constant 14 : i32
        %swap3A_348 = arith.index_cast %swap3A_347 : i32 to index
        %swap3A_349 = arith.index_cast %add3A_342 : i32 to index
        %swap3A_350 = tpu.vector_load %arg13[%swap3A_348, %swap3A_349] {strides = array<i32>} : memref<16x2048xf32, #tpu.memory_space<vmem>>, vector<16xf32>,
        tpu.vector_store %arg13[%swap3A_348, %swap3A_349], %add3A_346 {strides = array<i32>} : memref<16x2048xf32, #tpu.memory_space<vmem>>, vector<16xf32>,
        %add3A_351 = arith.constant 32 : i32
        %add3A_352 = arith.addi %mul3A_331, %add3A_351 : i32
        %get3A_353 = arith.index_cast %add3A_352 : i32 to index
        %get3A_354 = tpu.vector_load %arg8[%get3A_353] {strides = array<i32>} : memref<2048xf32, #tpu.memory_space<vmem>>, vector<16xf32>,
        %mul3A_355 = arith.mulf %get3A_3, %get3A_354 : vector<16xf32>
        %add3A_356 = arith.addf %mul3A_355, %get3A_291 : vector<16xf32>
        %swap3A_357 = arith.constant 14 : i32
        %swap3A_358 = arith.index_cast %swap3A_357 : i32 to index
        %swap3A_359 = arith.index_cast %add3A_352 : i32 to index
        %swap3A_360 = tpu.vector_load %arg13[%swap3A_358, %swap3A_359] {strides = array<i32>} : memref<16x2048xf32, #tpu.memory_space<vmem>>, vector<16xf32>,
        tpu.vector_store %arg13[%swap3A_358, %swap3A_359], %add3A_356 {strides = array<i32>} : memref<16x2048xf32, #tpu.memory_space<vmem>>, vector<16xf32>,
        %add3A_361 = arith.constant 48 : i32
        %add3A_362 = arith.addi %mul3A_331, %add3A_361 : i32
        %get3A_363 = arith.index_cast %add3A_362 : i32 to index
        %get3A_364 = tpu.vector_load %arg8[%get3A_363] {strides = array<i32>} : memref<2048xf32, #tpu.memory_space<vmem>>, vector<16xf32>,
        %mul3A_365 = arith.mulf %get3A_3, %get3A_364 : vector<16xf32>
        %add3A_366 = arith.addf %mul3A_365, %get3A_291 : vector<16xf32>
        %swap3A_367 = arith.constant 14 : i32
        %swap3A_368 = arith.index_cast %swap3A_367 : i32 to index
        %swap3A_369 = arith.index_cast %add3A_362 : i32 to index
        %swap3A_370 = tpu.vector_load %arg13[%swap3A_368, %swap3A_369] {strides = array<i32>} : memref<16x2048xf32, #tpu.memory_space<vmem>>, vector<16xf32>,
        tpu.vector_store %arg13[%swap3A_368, %swap3A_369], %add3A_366 {strides = array<i32>} : memref<16x2048xf32, #tpu.memory_space<vmem>>, vector<16xf32>,
        %add3A_371 = arith.constant 64 : i32
        %add3A_372 = arith.addi %mul3A_331, %add3A_371 : i32
        %get3A_373 = arith.index_cast %add3A_372 : i32 to index
        %get3A_374 = tpu.vector_load %arg8[%get3A_373] {strides = array<i32>} : memref<2048xf32, #tpu.memory_space<vmem>>, vector<16xf32>,
        %mul3A_375 = arith.mulf %get3A_3, %get3A_374 : vector<16xf32>
        %add3A_376 = arith.addf %mul3A_375, %get3A_291 : vector<16xf32>
        %swap3A_377 = arith.constant 14 : i32
        %swap3A_378 = arith.index_cast %swap3A_377 : i32 to index
        %swap3A_379 = arith.index_cast %add3A_372 : i32 to index
        %swap3A_380 = tpu.vector_load %arg13[%swap3A_378, %swap3A_379] {strides = array<i32>} : memref<16x2048xf32, #tpu.memory_space<vmem>>, vector<16xf32>,
        tpu.vector_store %arg13[%swap3A_378, %swap3A_379], %add3A_376 {strides = array<i32>} : memref<16x2048xf32, #tpu.memory_space<vmem>>, vector<16xf32>,
        %add3A_381 = arith.constant 80 : i32
        %add3A_382 = arith.addi %mul3A_331, %add3A_381 : i32
        %get3A_383 = arith.index_cast %add3A_382 : i32 to index
        %get3A_384 = tpu.vector_load %arg8[%get3A_383] {strides = array<i32>} : memref<2048xf32, #tpu.memory_space<vmem>>, vector<16xf32>,
        %mul3A_385 = arith.mulf %get3A_3, %get3A_384 : vector<16xf32>
        %add3A_386 = arith.addf %mul3A_385, %get3A_291 : vector<16xf32>
        %swap3A_387 = arith.constant 14 : i32
        %swap3A_388 = arith.index_cast %swap3A_387 : i32 to index
        %swap3A_389 = arith.index_cast %add3A_382 : i32 to index
        %swap3A_390 = tpu.vector_load %arg13[%swap3A_388, %swap3A_389] {strides = array<i32>} : memref<16x2048xf32, #tpu.memory_space<vmem>>, vector<16xf32>,
        tpu.vector_store %arg13[%swap3A_388, %swap3A_389], %add3A_386 {strides = array<i32>} : memref<16x2048xf32, #tpu.memory_space<vmem>>, vector<16xf32>,
        %add3A_391 = arith.constant 96 : i32
        %add3A_392 = arith.addi %mul3A_331, %add3A_391 : i32
        %get3A_393 = arith.index_cast %add3A_392 : i32 to index
        %get3A_394 = tpu.vector_load %arg8[%get3A_393] {strides = array<i32>} : memref<2048xf32, #tpu.memory_space<vmem>>, vector<16xf32>,
        %mul3A_395 = arith.mulf %get3A_3, %get3A_394 : vector<16xf32>
        %add3A_396 = arith.addf %mul3A_395, %get3A_291 : vector<16xf32>
        %swap3A_397 = arith.constant 14 : i32
        %swap3A_398 = arith.index_cast %swap3A_397 : i32 to index
        %swap3A_399 = arith.index_cast %add3A_392 : i32 to index
        %swap3A_400 = tpu.vector_load %arg13[%swap3A_398, %swap3A_399] {strides = array<i32>} : memref<16x2048xf32, #tpu.memory_space<vmem>>, vector<16xf32>,
        tpu.vector_store %arg13[%swap3A_398, %swap3A_399], %add3A_396 {strides = array<i32>} : memref<16x2048xf32, #tpu.memory_space<vmem>>, vector<16xf32>,
        %add3A_401 = arith.constant 112 : i32
        %add3A_402 = arith.addi %mul3A_331, %add3A_401 : i32
        %get3A_403 = arith.index_cast %add3A_402 : i32 to index
        %get3A_404 = tpu.vector_load %arg8[%get3A_403] {strides = array<i32>} : memref<2048xf32, #tpu.memory_space<vmem>>, vector<16xf32>,
        %mul3A_405 = arith.mulf %get3A_3, %get3A_404 : vector<16xf32>
        %add3A_406 = arith.addf %mul3A_405, %get3A_291 : vector<16xf32>
        %swap3A_407 = arith.constant 14 : i32
        %swap3A_408 = arith.index_cast %swap3A_407 : i32 to index
        %swap3A_409 = arith.index_cast %add3A_402 : i32 to index
        %swap3A_410 = tpu.vector_load %arg13[%swap3A_408, %swap3A_409] {strides = array<i32>} : memref<16x2048xf32, #tpu.memory_space<vmem>>, vector<16xf32>,
        tpu.vector_store %arg13[%swap3A_408, %swap3A_409], %add3A_406 {strides = array<i32>} : memref<16x2048xf32, #tpu.memory_space<vmem>>, vector<16xf32>,
      }
      %scan3A_297 = arith.constant 16 : i32
      %get3A_298 = arith.index_cast %scan3A_9 : i32 to index
      %get3A_299 = arith.constant 224 : index
      %get3A_300 = tpu.vector_load %arg9[%get3A_298, %get3A_299] {strides = array<i32>} : memref<64x256xi32, #tpu.memory_space<vmem>>, vector<16xi32>,
      %gather3A_301 = tpu.vector_load_idx %arg8[%get3A_300] : memref<2048xf32, #tpu.memory_space<vmem>>[vector<16xi32>], vector<16xf32>,
      %mul3A_302 = arith.mulf %get3A_3, %gather3A_301 : vector<16xf32>
      %get3A_303 = arith.index_cast %scan3A_9 : i32 to index
      %get3A_304 = arith.constant 224 : index
      %get3A_305 = tpu.vector_load %arg10[%get3A_303, %get3A_304] {strides = array<i32>} : memref<64x256xf32, #tpu.memory_space<vmem>>, vector<16xf32>,
      %add3A_306 = arith.addf %mul3A_302, %get3A_305 : vector<16xf32>
      %broadcast_in_dim3A_307 = arith.constant 14 : i32
      %broadcast_in_dim3A_308 = vector.broadcast %broadcast_in_dim3A_307 : i32 to vector<16xi32>
      tpu.vector_store_idx %arg13[%broadcast_in_dim3A_308, %get3A_300], %add3A_306 : memref<16x2048xf32, #tpu.memory_space<vmem>>[vector<16xi32>, vector<16xi32>], vector<16xf32>,
      %get3A_309 = arith.index_cast %scan3A_9 : i32 to index
      %get3A_310 = arith.constant 240 : index
      %get3A_311 = tpu.vector_load %arg11[%get3A_309, %get3A_310] {strides = array<i32>} : memref<64x256xf32, #tpu.memory_space<vmem>>, vector<16xf32>,
      %scan3A_312 = arith.constant 0 : i32
      %scan3A_313 = arith.constant 0 : i32
      %scan3A_314 = arith.constant 16 : i32
      %scan3A_315 = arith.addi %scan3A_313, %scan3A_314 : i32
      %scan3A_316 = arith.constant 1 : i32
      scf.for %scan3A_329 = %scan3A_313 to %scan3A_315 step %scan3A_316  : i32 {
        %mul3A_330 = arith.constant 128 : i32
        %mul3A_331 = arith.muli %scan3A_329, %mul3A_330 : i32
        %add3A_332 = arith.constant 0 : i32
        %add3A_333 = arith.addi %mul3A_331, %add3A_332 : i32
        %get3A_334 = arith.index_cast %add3A_333 : i32 to index
        %get3A_335 = tpu.vector_load %arg8[%get3A_334] {strides = array<i32>} : memref<2048xf32, #tpu.memory_space<vmem>>, vector<16xf32>,
        %mul3A_336 = arith.mulf %get3A_3, %get3A_335 : vector<16xf32>
        %add3A_337 = arith.addf %mul3A_336, %get3A_311 : vector<16xf32>
        %swap3A = arith.constant 15 : i32
        %swap3A_338 = arith.index_cast %swap3A : i32 to index
        %swap3A_339 = arith.index_cast %add3A_333 : i32 to index
        %swap3A_340 = tpu.vector_load %arg13[%swap3A_338, %swap3A_339] {strides = array<i32>} : memref<16x2048xf32, #tpu.memory_space<vmem>>, vector<16xf32>,
        tpu.vector_store %arg13[%swap3A_338, %swap3A_339], %add3A_337 {strides = array<i32>} : memref<16x2048xf32, #tpu.memory_space<vmem>>, vector<16xf32>,
        %add3A_341 = arith.constant 16 : i32
        %add3A_342 = arith.addi %mul3A_331, %add3A_341 : i32
        %get3A_343 = arith.index_cast %add3A_342 : i32 to index
        %get3A_344 = tpu.vector_load %arg8[%get3A_343] {strides = array<i32>} : memref<2048xf32, #tpu.memory_space<vmem>>, vector<16xf32>,
        %mul3A_345 = arith.mulf %get3A_3, %get3A_344 : vector<16xf32>
        %add3A_346 = arith.addf %mul3A_345, %get3A_311 : vector<16xf32>
        %swap3A_347 = arith.constant 15 : i32
        %swap3A_348 = arith.index_cast %swap3A_347 : i32 to index
        %swap3A_349 = arith.index_cast %add3A_342 : i32 to index
        %swap3A_350 = tpu.vector_load %arg13[%swap3A_348, %swap3A_349] {strides = array<i32>} : memref<16x2048xf32, #tpu.memory_space<vmem>>, vector<16xf32>,
        tpu.vector_store %arg13[%swap3A_348, %swap3A_349], %add3A_346 {strides = array<i32>} : memref<16x2048xf32, #tpu.memory_space<vmem>>, vector<16xf32>,
        %add3A_351 = arith.constant 32 : i32
        %add3A_352 = arith.addi %mul3A_331, %add3A_351 : i32
        %get3A_353 = arith.index_cast %add3A_352 : i32 to index
        %get3A_354 = tpu.vector_load %arg8[%get3A_353] {strides = array<i32>} : memref<2048xf32, #tpu.memory_space<vmem>>, vector<16xf32>,
        %mul3A_355 = arith.mulf %get3A_3, %get3A_354 : vector<16xf32>
        %add3A_356 = arith.addf %mul3A_355, %get3A_311 : vector<16xf32>
        %swap3A_357 = arith.constant 15 : i32
        %swap3A_358 = arith.index_cast %swap3A_357 : i32 to index
        %swap3A_359 = arith.index_cast %add3A_352 : i32 to index
        %swap3A_360 = tpu.vector_load %arg13[%swap3A_358, %swap3A_359] {strides = array<i32>} : memref<16x2048xf32, #tpu.memory_space<vmem>>, vector<16xf32>,
        tpu.vector_store %arg13[%swap3A_358, %swap3A_359], %add3A_356 {strides = array<i32>} : memref<16x2048xf32, #tpu.memory_space<vmem>>, vector<16xf32>,
        %add3A_361 = arith.constant 48 : i32
        %add3A_362 = arith.addi %mul3A_331, %add3A_361 : i32
        %get3A_363 = arith.index_cast %add3A_362 : i32 to index
        %get3A_364 = tpu.vector_load %arg8[%get3A_363] {strides = array<i32>} : memref<2048xf32, #tpu.memory_space<vmem>>, vector<16xf32>,
        %mul3A_365 = arith.mulf %get3A_3, %get3A_364 : vector<16xf32>
        %add3A_366 = arith.addf %mul3A_365, %get3A_311 : vector<16xf32>
        %swap3A_367 = arith.constant 15 : i32
        %swap3A_368 = arith.index_cast %swap3A_367 : i32 to index
        %swap3A_369 = arith.index_cast %add3A_362 : i32 to index
        %swap3A_370 = tpu.vector_load %arg13[%swap3A_368, %swap3A_369] {strides = array<i32>} : memref<16x2048xf32, #tpu.memory_space<vmem>>, vector<16xf32>,
        tpu.vector_store %arg13[%swap3A_368, %swap3A_369], %add3A_366 {strides = array<i32>} : memref<16x2048xf32, #tpu.memory_space<vmem>>, vector<16xf32>,
        %add3A_371 = arith.constant 64 : i32
        %add3A_372 = arith.addi %mul3A_331, %add3A_371 : i32
        %get3A_373 = arith.index_cast %add3A_372 : i32 to index
        %get3A_374 = tpu.vector_load %arg8[%get3A_373] {strides = array<i32>} : memref<2048xf32, #tpu.memory_space<vmem>>, vector<16xf32>,
        %mul3A_375 = arith.mulf %get3A_3, %get3A_374 : vector<16xf32>
        %add3A_376 = arith.addf %mul3A_375, %get3A_311 : vector<16xf32>
        %swap3A_377 = arith.constant 15 : i32
        %swap3A_378 = arith.index_cast %swap3A_377 : i32 to index
        %swap3A_379 = arith.index_cast %add3A_372 : i32 to index
        %swap3A_380 = tpu.vector_load %arg13[%swap3A_378, %swap3A_379] {strides = array<i32>} : memref<16x2048xf32, #tpu.memory_space<vmem>>, vector<16xf32>,
        tpu.vector_store %arg13[%swap3A_378, %swap3A_379], %add3A_376 {strides = array<i32>} : memref<16x2048xf32, #tpu.memory_space<vmem>>, vector<16xf32>,
        %add3A_381 = arith.constant 80 : i32
        %add3A_382 = arith.addi %mul3A_331, %add3A_381 : i32
        %get3A_383 = arith.index_cast %add3A_382 : i32 to index
        %get3A_384 = tpu.vector_load %arg8[%get3A_383] {strides = array<i32>} : memref<2048xf32, #tpu.memory_space<vmem>>, vector<16xf32>,
        %mul3A_385 = arith.mulf %get3A_3, %get3A_384 : vector<16xf32>
        %add3A_386 = arith.addf %mul3A_385, %get3A_311 : vector<16xf32>
        %swap3A_387 = arith.constant 15 : i32
        %swap3A_388 = arith.index_cast %swap3A_387 : i32 to index
        %swap3A_389 = arith.index_cast %add3A_382 : i32 to index
        %swap3A_390 = tpu.vector_load %arg13[%swap3A_388, %swap3A_389] {strides = array<i32>} : memref<16x2048xf32, #tpu.memory_space<vmem>>, vector<16xf32>,
        tpu.vector_store %arg13[%swap3A_388, %swap3A_389], %add3A_386 {strides = array<i32>} : memref<16x2048xf32, #tpu.memory_space<vmem>>, vector<16xf32>,
        %add3A_391 = arith.constant 96 : i32
        %add3A_392 = arith.addi %mul3A_331, %add3A_391 : i32
        %get3A_393 = arith.index_cast %add3A_392 : i32 to index
        %get3A_394 = tpu.vector_load %arg8[%get3A_393] {strides = array<i32>} : memref<2048xf32, #tpu.memory_space<vmem>>, vector<16xf32>,
        %mul3A_395 = arith.mulf %get3A_3, %get3A_394 : vector<16xf32>
        %add3A_396 = arith.addf %mul3A_395, %get3A_311 : vector<16xf32>
        %swap3A_397 = arith.constant 15 : i32
        %swap3A_398 = arith.index_cast %swap3A_397 : i32 to index
        %swap3A_399 = arith.index_cast %add3A_392 : i32 to index
        %swap3A_400 = tpu.vector_load %arg13[%swap3A_398, %swap3A_399] {strides = array<i32>} : memref<16x2048xf32, #tpu.memory_space<vmem>>, vector<16xf32>,
        tpu.vector_store %arg13[%swap3A_398, %swap3A_399], %add3A_396 {strides = array<i32>} : memref<16x2048xf32, #tpu.memory_space<vmem>>, vector<16xf32>,
        %add3A_401 = arith.constant 112 : i32
        %add3A_402 = arith.addi %mul3A_331, %add3A_401 : i32
        %get3A_403 = arith.index_cast %add3A_402 : i32 to index
        %get3A_404 = tpu.vector_load %arg8[%get3A_403] {strides = array<i32>} : memref<2048xf32, #tpu.memory_space<vmem>>, vector<16xf32>,
        %mul3A_405 = arith.mulf %get3A_3, %get3A_404 : vector<16xf32>
        %add3A_406 = arith.addf %mul3A_405, %get3A_311 : vector<16xf32>
        %swap3A_407 = arith.constant 15 : i32
        %swap3A_408 = arith.index_cast %swap3A_407 : i32 to index
        %swap3A_409 = arith.index_cast %add3A_402 : i32 to index
        %swap3A_410 = tpu.vector_load %arg13[%swap3A_408, %swap3A_409] {strides = array<i32>} : memref<16x2048xf32, #tpu.memory_space<vmem>>, vector<16xf32>,
        tpu.vector_store %arg13[%swap3A_408, %swap3A_409], %add3A_406 {strides = array<i32>} : memref<16x2048xf32, #tpu.memory_space<vmem>>, vector<16xf32>,
      }
      %scan3A_317 = arith.constant 16 : i32
      %get3A_318 = arith.index_cast %scan3A_9 : i32 to index
      %get3A_319 = arith.constant 240 : index
      %get3A_320 = tpu.vector_load %arg9[%get3A_318, %get3A_319] {strides = array<i32>} : memref<64x256xi32, #tpu.memory_space<vmem>>, vector<16xi32>,
      %gather3A_321 = tpu.vector_load_idx %arg8[%get3A_320] : memref<2048xf32, #tpu.memory_space<vmem>>[vector<16xi32>], vector<16xf32>,
      %mul3A_322 = arith.mulf %get3A_3, %gather3A_321 : vector<16xf32>
      %get3A_323 = arith.index_cast %scan3A_9 : i32 to index
      %get3A_324 = arith.constant 240 : index
      %get3A_325 = tpu.vector_load %arg10[%get3A_323, %get3A_324] {strides = array<i32>} : memref<64x256xf32, #tpu.memory_space<vmem>>, vector<16xf32>,
      %add3A_326 = arith.addf %mul3A_322, %get3A_325 : vector<16xf32>
      %broadcast_in_dim3A_327 = arith.constant 15 : i32
      %broadcast_in_dim3A_328 = vector.broadcast %broadcast_in_dim3A_327 : i32 to vector<16xi32>
      tpu.vector_store_idx %arg13[%broadcast_in_dim3A_328, %get3A_320], %add3A_326 : memref<16x2048xf32, #tpu.memory_space<vmem>>[vector<16xi32>, vector<16xi32>], vector<16xf32>,
      "tpu.region"() ({
        %run_scoped3A = tpu.sem_alloc : memref<!tpu.dma_semaphore, #tpu.memory_space<semaphore_mem>>
        %dma_start3A = arith.constant 0 : i32
        %dma_start3A_329 = arith.constant 0 : i32
        %dma_start3A_330 = tpu.memref_slice %arg7[%dma_start3A, %add3A_10, %dma_start3A_329] : memref<16x2048x2048xf32, #tpu.memory_space<hbm>> -> memref<16x1x2048xf32, #tpu.memory_space<hbm>>
        %dma_start3A_331 = tpu.memref_squeeze %dma_start3A_330 : memref<16x1x2048xf32, #tpu.memory_space<hbm>> -> memref<16x2048xf32, #tpu.memory_space<hbm>>
        %dma_start3A_332 = arith.constant 0 : i32
        %dma_start3A_333 = arith.constant 0 : i32
        %dma_start3A_334 = tpu.memref_slice %arg7[%dma_start3A_332, %add3A_10, %dma_start3A_333] : memref<16x2048x2048xf32, #tpu.memory_space<hbm>> -> memref<16x1x2048xf32, #tpu.memory_space<hbm>>
        %dma_start3A_335 = tpu.memref_squeeze %dma_start3A_334 : memref<16x1x2048xf32, #tpu.memory_space<hbm>> -> memref<16x2048xf32, #tpu.memory_space<hbm>>
        tpu.enqueue_dma source(%arg13 : memref<16x2048xf32, #tpu.memory_space<vmem>>) target(%dma_start3A_335 : memref<16x2048xf32, #tpu.memory_space<hbm>>) target_semaphore(%run_scoped3A : memref<!tpu.dma_semaphore, #tpu.memory_space<semaphore_mem>>)
        %dma_wait3A = arith.constant 0 : i32
        %dma_wait3A_336 = arith.constant 0 : i32
        %dma_wait3A_337 = tpu.memref_slice %arg7[%dma_wait3A, %add3A_10, %dma_wait3A_336] : memref<16x2048x2048xf32, #tpu.memory_space<hbm>> -> memref<16x1x2048xf32, #tpu.memory_space<hbm>>
        %dma_wait3A_338 = tpu.memref_squeeze %dma_wait3A_337 : memref<16x1x2048xf32, #tpu.memory_space<hbm>> -> memref<16x2048xf32, #tpu.memory_space<hbm>>
        %dma_wait3A_339 = arith.constant 0 : i32
        %dma_wait3A_340 = arith.constant 0 : i32
        %dma_wait3A_341 = tpu.memref_slice %arg7[%dma_wait3A_339, %add3A_10, %dma_wait3A_340] : memref<16x2048x2048xf32, #tpu.memory_space<hbm>> -> memref<16x1x2048xf32, #tpu.memory_space<hbm>>
        %dma_wait3A_342 = tpu.memref_squeeze %dma_wait3A_341 : memref<16x1x2048xf32, #tpu.memory_space<hbm>> -> memref<16x2048xf32, #tpu.memory_space<hbm>>
        tpu.wait_dma2 semaphore(%run_scoped3A : memref<!tpu.dma_semaphore, #tpu.memory_space<semaphore_mem>>) src(%arg13 : memref<16x2048xf32, #tpu.memory_space<vmem>>) dst(%dma_wait3A_342 : memref<16x2048xf32, #tpu.memory_space<hbm>>)
        tpu.yield
      }) : () -> ()
    }
    %scan3A_8 = arith.constant 64 : i32
    return
  }
}

module attributes {stable_mosaic.version = 14 : i64} {
  func.func @_tc_body(%arg0: i32, %arg1: i32, %arg2: memref<1x1x512xf32, #tpu.memory_space<vmem>>, %arg3: memref<1x1x2048xf32, #tpu.memory_space<vmem>>, %arg4: memref<16x1xf32, #tpu.memory_space<vmem>>, %arg5: memref<16x1xf32, #tpu.memory_space<vmem>>, %arg6: memref<1x1xf32, #tpu.memory_space<vmem>>, %arg7: memref<1x512x16xi32, #tpu.memory_space<vmem>>, %arg8: memref<1x512x16xf32, #tpu.memory_space<vmem>>, %arg9: memref<1x512x16xf32, #tpu.memory_space<vmem>>) attributes {dimension_semantics = [#tpu.dimension_semantics<arbitrary>, #tpu.dimension_semantics<arbitrary>], iteration_bounds = array<i64: 4, 16>, scalar_prefetch = 0 : i64, scratch_operands = 0 : i64, tpu.core_type = #tpu.core_type<tc>, window_params = [{transform_indices = @transform_0, window_bounds = array<i64: 1, 1, 512>}, {transform_indices = @transform_1, window_bounds = array<i64: 1, 1, 2048>}, {pipeline_mode = #tpu.pipeline_mode<synchronous>, transform_indices = @transform_2, window_bounds = array<i64: 16, 1>}, {pipeline_mode = #tpu.pipeline_mode<synchronous>, transform_indices = @transform_3, window_bounds = array<i64: 16, 1>}, {pipeline_mode = #tpu.pipeline_mode<synchronous>, transform_indices = @transform_4, window_bounds = array<i64: 1, 1>}, {transform_indices = @transform_5, window_bounds = array<i64: 1, 512, 16>}, {transform_indices = @transform_6, window_bounds = array<i64: 1, 512, 16>}, {transform_indices = @transform_7, window_bounds = array<i64: 1, 512, 16>}]} {
    %get3A = arith.constant 0 : index
    %get3A_0 = arith.constant 0 : index
    %get3A_1 = arith.constant 0 : index
    %get3A_2 = vector.load %arg3[%get3A, %get3A_0, %get3A_1] : memref<1x1x2048xf32, #tpu.memory_space<vmem>>, vector<1x1x2048xf32>
    %get3A_3 = vector.shape_cast %get3A_2 : vector<1x1x2048xf32> to vector<1x2048xf32>
    %get3A_4 = arith.constant 0 : index
    %get3A_5 = arith.constant 0 : index
    %get3A_6 = arith.constant 0 : index
    %get3A_7 = vector.load %arg2[%get3A_4, %get3A_5, %get3A_6] : memref<1x1x512xf32, #tpu.memory_space<vmem>>, vector<1x1x512xf32>
    %get3A_8 = vector.shape_cast %get3A_7 : vector<1x1x512xf32> to vector<1x512xf32>
    %get3A_9 = arith.constant 0 : index
    %get3A_10 = arith.constant 0 : index
    %get3A_11 = vector.load %arg4[%get3A_9, %get3A_10] : memref<16x1xf32, #tpu.memory_space<vmem>>, vector<16x1xf32>
    %get3A_12 = arith.constant 0 : index
    %get3A_13 = arith.constant 0 : index
    %get3A_14 = vector.load %arg5[%get3A_12, %get3A_13] : memref<16x1xf32, #tpu.memory_space<vmem>>, vector<16x1xf32>
    %mul3A = vector.broadcast %get3A_11 : vector<16x1xf32> to vector<16x2048xf32>
    %mul3A_15 = vector.broadcast %get3A_3 : vector<1x2048xf32> to vector<16x2048xf32>
    %mul3A_16 = arith.mulf %mul3A, %mul3A_15 : vector<16x2048xf32>
    %add3A = vector.broadcast %get3A_14 : vector<16x1xf32> to vector<16x2048xf32>
    %add3A_17 = arith.addf %mul3A_16, %add3A : vector<16x2048xf32>
    %tanh3A = math.tanh %add3A_17 : vector<16x2048xf32>
    %mul3A_18 = vector.broadcast %get3A_11 : vector<16x1xf32> to vector<16x512xf32>
    %mul3A_19 = vector.broadcast %get3A_8 : vector<1x512xf32> to vector<16x512xf32>
    %mul3A_20 = arith.mulf %mul3A_18, %mul3A_19 : vector<16x512xf32>
    %add3A_21 = vector.broadcast %get3A_14 : vector<16x1xf32> to vector<16x512xf32>
    %add3A_22 = arith.addf %mul3A_20, %add3A_21 : vector<16x512xf32>
    %tanh3A_23 = math.tanh %add3A_22 : vector<16x512xf32>
    %dot_general3A = arith.constant dense<0.000000e+00> : vector<512x2048xf32>
    %dot_general3A_24 = tpu.matmul %tanh3A_23, %tanh3A, %dot_general3A {dimension_numbers = #tpu.dot_dimension_numbers<[0], [0], [1], [1], [0, 1, 1, 1], [], []>, transpose_lhs_hint = false} : vector<16x512xf32>, vector<16x2048xf32>, vector<512x2048xf32> -> vector<512x2048xf32>
    %max3A = arith.constant 0.000000e+00 : f32
    %max3A_25 = vector.broadcast %max3A : f32 to vector<512x2048xf32>
    %max3A_26 = arith.maximumf %dot_general3A_24, %max3A_25 : vector<512x2048xf32>
    %iota3A = tpu.iota {dimensions = array<i32: 1>} : vector<512x2048xi32>
    %bitcast_convert_type3A = tpu.bitcast %max3A_26 : vector<512x2048xf32> -> vector<512x2048xi32>
    %and3A = arith.constant -2048 : i32
    %and3A_27 = vector.broadcast %and3A : i32 to vector<512x2048xi32>
    %and3A_28 = arith.andi %bitcast_convert_type3A, %and3A_27 : vector<512x2048xi32>
    %sub3A = arith.constant 2047 : i32
    %sub3A_29 = vector.broadcast %sub3A : i32 to vector<512x2048xi32>
    %sub3A_30 = arith.subi %sub3A_29, %iota3A : vector<512x2048xi32>
    %or3A = arith.ori %and3A_28, %sub3A_30 : vector<512x2048xi32>
    %bitcast_convert_type3A_31 = tpu.bitcast %or3A : vector<512x2048xi32> -> vector<512x2048xf32>
    %slice3A = vector.extract_strided_slice %bitcast_convert_type3A_31 {offsets = [0, 0], sizes = [512, 128], strides = [1, 1]} : vector<512x2048xf32> to vector<512x128xf32>
    %slice3A_32 = vector.extract_strided_slice %bitcast_convert_type3A_31 {offsets = [0, 128], sizes = [512, 128], strides = [1, 1]} : vector<512x2048xf32> to vector<512x128xf32>
    %slice3A_33 = vector.extract_strided_slice %bitcast_convert_type3A_31 {offsets = [0, 256], sizes = [512, 128], strides = [1, 1]} : vector<512x2048xf32> to vector<512x128xf32>
    %slice3A_34 = vector.extract_strided_slice %bitcast_convert_type3A_31 {offsets = [0, 384], sizes = [512, 128], strides = [1, 1]} : vector<512x2048xf32> to vector<512x128xf32>
    %slice3A_35 = vector.extract_strided_slice %bitcast_convert_type3A_31 {offsets = [0, 512], sizes = [512, 128], strides = [1, 1]} : vector<512x2048xf32> to vector<512x128xf32>
    %slice3A_36 = vector.extract_strided_slice %bitcast_convert_type3A_31 {offsets = [0, 640], sizes = [512, 128], strides = [1, 1]} : vector<512x2048xf32> to vector<512x128xf32>
    %slice3A_37 = vector.extract_strided_slice %bitcast_convert_type3A_31 {offsets = [0, 768], sizes = [512, 128], strides = [1, 1]} : vector<512x2048xf32> to vector<512x128xf32>
    %slice3A_38 = vector.extract_strided_slice %bitcast_convert_type3A_31 {offsets = [0, 896], sizes = [512, 128], strides = [1, 1]} : vector<512x2048xf32> to vector<512x128xf32>
    %slice3A_39 = vector.extract_strided_slice %bitcast_convert_type3A_31 {offsets = [0, 1024], sizes = [512, 128], strides = [1, 1]} : vector<512x2048xf32> to vector<512x128xf32>
    %slice3A_40 = vector.extract_strided_slice %bitcast_convert_type3A_31 {offsets = [0, 1152], sizes = [512, 128], strides = [1, 1]} : vector<512x2048xf32> to vector<512x128xf32>
    %slice3A_41 = vector.extract_strided_slice %bitcast_convert_type3A_31 {offsets = [0, 1280], sizes = [512, 128], strides = [1, 1]} : vector<512x2048xf32> to vector<512x128xf32>
    %slice3A_42 = vector.extract_strided_slice %bitcast_convert_type3A_31 {offsets = [0, 1408], sizes = [512, 128], strides = [1, 1]} : vector<512x2048xf32> to vector<512x128xf32>
    %slice3A_43 = vector.extract_strided_slice %bitcast_convert_type3A_31 {offsets = [0, 1536], sizes = [512, 128], strides = [1, 1]} : vector<512x2048xf32> to vector<512x128xf32>
    %slice3A_44 = vector.extract_strided_slice %bitcast_convert_type3A_31 {offsets = [0, 1664], sizes = [512, 128], strides = [1, 1]} : vector<512x2048xf32> to vector<512x128xf32>
    %slice3A_45 = vector.extract_strided_slice %bitcast_convert_type3A_31 {offsets = [0, 1792], sizes = [512, 128], strides = [1, 1]} : vector<512x2048xf32> to vector<512x128xf32>
    %slice3A_46 = vector.extract_strided_slice %bitcast_convert_type3A_31 {offsets = [0, 1920], sizes = [512, 128], strides = [1, 1]} : vector<512x2048xf32> to vector<512x128xf32>
    %max3A_47 = arith.maximumf %slice3A, %slice3A_32 : vector<512x128xf32>
    %min3A = arith.minimumf %slice3A, %slice3A_32 : vector<512x128xf32>
    %max3A_48 = arith.maximumf %slice3A_33, %slice3A_34 : vector<512x128xf32>
    %min3A_49 = arith.minimumf %slice3A_33, %slice3A_34 : vector<512x128xf32>
    %max3A_50 = arith.maximumf %max3A_47, %max3A_48 : vector<512x128xf32>
    %min3A_51 = arith.minimumf %max3A_47, %max3A_48 : vector<512x128xf32>
    %max3A_52 = arith.maximumf %min3A, %min3A_49 : vector<512x128xf32>
    %min3A_53 = arith.minimumf %min3A, %min3A_49 : vector<512x128xf32>
    %max3A_54 = arith.maximumf %max3A_52, %min3A_51 : vector<512x128xf32>
    %min3A_55 = arith.minimumf %max3A_52, %min3A_51 : vector<512x128xf32>
    %max3A_56 = arith.maximumf %slice3A_35, %slice3A_36 : vector<512x128xf32>
    %min3A_57 = arith.minimumf %slice3A_35, %slice3A_36 : vector<512x128xf32>
    %max3A_58 = arith.maximumf %slice3A_37, %slice3A_38 : vector<512x128xf32>
    %min3A_59 = arith.minimumf %slice3A_37, %slice3A_38 : vector<512x128xf32>
    %max3A_60 = arith.maximumf %max3A_56, %max3A_58 : vector<512x128xf32>
    %min3A_61 = arith.minimumf %max3A_56, %max3A_58 : vector<512x128xf32>
    %max3A_62 = arith.maximumf %min3A_57, %min3A_59 : vector<512x128xf32>
    %min3A_63 = arith.minimumf %min3A_57, %min3A_59 : vector<512x128xf32>
    %max3A_64 = arith.maximumf %max3A_62, %min3A_61 : vector<512x128xf32>
    %min3A_65 = arith.minimumf %max3A_62, %min3A_61 : vector<512x128xf32>
    %max3A_66 = arith.maximumf %max3A_50, %max3A_60 : vector<512x128xf32>
    %min3A_67 = arith.minimumf %max3A_50, %max3A_60 : vector<512x128xf32>
    %max3A_68 = arith.maximumf %min3A_55, %min3A_65 : vector<512x128xf32>
    %min3A_69 = arith.minimumf %min3A_55, %min3A_65 : vector<512x128xf32>
    %max3A_70 = arith.maximumf %max3A_68, %min3A_67 : vector<512x128xf32>
    %min3A_71 = arith.minimumf %max3A_68, %min3A_67 : vector<512x128xf32>
    %max3A_72 = arith.maximumf %max3A_54, %max3A_64 : vector<512x128xf32>
    %min3A_73 = arith.minimumf %max3A_54, %max3A_64 : vector<512x128xf32>
    %max3A_74 = arith.maximumf %min3A_53, %min3A_63 : vector<512x128xf32>
    %min3A_75 = arith.minimumf %min3A_53, %min3A_63 : vector<512x128xf32>
    %max3A_76 = arith.maximumf %max3A_74, %min3A_73 : vector<512x128xf32>
    %min3A_77 = arith.minimumf %max3A_74, %min3A_73 : vector<512x128xf32>
    %max3A_78 = arith.maximumf %max3A_72, %max3A_70 : vector<512x128xf32>
    %min3A_79 = arith.minimumf %max3A_72, %max3A_70 : vector<512x128xf32>
    %max3A_80 = arith.maximumf %max3A_76, %min3A_71 : vector<512x128xf32>
    %min3A_81 = arith.minimumf %max3A_76, %min3A_71 : vector<512x128xf32>
    %max3A_82 = arith.maximumf %min3A_77, %min3A_69 : vector<512x128xf32>
    %min3A_83 = arith.minimumf %min3A_77, %min3A_69 : vector<512x128xf32>
    %max3A_84 = arith.maximumf %slice3A_39, %slice3A_40 : vector<512x128xf32>
    %min3A_85 = arith.minimumf %slice3A_39, %slice3A_40 : vector<512x128xf32>
    %max3A_86 = arith.maximumf %slice3A_41, %slice3A_42 : vector<512x128xf32>
    %min3A_87 = arith.minimumf %slice3A_41, %slice3A_42 : vector<512x128xf32>
    %max3A_88 = arith.maximumf %max3A_84, %max3A_86 : vector<512x128xf32>
    %min3A_89 = arith.minimumf %max3A_84, %max3A_86 : vector<512x128xf32>
    %max3A_90 = arith.maximumf %min3A_85, %min3A_87 : vector<512x128xf32>
    %min3A_91 = arith.minimumf %min3A_85, %min3A_87 : vector<512x128xf32>
    %max3A_92 = arith.maximumf %max3A_90, %min3A_89 : vector<512x128xf32>
    %min3A_93 = arith.minimumf %max3A_90, %min3A_89 : vector<512x128xf32>
    %max3A_94 = arith.maximumf %slice3A_43, %slice3A_44 : vector<512x128xf32>
    %min3A_95 = arith.minimumf %slice3A_43, %slice3A_44 : vector<512x128xf32>
    %max3A_96 = arith.maximumf %slice3A_45, %slice3A_46 : vector<512x128xf32>
    %min3A_97 = arith.minimumf %slice3A_45, %slice3A_46 : vector<512x128xf32>
    %max3A_98 = arith.maximumf %max3A_94, %max3A_96 : vector<512x128xf32>
    %min3A_99 = arith.minimumf %max3A_94, %max3A_96 : vector<512x128xf32>
    %max3A_100 = arith.maximumf %min3A_95, %min3A_97 : vector<512x128xf32>
    %min3A_101 = arith.minimumf %min3A_95, %min3A_97 : vector<512x128xf32>
    %max3A_102 = arith.maximumf %max3A_100, %min3A_99 : vector<512x128xf32>
    %min3A_103 = arith.minimumf %max3A_100, %min3A_99 : vector<512x128xf32>
    %max3A_104 = arith.maximumf %max3A_88, %max3A_98 : vector<512x128xf32>
    %min3A_105 = arith.minimumf %max3A_88, %max3A_98 : vector<512x128xf32>
    %max3A_106 = arith.maximumf %min3A_93, %min3A_103 : vector<512x128xf32>
    %min3A_107 = arith.minimumf %min3A_93, %min3A_103 : vector<512x128xf32>
    %max3A_108 = arith.maximumf %max3A_106, %min3A_105 : vector<512x128xf32>
    %min3A_109 = arith.minimumf %max3A_106, %min3A_105 : vector<512x128xf32>
    %max3A_110 = arith.maximumf %max3A_92, %max3A_102 : vector<512x128xf32>
    %min3A_111 = arith.minimumf %max3A_92, %max3A_102 : vector<512x128xf32>
    %max3A_112 = arith.maximumf %min3A_91, %min3A_101 : vector<512x128xf32>
    %min3A_113 = arith.minimumf %min3A_91, %min3A_101 : vector<512x128xf32>
    %max3A_114 = arith.maximumf %max3A_112, %min3A_111 : vector<512x128xf32>
    %min3A_115 = arith.minimumf %max3A_112, %min3A_111 : vector<512x128xf32>
    %max3A_116 = arith.maximumf %max3A_110, %max3A_108 : vector<512x128xf32>
    %min3A_117 = arith.minimumf %max3A_110, %max3A_108 : vector<512x128xf32>
    %max3A_118 = arith.maximumf %max3A_114, %min3A_109 : vector<512x128xf32>
    %min3A_119 = arith.minimumf %max3A_114, %min3A_109 : vector<512x128xf32>
    %max3A_120 = arith.maximumf %min3A_115, %min3A_107 : vector<512x128xf32>
    %min3A_121 = arith.minimumf %min3A_115, %min3A_107 : vector<512x128xf32>
    %max3A_122 = arith.maximumf %max3A_66, %max3A_104 : vector<512x128xf32>
    %min3A_123 = arith.minimumf %max3A_66, %max3A_104 : vector<512x128xf32>
    %max3A_124 = arith.maximumf %min3A_81, %min3A_119 : vector<512x128xf32>
    %min3A_125 = arith.minimumf %min3A_81, %min3A_119 : vector<512x128xf32>
    %max3A_126 = arith.maximumf %max3A_124, %min3A_123 : vector<512x128xf32>
    %min3A_127 = arith.minimumf %max3A_124, %min3A_123 : vector<512x128xf32>
    %max3A_128 = arith.maximumf %min3A_79, %min3A_117 : vector<512x128xf32>
    %min3A_129 = arith.minimumf %min3A_79, %min3A_117 : vector<512x128xf32>
    %max3A_130 = arith.maximumf %min3A_83, %min3A_121 : vector<512x128xf32>
    %max3A_131 = arith.maximumf %max3A_130, %min3A_129 : vector<512x128xf32>
    %min3A_132 = arith.minimumf %max3A_130, %min3A_129 : vector<512x128xf32>
    %max3A_133 = arith.maximumf %max3A_128, %max3A_126 : vector<512x128xf32>
    %min3A_134 = arith.minimumf %max3A_128, %max3A_126 : vector<512x128xf32>
    %max3A_135 = arith.maximumf %max3A_131, %min3A_127 : vector<512x128xf32>
    %min3A_136 = arith.minimumf %max3A_131, %min3A_127 : vector<512x128xf32>
    %max3A_137 = arith.maximumf %min3A_132, %min3A_125 : vector<512x128xf32>
    %max3A_138 = arith.maximumf %max3A_78, %max3A_116 : vector<512x128xf32>
    %min3A_139 = arith.minimumf %max3A_78, %max3A_116 : vector<512x128xf32>
    %max3A_140 = arith.maximumf %max3A_82, %max3A_120 : vector<512x128xf32>
    %max3A_141 = arith.maximumf %max3A_140, %min3A_139 : vector<512x128xf32>
    %min3A_142 = arith.minimumf %max3A_140, %min3A_139 : vector<512x128xf32>
    %max3A_143 = arith.maximumf %max3A_80, %max3A_118 : vector<512x128xf32>
    %min3A_144 = arith.minimumf %max3A_80, %max3A_118 : vector<512x128xf32>
    %max3A_145 = arith.maximumf %min3A_75, %min3A_113 : vector<512x128xf32>
    %max3A_146 = arith.maximumf %max3A_145, %min3A_144 : vector<512x128xf32>
    %max3A_147 = arith.maximumf %max3A_143, %max3A_141 : vector<512x128xf32>
    %min3A_148 = arith.minimumf %max3A_143, %max3A_141 : vector<512x128xf32>
    %max3A_149 = arith.maximumf %max3A_146, %min3A_142 : vector<512x128xf32>
    %min3A_150 = arith.minimumf %max3A_146, %min3A_142 : vector<512x128xf32>
    %max3A_151 = arith.maximumf %max3A_138, %max3A_133 : vector<512x128xf32>
    %min3A_152 = arith.minimumf %max3A_138, %max3A_133 : vector<512x128xf32>
    %max3A_153 = arith.maximumf %max3A_147, %min3A_134 : vector<512x128xf32>
    %min3A_154 = arith.minimumf %max3A_147, %min3A_134 : vector<512x128xf32>
    %max3A_155 = arith.maximumf %min3A_148, %max3A_135 : vector<512x128xf32>
    %min3A_156 = arith.minimumf %min3A_148, %max3A_135 : vector<512x128xf32>
    %max3A_157 = arith.maximumf %max3A_149, %min3A_136 : vector<512x128xf32>
    %min3A_158 = arith.minimumf %max3A_149, %min3A_136 : vector<512x128xf32>
    %max3A_159 = arith.maximumf %min3A_150, %max3A_137 : vector<512x128xf32>
    %reduce_max3A = arith.constant dense<0xFF800000> : vector<512xf32>
    %reduce_max3A_160 = vector.multi_reduction <maximumf>, %max3A_122, %reduce_max3A [1] : vector<512x128xf32> to vector<512xf32>
    %broadcast_in_dim3A = vector.shape_cast %reduce_max3A_160 : vector<512xf32> to vector<512x1xf32>
    %eq3A = vector.broadcast %broadcast_in_dim3A : vector<512x1xf32> to vector<512x128xf32>
    %eq3A_161 = arith.cmpf oeq, %max3A_122, %eq3A : vector<512x128xf32>
    %select_n3A = arith.select %eq3A_161, %max3A_151, %max3A_122 : vector<512x128xi1>, vector<512x128xf32>
    %select_n3A_162 = arith.select %eq3A_161, %min3A_152, %max3A_151 : vector<512x128xi1>, vector<512x128xf32>
    %select_n3A_163 = arith.select %eq3A_161, %max3A_153, %min3A_152 : vector<512x128xi1>, vector<512x128xf32>
    %select_n3A_164 = arith.select %eq3A_161, %min3A_154, %max3A_153 : vector<512x128xi1>, vector<512x128xf32>
    %select_n3A_165 = arith.select %eq3A_161, %max3A_155, %min3A_154 : vector<512x128xi1>, vector<512x128xf32>
    %select_n3A_166 = arith.select %eq3A_161, %min3A_156, %max3A_155 : vector<512x128xi1>, vector<512x128xf32>
    %select_n3A_167 = arith.select %eq3A_161, %max3A_157, %min3A_156 : vector<512x128xi1>, vector<512x128xf32>
    %select_n3A_168 = arith.select %eq3A_161, %min3A_158, %max3A_157 : vector<512x128xi1>, vector<512x128xf32>
    %select_n3A_169 = arith.select %eq3A_161, %max3A_159, %min3A_158 : vector<512x128xi1>, vector<512x128xf32>
    %reduce_max3A_170 = arith.constant dense<0xFF800000> : vector<512xf32>
    %reduce_max3A_171 = vector.multi_reduction <maximumf>, %select_n3A, %reduce_max3A_170 [1] : vector<512x128xf32> to vector<512xf32>
    %broadcast_in_dim3A_172 = vector.shape_cast %reduce_max3A_171 : vector<512xf32> to vector<512x1xf32>
    %eq3A_173 = vector.broadcast %broadcast_in_dim3A_172 : vector<512x1xf32> to vector<512x128xf32>
    %eq3A_174 = arith.cmpf oeq, %select_n3A, %eq3A_173 : vector<512x128xf32>
    %select_n3A_175 = arith.select %eq3A_174, %select_n3A_162, %select_n3A : vector<512x128xi1>, vector<512x128xf32>
    %select_n3A_176 = arith.select %eq3A_174, %select_n3A_163, %select_n3A_162 : vector<512x128xi1>, vector<512x128xf32>
    %select_n3A_177 = arith.select %eq3A_174, %select_n3A_164, %select_n3A_163 : vector<512x128xi1>, vector<512x128xf32>
    %select_n3A_178 = arith.select %eq3A_174, %select_n3A_165, %select_n3A_164 : vector<512x128xi1>, vector<512x128xf32>
    %select_n3A_179 = arith.select %eq3A_174, %select_n3A_166, %select_n3A_165 : vector<512x128xi1>, vector<512x128xf32>
    %select_n3A_180 = arith.select %eq3A_174, %select_n3A_167, %select_n3A_166 : vector<512x128xi1>, vector<512x128xf32>
    %select_n3A_181 = arith.select %eq3A_174, %select_n3A_168, %select_n3A_167 : vector<512x128xi1>, vector<512x128xf32>
    %select_n3A_182 = arith.select %eq3A_174, %select_n3A_169, %select_n3A_168 : vector<512x128xi1>, vector<512x128xf32>
    %reduce_max3A_183 = arith.constant dense<0xFF800000> : vector<512xf32>
    %reduce_max3A_184 = vector.multi_reduction <maximumf>, %select_n3A_175, %reduce_max3A_183 [1] : vector<512x128xf32> to vector<512xf32>
    %broadcast_in_dim3A_185 = vector.shape_cast %reduce_max3A_184 : vector<512xf32> to vector<512x1xf32>
    %eq3A_186 = vector.broadcast %broadcast_in_dim3A_185 : vector<512x1xf32> to vector<512x128xf32>
    %eq3A_187 = arith.cmpf oeq, %select_n3A_175, %eq3A_186 : vector<512x128xf32>
    %select_n3A_188 = arith.select %eq3A_187, %select_n3A_176, %select_n3A_175 : vector<512x128xi1>, vector<512x128xf32>
    %select_n3A_189 = arith.select %eq3A_187, %select_n3A_177, %select_n3A_176 : vector<512x128xi1>, vector<512x128xf32>
    %select_n3A_190 = arith.select %eq3A_187, %select_n3A_178, %select_n3A_177 : vector<512x128xi1>, vector<512x128xf32>
    %select_n3A_191 = arith.select %eq3A_187, %select_n3A_179, %select_n3A_178 : vector<512x128xi1>, vector<512x128xf32>
    %select_n3A_192 = arith.select %eq3A_187, %select_n3A_180, %select_n3A_179 : vector<512x128xi1>, vector<512x128xf32>
    %select_n3A_193 = arith.select %eq3A_187, %select_n3A_181, %select_n3A_180 : vector<512x128xi1>, vector<512x128xf32>
    %select_n3A_194 = arith.select %eq3A_187, %select_n3A_182, %select_n3A_181 : vector<512x128xi1>, vector<512x128xf32>
    %reduce_max3A_195 = arith.constant dense<0xFF800000> : vector<512xf32>
    %reduce_max3A_196 = vector.multi_reduction <maximumf>, %select_n3A_188, %reduce_max3A_195 [1] : vector<512x128xf32> to vector<512xf32>
    %broadcast_in_dim3A_197 = vector.shape_cast %reduce_max3A_196 : vector<512xf32> to vector<512x1xf32>
    %eq3A_198 = vector.broadcast %broadcast_in_dim3A_197 : vector<512x1xf32> to vector<512x128xf32>
    %eq3A_199 = arith.cmpf oeq, %select_n3A_188, %eq3A_198 : vector<512x128xf32>
    %select_n3A_200 = arith.select %eq3A_199, %select_n3A_189, %select_n3A_188 : vector<512x128xi1>, vector<512x128xf32>
    %select_n3A_201 = arith.select %eq3A_199, %select_n3A_190, %select_n3A_189 : vector<512x128xi1>, vector<512x128xf32>
    %select_n3A_202 = arith.select %eq3A_199, %select_n3A_191, %select_n3A_190 : vector<512x128xi1>, vector<512x128xf32>
    %select_n3A_203 = arith.select %eq3A_199, %select_n3A_192, %select_n3A_191 : vector<512x128xi1>, vector<512x128xf32>
    %select_n3A_204 = arith.select %eq3A_199, %select_n3A_193, %select_n3A_192 : vector<512x128xi1>, vector<512x128xf32>
    %select_n3A_205 = arith.select %eq3A_199, %select_n3A_194, %select_n3A_193 : vector<512x128xi1>, vector<512x128xf32>
    %reduce_max3A_206 = arith.constant dense<0xFF800000> : vector<512xf32>
    %reduce_max3A_207 = vector.multi_reduction <maximumf>, %select_n3A_200, %reduce_max3A_206 [1] : vector<512x128xf32> to vector<512xf32>
    %broadcast_in_dim3A_208 = vector.shape_cast %reduce_max3A_207 : vector<512xf32> to vector<512x1xf32>
    %eq3A_209 = vector.broadcast %broadcast_in_dim3A_208 : vector<512x1xf32> to vector<512x128xf32>
    %eq3A_210 = arith.cmpf oeq, %select_n3A_200, %eq3A_209 : vector<512x128xf32>
    %select_n3A_211 = arith.select %eq3A_210, %select_n3A_201, %select_n3A_200 : vector<512x128xi1>, vector<512x128xf32>
    %select_n3A_212 = arith.select %eq3A_210, %select_n3A_202, %select_n3A_201 : vector<512x128xi1>, vector<512x128xf32>
    %select_n3A_213 = arith.select %eq3A_210, %select_n3A_203, %select_n3A_202 : vector<512x128xi1>, vector<512x128xf32>
    %select_n3A_214 = arith.select %eq3A_210, %select_n3A_204, %select_n3A_203 : vector<512x128xi1>, vector<512x128xf32>
    %select_n3A_215 = arith.select %eq3A_210, %select_n3A_205, %select_n3A_204 : vector<512x128xi1>, vector<512x128xf32>
    %reduce_max3A_216 = arith.constant dense<0xFF800000> : vector<512xf32>
    %reduce_max3A_217 = vector.multi_reduction <maximumf>, %select_n3A_211, %reduce_max3A_216 [1] : vector<512x128xf32> to vector<512xf32>
    %broadcast_in_dim3A_218 = vector.shape_cast %reduce_max3A_217 : vector<512xf32> to vector<512x1xf32>
    %eq3A_219 = vector.broadcast %broadcast_in_dim3A_218 : vector<512x1xf32> to vector<512x128xf32>
    %eq3A_220 = arith.cmpf oeq, %select_n3A_211, %eq3A_219 : vector<512x128xf32>
    %select_n3A_221 = arith.select %eq3A_220, %select_n3A_212, %select_n3A_211 : vector<512x128xi1>, vector<512x128xf32>
    %select_n3A_222 = arith.select %eq3A_220, %select_n3A_213, %select_n3A_212 : vector<512x128xi1>, vector<512x128xf32>
    %select_n3A_223 = arith.select %eq3A_220, %select_n3A_214, %select_n3A_213 : vector<512x128xi1>, vector<512x128xf32>
    %select_n3A_224 = arith.select %eq3A_220, %select_n3A_215, %select_n3A_214 : vector<512x128xi1>, vector<512x128xf32>
    %reduce_max3A_225 = arith.constant dense<0xFF800000> : vector<512xf32>
    %reduce_max3A_226 = vector.multi_reduction <maximumf>, %select_n3A_221, %reduce_max3A_225 [1] : vector<512x128xf32> to vector<512xf32>
    %broadcast_in_dim3A_227 = vector.shape_cast %reduce_max3A_226 : vector<512xf32> to vector<512x1xf32>
    %eq3A_228 = vector.broadcast %broadcast_in_dim3A_227 : vector<512x1xf32> to vector<512x128xf32>
    %eq3A_229 = arith.cmpf oeq, %select_n3A_221, %eq3A_228 : vector<512x128xf32>
    %select_n3A_230 = arith.select %eq3A_229, %select_n3A_222, %select_n3A_221 : vector<512x128xi1>, vector<512x128xf32>
    %select_n3A_231 = arith.select %eq3A_229, %select_n3A_223, %select_n3A_222 : vector<512x128xi1>, vector<512x128xf32>
    %select_n3A_232 = arith.select %eq3A_229, %select_n3A_224, %select_n3A_223 : vector<512x128xi1>, vector<512x128xf32>
    %reduce_max3A_233 = arith.constant dense<0xFF800000> : vector<512xf32>
    %reduce_max3A_234 = vector.multi_reduction <maximumf>, %select_n3A_230, %reduce_max3A_233 [1] : vector<512x128xf32> to vector<512xf32>
    %broadcast_in_dim3A_235 = vector.shape_cast %reduce_max3A_234 : vector<512xf32> to vector<512x1xf32>
    %eq3A_236 = vector.broadcast %broadcast_in_dim3A_235 : vector<512x1xf32> to vector<512x128xf32>
    %eq3A_237 = arith.cmpf oeq, %select_n3A_230, %eq3A_236 : vector<512x128xf32>
    %select_n3A_238 = arith.select %eq3A_237, %select_n3A_231, %select_n3A_230 : vector<512x128xi1>, vector<512x128xf32>
    %select_n3A_239 = arith.select %eq3A_237, %select_n3A_232, %select_n3A_231 : vector<512x128xi1>, vector<512x128xf32>
    %reduce_max3A_240 = arith.constant dense<0xFF800000> : vector<512xf32>
    %reduce_max3A_241 = vector.multi_reduction <maximumf>, %select_n3A_238, %reduce_max3A_240 [1] : vector<512x128xf32> to vector<512xf32>
    %broadcast_in_dim3A_242 = vector.shape_cast %reduce_max3A_241 : vector<512xf32> to vector<512x1xf32>
    %eq3A_243 = vector.broadcast %broadcast_in_dim3A_242 : vector<512x1xf32> to vector<512x128xf32>
    %eq3A_244 = arith.cmpf oeq, %select_n3A_238, %eq3A_243 : vector<512x128xf32>
    %select_n3A_245 = arith.select %eq3A_244, %select_n3A_239, %select_n3A_238 : vector<512x128xi1>, vector<512x128xf32>
    %reduce_max3A_246 = arith.constant dense<0xFF800000> : vector<512xf32>
    %reduce_max3A_247 = vector.multi_reduction <maximumf>, %select_n3A_245, %reduce_max3A_246 [1] : vector<512x128xf32> to vector<512xf32>
    %broadcast_in_dim3A_248 = vector.shape_cast %reduce_max3A_247 : vector<512xf32> to vector<512x1xf32>
    %bitcast_convert_type3A_249 = tpu.bitcast %broadcast_in_dim3A : vector<512x1xf32> -> vector<512x1xi32>
    %and3A_250 = arith.constant 2047 : i32
    %and3A_251 = vector.broadcast %and3A_250 : i32 to vector<512x1xi32>
    %and3A_252 = arith.andi %bitcast_convert_type3A_249, %and3A_251 : vector<512x1xi32>
    %sub3A_253 = arith.constant 2047 : i32
    %sub3A_254 = vector.broadcast %sub3A_253 : i32 to vector<512x1xi32>
    %sub3A_255 = arith.subi %sub3A_254, %and3A_252 : vector<512x1xi32>
    %and3A_256 = arith.constant -2048 : i32
    %and3A_257 = vector.broadcast %and3A_256 : i32 to vector<512x1xi32>
    %and3A_258 = arith.andi %bitcast_convert_type3A_249, %and3A_257 : vector<512x1xi32>
    %or3A_259 = arith.constant 1024 : i32
    %or3A_260 = vector.broadcast %or3A_259 : i32 to vector<512x1xi32>
    %or3A_261 = arith.ori %and3A_258, %or3A_260 : vector<512x1xi32>
    %bitcast_convert_type3A_262 = tpu.bitcast %or3A_261 : vector<512x1xi32> -> vector<512x1xf32>
    %sub3A_263 = arith.subf %bitcast_convert_type3A_262, %bitcast_convert_type3A_262 : vector<512x1xf32>
    %exp3A = math.exp %sub3A_263 : vector<512x1xf32>
    %bitcast_convert_type3A_264 = tpu.bitcast %broadcast_in_dim3A_172 : vector<512x1xf32> -> vector<512x1xi32>
    %and3A_265 = arith.constant 2047 : i32
    %and3A_266 = vector.broadcast %and3A_265 : i32 to vector<512x1xi32>
    %and3A_267 = arith.andi %bitcast_convert_type3A_264, %and3A_266 : vector<512x1xi32>
    %sub3A_268 = arith.constant 2047 : i32
    %sub3A_269 = vector.broadcast %sub3A_268 : i32 to vector<512x1xi32>
    %sub3A_270 = arith.subi %sub3A_269, %and3A_267 : vector<512x1xi32>
    %and3A_271 = arith.constant -2048 : i32
    %and3A_272 = vector.broadcast %and3A_271 : i32 to vector<512x1xi32>
    %and3A_273 = arith.andi %bitcast_convert_type3A_264, %and3A_272 : vector<512x1xi32>
    %or3A_274 = arith.constant 1024 : i32
    %or3A_275 = vector.broadcast %or3A_274 : i32 to vector<512x1xi32>
    %or3A_276 = arith.ori %and3A_273, %or3A_275 : vector<512x1xi32>
    %bitcast_convert_type3A_277 = tpu.bitcast %or3A_276 : vector<512x1xi32> -> vector<512x1xf32>
    %sub3A_278 = arith.subf %bitcast_convert_type3A_277, %bitcast_convert_type3A_262 : vector<512x1xf32>
    %exp3A_279 = math.exp %sub3A_278 : vector<512x1xf32>
    %bitcast_convert_type3A_280 = tpu.bitcast %broadcast_in_dim3A_185 : vector<512x1xf32> -> vector<512x1xi32>
    %and3A_281 = arith.constant 2047 : i32
    %and3A_282 = vector.broadcast %and3A_281 : i32 to vector<512x1xi32>
    %and3A_283 = arith.andi %bitcast_convert_type3A_280, %and3A_282 : vector<512x1xi32>
    %sub3A_284 = arith.constant 2047 : i32
    %sub3A_285 = vector.broadcast %sub3A_284 : i32 to vector<512x1xi32>
    %sub3A_286 = arith.subi %sub3A_285, %and3A_283 : vector<512x1xi32>
    %and3A_287 = arith.constant -2048 : i32
    %and3A_288 = vector.broadcast %and3A_287 : i32 to vector<512x1xi32>
    %and3A_289 = arith.andi %bitcast_convert_type3A_280, %and3A_288 : vector<512x1xi32>
    %or3A_290 = arith.constant 1024 : i32
    %or3A_291 = vector.broadcast %or3A_290 : i32 to vector<512x1xi32>
    %or3A_292 = arith.ori %and3A_289, %or3A_291 : vector<512x1xi32>
    %bitcast_convert_type3A_293 = tpu.bitcast %or3A_292 : vector<512x1xi32> -> vector<512x1xf32>
    %sub3A_294 = arith.subf %bitcast_convert_type3A_293, %bitcast_convert_type3A_262 : vector<512x1xf32>
    %exp3A_295 = math.exp %sub3A_294 : vector<512x1xf32>
    %bitcast_convert_type3A_296 = tpu.bitcast %broadcast_in_dim3A_197 : vector<512x1xf32> -> vector<512x1xi32>
    %and3A_297 = arith.constant 2047 : i32
    %and3A_298 = vector.broadcast %and3A_297 : i32 to vector<512x1xi32>
    %and3A_299 = arith.andi %bitcast_convert_type3A_296, %and3A_298 : vector<512x1xi32>
    %sub3A_300 = arith.constant 2047 : i32
    %sub3A_301 = vector.broadcast %sub3A_300 : i32 to vector<512x1xi32>
    %sub3A_302 = arith.subi %sub3A_301, %and3A_299 : vector<512x1xi32>
    %and3A_303 = arith.constant -2048 : i32
    %and3A_304 = vector.broadcast %and3A_303 : i32 to vector<512x1xi32>
    %and3A_305 = arith.andi %bitcast_convert_type3A_296, %and3A_304 : vector<512x1xi32>
    %or3A_306 = arith.constant 1024 : i32
    %or3A_307 = vector.broadcast %or3A_306 : i32 to vector<512x1xi32>
    %or3A_308 = arith.ori %and3A_305, %or3A_307 : vector<512x1xi32>
    %bitcast_convert_type3A_309 = tpu.bitcast %or3A_308 : vector<512x1xi32> -> vector<512x1xf32>
    %sub3A_310 = arith.subf %bitcast_convert_type3A_309, %bitcast_convert_type3A_262 : vector<512x1xf32>
    %exp3A_311 = math.exp %sub3A_310 : vector<512x1xf32>
    %bitcast_convert_type3A_312 = tpu.bitcast %broadcast_in_dim3A_208 : vector<512x1xf32> -> vector<512x1xi32>
    %and3A_313 = arith.constant 2047 : i32
    %and3A_314 = vector.broadcast %and3A_313 : i32 to vector<512x1xi32>
    %and3A_315 = arith.andi %bitcast_convert_type3A_312, %and3A_314 : vector<512x1xi32>
    %sub3A_316 = arith.constant 2047 : i32
    %sub3A_317 = vector.broadcast %sub3A_316 : i32 to vector<512x1xi32>
    %sub3A_318 = arith.subi %sub3A_317, %and3A_315 : vector<512x1xi32>
    %and3A_319 = arith.constant -2048 : i32
    %and3A_320 = vector.broadcast %and3A_319 : i32 to vector<512x1xi32>
    %and3A_321 = arith.andi %bitcast_convert_type3A_312, %and3A_320 : vector<512x1xi32>
    %or3A_322 = arith.constant 1024 : i32
    %or3A_323 = vector.broadcast %or3A_322 : i32 to vector<512x1xi32>
    %or3A_324 = arith.ori %and3A_321, %or3A_323 : vector<512x1xi32>
    %bitcast_convert_type3A_325 = tpu.bitcast %or3A_324 : vector<512x1xi32> -> vector<512x1xf32>
    %sub3A_326 = arith.subf %bitcast_convert_type3A_325, %bitcast_convert_type3A_262 : vector<512x1xf32>
    %exp3A_327 = math.exp %sub3A_326 : vector<512x1xf32>
    %bitcast_convert_type3A_328 = tpu.bitcast %broadcast_in_dim3A_218 : vector<512x1xf32> -> vector<512x1xi32>
    %and3A_329 = arith.constant 2047 : i32
    %and3A_330 = vector.broadcast %and3A_329 : i32 to vector<512x1xi32>
    %and3A_331 = arith.andi %bitcast_convert_type3A_328, %and3A_330 : vector<512x1xi32>
    %sub3A_332 = arith.constant 2047 : i32
    %sub3A_333 = vector.broadcast %sub3A_332 : i32 to vector<512x1xi32>
    %sub3A_334 = arith.subi %sub3A_333, %and3A_331 : vector<512x1xi32>
    %and3A_335 = arith.constant -2048 : i32
    %and3A_336 = vector.broadcast %and3A_335 : i32 to vector<512x1xi32>
    %and3A_337 = arith.andi %bitcast_convert_type3A_328, %and3A_336 : vector<512x1xi32>
    %or3A_338 = arith.constant 1024 : i32
    %or3A_339 = vector.broadcast %or3A_338 : i32 to vector<512x1xi32>
    %or3A_340 = arith.ori %and3A_337, %or3A_339 : vector<512x1xi32>
    %bitcast_convert_type3A_341 = tpu.bitcast %or3A_340 : vector<512x1xi32> -> vector<512x1xf32>
    %sub3A_342 = arith.subf %bitcast_convert_type3A_341, %bitcast_convert_type3A_262 : vector<512x1xf32>
    %exp3A_343 = math.exp %sub3A_342 : vector<512x1xf32>
    %bitcast_convert_type3A_344 = tpu.bitcast %broadcast_in_dim3A_227 : vector<512x1xf32> -> vector<512x1xi32>
    %and3A_345 = arith.constant 2047 : i32
    %and3A_346 = vector.broadcast %and3A_345 : i32 to vector<512x1xi32>
    %and3A_347 = arith.andi %bitcast_convert_type3A_344, %and3A_346 : vector<512x1xi32>
    %sub3A_348 = arith.constant 2047 : i32
    %sub3A_349 = vector.broadcast %sub3A_348 : i32 to vector<512x1xi32>
    %sub3A_350 = arith.subi %sub3A_349, %and3A_347 : vector<512x1xi32>
    %and3A_351 = arith.constant -2048 : i32
    %and3A_352 = vector.broadcast %and3A_351 : i32 to vector<512x1xi32>
    %and3A_353 = arith.andi %bitcast_convert_type3A_344, %and3A_352 : vector<512x1xi32>
    %or3A_354 = arith.constant 1024 : i32
    %or3A_355 = vector.broadcast %or3A_354 : i32 to vector<512x1xi32>
    %or3A_356 = arith.ori %and3A_353, %or3A_355 : vector<512x1xi32>
    %bitcast_convert_type3A_357 = tpu.bitcast %or3A_356 : vector<512x1xi32> -> vector<512x1xf32>
    %sub3A_358 = arith.subf %bitcast_convert_type3A_357, %bitcast_convert_type3A_262 : vector<512x1xf32>
    %exp3A_359 = math.exp %sub3A_358 : vector<512x1xf32>
    %bitcast_convert_type3A_360 = tpu.bitcast %broadcast_in_dim3A_235 : vector<512x1xf32> -> vector<512x1xi32>
    %and3A_361 = arith.constant 2047 : i32
    %and3A_362 = vector.broadcast %and3A_361 : i32 to vector<512x1xi32>
    %and3A_363 = arith.andi %bitcast_convert_type3A_360, %and3A_362 : vector<512x1xi32>
    %sub3A_364 = arith.constant 2047 : i32
    %sub3A_365 = vector.broadcast %sub3A_364 : i32 to vector<512x1xi32>
    %sub3A_366 = arith.subi %sub3A_365, %and3A_363 : vector<512x1xi32>
    %and3A_367 = arith.constant -2048 : i32
    %and3A_368 = vector.broadcast %and3A_367 : i32 to vector<512x1xi32>
    %and3A_369 = arith.andi %bitcast_convert_type3A_360, %and3A_368 : vector<512x1xi32>
    %or3A_370 = arith.constant 1024 : i32
    %or3A_371 = vector.broadcast %or3A_370 : i32 to vector<512x1xi32>
    %or3A_372 = arith.ori %and3A_369, %or3A_371 : vector<512x1xi32>
    %bitcast_convert_type3A_373 = tpu.bitcast %or3A_372 : vector<512x1xi32> -> vector<512x1xf32>
    %sub3A_374 = arith.subf %bitcast_convert_type3A_373, %bitcast_convert_type3A_262 : vector<512x1xf32>
    %exp3A_375 = math.exp %sub3A_374 : vector<512x1xf32>
    %bitcast_convert_type3A_376 = tpu.bitcast %broadcast_in_dim3A_242 : vector<512x1xf32> -> vector<512x1xi32>
    %and3A_377 = arith.constant 2047 : i32
    %and3A_378 = vector.broadcast %and3A_377 : i32 to vector<512x1xi32>
    %and3A_379 = arith.andi %bitcast_convert_type3A_376, %and3A_378 : vector<512x1xi32>
    %sub3A_380 = arith.constant 2047 : i32
    %sub3A_381 = vector.broadcast %sub3A_380 : i32 to vector<512x1xi32>
    %sub3A_382 = arith.subi %sub3A_381, %and3A_379 : vector<512x1xi32>
    %and3A_383 = arith.constant -2048 : i32
    %and3A_384 = vector.broadcast %and3A_383 : i32 to vector<512x1xi32>
    %and3A_385 = arith.andi %bitcast_convert_type3A_376, %and3A_384 : vector<512x1xi32>
    %or3A_386 = arith.constant 1024 : i32
    %or3A_387 = vector.broadcast %or3A_386 : i32 to vector<512x1xi32>
    %or3A_388 = arith.ori %and3A_385, %or3A_387 : vector<512x1xi32>
    %bitcast_convert_type3A_389 = tpu.bitcast %or3A_388 : vector<512x1xi32> -> vector<512x1xf32>
    %sub3A_390 = arith.subf %bitcast_convert_type3A_389, %bitcast_convert_type3A_262 : vector<512x1xf32>
    %exp3A_391 = math.exp %sub3A_390 : vector<512x1xf32>
    %bitcast_convert_type3A_392 = tpu.bitcast %broadcast_in_dim3A_248 : vector<512x1xf32> -> vector<512x1xi32>
    %and3A_393 = arith.constant 2047 : i32
    %and3A_394 = vector.broadcast %and3A_393 : i32 to vector<512x1xi32>
    %and3A_395 = arith.andi %bitcast_convert_type3A_392, %and3A_394 : vector<512x1xi32>
    %sub3A_396 = arith.constant 2047 : i32
    %sub3A_397 = vector.broadcast %sub3A_396 : i32 to vector<512x1xi32>
    %sub3A_398 = arith.subi %sub3A_397, %and3A_395 : vector<512x1xi32>
    %and3A_399 = arith.constant -2048 : i32
    %and3A_400 = vector.broadcast %and3A_399 : i32 to vector<512x1xi32>
    %and3A_401 = arith.andi %bitcast_convert_type3A_392, %and3A_400 : vector<512x1xi32>
    %or3A_402 = arith.constant 1024 : i32
    %or3A_403 = vector.broadcast %or3A_402 : i32 to vector<512x1xi32>
    %or3A_404 = arith.ori %and3A_401, %or3A_403 : vector<512x1xi32>
    %bitcast_convert_type3A_405 = tpu.bitcast %or3A_404 : vector<512x1xi32> -> vector<512x1xf32>
    %sub3A_406 = arith.subf %bitcast_convert_type3A_405, %bitcast_convert_type3A_262 : vector<512x1xf32>
    %exp3A_407 = math.exp %sub3A_406 : vector<512x1xf32>
    %neg3A = arith.constant 0.000000e+00 : f32
    %neg3A_408 = vector.broadcast %neg3A : f32 to vector<512x1xf32>
    %neg3A_409 = arith.subf %neg3A_408, %bitcast_convert_type3A_262 : vector<512x1xf32>
    %exp3A_410 = math.exp %neg3A_409 : vector<512x1xf32>
    %mul3A_411 = arith.constant 2.038000e+03 : f32
    %mul3A_412 = vector.broadcast %mul3A_411 : f32 to vector<512x1xf32>
    %mul3A_413 = arith.mulf %mul3A_412, %exp3A_410 : vector<512x1xf32>
    %add3A_414 = arith.addf %mul3A_413, %exp3A : vector<512x1xf32>
    %add3A_415 = arith.addf %add3A_414, %exp3A_279 : vector<512x1xf32>
    %add3A_416 = arith.addf %add3A_415, %exp3A_295 : vector<512x1xf32>
    %add3A_417 = arith.addf %add3A_416, %exp3A_311 : vector<512x1xf32>
    %add3A_418 = arith.addf %add3A_417, %exp3A_327 : vector<512x1xf32>
    %add3A_419 = arith.addf %add3A_418, %exp3A_343 : vector<512x1xf32>
    %add3A_420 = arith.addf %add3A_419, %exp3A_359 : vector<512x1xf32>
    %add3A_421 = arith.addf %add3A_420, %exp3A_375 : vector<512x1xf32>
    %add3A_422 = arith.addf %add3A_421, %exp3A_391 : vector<512x1xf32>
    %add3A_423 = arith.addf %add3A_422, %exp3A_407 : vector<512x1xf32>
    %get3A_424 = arith.constant 0 : index
    %get3A_425 = arith.constant 0 : index
    %get3A_426 = vector.load %arg6[%get3A_424, %get3A_425] : memref<1x1xf32, #tpu.memory_space<vmem>>, vector<1x1xf32>
    %get3A_427 = vector.extract %get3A_426[0, 0] : f32 from vector<1x1xf32>
    %sub3A_428 = arith.constant 1.000000e+00 : f32
    %sub3A_429 = arith.subf %sub3A_428, %get3A_427 : f32
    %div3A = vector.broadcast %sub3A_429 : f32 to vector<512x1xf32>
    %div3A_430 = arith.divf %div3A, %add3A_423 : vector<512x1xf32>
    %mul3A_431 = arith.mulf %div3A_430, %exp3A_410 : vector<512x1xf32>
    %mul3A_432 = arith.mulf %div3A_430, %exp3A : vector<512x1xf32>
    %mul3A_433 = arith.mulf %div3A_430, %exp3A_279 : vector<512x1xf32>
    %mul3A_434 = arith.mulf %div3A_430, %exp3A_295 : vector<512x1xf32>
    %mul3A_435 = arith.mulf %div3A_430, %exp3A_311 : vector<512x1xf32>
    %mul3A_436 = arith.mulf %div3A_430, %exp3A_327 : vector<512x1xf32>
    %mul3A_437 = arith.mulf %div3A_430, %exp3A_343 : vector<512x1xf32>
    %mul3A_438 = arith.mulf %div3A_430, %exp3A_359 : vector<512x1xf32>
    %mul3A_439 = arith.mulf %div3A_430, %exp3A_375 : vector<512x1xf32>
    %mul3A_440 = arith.mulf %div3A_430, %exp3A_391 : vector<512x1xf32>
    %mul3A_441 = arith.mulf %div3A_430, %exp3A_407 : vector<512x1xf32>
    %concatenate3A = tpu.concatenate %sub3A_255, %sub3A_270, %sub3A_286, %sub3A_302, %sub3A_318, %sub3A_334, %sub3A_350, %sub3A_366, %sub3A_382, %sub3A_398, %sub3A_255, %sub3A_270, %sub3A_286, %sub3A_302, %sub3A_318, %sub3A_334 in 1 : vector<512x1xi32>, vector<512x1xi32>, vector<512x1xi32>, vector<512x1xi32>, vector<512x1xi32>, vector<512x1xi32>, vector<512x1xi32>, vector<512x1xi32>, vector<512x1xi32>, vector<512x1xi32>, vector<512x1xi32>, vector<512x1xi32>, vector<512x1xi32>, vector<512x1xi32>, vector<512x1xi32>, vector<512x1xi32> -> vector<512x16xi32>
    %swap3A = arith.constant 0 : index
    %swap3A_442 = arith.constant 0 : index
    %swap3A_443 = arith.constant 0 : index
    %swap3A_444 = vector.load %arg7[%swap3A, %swap3A_442, %swap3A_443] : memref<1x512x16xi32, #tpu.memory_space<vmem>>, vector<1x512x16xi32>
    %swap3A_445 = vector.shape_cast %swap3A_444 : vector<1x512x16xi32> to vector<512x16xi32>
    %swap3A_446 = vector.shape_cast %concatenate3A : vector<512x16xi32> to vector<1x512x16xi32>
    tpu.vector_store %arg7[%swap3A, %swap3A_442, %swap3A_443], %swap3A_446 {strides = array<i32>} : memref<1x512x16xi32, #tpu.memory_space<vmem>>, vector<1x512x16xi32>,
    %concatenate3A_447 = tpu.concatenate %mul3A_432, %mul3A_433, %mul3A_434, %mul3A_435, %mul3A_436, %mul3A_437, %mul3A_438, %mul3A_439, %mul3A_440, %mul3A_441, %mul3A_432, %mul3A_433, %mul3A_434, %mul3A_435, %mul3A_436, %mul3A_437 in 1 : vector<512x1xf32>, vector<512x1xf32>, vector<512x1xf32>, vector<512x1xf32>, vector<512x1xf32>, vector<512x1xf32>, vector<512x1xf32>, vector<512x1xf32>, vector<512x1xf32>, vector<512x1xf32>, vector<512x1xf32>, vector<512x1xf32>, vector<512x1xf32>, vector<512x1xf32>, vector<512x1xf32>, vector<512x1xf32> -> vector<512x16xf32>
    %swap3A_448 = arith.constant 0 : index
    %swap3A_449 = arith.constant 0 : index
    %swap3A_450 = arith.constant 0 : index
    %swap3A_451 = vector.load %arg8[%swap3A_448, %swap3A_449, %swap3A_450] : memref<1x512x16xf32, #tpu.memory_space<vmem>>, vector<1x512x16xf32>
    %swap3A_452 = vector.shape_cast %swap3A_451 : vector<1x512x16xf32> to vector<512x16xf32>
    %swap3A_453 = vector.shape_cast %concatenate3A_447 : vector<512x16xf32> to vector<1x512x16xf32>
    tpu.vector_store %arg8[%swap3A_448, %swap3A_449, %swap3A_450], %swap3A_453 {strides = array<i32>} : memref<1x512x16xf32, #tpu.memory_space<vmem>>, vector<1x512x16xf32>,
    %concatenate3A_454 = tpu.concatenate %mul3A_431, %mul3A_431, %mul3A_431, %mul3A_431, %mul3A_431, %mul3A_431, %mul3A_431, %mul3A_431, %mul3A_431, %mul3A_431, %mul3A_431, %mul3A_431, %mul3A_431, %mul3A_431, %mul3A_431, %mul3A_431 in 1 : vector<512x1xf32>, vector<512x1xf32>, vector<512x1xf32>, vector<512x1xf32>, vector<512x1xf32>, vector<512x1xf32>, vector<512x1xf32>, vector<512x1xf32>, vector<512x1xf32>, vector<512x1xf32>, vector<512x1xf32>, vector<512x1xf32>, vector<512x1xf32>, vector<512x1xf32>, vector<512x1xf32>, vector<512x1xf32> -> vector<512x16xf32>
    %swap3A_455 = arith.constant 0 : index
    %swap3A_456 = arith.constant 0 : index
    %swap3A_457 = arith.constant 0 : index
    %swap3A_458 = vector.load %arg9[%swap3A_455, %swap3A_456, %swap3A_457] : memref<1x512x16xf32, #tpu.memory_space<vmem>>, vector<1x512x16xf32>
    %swap3A_459 = vector.shape_cast %swap3A_458 : vector<1x512x16xf32> to vector<512x16xf32>
    %swap3A_460 = vector.shape_cast %concatenate3A_454 : vector<512x16xf32> to vector<1x512x16xf32>
    tpu.vector_store %arg9[%swap3A_455, %swap3A_456, %swap3A_457], %swap3A_460 {strides = array<i32>} : memref<1x512x16xf32, #tpu.memory_space<vmem>>, vector<1x512x16xf32>,
    return
  }
  func.func @transform_0(%arg0: i32, %arg1: i32) -> (i32, i32, i32) {
    %c0_i32 = arith.constant 0 : i32
    %c0_i32_0 = arith.constant 0 : i32
    return %arg1, %c0_i32, %arg0 : i32, i32, i32
  }
  func.func @transform_1(%arg0: i32, %arg1: i32) -> (i32, i32, i32) {
    %c0_i32 = arith.constant 0 : i32
    %c0_i32_0 = arith.constant 0 : i32
    %c0_i32_1 = arith.constant 0 : i32
    return %arg1, %c0_i32, %c0_i32_0 : i32, i32, i32
  }
  func.func @transform_2(%arg0: i32, %arg1: i32) -> (i32, i32) {
    %c0_i32 = arith.constant 0 : i32
    %c0_i32_0 = arith.constant 0 : i32
    %c0_i32_1 = arith.constant 0 : i32
    return %c0_i32, %c0_i32_0 : i32, i32
  }
  func.func @transform_3(%arg0: i32, %arg1: i32) -> (i32, i32) {
    %c0_i32 = arith.constant 0 : i32
    %c0_i32_0 = arith.constant 0 : i32
    %c0_i32_1 = arith.constant 0 : i32
    return %c0_i32, %c0_i32_0 : i32, i32
  }
  func.func @transform_4(%arg0: i32, %arg1: i32) -> (i32, i32) {
    %c0_i32 = arith.constant 0 : i32
    %c0_i32_0 = arith.constant 0 : i32
    %c0_i32_1 = arith.constant 0 : i32
    return %c0_i32, %c0_i32_0 : i32, i32
  }
  func.func @transform_5(%arg0: i32, %arg1: i32) -> (i32, i32, i32) {
    %c0_i32 = arith.constant 0 : i32
    %c0_i32_0 = arith.constant 0 : i32
    return %arg1, %arg0, %c0_i32 : i32, i32, i32
  }
  func.func @transform_6(%arg0: i32, %arg1: i32) -> (i32, i32, i32) {
    %c0_i32 = arith.constant 0 : i32
    %c0_i32_0 = arith.constant 0 : i32
    return %arg1, %arg0, %c0_i32 : i32, i32, i32
  }
  func.func @transform_7(%arg0: i32, %arg1: i32) -> (i32, i32, i32) {
    %c0_i32 = arith.constant 0 : i32
    %c0_i32_0 = arith.constant 0 : i32
    return %arg1, %arg0, %c0_i32 : i32, i32, i32
  }
}

</mosaic_0001>

<sc_bundles>
// kernel: kernel.4.cloned.1.call-start
scs
__scs_entry_jumppad:
0x0: {  	(pc) =	sbr.rel $0x88, $3  }
0x1: {  	(tag) =	ssettag $0x0;
	lr =	simm.s32 $0x1  }
0x2: {  	[smem:$0x3F9C] =	sst lr;
	_ =	strace $0xD0000000  }
0x3: {  	_ = 	snop  }
0x4: {  	_ = 	snop  }
0x5: {  	_ = 	snop  }
0x6: {  	_ = 	snop  }
0x7: {  	_ = 	snop  }
__scs_overlays_trampoline_lowered:
0x8: {  	[smem:$0x3FAB] =	sst s0  }
0x9: {  	[smem:$0x3FAC] =	sst s1  }
0xa: {  	[smem:$0x3FAD] =	sst s2  }
0xb: {  	[smem:$0x3FAE] =	sst s3  }
0xc: {  	[smem:$0x3FAF] =	sst s4  }
0xd: {  	[smem:$0x3FB0] =	sst s5  }
0xe: {  	[smem:$0x3FB1] =	sst s6  }
0xf: {  	[smem:$0x3FB2] =	sst s7  }
0x10: {  	[smem:$0x3FB3] =	sst s8  }
0x11: {  	[smem:$0x3FB4] =	sst s9;
	s0 =	simm.s32 @!p0 $0x0  }
0x12: {  	s1 =	sld [smem:$0x3F9A];
	s0 =	simm.s32 @p0 $0x1  }
0x13: {  	[smem:$0x3FB5] =	sst s0;
	s0 =	simm.s32 @!p1 $0x0  }
0x14: {  	s2 =	sld [smem:$0x3F99];
	s0 =	simm.s32 @p1 $0x1  }
0x15: {  	[smem:$0x3FB6] =	sst s0;
	s0 =	simm.s32 @!p2 $0x0  }
0x16: {  	s3 =	sld [smem:$0x3FDB];
	s0 =	simm.s32 @p2 $0x1  }
0x17: {  	s4 =	simm.s32 $0x1BF5;
	[smem:$0x3FB8] =	sst s0  }
0x18: {  	s0 =	sld [smem:$0x3F9B];
	_ =	swait.ge [sflag:s4], $0x0  }
0x19: {  	s7 =	sld [smem:$0x3F9C]  }
0x1a: {  	s8 =	sadd.s32 $0xFFFFE003, lr  }
0x1b: {  	s9 =	sadd.s32 $0xFFFFFEF7, lr;
	s5 =	simm.s32 $0xFFFFFFFF;
	p2 =	slt.u32 s8, $0xFFFFF086  }
0x1c: {  	p1 =	slt.u32 s9, $0xF7A;
	s5 =	simm.s32 @!p2 $0x0  }
0x1d: {  	s5 =	simm.s32 @p1 $0x1;
	p0 =	seq.s32 s7, s2  }
0x1e: {  	s7 =	smul.u32 @!p0 $0xF7A, s2;
	p2 =	seq.s32 @!p0 s5, $0x0  }
0x1f: {  	s9 =	smul.u32 $0xF7A, s1;
	s8 =	simm.s32 @!p0 $0x1BF5;
	p2 =	por !p2, p0  }
0x20: {  	[sflag:s8] =	ssyncset.s32 @!p0 $0xFFFFF086;
	s6 =	sadd.s32 @!p0 s3, s7;
	s7 =	simm.s32 @!p0 $0x108  }
0x21: {  	s3 =	sadd.s32 s3, s9;
	s6 =	sadd.s32 @!p0 $0x88, s6;
	s7 =	simm.s32 @p2 $0x1082  }
0x22: {  	[simem:s7], [sflag:s8] =	dma.local @!p0 [hbm:s6], $0xF7A  }
0x23: {  	s9 =	sor.u32 $0xD0000000, s2;
	s6 =	simm.s32 $0x108;
	_ =	swait.ge @!p0 [sflag:s8], $0x0  }
0x24: {  	s3 =	sadd.s32 $0x88, s3;
	s6 =	simm.s32 @!p1 $0x1082;
	[sflag:s4] =	ssyncset.s32 $0xFFFFF086  }
0x25: {  	[simem:s6], [sflag:s4] =	dma.local [hbm:s3], $0xF7A  }
0x26: {  	[smem:$0x3F9C] =	sst s1;
	(tag) =	ssettag s2;
	_ =	strace s9  }
0x27: {  	s1 =	sld [smem:$0x3FAC]  }
0x28: {  	s2 =	sld [smem:$0x3FAD]  }
0x29: {  	s4 =	sld [smem:$0x3FAF]  }
0x2a: {  	p0 =	seq.s32 s5, $0x0;
	s5 =	sld [smem:$0x3FB0]  }
0x2b: {  	s6 =	sld [smem:$0x3FB1]  }
0x2c: {  	s7 =	sld [smem:$0x3FB2]  }
0x2d: {  	s3 =	simm.s32 $0x108;
	s8 =	sld [smem:$0x3FB3]  }
0x2e: {  	s3 =	simm.s32 @!p0 $0x1082;
	s9 =	sld [smem:$0x3FB4]  }
0x2f: {  	lr =	sadd.s32 s0, s3;
	s0 =	sld [smem:$0x3FAB]  }
0x30: {  	s3 =	sld [smem:$0x3FAE]  }
0x31: {  	[smem:$0x3FB7] =	sst s10  }
0x32: {  	s10 =	sld [smem:$0x3FB5];
	_ =	sdelay $0x3  }
0x33: {  	p0 =	seq.s32 s10, $0x1;
	s10 =	sld [smem:$0x3FB7];
	_ =	sdelay $0x3  }
0x34: {  	[smem:$0x3FB7] =	sst s10  }
0x35: {  	s10 =	sld [smem:$0x3FB6];
	_ =	sdelay $0x3  }
0x36: {  	p1 =	seq.s32 s10, $0x1;
	s10 =	sld [smem:$0x3FB7];
	_ =	sdelay $0x3  }
0x37: {  	[smem:$0x3FB7] =	sst s10  }
0x38: {  	s10 =	sld [smem:$0x3FB8]  }
0x39: {  	_ = 	snop;
	(pc) =	sbr.ind lr, $3  }
0x3a: {  	_ = 	snop  }
0x3b: {  	_ = 	snop  }
0x3c: {  	p2 =	seq.s32 s10, $0x1;
	s10 =	sld [smem:$0x3FB7]  }
0x3d: {  	_ =	shalt  }
0x3e: {  	_ =	shalt  }
0x3f: {  	_ =	shalt  }
0x40: {  	_ =	shalt  }
0x41: {  	_ =	shalt  }
0x42: {  	_ =	shalt  }
0x43: {  	_ =	shalt  }
0x44: {  	_ =	shalt  }
0x45: {  	_ =	shalt  }
0x46: {  	_ =	shalt  }
0x47: {  	_ =	shalt  }
0x48: {  	_ =	shalt  }
0x49: {  	_ =	shalt  }
0x4a: {  	_ =	shalt  }
0x4b: {  	_ =	shalt  }
0x4c: {  	_ =	shalt  }
0x4d: {  	_ =	shalt  }
0x4e: {  	_ =	shalt  }
0x4f: {  	_ =	shalt  }
0x50: {  	_ =	shalt  }
0x51: {  	_ =	shalt  }
0x52: {  	_ =	shalt  }
0x53: {  	_ =	shalt  }
0x54: {  	_ =	shalt  }
0x55: {  	_ =	shalt  }
0x56: {  	_ =	shalt  }
0x57: {  	_ =	shalt  }
0x58: {  	_ =	shalt  }
0x59: {  	_ =	shalt  }
0x5a: {  	_ =	shalt  }
0x5b: {  	_ =	shalt  }
0x5c: {  	_ =	shalt  }
0x5d: {  	_ =	shalt  }
0x5e: {  	_ =	shalt  }
0x5f: {  	_ =	shalt  }
0x60: {  	_ =	shalt  }
0x61: {  	_ =	shalt  }
0x62: {  	_ =	shalt  }
0x63: {  	_ =	shalt  }
0x64: {  	_ =	shalt  }
0x65: {  	_ =	shalt  }
0x66: {  	_ =	shalt  }
0x67: {  	_ =	shalt  }
0x68: {  	_ =	shalt  }
0x69: {  	_ =	shalt  }
0x6a: {  	_ =	shalt  }
0x6b: {  	_ =	shalt  }
0x6c: {  	_ =	shalt  }
0x6d: {  	_ =	shalt  }
0x6e: {  	_ =	shalt  }
0x6f: {  	_ =	shalt  }
0x70: {  	_ =	shalt  }
0x71: {  	_ =	shalt  }
0x72: {  	_ =	shalt  }
0x73: {  	_ =	shalt  }
0x74: {  	_ =	shalt  }
0x75: {  	_ =	shalt  }
0x76: {  	_ =	shalt  }
0x77: {  	_ =	shalt  }
0x78: {  	_ =	shalt  }
0x79: {  	_ =	shalt  }
0x7a: {  	_ =	shalt  }
0x7b: {  	_ =	shalt  }
0x7c: {  	_ =	shalt  }
0x7d: {  	_ =	shalt  }
0x7e: {  	_ =	shalt  }
0x7f: {  	_ =	shalt  }
0x80: {  	_ =	shalt  }
0x81: {  	_ =	shalt  }
0x82: {  	_ =	shalt  }
0x83: {  	_ =	shalt  }
0x84: {  	_ =	shalt  }
0x85: {  	_ =	shalt  }
0x86: {  	_ =	shalt  }
0x87: {  	_ =	shalt  }
.Lfunc_end0:
.L_simem_size_0:
called_computation_lowered:
.L_overlay_start_0:
0x88: {  	s2 =	sld [smem:$0x3FD9]  }
0x89: {  	s3 =	sld [smem:$0x3FFE];
	_ =	sdelay $0x1  }
0x8a: {  	s1 =	srdreg.scid  }
0x8b: {  	s0 =	sand.u32 $0x1, s1  }
0x8c: {  	s17 =	sshll.u32 s0, $0xA;
	s2 =	sadd.s32 s3, s2  }
0x8d: {  	s2 =	sadd.s32 s2, s17  }
0x8e: {  	[smem:$0x3FC3] =	sst s2  }
0x8f: {  	_ = 	snop  }
0x90: {  	s2 =	sld [smem:$0x3FC8]  }
0x91: {  	s18 =	sld [smem:$0x3FD0];
	(tm) =	ssettm $0x1  }
0x92: {  	s4 =	sld [smem:$0x3FFB];
	_ =	sdelay $0x3  }
0x93: {  	_ =	strace s4  }
0x94: {  	s4 =	sld [smem:$0x3FFC];
	_ =	sdelay $0x3  }
0x95: {  	_ =	strace s4  }
0x96: {  	s4 =	sld [smem:$0x3FFD];
	_ =	sdelay $0x3  }
0x97: {  	_ =	strace s4  }
0x98: {  	_ =	strace $0x8FFFFFFF  }
0x99: {  	s19 =	sld [smem:$0x3FDB];
	_ =	sdelay $0x1  }
0x9a: {  	s5 =	simm.s32 $_scs_section_size  }
0x9b: {  	s6 =	simm.s32 $_size__tile_overlayer_lowered;
	s7 =	simm.s32 $_tile_overlayer_lowered  }
0x9c: {  	s22 =	simm.s32 $0x1BFF;
	s21 =	sshll.u32 s7, $0x1;
	s4 =	sadd.s32 s5, s19  }
0x9d: {  	s8 =	simm.s32 $0x0;
	s20 =	sshll.u32 s6, $0x1;
	s6 =	sadd.s32 s21, s4  }
0x9e: {  	[timem:s8], [sflag:s22] =	dma.local [hbm:s6], s20  }
0x9f: {  	_ =	swait.ge [sflag:s22], s20  }
0xa0: {  	s5 =	ssub.s32 $0x0, s20;
	[sflag:s22] =	ssyncset.done $0x0  }
0xa1: {  	[sflag:s22] =	ssyncadd.s32 s5;
	_ =	sdelay $0x1  }
0xa2: {  	s23 =	simm.s32 $0x1B8B  }
0xa3: {  	_ =	swait.ge [sflag:s23], $0x1  }
0xa4: {  	[sflag:s23] =	ssyncset.done $0x0  }
0xa5: {  	s25 =	simm.s32 $0x1B8E;
	s24 =	sld [smem:$0x3FFE];
	[sflag:s23] =	ssyncadd.s32 $0xFFFFFFFF  }
0xa6: {  	s26 =	simm.s32 $execute0_lowered;
	[smem:$0x3FD2] =	sst s25  }
0xa7: {  	s6 =	sshll.u32 s26, $0x1;
	_ =	strace $0x80000046;
	[dreg:$0x1] =	wrdreg $0xFFFFFFFF  }
0xa8: {  	s28 =	simm.s32 $_size_execute0_lowered;
	s4 =	sadd.s32 s4, s6;
	[dreg:$0x0] =	wrdreg $0x0  }
0xa9: {  	s6 =	sshll.u32 s28, $0x1;
	[dreg:$0x2] =	wrdreg s4  }
0xaa: {  	[dreg:$0x3] =	wrdreg s6  }
0xab: {  	[dreg:$0x4] =	wrdreg $0xC0  }
0xac: {  	_ =	task [dreg:s8], $0x5FFFF  }
0xad: {  	[dreg:$0x1] =	wrdreg $0xFFFFFFFF  }
0xae: {  	[dreg:$0x0] =	wrdreg $0x60  }
0xaf: {  	[dreg:$0x2] =	wrdreg s2  }
0xb0: {  	[dreg:$0x3] =	wrdreg s24  }
0xb1: {  	[dreg:$0x4] =	wrdreg s18  }
0xb2: {  	[dreg:$0x5] =	wrdreg $0x9  }
0xb3: {  	_ =	task.clear_ibuf [dreg:s8], $0x6FFFF;
	_ =	strace $0x90000046  }
0xb4: {  	s29 =	simm.s32 $0x9;
	_ =	strace $0x80000048  }
0xb5: {  	_ =	swait.ge [sflag:s29], $0x1  }
0xb6: {  	[sflag:s29] =	ssyncadd.s32 $0xFFFFFFFF  }
0xb7: {  	_ =	strace $0x90000048  }
0xb8: {  	_ =	sfence  }
0xb9: {  	s30 =	sld [smem:$0x0];
	_ =	sdelay $0x2  }
0xba: {  	s31 =	sshll.u32 s1, $0xD;
	s1 =	sshrl.u32 s1, $0x2  }
0xbb: {  	s3 =	sand.u32 $0x4000, s31;
	s1 =	sadd.s32 s1, s30  }
0xbc: {  	s0 =	sor.u32 s3, s0;
	s1 =	sshll.u32 s1, $0x11  }
0xbd: {  	s0 =	sor.u32 s1, s0  }
0xbe: {  	s0 =	sadd.s32 $0x8F2B, s0  }
0xbf: {  	[sflag:s0] =	ssyncadd.remote.s32 $0x1  }
0xc0: {  	_ =	sfence.sel $0xFFFF  }
0xc1: {  	[dreg:$0x0] =	wrdreg $0xFFFFFFFF;
	(pc) =	sbr.abs _section_cstart, $3  }
0xc2: {  	[dreg:$0x1] =	wrdreg $0xFFFFFFFF  }
0xc3: {  	_ =	task.clear_ibuf [dreg:s8], $0x2FFFF;
	_ =	strace $0x9FFFFFFF  }
0xc4: {  	(tm) =	ssettm $0x7FFFFFFF  }
0xc5: {  	_ =	shalt  }
tec
execute0_lowered:
.L_overlay_start_1:
0x0: {  	(tag) =	ssettag $0x1  }
0x1: {  	s1 =	rddreg [dreg:$0x0]  }
0x2: {  	s6 =	rddreg [dreg:$0x1]  }
0x3: {  	s3 =	rddreg [dreg:$0x2];
	s4 =	srdreg.scid  }
0x4: {  	s0 =	rddreg [dreg:$0x3];
	s2 =	stileid.u32  }
0x5: {  	s11 =	simm.s32 $0xC800;
	s12 =	simm.s32 $0x1;
	s13 =	simm.s32 $0x800  }
0x6: {  	s14 =	simm.s32 $0x4800;
	s15 =	simm.s32 $0x8800;
	s16 =	simm.s32 $0x80  }
0x7: {  	s17 =	simm.s32 $0x400;
	s18 =	simm.s32 $0xC880;
	s19 =	simm.s32 $0x400000  }
0x8: {  	s20 =	simm.s32 $0x0;
	s7 =	sand.u32 $0x1, s4;
	s4 =	simm.s32 $0x0  }
0x9: {  	s5 =	sshll.u32 s2, $0x7;
	s8 =	sshll.u32 s7, $0x6;
	s7 =	ssub.s32 $0x2, s7  }
0xa: {  	[smem:$0x7FF] =	sst s4;
	s5 =	sor.u32 s8, s5;
	s31 =	sshrl.u32 s7, $0x1  }
0xb: {  	_ =	strace $0x80000047;
	s8 =	sshll.u32 s5, $0x5;
	s10 =	ssub.s32 s7, s31  }
0xc: {  	s9 =	sadd.s32 s8, s6;
	s6 =	sadd.s32 $0x11800, s6;
	s10 =	smax.u32 s10, $0x1  }
0xd: {  	s7 =	sadd.s32 $0x81800, s9;
	s8 =	sadd.s32 $0x91800, s9;
	s9 =	sadd.s32 $0x1800, s9  }
.LBB2_1:
0xe: {  	[tilespmem:s11], [sflag:$0x1] =	stream.linear.gather [hbm4b:s6+s4], $0x80, $0x38;
	[tilespmem:$0x14880] =	vst v63  }
0xf: {  	_ =	swait.ge [sflag:s12], $0x80  }
0x10: {  	[sflag:s12] =	ssyncset.done $0x0  }
0x11: {  	[sflag:s12] =	ssyncadd.s32 $0xFFFFFF80  }
0x12: {  	[tilespmem:s13], [sflag:$0x1] =	stream.linear.gather [hbm4b:s7+s4], $0x4000, $0x38;
	[tilespmem:$0x14880] =	vst v63  }
0x13: {  	_ =	swait.ge [sflag:s12], $0x4000  }
0x14: {  	[sflag:s12] =	ssyncset.done $0x0  }
0x15: {  	[sflag:s12] =	ssyncadd.s32 $0xFFFFC000  }
0x16: {  	[tilespmem:s14], [sflag:$0x1] =	stream.linear.gather [hbm4b:s8+s4], $0x4000, $0x38;
	[tilespmem:$0x14880] =	vst v63  }
0x17: {  	_ =	swait.ge [sflag:s12], $0x4000  }
0x18: {  	[sflag:s12] =	ssyncset.done $0x0  }
0x19: {  	[sflag:s12] =	ssyncadd.s32 $0xFFFFC000  }
0x1a: {  	[tilespmem:s15], [sflag:$0x1] =	stream.linear.gather [hbm4b:s9+s4], $0x4000, $0x38;
	[tilespmem:$0x14880] =	vst v63  }
0x1b: {  	_ =	swait.ge [sflag:s12], $0x4000  }
0x1c: {  	[sflag:s12] =	ssyncset.done $0x0  }
0x1d: {  	[sflag:s12] =	ssyncadd.s32 $0xFFFFC000  }
0x1e: {  	s21 =	simm.s32 $0x0;
	v0 =	vld [tilespmem:$0xC800]  }
.LBB2_2:
0x1f: {  	s22 =	sadd.s32 s5, s21  }
0x20: {  	s23 =	sshll.u32 s21, $0x4;
	s22 =	sshll.u32 s22, $0x8  }
0x21: {  	s23 =	sand.u32 $0x70, s23;
	s22 =	sand.u32 $0x7F800, s22  }
0x22: {  	s22 =	sor.u32 s23, s22  }
0x23: {  	s25 =	simm.s32 $0x0;
	s23 =	sadd.s32 s1, s22  }
0x24: {  	[tilespmem:s25], [sflag:$0x1] =	stream.strided.gather [hbm4b:s23+s16], $0x800, s17, s16, $0x38;
	[tilespmem:$0x14880] =	vst v63  }
0x25: {  	s31 =	sshll.u32 s21, $0x8;
	s24 =	sshll.u32 s21, $0x7;
	_ =	swait.ge [sflag:s12], $0x800  }
0x26: {  	s24 =	sand.u32 $0x380, s24;
	s23 =	sand.u32 $0x3800, s31;
	[sflag:s12] =	ssyncset.done $0x0  }
0x27: {  	s23 =	sor.u32 s24, s23;
	[sflag:s12] =	ssyncadd.s32 $0xFFFFF800  }
0x28: {  	s24 =	simm.s32 $0x40;
	v1 =	vld [tilespmem:s23+$0x8800]  }
0x29: {  	s26 =	simm.s32 $0x1000;
	v2 =	vld [tilespmem:s24+$0xFFFFFFC0]  }
.LBB2_3:
0x2a: {  	p0 =	sne.s32 s26, $0xF000;
	_ =	sdelay $0x3  }
0x2b: {  	v2 =	vmul.f32 v2, v0;
	_ =	sdelay $0x1  }
0x2c: {  	v2 =	vadd.f32 v2, v1  }
0x2d: {  	s28 =	sshra.s32 s25, $0x2;
	s25 =	smov.u32 s26  }
0x2e: {  	[tilespmem:s28+$0xC880] =	vst v2  }
0x2f: {  	v2 =	vld [tilespmem:s24+$0xFFFFFFD0];
	_ =	sdelay $0x4  }
0x30: {  	v2 =	vmul.f32 v2, v0;
	_ =	sdelay $0x1  }
0x31: {  	v2 =	vadd.f32 v2, v1;
	_ =	sdelay $0x1  }
0x32: {  	[tilespmem:s28+$0xC890] =	vst v2  }
0x33: {  	v2 =	vld [tilespmem:s24+$0xFFFFFFE0];
	_ =	sdelay $0x4  }
0x34: {  	v2 =	vmul.f32 v2, v0;
	_ =	sdelay $0x1  }
0x35: {  	v2 =	vadd.f32 v2, v1;
	_ =	sdelay $0x1  }
0x36: {  	[tilespmem:s28+$0xC8A0] =	vst v2  }
0x37: {  	v2 =	vld [tilespmem:s24+$0xFFFFFFF0];
	_ =	sdelay $0x4  }
0x38: {  	v2 =	vmul.f32 v2, v0;
	_ =	sdelay $0x1  }
0x39: {  	v2 =	vadd.f32 v2, v1;
	_ =	sdelay $0x1  }
0x3a: {  	[tilespmem:s28+$0xC8B0] =	vst v2  }
0x3b: {  	v2 =	vld [tilespmem:s24+$0x0];
	_ =	sdelay $0x4  }
0x3c: {  	v2 =	vmul.f32 v2, v0;
	_ =	sdelay $0x1  }
0x3d: {  	v2 =	vadd.f32 v2, v1;
	_ =	sdelay $0x1  }
0x3e: {  	[tilespmem:s28+$0xC8C0] =	vst v2  }
0x3f: {  	v2 =	vld [tilespmem:s24+$0x10];
	_ =	sdelay $0x4  }
0x40: {  	v2 =	vmul.f32 v2, v0;
	_ =	sdelay $0x1  }
0x41: {  	v2 =	vadd.f32 v2, v1;
	_ =	sdelay $0x1  }
0x42: {  	[tilespmem:s28+$0xC8D0] =	vst v2  }
0x43: {  	v2 =	vld [tilespmem:s24+$0x20];
	_ =	sdelay $0x4  }
0x44: {  	v2 =	vmul.f32 v2, v0;
	_ =	sdelay $0x1  }
0x45: {  	v2 =	vadd.f32 v2, v1;
	_ =	sdelay $0x1  }
0x46: {  	[tilespmem:s28+$0xC8E0] =	vst v2  }
0x47: {  	v2 =	vld [tilespmem:s24+$0x30];
	_ =	sdelay $0x4  }
0x48: {  	v2 =	vmul.f32 v2, v0  }
.Ltmp0:
0x49: {  	(pc) =	sbr.rel @p0 .LBB2_3-.Ltmp0, $3  }
0x4a: {  	v2 =	vadd.f32 v2, v1;
	_ =	sdelay $0x1  }
0x4b: {  	s24 =	sadd.s32 $0x80, s24;
	[tilespmem:s28+$0xC8F0] =	vst v2  }
0x4c: {  	s26 =	sadd.s32 $0x1000, s26;
	v2 =	vld [tilespmem:s24+$0xFFFFFFC0]  }
0x4d: {  	_ =	sdelay $0x3  }
0x4e: {  	v2 =	vmul.f32 v2, v0;
	_ =	sdelay $0x1  }
0x4f: {  	v2 =	vadd.f32 v2, v1  }
0x50: {  	s25 =	sshra.s32 s25, $0x2  }
0x51: {  	[tilespmem:s25+$0xC880] =	vst v2  }
0x52: {  	v2 =	vld [tilespmem:s24+$0xFFFFFFD0];
	_ =	sdelay $0x4  }
0x53: {  	v2 =	vmul.f32 v2, v0;
	_ =	sdelay $0x1  }
0x54: {  	v2 =	vadd.f32 v2, v1;
	_ =	sdelay $0x1  }
0x55: {  	[tilespmem:s25+$0xC890] =	vst v2  }
0x56: {  	v2 =	vld [tilespmem:s24+$0xFFFFFFE0];
	_ =	sdelay $0x4  }
0x57: {  	v2 =	vmul.f32 v2, v0;
	_ =	sdelay $0x1  }
0x58: {  	v2 =	vadd.f32 v2, v1;
	_ =	sdelay $0x1  }
0x59: {  	[tilespmem:s25+$0xC8A0] =	vst v2  }
0x5a: {  	v2 =	vld [tilespmem:s24+$0xFFFFFFF0];
	_ =	sdelay $0x4  }
0x5b: {  	v2 =	vmul.f32 v2, v0;
	_ =	sdelay $0x1  }
0x5c: {  	v2 =	vadd.f32 v2, v1;
	_ =	sdelay $0x1  }
0x5d: {  	[tilespmem:s25+$0xC8B0] =	vst v2  }
0x5e: {  	v2 =	vld [tilespmem:s24+$0x0];
	_ =	sdelay $0x4  }
0x5f: {  	v2 =	vmul.f32 v2, v0;
	_ =	sdelay $0x1  }
0x60: {  	v2 =	vadd.f32 v2, v1;
	_ =	sdelay $0x1  }
0x61: {  	[tilespmem:s25+$0xC8C0] =	vst v2  }
0x62: {  	v2 =	vld [tilespmem:s24+$0x10];
	_ =	sdelay $0x4  }
0x63: {  	v2 =	vmul.f32 v2, v0;
	_ =	sdelay $0x1  }
0x64: {  	v2 =	vadd.f32 v2, v1;
	_ =	sdelay $0x1  }
0x65: {  	[tilespmem:s25+$0xC8D0] =	vst v2  }
0x66: {  	v2 =	vld [tilespmem:s24+$0x20];
	_ =	sdelay $0x4  }
0x67: {  	v2 =	vmul.f32 v2, v0;
	_ =	sdelay $0x1  }
0x68: {  	v2 =	vadd.f32 v2, v1;
	_ =	sdelay $0x1  }
0x69: {  	[tilespmem:s25+$0xC8E0] =	vst v2  }
0x6a: {  	v2 =	vld [tilespmem:s24+$0x30];
	_ =	sdelay $0x4  }
0x6b: {  	v2 =	vmul.f32 v2, v0;
	_ =	sdelay $0x1  }
0x6c: {  	v1 =	vadd.f32 v2, v1;
	_ =	sdelay $0x1  }
0x6d: {  	[tilespmem:s25+$0xC8F0] =	vst v1  }
0x6e: {  	v1 =	vld [tilespmem:s23+$0x800];
	_ =	sdelay $0x6  }
0x6f: {  	s30 =	simm.s32 $0x0  }
0x70: {  	v2 =	vld.idx.msk [tilespmem:v1+s30+$0x0], $0xffff;
	_ =	sdelay $0x1  }
0x71: {  	v3 =	vld [tilespmem:s23+$0x4800];
	v4 =	vshll.u32 v1, $0x3  }
0x72: {  	v4 =	vand.u32 $0xFFFFFC00, v4;
	v1 =	vand.u32 $0x7F, v1  }
0x73: {  	v1 =	vor.u32 v1, v4  }
0x74: {  	v2 =	vmul.f32 v2, v0;
	_ =	sdelay $0x1  }
0x75: {  	v2 =	vadd.f32 v3, v2;
	_ =	sdelay $0x1  }
0x76: {  	s31 =	simm.s32 $0x0;
	[tilespmem:v1+s18+$0x0] =	vst.idx.msk $0xffff, v2  }
0x77: {  	v2 =	vld [tilespmem:s31+$0x0];
	_ =	sdelay $0x1  }
0x78: {  	v1 =	vld [tilespmem:s23+$0x8810];
	_ =	sdelay $0x2  }
0x79: {  	v2 =	vmul.f32 v2, v0;
	_ =	sdelay $0x1  }
0x7a: {  	v2 =	vadd.f32 v2, v1  }
0x7b: {  	s25 =	simm.s32 $0xC970  }
0x7c: {  	[tilespmem:s25+$0xFFFFFF90] =	vst v2  }
0x7d: {  	v2 =	vld [tilespmem:s31+$0x10];
	_ =	sdelay $0x4  }
0x7e: {  	v2 =	vmul.f32 v2, v0;
	_ =	sdelay $0x1  }
0x7f: {  	v2 =	vadd.f32 v2, v1;
	_ =	sdelay $0x1  }
0x80: {  	[tilespmem:s25+$0xFFFFFFA0] =	vst v2  }
0x81: {  	v2 =	vld [tilespmem:s31+$0x20];
	_ =	sdelay $0x4  }
0x82: {  	v2 =	vmul.f32 v2, v0;
	_ =	sdelay $0x1  }
0x83: {  	v2 =	vadd.f32 v2, v1;
	_ =	sdelay $0x1  }
0x84: {  	[tilespmem:s25+$0xFFFFFFB0] =	vst v2  }
0x85: {  	v2 =	vld [tilespmem:s31+$0x30];
	_ =	sdelay $0x4  }
0x86: {  	v2 =	vmul.f32 v2, v0;
	_ =	sdelay $0x1  }
0x87: {  	v2 =	vadd.f32 v2, v1;
	_ =	sdelay $0x1  }
0x88: {  	[tilespmem:s25+$0xFFFFFFC0] =	vst v2  }
0x89: {  	v2 =	vld [tilespmem:s31+$0x40];
	_ =	sdelay $0x4  }
0x8a: {  	v2 =	vmul.f32 v2, v0;
	_ =	sdelay $0x1  }
0x8b: {  	v2 =	vadd.f32 v2, v1;
	_ =	sdelay $0x1  }
0x8c: {  	[tilespmem:s25+$0xFFFFFFD0] =	vst v2  }
0x8d: {  	v2 =	vld [tilespmem:s31+$0x50];
	_ =	sdelay $0x4  }
0x8e: {  	v2 =	vmul.f32 v2, v0;
	_ =	sdelay $0x1  }
0x8f: {  	v2 =	vadd.f32 v2, v1;
	_ =	sdelay $0x1  }
0x90: {  	[tilespmem:s25+$0xFFFFFFE0] =	vst v2  }
0x91: {  	v2 =	vld [tilespmem:s31+$0x60];
	_ =	sdelay $0x4  }
0x92: {  	v2 =	vmul.f32 v2, v0;
	_ =	sdelay $0x1  }
0x93: {  	v2 =	vadd.f32 v2, v1;
	_ =	sdelay $0x1  }
0x94: {  	[tilespmem:s25+$0xFFFFFFF0] =	vst v2  }
0x95: {  	v2 =	vld [tilespmem:s31+$0x70];
	_ =	sdelay $0x4  }
0x96: {  	v2 =	vmul.f32 v2, v0;
	_ =	sdelay $0x1  }
0x97: {  	v2 =	vadd.f32 v2, v1;
	_ =	sdelay $0x1  }
0x98: {  	s26 =	simm.s32 $0x80;
	s28 =	simm.s32 $0x400;
	s24 =	sor.u32 $0x10, s23;
	[tilespmem:s25+$0x0] =	vst v2  }
.LBB2_5:
0x99: {  	p0 =	sne.s32 s28, $0x1E00;
	v2 =	vld [tilespmem:s26+$0x0];
	_ =	sdelay $0x4  }
0x9a: {  	v2 =	vmul.f32 v2, v0;
	_ =	sdelay $0x1  }
0x9b: {  	v2 =	vadd.f32 v2, v1  }
0x9c: {  	s25 =	sadd.s32 $0x400, s25  }
0x9d: {  	[tilespmem:s25+$0xFFFFFF90] =	vst v2  }
0x9e: {  	v2 =	vld [tilespmem:s26+$0x10];
	_ =	sdelay $0x4  }
0x9f: {  	v2 =	vmul.f32 v2, v0;
	_ =	sdelay $0x1  }
0xa0: {  	v2 =	vadd.f32 v2, v1;
	_ =	sdelay $0x1  }
0xa1: {  	[tilespmem:s25+$0xFFFFFFA0] =	vst v2  }
0xa2: {  	v2 =	vld [tilespmem:s26+$0x20];
	_ =	sdelay $0x4  }
0xa3: {  	v2 =	vmul.f32 v2, v0;
	_ =	sdelay $0x1  }
0xa4: {  	v2 =	vadd.f32 v2, v1;
	_ =	sdelay $0x1  }
0xa5: {  	[tilespmem:s25+$0xFFFFFFB0] =	vst v2  }
0xa6: {  	v2 =	vld [tilespmem:s26+$0x30];
	_ =	sdelay $0x4  }
0xa7: {  	v2 =	vmul.f32 v2, v0;
	_ =	sdelay $0x1  }
0xa8: {  	v2 =	vadd.f32 v2, v1;
	_ =	sdelay $0x1  }
0xa9: {  	[tilespmem:s25+$0xFFFFFFC0] =	vst v2  }
0xaa: {  	v2 =	vld [tilespmem:s26+$0x40];
	_ =	sdelay $0x4  }
0xab: {  	v2 =	vmul.f32 v2, v0;
	_ =	sdelay $0x1  }
0xac: {  	v2 =	vadd.f32 v2, v1;
	_ =	sdelay $0x1  }
0xad: {  	[tilespmem:s25+$0xFFFFFFD0] =	vst v2  }
0xae: {  	v2 =	vld [tilespmem:s26+$0x50];
	_ =	sdelay $0x4  }
0xaf: {  	v2 =	vmul.f32 v2, v0;
	_ =	sdelay $0x1  }
0xb0: {  	v2 =	vadd.f32 v2, v1;
	_ =	sdelay $0x1  }
0xb1: {  	[tilespmem:s25+$0xFFFFFFE0] =	vst v2  }
0xb2: {  	v2 =	vld [tilespmem:s26+$0x60];
	_ =	sdelay $0x4  }
0xb3: {  	v2 =	vmul.f32 v2, v0;
	_ =	sdelay $0x1  }
0xb4: {  	v2 =	vadd.f32 v2, v1;
	_ =	sdelay $0x1  }
0xb5: {  	[tilespmem:s25+$0xFFFFFFF0] =	vst v2  }
0xb6: {  	v2 =	vld [tilespmem:s26+$0x70];
	_ =	sdelay $0x4  }
.Ltmp1:
0xb7: {  	v2 =	vmul.f32 v2, v0;
	(pc) =	sbr.rel @p0 .LBB2_5-.Ltmp1, $3  }
0xb8: {  	_ = 	snop  }
0xb9: {  	v2 =	vadd.f32 v2, v1;
	_ =	sdelay $0x1  }
0xba: {  	s26 =	sshra.s32 s28, $0x2;
	s28 =	sadd.s32 $0x200, s28;
	[tilespmem:s25+$0x0] =	vst v2  }
0xbb: {  	v2 =	vld [tilespmem:s26+$0x0];
	_ =	sdelay $0x4  }
0xbc: {  	v2 =	vmul.f32 v2, v0;
	_ =	sdelay $0x1  }
0xbd: {  	v2 =	vadd.f32 v2, v1  }
0xbe: {  	s25 =	sadd.s32 $0x400, s25  }
0xbf: {  	[tilespmem:s25+$0xFFFFFF90] =	vst v2  }
0xc0: {  	v2 =	vld [tilespmem:s26+$0x10];
	_ =	sdelay $0x4  }
0xc1: {  	v2 =	vmul.f32 v2, v0;
	_ =	sdelay $0x1  }
0xc2: {  	v2 =	vadd.f32 v2, v1;
	_ =	sdelay $0x1  }
0xc3: {  	[tilespmem:s25+$0xFFFFFFA0] =	vst v2  }
0xc4: {  	v2 =	vld [tilespmem:s26+$0x20];
	_ =	sdelay $0x4  }
0xc5: {  	v2 =	vmul.f32 v2, v0;
	_ =	sdelay $0x1  }
0xc6: {  	v2 =	vadd.f32 v2, v1;
	_ =	sdelay $0x1  }
0xc7: {  	[tilespmem:s25+$0xFFFFFFB0] =	vst v2  }
0xc8: {  	v2 =	vld [tilespmem:s26+$0x30];
	_ =	sdelay $0x4  }
0xc9: {  	v2 =	vmul.f32 v2, v0;
	_ =	sdelay $0x1  }
0xca: {  	v2 =	vadd.f32 v2, v1;
	_ =	sdelay $0x1  }
0xcb: {  	[tilespmem:s25+$0xFFFFFFC0] =	vst v2  }
0xcc: {  	v2 =	vld [tilespmem:s26+$0x40];
	_ =	sdelay $0x4  }
0xcd: {  	v2 =	vmul.f32 v2, v0;
	_ =	sdelay $0x1  }
0xce: {  	v2 =	vadd.f32 v2, v1;
	_ =	sdelay $0x1  }
0xcf: {  	[tilespmem:s25+$0xFFFFFFD0] =	vst v2  }
0xd0: {  	v2 =	vld [tilespmem:s26+$0x50];
	_ =	sdelay $0x4  }
0xd1: {  	v2 =	vmul.f32 v2, v0;
	_ =	sdelay $0x1  }
0xd2: {  	v2 =	vadd.f32 v2, v1;
	_ =	sdelay $0x1  }
0xd3: {  	[tilespmem:s25+$0xFFFFFFE0] =	vst v2  }
0xd4: {  	v2 =	vld [tilespmem:s26+$0x60];
	_ =	sdelay $0x4  }
0xd5: {  	v2 =	vmul.f32 v2, v0;
	_ =	sdelay $0x1  }
0xd6: {  	v2 =	vadd.f32 v2, v1;
	_ =	sdelay $0x1  }
0xd7: {  	[tilespmem:s25+$0xFFFFFFF0] =	vst v2  }
0xd8: {  	v2 =	vld [tilespmem:s26+$0x70];
	_ =	sdelay $0x4  }
0xd9: {  	v2 =	vmul.f32 v2, v0;
	_ =	sdelay $0x1  }
0xda: {  	v1 =	vadd.f32 v2, v1;
	_ =	sdelay $0x1  }
0xdb: {  	[tilespmem:s25+$0x0] =	vst v1  }
0xdc: {  	v1 =	vld [tilespmem:s24+$0x800];
	_ =	sdelay $0x6  }
0xdd: {  	s30 =	simm.s32 $0x0  }
0xde: {  	v2 =	vld.idx.msk [tilespmem:v1+s30+$0x0], $0xffff  }
0xdf: {  	v3 =	vshll.u32 v1, $0x3  }
0xe0: {  	v4 =	vld [tilespmem:s24+$0x4800];
	v3 =	vand.u32 $0xFFFFFC00, v3;
	v1 =	vand.u32 $0x7F, v1  }
0xe1: {  	v1 =	vor.u32 v3, v1  }
0xe2: {  	v1 =	vor.u32 $0x80, v1  }
0xe3: {  	v2 =	vmul.f32 v2, v0;
	_ =	sdelay $0x1  }
0xe4: {  	v2 =	vadd.f32 v4, v2;
	_ =	sdelay $0x1  }
0xe5: {  	s31 =	simm.s32 $0x0;
	[tilespmem:v1+s18+$0x0] =	vst.idx.msk $0xffff, v2  }
0xe6: {  	v2 =	vld [tilespmem:s31+$0x0];
	_ =	sdelay $0x1  }
0xe7: {  	v1 =	vld [tilespmem:s23+$0x8820];
	_ =	sdelay $0x2  }
0xe8: {  	v2 =	vmul.f32 v2, v0;
	_ =	sdelay $0x1  }
0xe9: {  	v2 =	vadd.f32 v2, v1  }
0xea: {  	s25 =	simm.s32 $0xC9F0  }
0xeb: {  	[tilespmem:s25+$0xFFFFFF90] =	vst v2  }
0xec: {  	v2 =	vld [tilespmem:s31+$0x10];
	_ =	sdelay $0x4  }
0xed: {  	v2 =	vmul.f32 v2, v0;
	_ =	sdelay $0x1  }
0xee: {  	v2 =	vadd.f32 v2, v1;
	_ =	sdelay $0x1  }
0xef: {  	[tilespmem:s25+$0xFFFFFFA0] =	vst v2  }
0xf0: {  	v2 =	vld [tilespmem:s31+$0x20];
	_ =	sdelay $0x4  }
0xf1: {  	v2 =	vmul.f32 v2, v0;
	_ =	sdelay $0x1  }
0xf2: {  	v2 =	vadd.f32 v2, v1;
	_ =	sdelay $0x1  }
0xf3: {  	[tilespmem:s25+$0xFFFFFFB0] =	vst v2  }
0xf4: {  	v2 =	vld [tilespmem:s31+$0x30];
	_ =	sdelay $0x4  }
0xf5: {  	v2 =	vmul.f32 v2, v0;
	_ =	sdelay $0x1  }
0xf6: {  	v2 =	vadd.f32 v2, v1;
	_ =	sdelay $0x1  }
0xf7: {  	[tilespmem:s25+$0xFFFFFFC0] =	vst v2  }
0xf8: {  	v2 =	vld [tilespmem:s31+$0x40];
	_ =	sdelay $0x4  }
0xf9: {  	v2 =	vmul.f32 v2, v0;
	_ =	sdelay $0x1  }
0xfa: {  	v2 =	vadd.f32 v2, v1;
	_ =	sdelay $0x1  }
0xfb: {  	[tilespmem:s25+$0xFFFFFFD0] =	vst v2  }
0xfc: {  	v2 =	vld [tilespmem:s31+$0x50];
	_ =	sdelay $0x4  }
0xfd: {  	v2 =	vmul.f32 v2, v0;
	_ =	sdelay $0x1  }
0xfe: {  	v2 =	vadd.f32 v2, v1;
	_ =	sdelay $0x1  }
0xff: {  	[tilespmem:s25+$0xFFFFFFE0] =	vst v2  }
0x100: {  	v2 =	vld [tilespmem:s31+$0x60];
	_ =	sdelay $0x4  }
0x101: {  	v2 =	vmul.f32 v2, v0;
	_ =	sdelay $0x1  }
0x102: {  	v2 =	vadd.f32 v2, v1;
	_ =	sdelay $0x1  }
0x103: {  	[tilespmem:s25+$0xFFFFFFF0] =	vst v2  }
0x104: {  	v2 =	vld [tilespmem:s31+$0x70];
	_ =	sdelay $0x4  }
0x105: {  	v2 =	vmul.f32 v2, v0;
	_ =	sdelay $0x1  }
0x106: {  	v2 =	vadd.f32 v2, v1;
	_ =	sdelay $0x1  }
0x107: {  	s28 =	simm.s32 $0x400;
	s26 =	simm.s32 $0x80;
	s24 =	sor.u32 $0x20, s23;
	[tilespmem:s25+$0x0] =	vst v2  }
.LBB2_7:
0x108: {  	p0 =	sne.s32 s28, $0x1E00;
	v2 =	vld [tilespmem:s26+$0x0];
	_ =	sdelay $0x4  }
0x109: {  	v2 =	vmul.f32 v2, v0;
	_ =	sdelay $0x1  }
0x10a: {  	v2 =	vadd.f32 v2, v1  }
0x10b: {  	s25 =	sadd.s32 $0x400, s25  }
0x10c: {  	[tilespmem:s25+$0xFFFFFF90] =	vst v2  }
0x10d: {  	v2 =	vld [tilespmem:s26+$0x10];
	_ =	sdelay $0x4  }
0x10e: {  	v2 =	vmul.f32 v2, v0;
	_ =	sdelay $0x1  }
0x10f: {  	v2 =	vadd.f32 v2, v1;
	_ =	sdelay $0x1  }
0x110: {  	[tilespmem:s25+$0xFFFFFFA0] =	vst v2  }
0x111: {  	v2 =	vld [tilespmem:s26+$0x20];
	_ =	sdelay $0x4  }
0x112: {  	v2 =	vmul.f32 v2, v0;
	_ =	sdelay $0x1  }
0x113: {  	v2 =	vadd.f32 v2, v1;
	_ =	sdelay $0x1  }
0x114: {  	[tilespmem:s25+$0xFFFFFFB0] =	vst v2  }
0x115: {  	v2 =	vld [tilespmem:s26+$0x30];
	_ =	sdelay $0x4  }
0x116: {  	v2 =	vmul.f32 v2, v0;
	_ =	sdelay $0x1  }
0x117: {  	v2 =	vadd.f32 v2, v1;
	_ =	sdelay $0x1  }
0x118: {  	[tilespmem:s25+$0xFFFFFFC0] =	vst v2  }
0x119: {  	v2 =	vld [tilespmem:s26+$0x40];
	_ =	sdelay $0x4  }
0x11a: {  	v2 =	vmul.f32 v2, v0;
	_ =	sdelay $0x1  }
0x11b: {  	v2 =	vadd.f32 v2, v1;
	_ =	sdelay $0x1  }
0x11c: {  	[tilespmem:s25+$0xFFFFFFD0] =	vst v2  }
0x11d: {  	v2 =	vld [tilespmem:s26+$0x50];
	_ =	sdelay $0x4  }
0x11e: {  	v2 =	vmul.f32 v2, v0;
	_ =	sdelay $0x1  }
0x11f: {  	v2 =	vadd.f32 v2, v1;
	_ =	sdelay $0x1  }
0x120: {  	[tilespmem:s25+$0xFFFFFFE0] =	vst v2  }
0x121: {  	v2 =	vld [tilespmem:s26+$0x60];
	_ =	sdelay $0x4  }
0x122: {  	v2 =	vmul.f32 v2, v0;
	_ =	sdelay $0x1  }
0x123: {  	v2 =	vadd.f32 v2, v1;
	_ =	sdelay $0x1  }
0x124: {  	[tilespmem:s25+$0xFFFFFFF0] =	vst v2  }
0x125: {  	v2 =	vld [tilespmem:s26+$0x70];
	_ =	sdelay $0x4  }
.Ltmp2:
0x126: {  	v2 =	vmul.f32 v2, v0;
	(pc) =	sbr.rel @p0 .LBB2_7-.Ltmp2, $3  }
0x127: {  	_ = 	snop  }
0x128: {  	v2 =	vadd.f32 v2, v1;
	_ =	sdelay $0x1  }
0x129: {  	s26 =	sshra.s32 s28, $0x2;
	s28 =	sadd.s32 $0x200, s28;
	[tilespmem:s25+$0x0] =	vst v2  }
0x12a: {  	v2 =	vld [tilespmem:s26+$0x0];
	_ =	sdelay $0x4  }
0x12b: {  	v2 =	vmul.f32 v2, v0;
	_ =	sdelay $0x1  }
0x12c: {  	v2 =	vadd.f32 v2, v1  }
0x12d: {  	s25 =	sadd.s32 $0x400, s25  }
0x12e: {  	[tilespmem:s25+$0xFFFFFF90] =	vst v2  }
0x12f: {  	v2 =	vld [tilespmem:s26+$0x10];
	_ =	sdelay $0x4  }
0x130: {  	v2 =	vmul.f32 v2, v0;
	_ =	sdelay $0x1  }
0x131: {  	v2 =	vadd.f32 v2, v1;
	_ =	sdelay $0x1  }
0x132: {  	[tilespmem:s25+$0xFFFFFFA0] =	vst v2  }
0x133: {  	v2 =	vld [tilespmem:s26+$0x20];
	_ =	sdelay $0x4  }
0x134: {  	v2 =	vmul.f32 v2, v0;
	_ =	sdelay $0x1  }
0x135: {  	v2 =	vadd.f32 v2, v1;
	_ =	sdelay $0x1  }
0x136: {  	[tilespmem:s25+$0xFFFFFFB0] =	vst v2  }
0x137: {  	v2 =	vld [tilespmem:s26+$0x30];
	_ =	sdelay $0x4  }
0x138: {  	v2 =	vmul.f32 v2, v0;
	_ =	sdelay $0x1  }
0x139: {  	v2 =	vadd.f32 v2, v1;
	_ =	sdelay $0x1  }
0x13a: {  	[tilespmem:s25+$0xFFFFFFC0] =	vst v2  }
0x13b: {  	v2 =	vld [tilespmem:s26+$0x40];
	_ =	sdelay $0x4  }
0x13c: {  	v2 =	vmul.f32 v2, v0;
	_ =	sdelay $0x1  }
0x13d: {  	v2 =	vadd.f32 v2, v1;
	_ =	sdelay $0x1  }
0x13e: {  	[tilespmem:s25+$0xFFFFFFD0] =	vst v2  }
0x13f: {  	v2 =	vld [tilespmem:s26+$0x50];
	_ =	sdelay $0x4  }
0x140: {  	v2 =	vmul.f32 v2, v0;
	_ =	sdelay $0x1  }
0x141: {  	v2 =	vadd.f32 v2, v1;
	_ =	sdelay $0x1  }
0x142: {  	[tilespmem:s25+$0xFFFFFFE0] =	vst v2  }
0x143: {  	v2 =	vld [tilespmem:s26+$0x60];
	_ =	sdelay $0x4  }
0x144: {  	v2 =	vmul.f32 v2, v0;
	_ =	sdelay $0x1  }
0x145: {  	v2 =	vadd.f32 v2, v1;
	_ =	sdelay $0x1  }
0x146: {  	[tilespmem:s25+$0xFFFFFFF0] =	vst v2  }
0x147: {  	v2 =	vld [tilespmem:s26+$0x70];
	_ =	sdelay $0x4  }
0x148: {  	v2 =	vmul.f32 v2, v0;
	_ =	sdelay $0x1  }
0x149: {  	v1 =	vadd.f32 v2, v1;
	_ =	sdelay $0x1  }
0x14a: {  	[tilespmem:s25+$0x0] =	vst v1  }
0x14b: {  	v1 =	vld [tilespmem:s24+$0x800];
	_ =	sdelay $0x6  }
0x14c: {  	s30 =	simm.s32 $0x0  }
0x14d: {  	v2 =	vld.idx.msk [tilespmem:v1+s30+$0x0], $0xffff  }
0x14e: {  	v3 =	vshll.u32 v1, $0x3  }
0x14f: {  	v4 =	vld [tilespmem:s24+$0x4800];
	v3 =	vand.u32 $0xFFFFFC00, v3;
	v1 =	vand.u32 $0x7F, v1  }
0x150: {  	v1 =	vor.u32 v3, v1  }
0x151: {  	v1 =	vor.u32 $0x100, v1  }
0x152: {  	v2 =	vmul.f32 v2, v0;
	_ =	sdelay $0x1  }
0x153: {  	v2 =	vadd.f32 v4, v2;
	_ =	sdelay $0x1  }
0x154: {  	s31 =	simm.s32 $0x0;
	[tilespmem:v1+s18+$0x0] =	vst.idx.msk $0xffff, v2  }
0x155: {  	v2 =	vld [tilespmem:s31+$0x0];
	_ =	sdelay $0x1  }
0x156: {  	v1 =	vld [tilespmem:s23+$0x8830];
	_ =	sdelay $0x2  }
0x157: {  	v2 =	vmul.f32 v2, v0;
	_ =	sdelay $0x1  }
0x158: {  	v2 =	vadd.f32 v2, v1  }
0x159: {  	s25 =	simm.s32 $0xCA70  }
0x15a: {  	[tilespmem:s25+$0xFFFFFF90] =	vst v2  }
0x15b: {  	v2 =	vld [tilespmem:s31+$0x10];
	_ =	sdelay $0x4  }
0x15c: {  	v2 =	vmul.f32 v2, v0;
	_ =	sdelay $0x1  }
0x15d: {  	v2 =	vadd.f32 v2, v1;
	_ =	sdelay $0x1  }
0x15e: {  	[tilespmem:s25+$0xFFFFFFA0] =	vst v2  }
0x15f: {  	v2 =	vld [tilespmem:s31+$0x20];
	_ =	sdelay $0x4  }
0x160: {  	v2 =	vmul.f32 v2, v0;
	_ =	sdelay $0x1  }
0x161: {  	v2 =	vadd.f32 v2, v1;
	_ =	sdelay $0x1  }
0x162: {  	[tilespmem:s25+$0xFFFFFFB0] =	vst v2  }
0x163: {  	v2 =	vld [tilespmem:s31+$0x30];
	_ =	sdelay $0x4  }
0x164: {  	v2 =	vmul.f32 v2, v0;
	_ =	sdelay $0x1  }
0x165: {  	v2 =	vadd.f32 v2, v1;
	_ =	sdelay $0x1  }
0x166: {  	[tilespmem:s25+$0xFFFFFFC0] =	vst v2  }
0x167: {  	v2 =	vld [tilespmem:s31+$0x40];
	_ =	sdelay $0x4  }
0x168: {  	v2 =	vmul.f32 v2, v0;
	_ =	sdelay $0x1  }
0x169: {  	v2 =	vadd.f32 v2, v1;
	_ =	sdelay $0x1  }
0x16a: {  	[tilespmem:s25+$0xFFFFFFD0] =	vst v2  }
0x16b: {  	v2 =	vld [tilespmem:s31+$0x50];
	_ =	sdelay $0x4  }
0x16c: {  	v2 =	vmul.f32 v2, v0;
	_ =	sdelay $0x1  }
0x16d: {  	v2 =	vadd.f32 v2, v1;
	_ =	sdelay $0x1  }
0x16e: {  	[tilespmem:s25+$0xFFFFFFE0] =	vst v2  }
0x16f: {  	v2 =	vld [tilespmem:s31+$0x60];
	_ =	sdelay $0x4  }
0x170: {  	v2 =	vmul.f32 v2, v0;
	_ =	sdelay $0x1  }
0x171: {  	v2 =	vadd.f32 v2, v1;
	_ =	sdelay $0x1  }
0x172: {  	[tilespmem:s25+$0xFFFFFFF0] =	vst v2  }
0x173: {  	v2 =	vld [tilespmem:s31+$0x70];
	_ =	sdelay $0x4  }
0x174: {  	v2 =	vmul.f32 v2, v0;
	_ =	sdelay $0x1  }
0x175: {  	v2 =	vadd.f32 v2, v1;
	_ =	sdelay $0x1  }
0x176: {  	s28 =	simm.s32 $0x400;
	s26 =	simm.s32 $0x80;
	s24 =	sor.u32 $0x30, s23;
	[tilespmem:s25+$0x0] =	vst v2  }
.LBB2_9:
0x177: {  	p0 =	sne.s32 s28, $0x1E00;
	v2 =	vld [tilespmem:s26+$0x0];
	_ =	sdelay $0x4  }
0x178: {  	v2 =	vmul.f32 v2, v0;
	_ =	sdelay $0x1  }
0x179: {  	v2 =	vadd.f32 v2, v1  }
0x17a: {  	s25 =	sadd.s32 $0x400, s25  }
0x17b: {  	[tilespmem:s25+$0xFFFFFF90] =	vst v2  }
0x17c: {  	v2 =	vld [tilespmem:s26+$0x10];
	_ =	sdelay $0x4  }
0x17d: {  	v2 =	vmul.f32 v2, v0;
	_ =	sdelay $0x1  }
0x17e: {  	v2 =	vadd.f32 v2, v1;
	_ =	sdelay $0x1  }
0x17f: {  	[tilespmem:s25+$0xFFFFFFA0] =	vst v2  }
0x180: {  	v2 =	vld [tilespmem:s26+$0x20];
	_ =	sdelay $0x4  }
0x181: {  	v2 =	vmul.f32 v2, v0;
	_ =	sdelay $0x1  }
0x182: {  	v2 =	vadd.f32 v2, v1;
	_ =	sdelay $0x1  }
0x183: {  	[tilespmem:s25+$0xFFFFFFB0] =	vst v2  }
0x184: {  	v2 =	vld [tilespmem:s26+$0x30];
	_ =	sdelay $0x4  }
0x185: {  	v2 =	vmul.f32 v2, v0;
	_ =	sdelay $0x1  }
0x186: {  	v2 =	vadd.f32 v2, v1;
	_ =	sdelay $0x1  }
0x187: {  	[tilespmem:s25+$0xFFFFFFC0] =	vst v2  }
0x188: {  	v2 =	vld [tilespmem:s26+$0x40];
	_ =	sdelay $0x4  }
0x189: {  	v2 =	vmul.f32 v2, v0;
	_ =	sdelay $0x1  }
0x18a: {  	v2 =	vadd.f32 v2, v1;
	_ =	sdelay $0x1  }
0x18b: {  	[tilespmem:s25+$0xFFFFFFD0] =	vst v2  }
0x18c: {  	v2 =	vld [tilespmem:s26+$0x50];
	_ =	sdelay $0x4  }
0x18d: {  	v2 =	vmul.f32 v2, v0;
	_ =	sdelay $0x1  }
0x18e: {  	v2 =	vadd.f32 v2, v1;
	_ =	sdelay $0x1  }
0x18f: {  	[tilespmem:s25+$0xFFFFFFE0] =	vst v2  }
0x190: {  	v2 =	vld [tilespmem:s26+$0x60];
	_ =	sdelay $0x4  }
0x191: {  	v2 =	vmul.f32 v2, v0;
	_ =	sdelay $0x1  }
0x192: {  	v2 =	vadd.f32 v2, v1;
	_ =	sdelay $0x1  }
0x193: {  	[tilespmem:s25+$0xFFFFFFF0] =	vst v2  }
0x194: {  	v2 =	vld [tilespmem:s26+$0x70];
	_ =	sdelay $0x4  }
.Ltmp3:
0x195: {  	v2 =	vmul.f32 v2, v0;
	(pc) =	sbr.rel @p0 .LBB2_9-.Ltmp3, $3  }
0x196: {  	_ = 	snop  }
0x197: {  	v2 =	vadd.f32 v2, v1;
	_ =	sdelay $0x1  }
0x198: {  	s26 =	sshra.s32 s28, $0x2;
	s28 =	sadd.s32 $0x200, s28;
	[tilespmem:s25+$0x0] =	vst v2  }
0x199: {  	v2 =	vld [tilespmem:s26+$0x0];
	_ =	sdelay $0x4  }
0x19a: {  	v2 =	vmul.f32 v2, v0;
	_ =	sdelay $0x1  }
0x19b: {  	v2 =	vadd.f32 v2, v1  }
0x19c: {  	s25 =	sadd.s32 $0x400, s25  }
0x19d: {  	[tilespmem:s25+$0xFFFFFF90] =	vst v2  }
0x19e: {  	v2 =	vld [tilespmem:s26+$0x10];
	_ =	sdelay $0x4  }
0x19f: {  	v2 =	vmul.f32 v2, v0;
	_ =	sdelay $0x1  }
0x1a0: {  	v2 =	vadd.f32 v2, v1;
	_ =	sdelay $0x1  }
0x1a1: {  	[tilespmem:s25+$0xFFFFFFA0] =	vst v2  }
0x1a2: {  	v2 =	vld [tilespmem:s26+$0x20];
	_ =	sdelay $0x4  }
0x1a3: {  	v2 =	vmul.f32 v2, v0;
	_ =	sdelay $0x1  }
0x1a4: {  	v2 =	vadd.f32 v2, v1;
	_ =	sdelay $0x1  }
0x1a5: {  	[tilespmem:s25+$0xFFFFFFB0] =	vst v2  }
0x1a6: {  	v2 =	vld [tilespmem:s26+$0x30];
	_ =	sdelay $0x4  }
0x1a7: {  	v2 =	vmul.f32 v2, v0;
	_ =	sdelay $0x1  }
0x1a8: {  	v2 =	vadd.f32 v2, v1;
	_ =	sdelay $0x1  }
0x1a9: {  	[tilespmem:s25+$0xFFFFFFC0] =	vst v2  }
0x1aa: {  	v2 =	vld [tilespmem:s26+$0x40];
	_ =	sdelay $0x4  }
0x1ab: {  	v2 =	vmul.f32 v2, v0;
	_ =	sdelay $0x1  }
0x1ac: {  	v2 =	vadd.f32 v2, v1;
	_ =	sdelay $0x1  }
0x1ad: {  	[tilespmem:s25+$0xFFFFFFD0] =	vst v2  }
0x1ae: {  	v2 =	vld [tilespmem:s26+$0x50];
	_ =	sdelay $0x4  }
0x1af: {  	v2 =	vmul.f32 v2, v0;
	_ =	sdelay $0x1  }
0x1b0: {  	v2 =	vadd.f32 v2, v1;
	_ =	sdelay $0x1  }
0x1b1: {  	[tilespmem:s25+$0xFFFFFFE0] =	vst v2  }
0x1b2: {  	v2 =	vld [tilespmem:s26+$0x60];
	_ =	sdelay $0x4  }
0x1b3: {  	v2 =	vmul.f32 v2, v0;
	_ =	sdelay $0x1  }
0x1b4: {  	v2 =	vadd.f32 v2, v1;
	_ =	sdelay $0x1  }
0x1b5: {  	[tilespmem:s25+$0xFFFFFFF0] =	vst v2  }
0x1b6: {  	v2 =	vld [tilespmem:s26+$0x70];
	_ =	sdelay $0x4  }
0x1b7: {  	v2 =	vmul.f32 v2, v0;
	_ =	sdelay $0x1  }
0x1b8: {  	v1 =	vadd.f32 v2, v1;
	_ =	sdelay $0x1  }
0x1b9: {  	[tilespmem:s25+$0x0] =	vst v1  }
0x1ba: {  	v1 =	vld [tilespmem:s24+$0x800];
	_ =	sdelay $0x6  }
0x1bb: {  	s30 =	simm.s32 $0x0  }
0x1bc: {  	v2 =	vld.idx.msk [tilespmem:v1+s30+$0x0], $0xffff  }
0x1bd: {  	v3 =	vshll.u32 v1, $0x3  }
0x1be: {  	v4 =	vld [tilespmem:s24+$0x4800];
	v3 =	vand.u32 $0xFFFFFC00, v3;
	v1 =	vand.u32 $0x7F, v1  }
0x1bf: {  	v1 =	vor.u32 v3, v1  }
0x1c0: {  	v1 =	vor.u32 $0x180, v1  }
0x1c1: {  	v2 =	vmul.f32 v2, v0;
	_ =	sdelay $0x1  }
0x1c2: {  	v2 =	vadd.f32 v4, v2;
	_ =	sdelay $0x1  }
0x1c3: {  	s31 =	simm.s32 $0x0;
	[tilespmem:v1+s18+$0x0] =	vst.idx.msk $0xffff, v2  }
0x1c4: {  	v2 =	vld [tilespmem:s31+$0x0];
	_ =	sdelay $0x1  }
0x1c5: {  	v1 =	vld [tilespmem:s23+$0x8840];
	_ =	sdelay $0x2  }
0x1c6: {  	v2 =	vmul.f32 v2, v0;
	_ =	sdelay $0x1  }
0x1c7: {  	v2 =	vadd.f32 v2, v1  }
0x1c8: {  	s25 =	simm.s32 $0xCAF0  }
0x1c9: {  	[tilespmem:s25+$0xFFFFFF90] =	vst v2  }
0x1ca: {  	v2 =	vld [tilespmem:s31+$0x10];
	_ =	sdelay $0x4  }
0x1cb: {  	v2 =	vmul.f32 v2, v0;
	_ =	sdelay $0x1  }
0x1cc: {  	v2 =	vadd.f32 v2, v1;
	_ =	sdelay $0x1  }
0x1cd: {  	[tilespmem:s25+$0xFFFFFFA0] =	vst v2  }
0x1ce: {  	v2 =	vld [tilespmem:s31+$0x20];
	_ =	sdelay $0x4  }
0x1cf: {  	v2 =	vmul.f32 v2, v0;
	_ =	sdelay $0x1  }
0x1d0: {  	v2 =	vadd.f32 v2, v1;
	_ =	sdelay $0x1  }
0x1d1: {  	[tilespmem:s25+$0xFFFFFFB0] =	vst v2  }
0x1d2: {  	v2 =	vld [tilespmem:s31+$0x30];
	_ =	sdelay $0x4  }
0x1d3: {  	v2 =	vmul.f32 v2, v0;
	_ =	sdelay $0x1  }
0x1d4: {  	v2 =	vadd.f32 v2, v1;
	_ =	sdelay $0x1  }
0x1d5: {  	[tilespmem:s25+$0xFFFFFFC0] =	vst v2  }
0x1d6: {  	v2 =	vld [tilespmem:s31+$0x40];
	_ =	sdelay $0x4  }
0x1d7: {  	v2 =	vmul.f32 v2, v0;
	_ =	sdelay $0x1  }
0x1d8: {  	v2 =	vadd.f32 v2, v1;
	_ =	sdelay $0x1  }
0x1d9: {  	[tilespmem:s25+$0xFFFFFFD0] =	vst v2  }
0x1da: {  	v2 =	vld [tilespmem:s31+$0x50];
	_ =	sdelay $0x4  }
0x1db: {  	v2 =	vmul.f32 v2, v0;
	_ =	sdelay $0x1  }
0x1dc: {  	v2 =	vadd.f32 v2, v1;
	_ =	sdelay $0x1  }
0x1dd: {  	[tilespmem:s25+$0xFFFFFFE0] =	vst v2  }
0x1de: {  	v2 =	vld [tilespmem:s31+$0x60];
	_ =	sdelay $0x4  }
0x1df: {  	v2 =	vmul.f32 v2, v0;
	_ =	sdelay $0x1  }
0x1e0: {  	v2 =	vadd.f32 v2, v1;
	_ =	sdelay $0x1  }
0x1e1: {  	[tilespmem:s25+$0xFFFFFFF0] =	vst v2  }
0x1e2: {  	v2 =	vld [tilespmem:s31+$0x70];
	_ =	sdelay $0x4  }
0x1e3: {  	v2 =	vmul.f32 v2, v0;
	_ =	sdelay $0x1  }
0x1e4: {  	v2 =	vadd.f32 v2, v1;
	_ =	sdelay $0x1  }
0x1e5: {  	s28 =	simm.s32 $0x400;
	s26 =	simm.s32 $0x80;
	s24 =	sor.u32 $0x40, s23;
	[tilespmem:s25+$0x0] =	vst v2  }
.LBB2_11:
0x1e6: {  	p0 =	sne.s32 s28, $0x1E00;
	v2 =	vld [tilespmem:s26+$0x0];
	_ =	sdelay $0x4  }
0x1e7: {  	v2 =	vmul.f32 v2, v0;
	_ =	sdelay $0x1  }
0x1e8: {  	v2 =	vadd.f32 v2, v1  }
0x1e9: {  	s25 =	sadd.s32 $0x400, s25  }
0x1ea: {  	[tilespmem:s25+$0xFFFFFF90] =	vst v2  }
0x1eb: {  	v2 =	vld [tilespmem:s26+$0x10];
	_ =	sdelay $0x4  }
0x1ec: {  	v2 =	vmul.f32 v2, v0;
	_ =	sdelay $0x1  }
0x1ed: {  	v2 =	vadd.f32 v2, v1;
	_ =	sdelay $0x1  }
0x1ee: {  	[tilespmem:s25+$0xFFFFFFA0] =	vst v2  }
0x1ef: {  	v2 =	vld [tilespmem:s26+$0x20];
	_ =	sdelay $0x4  }
0x1f0: {  	v2 =	vmul.f32 v2, v0;
	_ =	sdelay $0x1  }
0x1f1: {  	v2 =	vadd.f32 v2, v1;
	_ =	sdelay $0x1  }
0x1f2: {  	[tilespmem:s25+$0xFFFFFFB0] =	vst v2  }
0x1f3: {  	v2 =	vld [tilespmem:s26+$0x30];
	_ =	sdelay $0x4  }
0x1f4: {  	v2 =	vmul.f32 v2, v0;
	_ =	sdelay $0x1  }
0x1f5: {  	v2 =	vadd.f32 v2, v1;
	_ =	sdelay $0x1  }
0x1f6: {  	[tilespmem:s25+$0xFFFFFFC0] =	vst v2  }
0x1f7: {  	v2 =	vld [tilespmem:s26+$0x40];
	_ =	sdelay $0x4  }
0x1f8: {  	v2 =	vmul.f32 v2, v0;
	_ =	sdelay $0x1  }
0x1f9: {  	v2 =	vadd.f32 v2, v1;
	_ =	sdelay $0x1  }
0x1fa: {  	[tilespmem:s25+$0xFFFFFFD0] =	vst v2  }
0x1fb: {  	v2 =	vld [tilespmem:s26+$0x50];
	_ =	sdelay $0x4  }
0x1fc: {  	v2 =	vmul.f32 v2, v0;
	_ =	sdelay $0x1  }
0x1fd: {  	v2 =	vadd.f32 v2, v1;
	_ =	sdelay $0x1  }
0x1fe: {  	[tilespmem:s25+$0xFFFFFFE0] =	vst v2  }
0x1ff: {  	v2 =	vld [tilespmem:s26+$0x60];
	_ =	sdelay $0x4  }
0x200: {  	v2 =	vmul.f32 v2, v0;
	_ =	sdelay $0x1  }
0x201: {  	v2 =	vadd.f32 v2, v1;
	_ =	sdelay $0x1  }
0x202: {  	[tilespmem:s25+$0xFFFFFFF0] =	vst v2  }
0x203: {  	v2 =	vld [tilespmem:s26+$0x70];
	_ =	sdelay $0x4  }
.Ltmp4:
0x204: {  	v2 =	vmul.f32 v2, v0;
	(pc) =	sbr.rel @p0 .LBB2_11-.Ltmp4, $3  }
0x205: {  	_ = 	snop  }
0x206: {  	v2 =	vadd.f32 v2, v1;
	_ =	sdelay $0x1  }
0x207: {  	s26 =	sshra.s32 s28, $0x2;
	s28 =	sadd.s32 $0x200, s28;
	[tilespmem:s25+$0x0] =	vst v2  }
0x208: {  	v2 =	vld [tilespmem:s26+$0x0];
	_ =	sdelay $0x4  }
0x209: {  	v2 =	vmul.f32 v2, v0;
	_ =	sdelay $0x1  }
0x20a: {  	v2 =	vadd.f32 v2, v1  }
0x20b: {  	s25 =	sadd.s32 $0x400, s25  }
0x20c: {  	[tilespmem:s25+$0xFFFFFF90] =	vst v2  }
0x20d: {  	v2 =	vld [tilespmem:s26+$0x10];
	_ =	sdelay $0x4  }
0x20e: {  	v2 =	vmul.f32 v2, v0;
	_ =	sdelay $0x1  }
0x20f: {  	v2 =	vadd.f32 v2, v1;
	_ =	sdelay $0x1  }
0x210: {  	[tilespmem:s25+$0xFFFFFFA0] =	vst v2  }
0x211: {  	v2 =	vld [tilespmem:s26+$0x20];
	_ =	sdelay $0x4  }
0x212: {  	v2 =	vmul.f32 v2, v0;
	_ =	sdelay $0x1  }
0x213: {  	v2 =	vadd.f32 v2, v1;
	_ =	sdelay $0x1  }
0x214: {  	[tilespmem:s25+$0xFFFFFFB0] =	vst v2  }
0x215: {  	v2 =	vld [tilespmem:s26+$0x30];
	_ =	sdelay $0x4  }
0x216: {  	v2 =	vmul.f32 v2, v0;
	_ =	sdelay $0x1  }
0x217: {  	v2 =	vadd.f32 v2, v1;
	_ =	sdelay $0x1  }
0x218: {  	[tilespmem:s25+$0xFFFFFFC0] =	vst v2  }
0x219: {  	v2 =	vld [tilespmem:s26+$0x40];
	_ =	sdelay $0x4  }
0x21a: {  	v2 =	vmul.f32 v2, v0;
	_ =	sdelay $0x1  }
0x21b: {  	v2 =	vadd.f32 v2, v1;
	_ =	sdelay $0x1  }
0x21c: {  	[tilespmem:s25+$0xFFFFFFD0] =	vst v2  }
0x21d: {  	v2 =	vld [tilespmem:s26+$0x50];
	_ =	sdelay $0x4  }
0x21e: {  	v2 =	vmul.f32 v2, v0;
	_ =	sdelay $0x1  }
0x21f: {  	v2 =	vadd.f32 v2, v1;
	_ =	sdelay $0x1  }
0x220: {  	[tilespmem:s25+$0xFFFFFFE0] =	vst v2  }
0x221: {  	v2 =	vld [tilespmem:s26+$0x60];
	_ =	sdelay $0x4  }
0x222: {  	v2 =	vmul.f32 v2, v0;
	_ =	sdelay $0x1  }
0x223: {  	v2 =	vadd.f32 v2, v1;
	_ =	sdelay $0x1  }
0x224: {  	[tilespmem:s25+$0xFFFFFFF0] =	vst v2  }
0x225: {  	v2 =	vld [tilespmem:s26+$0x70];
	_ =	sdelay $0x4  }
0x226: {  	v2 =	vmul.f32 v2, v0;
	_ =	sdelay $0x1  }
0x227: {  	v1 =	vadd.f32 v2, v1;
	_ =	sdelay $0x1  }
0x228: {  	[tilespmem:s25+$0x0] =	vst v1  }
0x229: {  	v1 =	vld [tilespmem:s24+$0x800];
	_ =	sdelay $0x6  }
0x22a: {  	s30 =	simm.s32 $0x0  }
0x22b: {  	v2 =	vld.idx.msk [tilespmem:v1+s30+$0x0], $0xffff  }
0x22c: {  	v3 =	vshll.u32 v1, $0x3  }
0x22d: {  	v4 =	vld [tilespmem:s24+$0x4800];
	v3 =	vand.u32 $0xFFFFFC00, v3;
	v1 =	vand.u32 $0x7F, v1  }
0x22e: {  	v1 =	vor.u32 v3, v1  }
0x22f: {  	v1 =	vor.u32 $0x200, v1  }
0x230: {  	v2 =	vmul.f32 v2, v0;
	_ =	sdelay $0x1  }
0x231: {  	v2 =	vadd.f32 v4, v2;
	_ =	sdelay $0x1  }
0x232: {  	s31 =	simm.s32 $0x0;
	[tilespmem:v1+s18+$0x0] =	vst.idx.msk $0xffff, v2  }
0x233: {  	v2 =	vld [tilespmem:s31+$0x0];
	_ =	sdelay $0x1  }
0x234: {  	v1 =	vld [tilespmem:s23+$0x8850];
	_ =	sdelay $0x2  }
0x235: {  	v2 =	vmul.f32 v2, v0;
	_ =	sdelay $0x1  }
0x236: {  	v2 =	vadd.f32 v2, v1  }
0x237: {  	s25 =	simm.s32 $0xCB70  }
0x238: {  	[tilespmem:s25+$0xFFFFFF90] =	vst v2  }
0x239: {  	v2 =	vld [tilespmem:s31+$0x10];
	_ =	sdelay $0x4  }
0x23a: {  	v2 =	vmul.f32 v2, v0;
	_ =	sdelay $0x1  }
0x23b: {  	v2 =	vadd.f32 v2, v1;
	_ =	sdelay $0x1  }
0x23c: {  	[tilespmem:s25+$0xFFFFFFA0] =	vst v2  }
0x23d: {  	v2 =	vld [tilespmem:s31+$0x20];
	_ =	sdelay $0x4  }
0x23e: {  	v2 =	vmul.f32 v2, v0;
	_ =	sdelay $0x1  }
0x23f: {  	v2 =	vadd.f32 v2, v1;
	_ =	sdelay $0x1  }
0x240: {  	[tilespmem:s25+$0xFFFFFFB0] =	vst v2  }
0x241: {  	v2 =	vld [tilespmem:s31+$0x30];
	_ =	sdelay $0x4  }
0x242: {  	v2 =	vmul.f32 v2, v0;
	_ =	sdelay $0x1  }
0x243: {  	v2 =	vadd.f32 v2, v1;
	_ =	sdelay $0x1  }
0x244: {  	[tilespmem:s25+$0xFFFFFFC0] =	vst v2  }
0x245: {  	v2 =	vld [tilespmem:s31+$0x40];
	_ =	sdelay $0x4  }
0x246: {  	v2 =	vmul.f32 v2, v0;
	_ =	sdelay $0x1  }
0x247: {  	v2 =	vadd.f32 v2, v1;
	_ =	sdelay $0x1  }
0x248: {  	[tilespmem:s25+$0xFFFFFFD0] =	vst v2  }
0x249: {  	v2 =	vld [tilespmem:s31+$0x50];
	_ =	sdelay $0x4  }
0x24a: {  	v2 =	vmul.f32 v2, v0;
	_ =	sdelay $0x1  }
0x24b: {  	v2 =	vadd.f32 v2, v1;
	_ =	sdelay $0x1  }
0x24c: {  	[tilespmem:s25+$0xFFFFFFE0] =	vst v2  }
0x24d: {  	v2 =	vld [tilespmem:s31+$0x60];
	_ =	sdelay $0x4  }
0x24e: {  	v2 =	vmul.f32 v2, v0;
	_ =	sdelay $0x1  }
0x24f: {  	v2 =	vadd.f32 v2, v1;
	_ =	sdelay $0x1  }
0x250: {  	[tilespmem:s25+$0xFFFFFFF0] =	vst v2  }
0x251: {  	v2 =	vld [tilespmem:s31+$0x70];
	_ =	sdelay $0x4  }
0x252: {  	v2 =	vmul.f32 v2, v0;
	_ =	sdelay $0x1  }
0x253: {  	v2 =	vadd.f32 v2, v1;
	_ =	sdelay $0x1  }
0x254: {  	s28 =	simm.s32 $0x400;
	s26 =	simm.s32 $0x80;
	s24 =	sor.u32 $0x50, s23;
	[tilespmem:s25+$0x0] =	vst v2  }
.LBB2_13:
0x255: {  	p0 =	sne.s32 s28, $0x1E00;
	v2 =	vld [tilespmem:s26+$0x0];
	_ =	sdelay $0x4  }
0x256: {  	v2 =	vmul.f32 v2, v0;
	_ =	sdelay $0x1  }
0x257: {  	v2 =	vadd.f32 v2, v1  }
0x258: {  	s25 =	sadd.s32 $0x400, s25  }
0x259: {  	[tilespmem:s25+$0xFFFFFF90] =	vst v2  }
0x25a: {  	v2 =	vld [tilespmem:s26+$0x10];
	_ =	sdelay $0x4  }
0x25b: {  	v2 =	vmul.f32 v2, v0;
	_ =	sdelay $0x1  }
0x25c: {  	v2 =	vadd.f32 v2, v1;
	_ =	sdelay $0x1  }
0x25d: {  	[tilespmem:s25+$0xFFFFFFA0] =	vst v2  }
0x25e: {  	v2 =	vld [tilespmem:s26+$0x20];
	_ =	sdelay $0x4  }
0x25f: {  	v2 =	vmul.f32 v2, v0;
	_ =	sdelay $0x1  }
0x260: {  	v2 =	vadd.f32 v2, v1;
	_ =	sdelay $0x1  }
0x261: {  	[tilespmem:s25+$0xFFFFFFB0] =	vst v2  }
0x262: {  	v2 =	vld [tilespmem:s26+$0x30];
	_ =	sdelay $0x4  }
0x263: {  	v2 =	vmul.f32 v2, v0;
	_ =	sdelay $0x1  }
0x264: {  	v2 =	vadd.f32 v2, v1;
	_ =	sdelay $0x1  }
0x265: {  	[tilespmem:s25+$0xFFFFFFC0] =	vst v2  }
0x266: {  	v2 =	vld [tilespmem:s26+$0x40];
	_ =	sdelay $0x4  }
0x267: {  	v2 =	vmul.f32 v2, v0;
	_ =	sdelay $0x1  }
0x268: {  	v2 =	vadd.f32 v2, v1;
	_ =	sdelay $0x1  }
0x269: {  	[tilespmem:s25+$0xFFFFFFD0] =	vst v2  }
0x26a: {  	v2 =	vld [tilespmem:s26+$0x50];
	_ =	sdelay $0x4  }
0x26b: {  	v2 =	vmul.f32 v2, v0;
	_ =	sdelay $0x1  }
0x26c: {  	v2 =	vadd.f32 v2, v1;
	_ =	sdelay $0x1  }
0x26d: {  	[tilespmem:s25+$0xFFFFFFE0] =	vst v2  }
0x26e: {  	v2 =	vld [tilespmem:s26+$0x60];
	_ =	sdelay $0x4  }
0x26f: {  	v2 =	vmul.f32 v2, v0;
	_ =	sdelay $0x1  }
0x270: {  	v2 =	vadd.f32 v2, v1;
	_ =	sdelay $0x1  }
0x271: {  	[tilespmem:s25+$0xFFFFFFF0] =	vst v2  }
0x272: {  	v2 =	vld [tilespmem:s26+$0x70];
	_ =	sdelay $0x4  }
.Ltmp5:
0x273: {  	v2 =	vmul.f32 v2, v0;
	(pc) =	sbr.rel @p0 .LBB2_13-.Ltmp5, $3  }
0x274: {  	_ = 	snop  }
0x275: {  	v2 =	vadd.f32 v2, v1;
	_ =	sdelay $0x1  }
0x276: {  	s26 =	sshra.s32 s28, $0x2;
	s28 =	sadd.s32 $0x200, s28;
	[tilespmem:s25+$0x0] =	vst v2  }
0x277: {  	v2 =	vld [tilespmem:s26+$0x0];
	_ =	sdelay $0x4  }
0x278: {  	v2 =	vmul.f32 v2, v0;
	_ =	sdelay $0x1  }
0x279: {  	v2 =	vadd.f32 v2, v1  }
0x27a: {  	s25 =	sadd.s32 $0x400, s25  }
0x27b: {  	[tilespmem:s25+$0xFFFFFF90] =	vst v2  }
0x27c: {  	v2 =	vld [tilespmem:s26+$0x10];
	_ =	sdelay $0x4  }
0x27d: {  	v2 =	vmul.f32 v2, v0;
	_ =	sdelay $0x1  }
0x27e: {  	v2 =	vadd.f32 v2, v1;
	_ =	sdelay $0x1  }
0x27f: {  	[tilespmem:s25+$0xFFFFFFA0] =	vst v2  }
0x280: {  	v2 =	vld [tilespmem:s26+$0x20];
	_ =	sdelay $0x4  }
0x281: {  	v2 =	vmul.f32 v2, v0;
	_ =	sdelay $0x1  }
0x282: {  	v2 =	vadd.f32 v2, v1;
	_ =	sdelay $0x1  }
0x283: {  	[tilespmem:s25+$0xFFFFFFB0] =	vst v2  }
0x284: {  	v2 =	vld [tilespmem:s26+$0x30];
	_ =	sdelay $0x4  }
0x285: {  	v2 =	vmul.f32 v2, v0;
	_ =	sdelay $0x1  }
0x286: {  	v2 =	vadd.f32 v2, v1;
	_ =	sdelay $0x1  }
0x287: {  	[tilespmem:s25+$0xFFFFFFC0] =	vst v2  }
0x288: {  	v2 =	vld [tilespmem:s26+$0x40];
	_ =	sdelay $0x4  }
0x289: {  	v2 =	vmul.f32 v2, v0;
	_ =	sdelay $0x1  }
0x28a: {  	v2 =	vadd.f32 v2, v1;
	_ =	sdelay $0x1  }
0x28b: {  	[tilespmem:s25+$0xFFFFFFD0] =	vst v2  }
0x28c: {  	v2 =	vld [tilespmem:s26+$0x50];
	_ =	sdelay $0x4  }
0x28d: {  	v2 =	vmul.f32 v2, v0;
	_ =	sdelay $0x1  }
0x28e: {  	v2 =	vadd.f32 v2, v1;
	_ =	sdelay $0x1  }
0x28f: {  	[tilespmem:s25+$0xFFFFFFE0] =	vst v2  }
0x290: {  	v2 =	vld [tilespmem:s26+$0x60];
	_ =	sdelay $0x4  }
0x291: {  	v2 =	vmul.f32 v2, v0;
	_ =	sdelay $0x1  }
0x292: {  	v2 =	vadd.f32 v2, v1;
	_ =	sdelay $0x1  }
0x293: {  	[tilespmem:s25+$0xFFFFFFF0] =	vst v2  }
0x294: {  	v2 =	vld [tilespmem:s26+$0x70];
	_ =	sdelay $0x4  }
0x295: {  	v2 =	vmul.f32 v2, v0;
	_ =	sdelay $0x1  }
0x296: {  	v1 =	vadd.f32 v2, v1;
	_ =	sdelay $0x1  }
0x297: {  	[tilespmem:s25+$0x0] =	vst v1  }
0x298: {  	v1 =	vld [tilespmem:s24+$0x800];
	_ =	sdelay $0x6  }
0x299: {  	s30 =	simm.s32 $0x0  }
0x29a: {  	v2 =	vld.idx.msk [tilespmem:v1+s30+$0x0], $0xffff  }
0x29b: {  	v3 =	vshll.u32 v1, $0x3  }
0x29c: {  	v4 =	vld [tilespmem:s24+$0x4800];
	v3 =	vand.u32 $0xFFFFFC00, v3;
	v1 =	vand.u32 $0x7F, v1  }
0x29d: {  	v1 =	vor.u32 v3, v1  }
0x29e: {  	v1 =	vor.u32 $0x280, v1  }
0x29f: {  	v2 =	vmul.f32 v2, v0;
	_ =	sdelay $0x1  }
0x2a0: {  	v2 =	vadd.f32 v4, v2;
	_ =	sdelay $0x1  }
0x2a1: {  	s31 =	simm.s32 $0x0;
	[tilespmem:v1+s18+$0x0] =	vst.idx.msk $0xffff, v2  }
0x2a2: {  	v2 =	vld [tilespmem:s31+$0x0];
	_ =	sdelay $0x1  }
0x2a3: {  	v1 =	vld [tilespmem:s23+$0x8860];
	_ =	sdelay $0x2  }
0x2a4: {  	v2 =	vmul.f32 v2, v0;
	_ =	sdelay $0x1  }
0x2a5: {  	v2 =	vadd.f32 v2, v1  }
0x2a6: {  	s25 =	simm.s32 $0xCBF0  }
0x2a7: {  	[tilespmem:s25+$0xFFFFFF90] =	vst v2  }
0x2a8: {  	v2 =	vld [tilespmem:s31+$0x10];
	_ =	sdelay $0x4  }
0x2a9: {  	v2 =	vmul.f32 v2, v0;
	_ =	sdelay $0x1  }
0x2aa: {  	v2 =	vadd.f32 v2, v1;
	_ =	sdelay $0x1  }
0x2ab: {  	[tilespmem:s25+$0xFFFFFFA0] =	vst v2  }
0x2ac: {  	v2 =	vld [tilespmem:s31+$0x20];
	_ =	sdelay $0x4  }
0x2ad: {  	v2 =	vmul.f32 v2, v0;
	_ =	sdelay $0x1  }
0x2ae: {  	v2 =	vadd.f32 v2, v1;
	_ =	sdelay $0x1  }
0x2af: {  	[tilespmem:s25+$0xFFFFFFB0] =	vst v2  }
0x2b0: {  	v2 =	vld [tilespmem:s31+$0x30];
	_ =	sdelay $0x4  }
0x2b1: {  	v2 =	vmul.f32 v2, v0;
	_ =	sdelay $0x1  }
0x2b2: {  	v2 =	vadd.f32 v2, v1;
	_ =	sdelay $0x1  }
0x2b3: {  	[tilespmem:s25+$0xFFFFFFC0] =	vst v2  }
0x2b4: {  	v2 =	vld [tilespmem:s31+$0x40];
	_ =	sdelay $0x4  }
0x2b5: {  	v2 =	vmul.f32 v2, v0;
	_ =	sdelay $0x1  }
0x2b6: {  	v2 =	vadd.f32 v2, v1;
	_ =	sdelay $0x1  }
0x2b7: {  	[tilespmem:s25+$0xFFFFFFD0] =	vst v2  }
0x2b8: {  	v2 =	vld [tilespmem:s31+$0x50];
	_ =	sdelay $0x4  }
0x2b9: {  	v2 =	vmul.f32 v2, v0;
	_ =	sdelay $0x1  }
0x2ba: {  	v2 =	vadd.f32 v2, v1;
	_ =	sdelay $0x1  }
0x2bb: {  	[tilespmem:s25+$0xFFFFFFE0] =	vst v2  }
0x2bc: {  	v2 =	vld [tilespmem:s31+$0x60];
	_ =	sdelay $0x4  }
0x2bd: {  	v2 =	vmul.f32 v2, v0;
	_ =	sdelay $0x1  }
0x2be: {  	v2 =	vadd.f32 v2, v1;
	_ =	sdelay $0x1  }
0x2bf: {  	[tilespmem:s25+$0xFFFFFFF0] =	vst v2  }
0x2c0: {  	v2 =	vld [tilespmem:s31+$0x70];
	_ =	sdelay $0x4  }
0x2c1: {  	v2 =	vmul.f32 v2, v0;
	_ =	sdelay $0x1  }
0x2c2: {  	v2 =	vadd.f32 v2, v1;
	_ =	sdelay $0x1  }
0x2c3: {  	s28 =	simm.s32 $0x400;
	s26 =	simm.s32 $0x80;
	s24 =	sor.u32 $0x60, s23;
	[tilespmem:s25+$0x0] =	vst v2  }
.LBB2_15:
0x2c4: {  	p0 =	sne.s32 s28, $0x1E00;
	v2 =	vld [tilespmem:s26+$0x0];
	_ =	sdelay $0x4  }
0x2c5: {  	v2 =	vmul.f32 v2, v0;
	_ =	sdelay $0x1  }
0x2c6: {  	v2 =	vadd.f32 v2, v1  }
0x2c7: {  	s25 =	sadd.s32 $0x400, s25  }
0x2c8: {  	[tilespmem:s25+$0xFFFFFF90] =	vst v2  }
0x2c9: {  	v2 =	vld [tilespmem:s26+$0x10];
	_ =	sdelay $0x4  }
0x2ca: {  	v2 =	vmul.f32 v2, v0;
	_ =	sdelay $0x1  }
0x2cb: {  	v2 =	vadd.f32 v2, v1;
	_ =	sdelay $0x1  }
0x2cc: {  	[tilespmem:s25+$0xFFFFFFA0] =	vst v2  }
0x2cd: {  	v2 =	vld [tilespmem:s26+$0x20];
	_ =	sdelay $0x4  }
0x2ce: {  	v2 =	vmul.f32 v2, v0;
	_ =	sdelay $0x1  }
0x2cf: {  	v2 =	vadd.f32 v2, v1;
	_ =	sdelay $0x1  }
0x2d0: {  	[tilespmem:s25+$0xFFFFFFB0] =	vst v2  }
0x2d1: {  	v2 =	vld [tilespmem:s26+$0x30];
	_ =	sdelay $0x4  }
0x2d2: {  	v2 =	vmul.f32 v2, v0;
	_ =	sdelay $0x1  }
0x2d3: {  	v2 =	vadd.f32 v2, v1;
	_ =	sdelay $0x1  }
0x2d4: {  	[tilespmem:s25+$0xFFFFFFC0] =	vst v2  }
0x2d5: {  	v2 =	vld [tilespmem:s26+$0x40];
	_ =	sdelay $0x4  }
0x2d6: {  	v2 =	vmul.f32 v2, v0;
	_ =	sdelay $0x1  }
0x2d7: {  	v2 =	vadd.f32 v2, v1;
	_ =	sdelay $0x1  }
0x2d8: {  	[tilespmem:s25+$0xFFFFFFD0] =	vst v2  }
0x2d9: {  	v2 =	vld [tilespmem:s26+$0x50];
	_ =	sdelay $0x4  }
0x2da: {  	v2 =	vmul.f32 v2, v0;
	_ =	sdelay $0x1  }
0x2db: {  	v2 =	vadd.f32 v2, v1;
	_ =	sdelay $0x1  }
0x2dc: {  	[tilespmem:s25+$0xFFFFFFE0] =	vst v2  }
0x2dd: {  	v2 =	vld [tilespmem:s26+$0x60];
	_ =	sdelay $0x4  }
0x2de: {  	v2 =	vmul.f32 v2, v0;
	_ =	sdelay $0x1  }
0x2df: {  	v2 =	vadd.f32 v2, v1;
	_ =	sdelay $0x1  }
0x2e0: {  	[tilespmem:s25+$0xFFFFFFF0] =	vst v2  }
0x2e1: {  	v2 =	vld [tilespmem:s26+$0x70];
	_ =	sdelay $0x4  }
.Ltmp6:
0x2e2: {  	v2 =	vmul.f32 v2, v0;
	(pc) =	sbr.rel @p0 .LBB2_15-.Ltmp6, $3  }
0x2e3: {  	_ = 	snop  }
0x2e4: {  	v2 =	vadd.f32 v2, v1;
	_ =	sdelay $0x1  }
0x2e5: {  	s26 =	sshra.s32 s28, $0x2;
	s28 =	sadd.s32 $0x200, s28;
	[tilespmem:s25+$0x0] =	vst v2  }
0x2e6: {  	v2 =	vld [tilespmem:s26+$0x0];
	_ =	sdelay $0x4  }
0x2e7: {  	v2 =	vmul.f32 v2, v0;
	_ =	sdelay $0x1  }
0x2e8: {  	v2 =	vadd.f32 v2, v1  }
0x2e9: {  	s25 =	sadd.s32 $0x400, s25  }
0x2ea: {  	[tilespmem:s25+$0xFFFFFF90] =	vst v2  }
0x2eb: {  	v2 =	vld [tilespmem:s26+$0x10];
	_ =	sdelay $0x4  }
0x2ec: {  	v2 =	vmul.f32 v2, v0;
	_ =	sdelay $0x1  }
0x2ed: {  	v2 =	vadd.f32 v2, v1;
	_ =	sdelay $0x1  }
0x2ee: {  	[tilespmem:s25+$0xFFFFFFA0] =	vst v2  }
0x2ef: {  	v2 =	vld [tilespmem:s26+$0x20];
	_ =	sdelay $0x4  }
0x2f0: {  	v2 =	vmul.f32 v2, v0;
	_ =	sdelay $0x1  }
0x2f1: {  	v2 =	vadd.f32 v2, v1;
	_ =	sdelay $0x1  }
0x2f2: {  	[tilespmem:s25+$0xFFFFFFB0] =	vst v2  }
0x2f3: {  	v2 =	vld [tilespmem:s26+$0x30];
	_ =	sdelay $0x4  }
0x2f4: {  	v2 =	vmul.f32 v2, v0;
	_ =	sdelay $0x1  }
0x2f5: {  	v2 =	vadd.f32 v2, v1;
	_ =	sdelay $0x1  }
0x2f6: {  	[tilespmem:s25+$0xFFFFFFC0] =	vst v2  }
0x2f7: {  	v2 =	vld [tilespmem:s26+$0x40];
	_ =	sdelay $0x4  }
0x2f8: {  	v2 =	vmul.f32 v2, v0;
	_ =	sdelay $0x1  }
0x2f9: {  	v2 =	vadd.f32 v2, v1;
	_ =	sdelay $0x1  }
0x2fa: {  	[tilespmem:s25+$0xFFFFFFD0] =	vst v2  }
0x2fb: {  	v2 =	vld [tilespmem:s26+$0x50];
	_ =	sdelay $0x4  }
0x2fc: {  	v2 =	vmul.f32 v2, v0;
	_ =	sdelay $0x1  }
0x2fd: {  	v2 =	vadd.f32 v2, v1;
	_ =	sdelay $0x1  }
0x2fe: {  	[tilespmem:s25+$0xFFFFFFE0] =	vst v2  }
0x2ff: {  	v2 =	vld [tilespmem:s26+$0x60];
	_ =	sdelay $0x4  }
0x300: {  	v2 =	vmul.f32 v2, v0;
	_ =	sdelay $0x1  }
0x301: {  	v2 =	vadd.f32 v2, v1;
	_ =	sdelay $0x1  }
0x302: {  	[tilespmem:s25+$0xFFFFFFF0] =	vst v2  }
0x303: {  	v2 =	vld [tilespmem:s26+$0x70];
	_ =	sdelay $0x4  }
0x304: {  	v2 =	vmul.f32 v2, v0;
	_ =	sdelay $0x1  }
0x305: {  	v1 =	vadd.f32 v2, v1;
	_ =	sdelay $0x1  }
0x306: {  	[tilespmem:s25+$0x0] =	vst v1  }
0x307: {  	v1 =	vld [tilespmem:s24+$0x800];
	_ =	sdelay $0x6  }
0x308: {  	s30 =	simm.s32 $0x0  }
0x309: {  	v2 =	vld.idx.msk [tilespmem:v1+s30+$0x0], $0xffff  }
0x30a: {  	v3 =	vshll.u32 v1, $0x3  }
0x30b: {  	v4 =	vld [tilespmem:s24+$0x4800];
	v3 =	vand.u32 $0xFFFFFC00, v3;
	v1 =	vand.u32 $0x7F, v1  }
0x30c: {  	v1 =	vor.u32 v3, v1  }
0x30d: {  	v1 =	vor.u32 $0x300, v1  }
0x30e: {  	v2 =	vmul.f32 v2, v0;
	_ =	sdelay $0x1  }
0x30f: {  	v2 =	vadd.f32 v4, v2;
	_ =	sdelay $0x1  }
0x310: {  	s31 =	simm.s32 $0x0;
	[tilespmem:v1+s18+$0x0] =	vst.idx.msk $0xffff, v2  }
0x311: {  	v2 =	vld [tilespmem:s31+$0x0];
	_ =	sdelay $0x1  }
0x312: {  	v1 =	vld [tilespmem:s23+$0x8870];
	_ =	sdelay $0x2  }
0x313: {  	v2 =	vmul.f32 v2, v0;
	_ =	sdelay $0x1  }
0x314: {  	v2 =	vadd.f32 v2, v1  }
0x315: {  	s25 =	simm.s32 $0xCC70  }
0x316: {  	[tilespmem:s25+$0xFFFFFF90] =	vst v2  }
0x317: {  	v2 =	vld [tilespmem:s31+$0x10];
	_ =	sdelay $0x4  }
0x318: {  	v2 =	vmul.f32 v2, v0;
	_ =	sdelay $0x1  }
0x319: {  	v2 =	vadd.f32 v2, v1;
	_ =	sdelay $0x1  }
0x31a: {  	[tilespmem:s25+$0xFFFFFFA0] =	vst v2  }
0x31b: {  	v2 =	vld [tilespmem:s31+$0x20];
	_ =	sdelay $0x4  }
0x31c: {  	v2 =	vmul.f32 v2, v0;
	_ =	sdelay $0x1  }
0x31d: {  	v2 =	vadd.f32 v2, v1;
	_ =	sdelay $0x1  }
0x31e: {  	[tilespmem:s25+$0xFFFFFFB0] =	vst v2  }
0x31f: {  	v2 =	vld [tilespmem:s31+$0x30];
	_ =	sdelay $0x4  }
0x320: {  	v2 =	vmul.f32 v2, v0;
	_ =	sdelay $0x1  }
0x321: {  	v2 =	vadd.f32 v2, v1;
	_ =	sdelay $0x1  }
0x322: {  	[tilespmem:s25+$0xFFFFFFC0] =	vst v2  }
0x323: {  	v2 =	vld [tilespmem:s31+$0x40];
	_ =	sdelay $0x4  }
0x324: {  	v2 =	vmul.f32 v2, v0;
	_ =	sdelay $0x1  }
0x325: {  	v2 =	vadd.f32 v2, v1;
	_ =	sdelay $0x1  }
0x326: {  	[tilespmem:s25+$0xFFFFFFD0] =	vst v2  }
0x327: {  	v2 =	vld [tilespmem:s31+$0x50];
	_ =	sdelay $0x4  }
0x328: {  	v2 =	vmul.f32 v2, v0;
	_ =	sdelay $0x1  }
0x329: {  	v2 =	vadd.f32 v2, v1;
	_ =	sdelay $0x1  }
0x32a: {  	[tilespmem:s25+$0xFFFFFFE0] =	vst v2  }
0x32b: {  	v2 =	vld [tilespmem:s31+$0x60];
	_ =	sdelay $0x4  }
0x32c: {  	v2 =	vmul.f32 v2, v0;
	_ =	sdelay $0x1  }
0x32d: {  	v2 =	vadd.f32 v2, v1;
	_ =	sdelay $0x1  }
0x32e: {  	[tilespmem:s25+$0xFFFFFFF0] =	vst v2  }
0x32f: {  	v2 =	vld [tilespmem:s31+$0x70];
	_ =	sdelay $0x4  }
0x330: {  	v2 =	vmul.f32 v2, v0;
	_ =	sdelay $0x1  }
0x331: {  	v2 =	vadd.f32 v2, v1;
	_ =	sdelay $0x1  }
0x332: {  	s28 =	simm.s32 $0x400;
	s26 =	simm.s32 $0x80;
	s24 =	sor.u32 $0x70, s23;
	[tilespmem:s25+$0x0] =	vst v2  }
.LBB2_17:
0x333: {  	p0 =	sne.s32 s28, $0x1E00;
	v2 =	vld [tilespmem:s26+$0x0];
	_ =	sdelay $0x4  }
0x334: {  	v2 =	vmul.f32 v2, v0;
	_ =	sdelay $0x1  }
0x335: {  	v2 =	vadd.f32 v2, v1  }
0x336: {  	s25 =	sadd.s32 $0x400, s25  }
0x337: {  	[tilespmem:s25+$0xFFFFFF90] =	vst v2  }
0x338: {  	v2 =	vld [tilespmem:s26+$0x10];
	_ =	sdelay $0x4  }
0x339: {  	v2 =	vmul.f32 v2, v0;
	_ =	sdelay $0x1  }
0x33a: {  	v2 =	vadd.f32 v2, v1;
	_ =	sdelay $0x1  }
0x33b: {  	[tilespmem:s25+$0xFFFFFFA0] =	vst v2  }
0x33c: {  	v2 =	vld [tilespmem:s26+$0x20];
	_ =	sdelay $0x4  }
0x33d: {  	v2 =	vmul.f32 v2, v0;
	_ =	sdelay $0x1  }
0x33e: {  	v2 =	vadd.f32 v2, v1;
	_ =	sdelay $0x1  }
0x33f: {  	[tilespmem:s25+$0xFFFFFFB0] =	vst v2  }
0x340: {  	v2 =	vld [tilespmem:s26+$0x30];
	_ =	sdelay $0x4  }
0x341: {  	v2 =	vmul.f32 v2, v0;
	_ =	sdelay $0x1  }
0x342: {  	v2 =	vadd.f32 v2, v1;
	_ =	sdelay $0x1  }
0x343: {  	[tilespmem:s25+$0xFFFFFFC0] =	vst v2  }
0x344: {  	v2 =	vld [tilespmem:s26+$0x40];
	_ =	sdelay $0x4  }
0x345: {  	v2 =	vmul.f32 v2, v0;
	_ =	sdelay $0x1  }
0x346: {  	v2 =	vadd.f32 v2, v1;
	_ =	sdelay $0x1  }
0x347: {  	[tilespmem:s25+$0xFFFFFFD0] =	vst v2  }
0x348: {  	v2 =	vld [tilespmem:s26+$0x50];
	_ =	sdelay $0x4  }
0x349: {  	v2 =	vmul.f32 v2, v0;
	_ =	sdelay $0x1  }
0x34a: {  	v2 =	vadd.f32 v2, v1;
	_ =	sdelay $0x1  }
0x34b: {  	[tilespmem:s25+$0xFFFFFFE0] =	vst v2  }
0x34c: {  	v2 =	vld [tilespmem:s26+$0x60];
	_ =	sdelay $0x4  }
0x34d: {  	v2 =	vmul.f32 v2, v0;
	_ =	sdelay $0x1  }
0x34e: {  	v2 =	vadd.f32 v2, v1;
	_ =	sdelay $0x1  }
0x34f: {  	[tilespmem:s25+$0xFFFFFFF0] =	vst v2  }
0x350: {  	v2 =	vld [tilespmem:s26+$0x70];
	_ =	sdelay $0x4  }
.Ltmp7:
0x351: {  	v2 =	vmul.f32 v2, v0;
	(pc) =	sbr.rel @p0 .LBB2_17-.Ltmp7, $3  }
0x352: {  	_ = 	snop  }
0x353: {  	v2 =	vadd.f32 v2, v1;
	_ =	sdelay $0x1  }
0x354: {  	s26 =	sshra.s32 s28, $0x2;
	s28 =	sadd.s32 $0x200, s28;
	[tilespmem:s25+$0x0] =	vst v2  }
0x355: {  	v2 =	vld [tilespmem:s26+$0x0];
	_ =	sdelay $0x4  }
0x356: {  	v2 =	vmul.f32 v2, v0;
	_ =	sdelay $0x1  }
0x357: {  	v2 =	vadd.f32 v2, v1  }
0x358: {  	s25 =	sadd.s32 $0x400, s25  }
0x359: {  	[tilespmem:s25+$0xFFFFFF90] =	vst v2  }
0x35a: {  	v2 =	vld [tilespmem:s26+$0x10];
	_ =	sdelay $0x4  }
0x35b: {  	v2 =	vmul.f32 v2, v0;
	_ =	sdelay $0x1  }
0x35c: {  	v2 =	vadd.f32 v2, v1;
	_ =	sdelay $0x1  }
0x35d: {  	[tilespmem:s25+$0xFFFFFFA0] =	vst v2  }
0x35e: {  	v2 =	vld [tilespmem:s26+$0x20];
	_ =	sdelay $0x4  }
0x35f: {  	v2 =	vmul.f32 v2, v0;
	_ =	sdelay $0x1  }
0x360: {  	v2 =	vadd.f32 v2, v1;
	_ =	sdelay $0x1  }
0x361: {  	[tilespmem:s25+$0xFFFFFFB0] =	vst v2  }
0x362: {  	v2 =	vld [tilespmem:s26+$0x30];
	_ =	sdelay $0x4  }
0x363: {  	v2 =	vmul.f32 v2, v0;
	_ =	sdelay $0x1  }
0x364: {  	v2 =	vadd.f32 v2, v1;
	_ =	sdelay $0x1  }
0x365: {  	[tilespmem:s25+$0xFFFFFFC0] =	vst v2  }
0x366: {  	v2 =	vld [tilespmem:s26+$0x40];
	_ =	sdelay $0x4  }
0x367: {  	v2 =	vmul.f32 v2, v0;
	_ =	sdelay $0x1  }
0x368: {  	v2 =	vadd.f32 v2, v1;
	_ =	sdelay $0x1  }
0x369: {  	[tilespmem:s25+$0xFFFFFFD0] =	vst v2  }
0x36a: {  	v2 =	vld [tilespmem:s26+$0x50];
	_ =	sdelay $0x4  }
0x36b: {  	v2 =	vmul.f32 v2, v0;
	_ =	sdelay $0x1  }
0x36c: {  	v2 =	vadd.f32 v2, v1;
	_ =	sdelay $0x1  }
0x36d: {  	[tilespmem:s25+$0xFFFFFFE0] =	vst v2  }
0x36e: {  	v2 =	vld [tilespmem:s26+$0x60];
	_ =	sdelay $0x4  }
0x36f: {  	v2 =	vmul.f32 v2, v0;
	_ =	sdelay $0x1  }
0x370: {  	v2 =	vadd.f32 v2, v1;
	_ =	sdelay $0x1  }
0x371: {  	[tilespmem:s25+$0xFFFFFFF0] =	vst v2  }
0x372: {  	v2 =	vld [tilespmem:s26+$0x70];
	_ =	sdelay $0x4  }
0x373: {  	v2 =	vmul.f32 v2, v0;
	_ =	sdelay $0x1  }
0x374: {  	v1 =	vadd.f32 v2, v1;
	_ =	sdelay $0x1  }
0x375: {  	[tilespmem:s25+$0x0] =	vst v1  }
0x376: {  	v1 =	vld [tilespmem:s24+$0x800];
	_ =	sdelay $0x6  }
0x377: {  	s26 =	simm.s32 $0x0  }
0x378: {  	v2 =	vld.idx.msk [tilespmem:v1+s26+$0x0], $0xffff  }
0x379: {  	v3 =	vshll.u32 v1, $0x3  }
0x37a: {  	v4 =	vld [tilespmem:s24+$0x4800];
	v3 =	vand.u32 $0xFFFFFC00, v3;
	v1 =	vand.u32 $0x7F, v1  }
0x37b: {  	v1 =	vor.u32 v3, v1  }
0x37c: {  	v1 =	vor.u32 $0x380, v1  }
0x37d: {  	v2 =	vmul.f32 v2, v0;
	_ =	sdelay $0x1  }
0x37e: {  	v2 =	vadd.f32 v4, v2;
	_ =	sdelay $0x1  }
0x37f: {  	[tilespmem:v1+s18+$0x0] =	vst.idx.msk $0xffff, v2  }
0x380: {  	s25 =	simm.s32 $0x40;
	v1 =	vld [tilespmem:s23+$0x8C00]  }
0x381: {  	s28 =	simm.s32 $0x1000;
	s24 =	sor.u32 $0x400, s23;
	v2 =	vld [tilespmem:s25+$0xFFFFFFC0]  }
.LBB2_19:
0x382: {  	p0 =	sne.s32 s28, $0xF000;
	_ =	sdelay $0x3  }
0x383: {  	v2 =	vmul.f32 v2, v0;
	_ =	sdelay $0x1  }
0x384: {  	v2 =	vadd.f32 v2, v1  }
0x385: {  	s29 =	sshra.s32 s26, $0x2;
	s26 =	smov.u32 s28  }
0x386: {  	[tilespmem:s29+$0x10880] =	vst v2  }
0x387: {  	v2 =	vld [tilespmem:s25+$0xFFFFFFD0];
	_ =	sdelay $0x4  }
0x388: {  	v2 =	vmul.f32 v2, v0;
	_ =	sdelay $0x1  }
0x389: {  	v2 =	vadd.f32 v2, v1;
	_ =	sdelay $0x1  }
0x38a: {  	[tilespmem:s29+$0x10890] =	vst v2  }
0x38b: {  	v2 =	vld [tilespmem:s25+$0xFFFFFFE0];
	_ =	sdelay $0x4  }
0x38c: {  	v2 =	vmul.f32 v2, v0;
	_ =	sdelay $0x1  }
0x38d: {  	v2 =	vadd.f32 v2, v1;
	_ =	sdelay $0x1  }
0x38e: {  	[tilespmem:s29+$0x108A0] =	vst v2  }
0x38f: {  	v2 =	vld [tilespmem:s25+$0xFFFFFFF0];
	_ =	sdelay $0x4  }
0x390: {  	v2 =	vmul.f32 v2, v0;
	_ =	sdelay $0x1  }
0x391: {  	v2 =	vadd.f32 v2, v1;
	_ =	sdelay $0x1  }
0x392: {  	[tilespmem:s29+$0x108B0] =	vst v2  }
0x393: {  	v2 =	vld [tilespmem:s25+$0x0];
	_ =	sdelay $0x4  }
0x394: {  	v2 =	vmul.f32 v2, v0;
	_ =	sdelay $0x1  }
0x395: {  	v2 =	vadd.f32 v2, v1;
	_ =	sdelay $0x1  }
0x396: {  	[tilespmem:s29+$0x108C0] =	vst v2  }
0x397: {  	v2 =	vld [tilespmem:s25+$0x10];
	_ =	sdelay $0x4  }
0x398: {  	v2 =	vmul.f32 v2, v0;
	_ =	sdelay $0x1  }
0x399: {  	v2 =	vadd.f32 v2, v1;
	_ =	sdelay $0x1  }
0x39a: {  	[tilespmem:s29+$0x108D0] =	vst v2  }
0x39b: {  	v2 =	vld [tilespmem:s25+$0x20];
	_ =	sdelay $0x4  }
0x39c: {  	v2 =	vmul.f32 v2, v0;
	_ =	sdelay $0x1  }
0x39d: {  	v2 =	vadd.f32 v2, v1;
	_ =	sdelay $0x1  }
0x39e: {  	[tilespmem:s29+$0x108E0] =	vst v2  }
0x39f: {  	v2 =	vld [tilespmem:s25+$0x30];
	_ =	sdelay $0x4  }
0x3a0: {  	v2 =	vmul.f32 v2, v0  }
.Ltmp8:
0x3a1: {  	(pc) =	sbr.rel @p0 .LBB2_19-.Ltmp8, $3  }
0x3a2: {  	v2 =	vadd.f32 v2, v1;
	_ =	sdelay $0x1  }
0x3a3: {  	s25 =	sadd.s32 $0x80, s25;
	[tilespmem:s29+$0x108F0] =	vst v2  }
0x3a4: {  	s28 =	sadd.s32 $0x1000, s28;
	v2 =	vld [tilespmem:s25+$0xFFFFFFC0]  }
0x3a5: {  	_ =	sdelay $0x3  }
0x3a6: {  	v2 =	vmul.f32 v2, v0;
	_ =	sdelay $0x1  }
0x3a7: {  	v2 =	vadd.f32 v2, v1  }
0x3a8: {  	s26 =	sshra.s32 s26, $0x2  }
0x3a9: {  	[tilespmem:s26+$0x10880] =	vst v2  }
0x3aa: {  	v2 =	vld [tilespmem:s25+$0xFFFFFFD0];
	_ =	sdelay $0x4  }
0x3ab: {  	v2 =	vmul.f32 v2, v0;
	_ =	sdelay $0x1  }
0x3ac: {  	v2 =	vadd.f32 v2, v1;
	_ =	sdelay $0x1  }
0x3ad: {  	[tilespmem:s26+$0x10890] =	vst v2  }
0x3ae: {  	v2 =	vld [tilespmem:s25+$0xFFFFFFE0];
	_ =	sdelay $0x4  }
0x3af: {  	v2 =	vmul.f32 v2, v0;
	_ =	sdelay $0x1  }
0x3b0: {  	v2 =	vadd.f32 v2, v1;
	_ =	sdelay $0x1  }
0x3b1: {  	[tilespmem:s26+$0x108A0] =	vst v2  }
0x3b2: {  	v2 =	vld [tilespmem:s25+$0xFFFFFFF0];
	_ =	sdelay $0x4  }
0x3b3: {  	v2 =	vmul.f32 v2, v0;
	_ =	sdelay $0x1  }
0x3b4: {  	v2 =	vadd.f32 v2, v1;
	_ =	sdelay $0x1  }
0x3b5: {  	[tilespmem:s26+$0x108B0] =	vst v2  }
0x3b6: {  	v2 =	vld [tilespmem:s25+$0x0];
	_ =	sdelay $0x4  }
0x3b7: {  	v2 =	vmul.f32 v2, v0;
	_ =	sdelay $0x1  }
0x3b8: {  	v2 =	vadd.f32 v2, v1;
	_ =	sdelay $0x1  }
0x3b9: {  	[tilespmem:s26+$0x108C0] =	vst v2  }
0x3ba: {  	v2 =	vld [tilespmem:s25+$0x10];
	_ =	sdelay $0x4  }
0x3bb: {  	v2 =	vmul.f32 v2, v0;
	_ =	sdelay $0x1  }
0x3bc: {  	v2 =	vadd.f32 v2, v1;
	_ =	sdelay $0x1  }
0x3bd: {  	[tilespmem:s26+$0x108D0] =	vst v2  }
0x3be: {  	v2 =	vld [tilespmem:s25+$0x20];
	_ =	sdelay $0x4  }
0x3bf: {  	v2 =	vmul.f32 v2, v0;
	_ =	sdelay $0x1  }
0x3c0: {  	v2 =	vadd.f32 v2, v1;
	_ =	sdelay $0x1  }
0x3c1: {  	[tilespmem:s26+$0x108E0] =	vst v2  }
0x3c2: {  	v2 =	vld [tilespmem:s25+$0x30];
	_ =	sdelay $0x4  }
0x3c3: {  	v2 =	vmul.f32 v2, v0;
	_ =	sdelay $0x1  }
0x3c4: {  	v1 =	vadd.f32 v2, v1;
	_ =	sdelay $0x1  }
0x3c5: {  	[tilespmem:s26+$0x108F0] =	vst v1  }
0x3c6: {  	v1 =	vld [tilespmem:s24+$0x800];
	_ =	sdelay $0x6  }
0x3c7: {  	s26 =	simm.s32 $0x0  }
0x3c8: {  	v2 =	vld.idx.msk [tilespmem:v1+s26+$0x0], $0xffff  }
0x3c9: {  	v3 =	vshll.u32 v1, $0x3  }
0x3ca: {  	v4 =	vld [tilespmem:s24+$0x4800];
	v3 =	vand.u32 $0xFFFFFC00, v3;
	v1 =	vand.u32 $0x7F, v1  }
0x3cb: {  	v1 =	vor.u32 v1, v3  }
0x3cc: {  	v1 =	vadd.s32 $0x4000, v1  }
0x3cd: {  	v2 =	vmul.f32 v2, v0;
	_ =	sdelay $0x1  }
0x3ce: {  	v2 =	vadd.f32 v4, v2;
	_ =	sdelay $0x1  }
0x3cf: {  	[tilespmem:v1+s18+$0x0] =	vst.idx.msk $0xffff, v2  }
0x3d0: {  	s25 =	simm.s32 $0x40;
	v1 =	vld [tilespmem:s23+$0x8C10]  }
0x3d1: {  	s28 =	simm.s32 $0x1000;
	s24 =	sor.u32 $0x410, s23;
	v2 =	vld [tilespmem:s25+$0xFFFFFFC0]  }
.LBB2_21:
0x3d2: {  	p0 =	sne.s32 s28, $0xF000;
	_ =	sdelay $0x3  }
0x3d3: {  	v2 =	vmul.f32 v2, v0;
	_ =	sdelay $0x1  }
0x3d4: {  	v2 =	vadd.f32 v2, v1  }
0x3d5: {  	s29 =	sshra.s32 s26, $0x2;
	s26 =	smov.u32 s28  }
0x3d6: {  	[tilespmem:s29+$0x10900] =	vst v2  }
0x3d7: {  	v2 =	vld [tilespmem:s25+$0xFFFFFFD0];
	_ =	sdelay $0x4  }
0x3d8: {  	v2 =	vmul.f32 v2, v0;
	_ =	sdelay $0x1  }
0x3d9: {  	v2 =	vadd.f32 v2, v1;
	_ =	sdelay $0x1  }
0x3da: {  	[tilespmem:s29+$0x10910] =	vst v2  }
0x3db: {  	v2 =	vld [tilespmem:s25+$0xFFFFFFE0];
	_ =	sdelay $0x4  }
0x3dc: {  	v2 =	vmul.f32 v2, v0;
	_ =	sdelay $0x1  }
0x3dd: {  	v2 =	vadd.f32 v2, v1;
	_ =	sdelay $0x1  }
0x3de: {  	[tilespmem:s29+$0x10920] =	vst v2  }
0x3df: {  	v2 =	vld [tilespmem:s25+$0xFFFFFFF0];
	_ =	sdelay $0x4  }
0x3e0: {  	v2 =	vmul.f32 v2, v0;
	_ =	sdelay $0x1  }
0x3e1: {  	v2 =	vadd.f32 v2, v1;
	_ =	sdelay $0x1  }
0x3e2: {  	[tilespmem:s29+$0x10930] =	vst v2  }
0x3e3: {  	v2 =	vld [tilespmem:s25+$0x0];
	_ =	sdelay $0x4  }
0x3e4: {  	v2 =	vmul.f32 v2, v0;
	_ =	sdelay $0x1  }
0x3e5: {  	v2 =	vadd.f32 v2, v1;
	_ =	sdelay $0x1  }
0x3e6: {  	[tilespmem:s29+$0x10940] =	vst v2  }
0x3e7: {  	v2 =	vld [tilespmem:s25+$0x10];
	_ =	sdelay $0x4  }
0x3e8: {  	v2 =	vmul.f32 v2, v0;
	_ =	sdelay $0x1  }
0x3e9: {  	v2 =	vadd.f32 v2, v1;
	_ =	sdelay $0x1  }
0x3ea: {  	[tilespmem:s29+$0x10950] =	vst v2  }
0x3eb: {  	v2 =	vld [tilespmem:s25+$0x20];
	_ =	sdelay $0x4  }
0x3ec: {  	v2 =	vmul.f32 v2, v0;
	_ =	sdelay $0x1  }
0x3ed: {  	v2 =	vadd.f32 v2, v1;
	_ =	sdelay $0x1  }
0x3ee: {  	[tilespmem:s29+$0x10960] =	vst v2  }
0x3ef: {  	v2 =	vld [tilespmem:s25+$0x30];
	_ =	sdelay $0x4  }
0x3f0: {  	v2 =	vmul.f32 v2, v0  }
.Ltmp9:
0x3f1: {  	(pc) =	sbr.rel @p0 .LBB2_21-.Ltmp9, $3  }
0x3f2: {  	v2 =	vadd.f32 v2, v1;
	_ =	sdelay $0x1  }
0x3f3: {  	s25 =	sadd.s32 $0x80, s25;
	[tilespmem:s29+$0x10970] =	vst v2  }
0x3f4: {  	s28 =	sadd.s32 $0x1000, s28;
	v2 =	vld [tilespmem:s25+$0xFFFFFFC0]  }
0x3f5: {  	_ =	sdelay $0x3  }
0x3f6: {  	v2 =	vmul.f32 v2, v0;
	_ =	sdelay $0x1  }
0x3f7: {  	v2 =	vadd.f32 v2, v1  }
0x3f8: {  	s26 =	sshra.s32 s26, $0x2  }
0x3f9: {  	[tilespmem:s26+$0x10900] =	vst v2  }
0x3fa: {  	v2 =	vld [tilespmem:s25+$0xFFFFFFD0];
	_ =	sdelay $0x4  }
0x3fb: {  	v2 =	vmul.f32 v2, v0;
	_ =	sdelay $0x1  }
0x3fc: {  	v2 =	vadd.f32 v2, v1;
	_ =	sdelay $0x1  }
0x3fd: {  	[tilespmem:s26+$0x10910] =	vst v2  }
0x3fe: {  	v2 =	vld [tilespmem:s25+$0xFFFFFFE0];
	_ =	sdelay $0x4  }
0x3ff: {  	v2 =	vmul.f32 v2, v0;
	_ =	sdelay $0x1  }
0x400: {  	v2 =	vadd.f32 v2, v1;
	_ =	sdelay $0x1  }
0x401: {  	[tilespmem:s26+$0x10920] =	vst v2  }
0x402: {  	v2 =	vld [tilespmem:s25+$0xFFFFFFF0];
	_ =	sdelay $0x4  }
0x403: {  	v2 =	vmul.f32 v2, v0;
	_ =	sdelay $0x1  }
0x404: {  	v2 =	vadd.f32 v2, v1;
	_ =	sdelay $0x1  }
0x405: {  	[tilespmem:s26+$0x10930] =	vst v2  }
0x406: {  	v2 =	vld [tilespmem:s25+$0x0];
	_ =	sdelay $0x4  }
0x407: {  	v2 =	vmul.f32 v2, v0;
	_ =	sdelay $0x1  }
0x408: {  	v2 =	vadd.f32 v2, v1;
	_ =	sdelay $0x1  }
0x409: {  	[tilespmem:s26+$0x10940] =	vst v2  }
0x40a: {  	v2 =	vld [tilespmem:s25+$0x10];
	_ =	sdelay $0x4  }
0x40b: {  	v2 =	vmul.f32 v2, v0;
	_ =	sdelay $0x1  }
0x40c: {  	v2 =	vadd.f32 v2, v1;
	_ =	sdelay $0x1  }
0x40d: {  	[tilespmem:s26+$0x10950] =	vst v2  }
0x40e: {  	v2 =	vld [tilespmem:s25+$0x20];
	_ =	sdelay $0x4  }
0x40f: {  	v2 =	vmul.f32 v2, v0;
	_ =	sdelay $0x1  }
0x410: {  	v2 =	vadd.f32 v2, v1;
	_ =	sdelay $0x1  }
0x411: {  	[tilespmem:s26+$0x10960] =	vst v2  }
0x412: {  	v2 =	vld [tilespmem:s25+$0x30];
	_ =	sdelay $0x4  }
0x413: {  	v2 =	vmul.f32 v2, v0;
	_ =	sdelay $0x1  }
0x414: {  	v1 =	vadd.f32 v2, v1;
	_ =	sdelay $0x1  }
0x415: {  	[tilespmem:s26+$0x10970] =	vst v1  }
0x416: {  	v1 =	vld [tilespmem:s24+$0x800];
	_ =	sdelay $0x6  }
0x417: {  	s26 =	simm.s32 $0x0  }
0x418: {  	v2 =	vld.idx.msk [tilespmem:v1+s26+$0x0], $0xffff  }
0x419: {  	v3 =	vshll.u32 v1, $0x3  }
0x41a: {  	v4 =	vld [tilespmem:s24+$0x4800];
	v3 =	vand.u32 $0xFFFFFC00, v3;
	v1 =	vand.u32 $0x7F, v1  }
0x41b: {  	v1 =	vor.u32 v1, v3  }
0x41c: {  	v1 =	vadd.s32 $0x4080, v1  }
0x41d: {  	v2 =	vmul.f32 v2, v0;
	_ =	sdelay $0x1  }
0x41e: {  	v2 =	vadd.f32 v4, v2;
	_ =	sdelay $0x1  }
0x41f: {  	[tilespmem:v1+s18+$0x0] =	vst.idx.msk $0xffff, v2  }
0x420: {  	s25 =	simm.s32 $0x40;
	v1 =	vld [tilespmem:s23+$0x8C20]  }
0x421: {  	s28 =	simm.s32 $0x1000;
	s24 =	sor.u32 $0x420, s23;
	v2 =	vld [tilespmem:s25+$0xFFFFFFC0]  }
.LBB2_23:
0x422: {  	p0 =	sne.s32 s28, $0xF000;
	_ =	sdelay $0x3  }
0x423: {  	v2 =	vmul.f32 v2, v0;
	_ =	sdelay $0x1  }
0x424: {  	v2 =	vadd.f32 v2, v1  }
0x425: {  	s29 =	sshra.s32 s26, $0x2;
	s26 =	smov.u32 s28  }
0x426: {  	[tilespmem:s29+$0x10980] =	vst v2  }
0x427: {  	v2 =	vld [tilespmem:s25+$0xFFFFFFD0];
	_ =	sdelay $0x4  }
0x428: {  	v2 =	vmul.f32 v2, v0;
	_ =	sdelay $0x1  }
0x429: {  	v2 =	vadd.f32 v2, v1;
	_ =	sdelay $0x1  }
0x42a: {  	[tilespmem:s29+$0x10990] =	vst v2  }
0x42b: {  	v2 =	vld [tilespmem:s25+$0xFFFFFFE0];
	_ =	sdelay $0x4  }
0x42c: {  	v2 =	vmul.f32 v2, v0;
	_ =	sdelay $0x1  }
0x42d: {  	v2 =	vadd.f32 v2, v1;
	_ =	sdelay $0x1  }
0x42e: {  	[tilespmem:s29+$0x109A0] =	vst v2  }
0x42f: {  	v2 =	vld [tilespmem:s25+$0xFFFFFFF0];
	_ =	sdelay $0x4  }
0x430: {  	v2 =	vmul.f32 v2, v0;
	_ =	sdelay $0x1  }
0x431: {  	v2 =	vadd.f32 v2, v1;
	_ =	sdelay $0x1  }
0x432: {  	[tilespmem:s29+$0x109B0] =	vst v2  }
0x433: {  	v2 =	vld [tilespmem:s25+$0x0];
	_ =	sdelay $0x4  }
0x434: {  	v2 =	vmul.f32 v2, v0;
	_ =	sdelay $0x1  }
0x435: {  	v2 =	vadd.f32 v2, v1;
	_ =	sdelay $0x1  }
0x436: {  	[tilespmem:s29+$0x109C0] =	vst v2  }
0x437: {  	v2 =	vld [tilespmem:s25+$0x10];
	_ =	sdelay $0x4  }
0x438: {  	v2 =	vmul.f32 v2, v0;
	_ =	sdelay $0x1  }
0x439: {  	v2 =	vadd.f32 v2, v1;
	_ =	sdelay $0x1  }
0x43a: {  	[tilespmem:s29+$0x109D0] =	vst v2  }
0x43b: {  	v2 =	vld [tilespmem:s25+$0x20];
	_ =	sdelay $0x4  }
0x43c: {  	v2 =	vmul.f32 v2, v0;
	_ =	sdelay $0x1  }
0x43d: {  	v2 =	vadd.f32 v2, v1;
	_ =	sdelay $0x1  }
0x43e: {  	[tilespmem:s29+$0x109E0] =	vst v2  }
0x43f: {  	v2 =	vld [tilespmem:s25+$0x30];
	_ =	sdelay $0x4  }
0x440: {  	v2 =	vmul.f32 v2, v0  }
.Ltmp10:
0x441: {  	(pc) =	sbr.rel @p0 .LBB2_23-.Ltmp10, $3  }
0x442: {  	v2 =	vadd.f32 v2, v1;
	_ =	sdelay $0x1  }
0x443: {  	s25 =	sadd.s32 $0x80, s25;
	[tilespmem:s29+$0x109F0] =	vst v2  }
0x444: {  	s28 =	sadd.s32 $0x1000, s28;
	v2 =	vld [tilespmem:s25+$0xFFFFFFC0]  }
0x445: {  	_ =	sdelay $0x3  }
0x446: {  	v2 =	vmul.f32 v2, v0;
	_ =	sdelay $0x1  }
0x447: {  	v2 =	vadd.f32 v2, v1  }
0x448: {  	s26 =	sshra.s32 s26, $0x2  }
0x449: {  	[tilespmem:s26+$0x10980] =	vst v2  }
0x44a: {  	v2 =	vld [tilespmem:s25+$0xFFFFFFD0];
	_ =	sdelay $0x4  }
0x44b: {  	v2 =	vmul.f32 v2, v0;
	_ =	sdelay $0x1  }
0x44c: {  	v2 =	vadd.f32 v2, v1;
	_ =	sdelay $0x1  }
0x44d: {  	[tilespmem:s26+$0x10990] =	vst v2  }
0x44e: {  	v2 =	vld [tilespmem:s25+$0xFFFFFFE0];
	_ =	sdelay $0x4  }
0x44f: {  	v2 =	vmul.f32 v2, v0;
	_ =	sdelay $0x1  }
0x450: {  	v2 =	vadd.f32 v2, v1;
	_ =	sdelay $0x1  }
0x451: {  	[tilespmem:s26+$0x109A0] =	vst v2  }
0x452: {  	v2 =	vld [tilespmem:s25+$0xFFFFFFF0];
	_ =	sdelay $0x4  }
0x453: {  	v2 =	vmul.f32 v2, v0;
	_ =	sdelay $0x1  }
0x454: {  	v2 =	vadd.f32 v2, v1;
	_ =	sdelay $0x1  }
0x455: {  	[tilespmem:s26+$0x109B0] =	vst v2  }
0x456: {  	v2 =	vld [tilespmem:s25+$0x0];
	_ =	sdelay $0x4  }
0x457: {  	v2 =	vmul.f32 v2, v0;
	_ =	sdelay $0x1  }
0x458: {  	v2 =	vadd.f32 v2, v1;
	_ =	sdelay $0x1  }
0x459: {  	[tilespmem:s26+$0x109C0] =	vst v2  }
0x45a: {  	v2 =	vld [tilespmem:s25+$0x10];
	_ =	sdelay $0x4  }
0x45b: {  	v2 =	vmul.f32 v2, v0;
	_ =	sdelay $0x1  }
0x45c: {  	v2 =	vadd.f32 v2, v1;
	_ =	sdelay $0x1  }
0x45d: {  	[tilespmem:s26+$0x109D0] =	vst v2  }
0x45e: {  	v2 =	vld [tilespmem:s25+$0x20];
	_ =	sdelay $0x4  }
0x45f: {  	v2 =	vmul.f32 v2, v0;
	_ =	sdelay $0x1  }
0x460: {  	v2 =	vadd.f32 v2, v1;
	_ =	sdelay $0x1  }
0x461: {  	[tilespmem:s26+$0x109E0] =	vst v2  }
0x462: {  	v2 =	vld [tilespmem:s25+$0x30];
	_ =	sdelay $0x4  }
0x463: {  	v2 =	vmul.f32 v2, v0;
	_ =	sdelay $0x1  }
0x464: {  	v1 =	vadd.f32 v2, v1;
	_ =	sdelay $0x1  }
0x465: {  	[tilespmem:s26+$0x109F0] =	vst v1  }
0x466: {  	v1 =	vld [tilespmem:s24+$0x800];
	_ =	sdelay $0x6  }
0x467: {  	s26 =	simm.s32 $0x0  }
0x468: {  	v2 =	vld.idx.msk [tilespmem:v1+s26+$0x0], $0xffff  }
0x469: {  	v3 =	vshll.u32 v1, $0x3  }
0x46a: {  	v4 =	vld [tilespmem:s24+$0x4800];
	v3 =	vand.u32 $0xFFFFFC00, v3;
	v1 =	vand.u32 $0x7F, v1  }
0x46b: {  	v1 =	vor.u32 v1, v3  }
0x46c: {  	v1 =	vadd.s32 $0x4100, v1  }
0x46d: {  	v2 =	vmul.f32 v2, v0;
	_ =	sdelay $0x1  }
0x46e: {  	v2 =	vadd.f32 v4, v2;
	_ =	sdelay $0x1  }
0x46f: {  	[tilespmem:v1+s18+$0x0] =	vst.idx.msk $0xffff, v2  }
0x470: {  	s25 =	simm.s32 $0x40;
	v1 =	vld [tilespmem:s23+$0x8C30]  }
0x471: {  	s28 =	simm.s32 $0x1000;
	s24 =	sor.u32 $0x430, s23;
	v2 =	vld [tilespmem:s25+$0xFFFFFFC0]  }
.LBB2_25:
0x472: {  	p0 =	sne.s32 s28, $0xF000;
	_ =	sdelay $0x3  }
0x473: {  	v2 =	vmul.f32 v2, v0;
	_ =	sdelay $0x1  }
0x474: {  	v2 =	vadd.f32 v2, v1  }
0x475: {  	s29 =	sshra.s32 s26, $0x2;
	s26 =	smov.u32 s28  }
0x476: {  	[tilespmem:s29+$0x10A00] =	vst v2  }
0x477: {  	v2 =	vld [tilespmem:s25+$0xFFFFFFD0];
	_ =	sdelay $0x4  }
0x478: {  	v2 =	vmul.f32 v2, v0;
	_ =	sdelay $0x1  }
0x479: {  	v2 =	vadd.f32 v2, v1;
	_ =	sdelay $0x1  }
0x47a: {  	[tilespmem:s29+$0x10A10] =	vst v2  }
0x47b: {  	v2 =	vld [tilespmem:s25+$0xFFFFFFE0];
	_ =	sdelay $0x4  }
0x47c: {  	v2 =	vmul.f32 v2, v0;
	_ =	sdelay $0x1  }
0x47d: {  	v2 =	vadd.f32 v2, v1;
	_ =	sdelay $0x1  }
0x47e: {  	[tilespmem:s29+$0x10A20] =	vst v2  }
0x47f: {  	v2 =	vld [tilespmem:s25+$0xFFFFFFF0];
	_ =	sdelay $0x4  }
0x480: {  	v2 =	vmul.f32 v2, v0;
	_ =	sdelay $0x1  }
0x481: {  	v2 =	vadd.f32 v2, v1;
	_ =	sdelay $0x1  }
0x482: {  	[tilespmem:s29+$0x10A30] =	vst v2  }
0x483: {  	v2 =	vld [tilespmem:s25+$0x0];
	_ =	sdelay $0x4  }
0x484: {  	v2 =	vmul.f32 v2, v0;
	_ =	sdelay $0x1  }
0x485: {  	v2 =	vadd.f32 v2, v1;
	_ =	sdelay $0x1  }
0x486: {  	[tilespmem:s29+$0x10A40] =	vst v2  }
0x487: {  	v2 =	vld [tilespmem:s25+$0x10];
	_ =	sdelay $0x4  }
0x488: {  	v2 =	vmul.f32 v2, v0;
	_ =	sdelay $0x1  }
0x489: {  	v2 =	vadd.f32 v2, v1;
	_ =	sdelay $0x1  }
0x48a: {  	[tilespmem:s29+$0x10A50] =	vst v2  }
0x48b: {  	v2 =	vld [tilespmem:s25+$0x20];
	_ =	sdelay $0x4  }
0x48c: {  	v2 =	vmul.f32 v2, v0;
	_ =	sdelay $0x1  }
0x48d: {  	v2 =	vadd.f32 v2, v1;
	_ =	sdelay $0x1  }
0x48e: {  	[tilespmem:s29+$0x10A60] =	vst v2  }
0x48f: {  	v2 =	vld [tilespmem:s25+$0x30];
	_ =	sdelay $0x4  }
0x490: {  	v2 =	vmul.f32 v2, v0  }
.Ltmp11:
0x491: {  	(pc) =	sbr.rel @p0 .LBB2_25-.Ltmp11, $3  }
0x492: {  	v2 =	vadd.f32 v2, v1;
	_ =	sdelay $0x1  }
0x493: {  	s25 =	sadd.s32 $0x80, s25;
	[tilespmem:s29+$0x10A70] =	vst v2  }
0x494: {  	s28 =	sadd.s32 $0x1000, s28;
	v2 =	vld [tilespmem:s25+$0xFFFFFFC0]  }
0x495: {  	_ =	sdelay $0x3  }
0x496: {  	v2 =	vmul.f32 v2, v0;
	_ =	sdelay $0x1  }
0x497: {  	v2 =	vadd.f32 v2, v1  }
0x498: {  	s26 =	sshra.s32 s26, $0x2  }
0x499: {  	[tilespmem:s26+$0x10A00] =	vst v2  }
0x49a: {  	v2 =	vld [tilespmem:s25+$0xFFFFFFD0];
	_ =	sdelay $0x4  }
0x49b: {  	v2 =	vmul.f32 v2, v0;
	_ =	sdelay $0x1  }
0x49c: {  	v2 =	vadd.f32 v2, v1;
	_ =	sdelay $0x1  }
0x49d: {  	[tilespmem:s26+$0x10A10] =	vst v2  }
0x49e: {  	v2 =	vld [tilespmem:s25+$0xFFFFFFE0];
	_ =	sdelay $0x4  }
0x49f: {  	v2 =	vmul.f32 v2, v0;
	_ =	sdelay $0x1  }
0x4a0: {  	v2 =	vadd.f32 v2, v1;
	_ =	sdelay $0x1  }
0x4a1: {  	[tilespmem:s26+$0x10A20] =	vst v2  }
0x4a2: {  	v2 =	vld [tilespmem:s25+$0xFFFFFFF0];
	_ =	sdelay $0x4  }
0x4a3: {  	v2 =	vmul.f32 v2, v0;
	_ =	sdelay $0x1  }
0x4a4: {  	v2 =	vadd.f32 v2, v1;
	_ =	sdelay $0x1  }
0x4a5: {  	[tilespmem:s26+$0x10A30] =	vst v2  }
0x4a6: {  	v2 =	vld [tilespmem:s25+$0x0];
	_ =	sdelay $0x4  }
0x4a7: {  	v2 =	vmul.f32 v2, v0;
	_ =	sdelay $0x1  }
0x4a8: {  	v2 =	vadd.f32 v2, v1;
	_ =	sdelay $0x1  }
0x4a9: {  	[tilespmem:s26+$0x10A40] =	vst v2  }
0x4aa: {  	v2 =	vld [tilespmem:s25+$0x10];
	_ =	sdelay $0x4  }
0x4ab: {  	v2 =	vmul.f32 v2, v0;
	_ =	sdelay $0x1  }
0x4ac: {  	v2 =	vadd.f32 v2, v1;
	_ =	sdelay $0x1  }
0x4ad: {  	[tilespmem:s26+$0x10A50] =	vst v2  }
0x4ae: {  	v2 =	vld [tilespmem:s25+$0x20];
	_ =	sdelay $0x4  }
0x4af: {  	v2 =	vmul.f32 v2, v0;
	_ =	sdelay $0x1  }
0x4b0: {  	v2 =	vadd.f32 v2, v1;
	_ =	sdelay $0x1  }
0x4b1: {  	[tilespmem:s26+$0x10A60] =	vst v2  }
0x4b2: {  	v2 =	vld [tilespmem:s25+$0x30];
	_ =	sdelay $0x4  }
0x4b3: {  	v2 =	vmul.f32 v2, v0;
	_ =	sdelay $0x1  }
0x4b4: {  	v1 =	vadd.f32 v2, v1;
	_ =	sdelay $0x1  }
0x4b5: {  	[tilespmem:s26+$0x10A70] =	vst v1  }
0x4b6: {  	v1 =	vld [tilespmem:s24+$0x800];
	_ =	sdelay $0x6  }
0x4b7: {  	s26 =	simm.s32 $0x0  }
0x4b8: {  	v2 =	vld.idx.msk [tilespmem:v1+s26+$0x0], $0xffff  }
0x4b9: {  	v3 =	vshll.u32 v1, $0x3  }
0x4ba: {  	v4 =	vld [tilespmem:s24+$0x4800];
	v3 =	vand.u32 $0xFFFFFC00, v3;
	v1 =	vand.u32 $0x7F, v1  }
0x4bb: {  	v1 =	vor.u32 v1, v3  }
0x4bc: {  	v1 =	vadd.s32 $0x4180, v1  }
0x4bd: {  	v2 =	vmul.f32 v2, v0;
	_ =	sdelay $0x1  }
0x4be: {  	v2 =	vadd.f32 v4, v2;
	_ =	sdelay $0x1  }
0x4bf: {  	[tilespmem:v1+s18+$0x0] =	vst.idx.msk $0xffff, v2  }
0x4c0: {  	s25 =	simm.s32 $0x40;
	v1 =	vld [tilespmem:s23+$0x8C40]  }
0x4c1: {  	s28 =	simm.s32 $0x1000;
	s24 =	sor.u32 $0x440, s23;
	v2 =	vld [tilespmem:s25+$0xFFFFFFC0]  }
.LBB2_27:
0x4c2: {  	p0 =	sne.s32 s28, $0xF000;
	_ =	sdelay $0x3  }
0x4c3: {  	v2 =	vmul.f32 v2, v0;
	_ =	sdelay $0x1  }
0x4c4: {  	v2 =	vadd.f32 v2, v1  }
0x4c5: {  	s29 =	sshra.s32 s26, $0x2;
	s26 =	smov.u32 s28  }
0x4c6: {  	[tilespmem:s29+$0x10A80] =	vst v2  }
0x4c7: {  	v2 =	vld [tilespmem:s25+$0xFFFFFFD0];
	_ =	sdelay $0x4  }
0x4c8: {  	v2 =	vmul.f32 v2, v0;
	_ =	sdelay $0x1  }
0x4c9: {  	v2 =	vadd.f32 v2, v1;
	_ =	sdelay $0x1  }
0x4ca: {  	[tilespmem:s29+$0x10A90] =	vst v2  }
0x4cb: {  	v2 =	vld [tilespmem:s25+$0xFFFFFFE0];
	_ =	sdelay $0x4  }
0x4cc: {  	v2 =	vmul.f32 v2, v0;
	_ =	sdelay $0x1  }
0x4cd: {  	v2 =	vadd.f32 v2, v1;
	_ =	sdelay $0x1  }
0x4ce: {  	[tilespmem:s29+$0x10AA0] =	vst v2  }
0x4cf: {  	v2 =	vld [tilespmem:s25+$0xFFFFFFF0];
	_ =	sdelay $0x4  }
0x4d0: {  	v2 =	vmul.f32 v2, v0;
	_ =	sdelay $0x1  }
0x4d1: {  	v2 =	vadd.f32 v2, v1;
	_ =	sdelay $0x1  }
0x4d2: {  	[tilespmem:s29+$0x10AB0] =	vst v2  }
0x4d3: {  	v2 =	vld [tilespmem:s25+$0x0];
	_ =	sdelay $0x4  }
0x4d4: {  	v2 =	vmul.f32 v2, v0;
	_ =	sdelay $0x1  }
0x4d5: {  	v2 =	vadd.f32 v2, v1;
	_ =	sdelay $0x1  }
0x4d6: {  	[tilespmem:s29+$0x10AC0] =	vst v2  }
0x4d7: {  	v2 =	vld [tilespmem:s25+$0x10];
	_ =	sdelay $0x4  }
0x4d8: {  	v2 =	vmul.f32 v2, v0;
	_ =	sdelay $0x1  }
0x4d9: {  	v2 =	vadd.f32 v2, v1;
	_ =	sdelay $0x1  }
0x4da: {  	[tilespmem:s29+$0x10AD0] =	vst v2  }
0x4db: {  	v2 =	vld [tilespmem:s25+$0x20];
	_ =	sdelay $0x4  }
0x4dc: {  	v2 =	vmul.f32 v2, v0;
	_ =	sdelay $0x1  }
0x4dd: {  	v2 =	vadd.f32 v2, v1;
	_ =	sdelay $0x1  }
0x4de: {  	[tilespmem:s29+$0x10AE0] =	vst v2  }
0x4df: {  	v2 =	vld [tilespmem:s25+$0x30];
	_ =	sdelay $0x4  }
0x4e0: {  	v2 =	vmul.f32 v2, v0  }
.Ltmp12:
0x4e1: {  	(pc) =	sbr.rel @p0 .LBB2_27-.Ltmp12, $3  }
0x4e2: {  	v2 =	vadd.f32 v2, v1;
	_ =	sdelay $0x1  }
0x4e3: {  	s25 =	sadd.s32 $0x80, s25;
	[tilespmem:s29+$0x10AF0] =	vst v2  }
0x4e4: {  	s28 =	sadd.s32 $0x1000, s28;
	v2 =	vld [tilespmem:s25+$0xFFFFFFC0]  }
0x4e5: {  	_ =	sdelay $0x3  }
0x4e6: {  	v2 =	vmul.f32 v2, v0;
	_ =	sdelay $0x1  }
0x4e7: {  	v2 =	vadd.f32 v2, v1  }
0x4e8: {  	s26 =	sshra.s32 s26, $0x2  }
0x4e9: {  	[tilespmem:s26+$0x10A80] =	vst v2  }
0x4ea: {  	v2 =	vld [tilespmem:s25+$0xFFFFFFD0];
	_ =	sdelay $0x4  }
0x4eb: {  	v2 =	vmul.f32 v2, v0;
	_ =	sdelay $0x1  }
0x4ec: {  	v2 =	vadd.f32 v2, v1;
	_ =	sdelay $0x1  }
0x4ed: {  	[tilespmem:s26+$0x10A90] =	vst v2  }
0x4ee: {  	v2 =	vld [tilespmem:s25+$0xFFFFFFE0];
	_ =	sdelay $0x4  }
0x4ef: {  	v2 =	vmul.f32 v2, v0;
	_ =	sdelay $0x1  }
0x4f0: {  	v2 =	vadd.f32 v2, v1;
	_ =	sdelay $0x1  }
0x4f1: {  	[tilespmem:s26+$0x10AA0] =	vst v2  }
0x4f2: {  	v2 =	vld [tilespmem:s25+$0xFFFFFFF0];
	_ =	sdelay $0x4  }
0x4f3: {  	v2 =	vmul.f32 v2, v0;
	_ =	sdelay $0x1  }
0x4f4: {  	v2 =	vadd.f32 v2, v1;
	_ =	sdelay $0x1  }
0x4f5: {  	[tilespmem:s26+$0x10AB0] =	vst v2  }
0x4f6: {  	v2 =	vld [tilespmem:s25+$0x0];
	_ =	sdelay $0x4  }
0x4f7: {  	v2 =	vmul.f32 v2, v0;
	_ =	sdelay $0x1  }
0x4f8: {  	v2 =	vadd.f32 v2, v1;
	_ =	sdelay $0x1  }
0x4f9: {  	[tilespmem:s26+$0x10AC0] =	vst v2  }
0x4fa: {  	v2 =	vld [tilespmem:s25+$0x10];
	_ =	sdelay $0x4  }
0x4fb: {  	v2 =	vmul.f32 v2, v0;
	_ =	sdelay $0x1  }
0x4fc: {  	v2 =	vadd.f32 v2, v1;
	_ =	sdelay $0x1  }
0x4fd: {  	[tilespmem:s26+$0x10AD0] =	vst v2  }
0x4fe: {  	v2 =	vld [tilespmem:s25+$0x20];
	_ =	sdelay $0x4  }
0x4ff: {  	v2 =	vmul.f32 v2, v0;
	_ =	sdelay $0x1  }
0x500: {  	v2 =	vadd.f32 v2, v1;
	_ =	sdelay $0x1  }
0x501: {  	[tilespmem:s26+$0x10AE0] =	vst v2  }
0x502: {  	v2 =	vld [tilespmem:s25+$0x30];
	_ =	sdelay $0x4  }
0x503: {  	v2 =	vmul.f32 v2, v0;
	_ =	sdelay $0x1  }
0x504: {  	v1 =	vadd.f32 v2, v1;
	_ =	sdelay $0x1  }
0x505: {  	[tilespmem:s26+$0x10AF0] =	vst v1  }
0x506: {  	v1 =	vld [tilespmem:s24+$0x800];
	_ =	sdelay $0x6  }
0x507: {  	s26 =	simm.s32 $0x0  }
0x508: {  	v2 =	vld.idx.msk [tilespmem:v1+s26+$0x0], $0xffff  }
0x509: {  	v3 =	vshll.u32 v1, $0x3  }
0x50a: {  	v4 =	vld [tilespmem:s24+$0x4800];
	v3 =	vand.u32 $0xFFFFFC00, v3;
	v1 =	vand.u32 $0x7F, v1  }
0x50b: {  	v1 =	vor.u32 v1, v3  }
0x50c: {  	v1 =	vadd.s32 $0x4200, v1  }
0x50d: {  	v2 =	vmul.f32 v2, v0;
	_ =	sdelay $0x1  }
0x50e: {  	v2 =	vadd.f32 v4, v2;
	_ =	sdelay $0x1  }
0x50f: {  	[tilespmem:v1+s18+$0x0] =	vst.idx.msk $0xffff, v2  }
0x510: {  	s25 =	simm.s32 $0x40;
	v1 =	vld [tilespmem:s23+$0x8C50]  }
0x511: {  	s28 =	simm.s32 $0x1000;
	s24 =	sor.u32 $0x450, s23;
	v2 =	vld [tilespmem:s25+$0xFFFFFFC0]  }
.LBB2_29:
0x512: {  	p0 =	sne.s32 s28, $0xF000;
	_ =	sdelay $0x3  }
0x513: {  	v2 =	vmul.f32 v2, v0;
	_ =	sdelay $0x1  }
0x514: {  	v2 =	vadd.f32 v2, v1  }
0x515: {  	s29 =	sshra.s32 s26, $0x2;
	s26 =	smov.u32 s28  }
0x516: {  	[tilespmem:s29+$0x10B00] =	vst v2  }
0x517: {  	v2 =	vld [tilespmem:s25+$0xFFFFFFD0];
	_ =	sdelay $0x4  }
0x518: {  	v2 =	vmul.f32 v2, v0;
	_ =	sdelay $0x1  }
0x519: {  	v2 =	vadd.f32 v2, v1;
	_ =	sdelay $0x1  }
0x51a: {  	[tilespmem:s29+$0x10B10] =	vst v2  }
0x51b: {  	v2 =	vld [tilespmem:s25+$0xFFFFFFE0];
	_ =	sdelay $0x4  }
0x51c: {  	v2 =	vmul.f32 v2, v0;
	_ =	sdelay $0x1  }
0x51d: {  	v2 =	vadd.f32 v2, v1;
	_ =	sdelay $0x1  }
0x51e: {  	[tilespmem:s29+$0x10B20] =	vst v2  }
0x51f: {  	v2 =	vld [tilespmem:s25+$0xFFFFFFF0];
	_ =	sdelay $0x4  }
0x520: {  	v2 =	vmul.f32 v2, v0;
	_ =	sdelay $0x1  }
0x521: {  	v2 =	vadd.f32 v2, v1;
	_ =	sdelay $0x1  }
0x522: {  	[tilespmem:s29+$0x10B30] =	vst v2  }
0x523: {  	v2 =	vld [tilespmem:s25+$0x0];
	_ =	sdelay $0x4  }
0x524: {  	v2 =	vmul.f32 v2, v0;
	_ =	sdelay $0x1  }
0x525: {  	v2 =	vadd.f32 v2, v1;
	_ =	sdelay $0x1  }
0x526: {  	[tilespmem:s29+$0x10B40] =	vst v2  }
0x527: {  	v2 =	vld [tilespmem:s25+$0x10];
	_ =	sdelay $0x4  }
0x528: {  	v2 =	vmul.f32 v2, v0;
	_ =	sdelay $0x1  }
0x529: {  	v2 =	vadd.f32 v2, v1;
	_ =	sdelay $0x1  }
0x52a: {  	[tilespmem:s29+$0x10B50] =	vst v2  }
0x52b: {  	v2 =	vld [tilespmem:s25+$0x20];
	_ =	sdelay $0x4  }
0x52c: {  	v2 =	vmul.f32 v2, v0;
	_ =	sdelay $0x1  }
0x52d: {  	v2 =	vadd.f32 v2, v1;
	_ =	sdelay $0x1  }
0x52e: {  	[tilespmem:s29+$0x10B60] =	vst v2  }
0x52f: {  	v2 =	vld [tilespmem:s25+$0x30];
	_ =	sdelay $0x4  }
0x530: {  	v2 =	vmul.f32 v2, v0  }
.Ltmp13:
0x531: {  	(pc) =	sbr.rel @p0 .LBB2_29-.Ltmp13, $3  }
0x532: {  	v2 =	vadd.f32 v2, v1;
	_ =	sdelay $0x1  }
0x533: {  	s25 =	sadd.s32 $0x80, s25;
	[tilespmem:s29+$0x10B70] =	vst v2  }
0x534: {  	s28 =	sadd.s32 $0x1000, s28;
	v2 =	vld [tilespmem:s25+$0xFFFFFFC0]  }
0x535: {  	_ =	sdelay $0x3  }
0x536: {  	v2 =	vmul.f32 v2, v0;
	_ =	sdelay $0x1  }
0x537: {  	v2 =	vadd.f32 v2, v1  }
0x538: {  	s26 =	sshra.s32 s26, $0x2  }
0x539: {  	[tilespmem:s26+$0x10B00] =	vst v2  }
0x53a: {  	v2 =	vld [tilespmem:s25+$0xFFFFFFD0];
	_ =	sdelay $0x4  }
0x53b: {  	v2 =	vmul.f32 v2, v0;
	_ =	sdelay $0x1  }
0x53c: {  	v2 =	vadd.f32 v2, v1;
	_ =	sdelay $0x1  }
0x53d: {  	[tilespmem:s26+$0x10B10] =	vst v2  }
0x53e: {  	v2 =	vld [tilespmem:s25+$0xFFFFFFE0];
	_ =	sdelay $0x4  }
0x53f: {  	v2 =	vmul.f32 v2, v0;
	_ =	sdelay $0x1  }
0x540: {  	v2 =	vadd.f32 v2, v1;
	_ =	sdelay $0x1  }
0x541: {  	[tilespmem:s26+$0x10B20] =	vst v2  }
0x542: {  	v2 =	vld [tilespmem:s25+$0xFFFFFFF0];
	_ =	sdelay $0x4  }
0x543: {  	v2 =	vmul.f32 v2, v0;
	_ =	sdelay $0x1  }
0x544: {  	v2 =	vadd.f32 v2, v1;
	_ =	sdelay $0x1  }
0x545: {  	[tilespmem:s26+$0x10B30] =	vst v2  }
0x546: {  	v2 =	vld [tilespmem:s25+$0x0];
	_ =	sdelay $0x4  }
0x547: {  	v2 =	vmul.f32 v2, v0;
	_ =	sdelay $0x1  }
0x548: {  	v2 =	vadd.f32 v2, v1;
	_ =	sdelay $0x1  }
0x549: {  	[tilespmem:s26+$0x10B40] =	vst v2  }
0x54a: {  	v2 =	vld [tilespmem:s25+$0x10];
	_ =	sdelay $0x4  }
0x54b: {  	v2 =	vmul.f32 v2, v0;
	_ =	sdelay $0x1  }
0x54c: {  	v2 =	vadd.f32 v2, v1;
	_ =	sdelay $0x1  }
0x54d: {  	[tilespmem:s26+$0x10B50] =	vst v2  }
0x54e: {  	v2 =	vld [tilespmem:s25+$0x20];
	_ =	sdelay $0x4  }
0x54f: {  	v2 =	vmul.f32 v2, v0;
	_ =	sdelay $0x1  }
0x550: {  	v2 =	vadd.f32 v2, v1;
	_ =	sdelay $0x1  }
0x551: {  	[tilespmem:s26+$0x10B60] =	vst v2  }
0x552: {  	v2 =	vld [tilespmem:s25+$0x30];
	_ =	sdelay $0x4  }
0x553: {  	v2 =	vmul.f32 v2, v0;
	_ =	sdelay $0x1  }
0x554: {  	v1 =	vadd.f32 v2, v1;
	_ =	sdelay $0x1  }
0x555: {  	[tilespmem:s26+$0x10B70] =	vst v1  }
0x556: {  	v1 =	vld [tilespmem:s24+$0x800];
	_ =	sdelay $0x6  }
0x557: {  	s26 =	simm.s32 $0x0  }
0x558: {  	v2 =	vld.idx.msk [tilespmem:v1+s26+$0x0], $0xffff  }
0x559: {  	v3 =	vshll.u32 v1, $0x3  }
0x55a: {  	v4 =	vld [tilespmem:s24+$0x4800];
	v3 =	vand.u32 $0xFFFFFC00, v3;
	v1 =	vand.u32 $0x7F, v1  }
0x55b: {  	v1 =	vor.u32 v1, v3  }
0x55c: {  	v1 =	vadd.s32 $0x4280, v1  }
0x55d: {  	v2 =	vmul.f32 v2, v0;
	_ =	sdelay $0x1  }
0x55e: {  	v2 =	vadd.f32 v4, v2;
	_ =	sdelay $0x1  }
0x55f: {  	[tilespmem:v1+s18+$0x0] =	vst.idx.msk $0xffff, v2  }
0x560: {  	s25 =	simm.s32 $0x40;
	v1 =	vld [tilespmem:s23+$0x8C60]  }
0x561: {  	s28 =	simm.s32 $0x1000;
	s24 =	sor.u32 $0x460, s23;
	v2 =	vld [tilespmem:s25+$0xFFFFFFC0]  }
.LBB2_31:
0x562: {  	p0 =	sne.s32 s28, $0xF000;
	_ =	sdelay $0x3  }
0x563: {  	v2 =	vmul.f32 v2, v0;
	_ =	sdelay $0x1  }
0x564: {  	v2 =	vadd.f32 v2, v1  }
0x565: {  	s29 =	sshra.s32 s26, $0x2;
	s26 =	smov.u32 s28  }
0x566: {  	[tilespmem:s29+$0x10B80] =	vst v2  }
0x567: {  	v2 =	vld [tilespmem:s25+$0xFFFFFFD0];
	_ =	sdelay $0x4  }
0x568: {  	v2 =	vmul.f32 v2, v0;
	_ =	sdelay $0x1  }
0x569: {  	v2 =	vadd.f32 v2, v1;
	_ =	sdelay $0x1  }
0x56a: {  	[tilespmem:s29+$0x10B90] =	vst v2  }
0x56b: {  	v2 =	vld [tilespmem:s25+$0xFFFFFFE0];
	_ =	sdelay $0x4  }
0x56c: {  	v2 =	vmul.f32 v2, v0;
	_ =	sdelay $0x1  }
0x56d: {  	v2 =	vadd.f32 v2, v1;
	_ =	sdelay $0x1  }
0x56e: {  	[tilespmem:s29+$0x10BA0] =	vst v2  }
0x56f: {  	v2 =	vld [tilespmem:s25+$0xFFFFFFF0];
	_ =	sdelay $0x4  }
0x570: {  	v2 =	vmul.f32 v2, v0;
	_ =	sdelay $0x1  }
0x571: {  	v2 =	vadd.f32 v2, v1;
	_ =	sdelay $0x1  }
0x572: {  	[tilespmem:s29+$0x10BB0] =	vst v2  }
0x573: {  	v2 =	vld [tilespmem:s25+$0x0];
	_ =	sdelay $0x4  }
0x574: {  	v2 =	vmul.f32 v2, v0;
	_ =	sdelay $0x1  }
0x575: {  	v2 =	vadd.f32 v2, v1;
	_ =	sdelay $0x1  }
0x576: {  	[tilespmem:s29+$0x10BC0] =	vst v2  }
0x577: {  	v2 =	vld [tilespmem:s25+$0x10];
	_ =	sdelay $0x4  }
0x578: {  	v2 =	vmul.f32 v2, v0;
	_ =	sdelay $0x1  }
0x579: {  	v2 =	vadd.f32 v2, v1;
	_ =	sdelay $0x1  }
0x57a: {  	[tilespmem:s29+$0x10BD0] =	vst v2  }
0x57b: {  	v2 =	vld [tilespmem:s25+$0x20];
	_ =	sdelay $0x4  }
0x57c: {  	v2 =	vmul.f32 v2, v0;
	_ =	sdelay $0x1  }
0x57d: {  	v2 =	vadd.f32 v2, v1;
	_ =	sdelay $0x1  }
0x57e: {  	[tilespmem:s29+$0x10BE0] =	vst v2  }
0x57f: {  	v2 =	vld [tilespmem:s25+$0x30];
	_ =	sdelay $0x4  }
0x580: {  	v2 =	vmul.f32 v2, v0  }
.Ltmp14:
0x581: {  	(pc) =	sbr.rel @p0 .LBB2_31-.Ltmp14, $3  }
0x582: {  	v2 =	vadd.f32 v2, v1;
	_ =	sdelay $0x1  }
0x583: {  	s25 =	sadd.s32 $0x80, s25;
	[tilespmem:s29+$0x10BF0] =	vst v2  }
0x584: {  	s28 =	sadd.s32 $0x1000, s28;
	v2 =	vld [tilespmem:s25+$0xFFFFFFC0]  }
0x585: {  	_ =	sdelay $0x3  }
0x586: {  	v2 =	vmul.f32 v2, v0;
	_ =	sdelay $0x1  }
0x587: {  	v2 =	vadd.f32 v2, v1  }
0x588: {  	s26 =	sshra.s32 s26, $0x2  }
0x589: {  	[tilespmem:s26+$0x10B80] =	vst v2  }
0x58a: {  	v2 =	vld [tilespmem:s25+$0xFFFFFFD0];
	_ =	sdelay $0x4  }
0x58b: {  	v2 =	vmul.f32 v2, v0;
	_ =	sdelay $0x1  }
0x58c: {  	v2 =	vadd.f32 v2, v1;
	_ =	sdelay $0x1  }
0x58d: {  	[tilespmem:s26+$0x10B90] =	vst v2  }
0x58e: {  	v2 =	vld [tilespmem:s25+$0xFFFFFFE0];
	_ =	sdelay $0x4  }
0x58f: {  	v2 =	vmul.f32 v2, v0;
	_ =	sdelay $0x1  }
0x590: {  	v2 =	vadd.f32 v2, v1;
	_ =	sdelay $0x1  }
0x591: {  	[tilespmem:s26+$0x10BA0] =	vst v2  }
0x592: {  	v2 =	vld [tilespmem:s25+$0xFFFFFFF0];
	_ =	sdelay $0x4  }
0x593: {  	v2 =	vmul.f32 v2, v0;
	_ =	sdelay $0x1  }
0x594: {  	v2 =	vadd.f32 v2, v1;
	_ =	sdelay $0x1  }
0x595: {  	[tilespmem:s26+$0x10BB0] =	vst v2  }
0x596: {  	v2 =	vld [tilespmem:s25+$0x0];
	_ =	sdelay $0x4  }
0x597: {  	v2 =	vmul.f32 v2, v0;
	_ =	sdelay $0x1  }
0x598: {  	v2 =	vadd.f32 v2, v1;
	_ =	sdelay $0x1  }
0x599: {  	[tilespmem:s26+$0x10BC0] =	vst v2  }
0x59a: {  	v2 =	vld [tilespmem:s25+$0x10];
	_ =	sdelay $0x4  }
0x59b: {  	v2 =	vmul.f32 v2, v0;
	_ =	sdelay $0x1  }
0x59c: {  	v2 =	vadd.f32 v2, v1;
	_ =	sdelay $0x1  }
0x59d: {  	[tilespmem:s26+$0x10BD0] =	vst v2  }
0x59e: {  	v2 =	vld [tilespmem:s25+$0x20];
	_ =	sdelay $0x4  }
0x59f: {  	v2 =	vmul.f32 v2, v0;
	_ =	sdelay $0x1  }
0x5a0: {  	v2 =	vadd.f32 v2, v1;
	_ =	sdelay $0x1  }
0x5a1: {  	[tilespmem:s26+$0x10BE0] =	vst v2  }
0x5a2: {  	v2 =	vld [tilespmem:s25+$0x30];
	_ =	sdelay $0x4  }
0x5a3: {  	v2 =	vmul.f32 v2, v0;
	_ =	sdelay $0x1  }
0x5a4: {  	v1 =	vadd.f32 v2, v1;
	_ =	sdelay $0x1  }
0x5a5: {  	[tilespmem:s26+$0x10BF0] =	vst v1  }
0x5a6: {  	v1 =	vld [tilespmem:s24+$0x800];
	_ =	sdelay $0x6  }
0x5a7: {  	s25 =	simm.s32 $0x0  }
0x5a8: {  	v2 =	vld.idx.msk [tilespmem:v1+s25+$0x0], $0xffff  }
0x5a9: {  	v3 =	vshll.u32 v1, $0x3  }
0x5aa: {  	v4 =	vld [tilespmem:s24+$0x4800];
	v3 =	vand.u32 $0xFFFFFC00, v3;
	v1 =	vand.u32 $0x7F, v1  }
0x5ab: {  	v1 =	vor.u32 v1, v3  }
0x5ac: {  	v1 =	vadd.s32 $0x4300, v1  }
0x5ad: {  	v2 =	vmul.f32 v2, v0;
	_ =	sdelay $0x1  }
0x5ae: {  	v2 =	vadd.f32 v4, v2;
	_ =	sdelay $0x1  }
0x5af: {  	[tilespmem:v1+s18+$0x0] =	vst.idx.msk $0xffff, v2  }
0x5b0: {  	s24 =	simm.s32 $0x40;
	v1 =	vld [tilespmem:s23+$0x8C70]  }
0x5b1: {  	s26 =	simm.s32 $0x1000;
	s23 =	sor.u32 $0x470, s23;
	v2 =	vld [tilespmem:s24+$0xFFFFFFC0]  }
.LBB2_33:
0x5b2: {  	p0 =	sne.s32 s26, $0xF000;
	_ =	sdelay $0x3  }
0x5b3: {  	v2 =	vmul.f32 v2, v0;
	_ =	sdelay $0x1  }
0x5b4: {  	v2 =	vadd.f32 v2, v1  }
0x5b5: {  	s28 =	sshra.s32 s25, $0x2;
	s25 =	smov.u32 s26  }
0x5b6: {  	[tilespmem:s28+$0x10C00] =	vst v2  }
0x5b7: {  	v2 =	vld [tilespmem:s24+$0xFFFFFFD0];
	_ =	sdelay $0x4  }
0x5b8: {  	v2 =	vmul.f32 v2, v0;
	_ =	sdelay $0x1  }
0x5b9: {  	v2 =	vadd.f32 v2, v1;
	_ =	sdelay $0x1  }
0x5ba: {  	[tilespmem:s28+$0x10C10] =	vst v2  }
0x5bb: {  	v2 =	vld [tilespmem:s24+$0xFFFFFFE0];
	_ =	sdelay $0x4  }
0x5bc: {  	v2 =	vmul.f32 v2, v0;
	_ =	sdelay $0x1  }
0x5bd: {  	v2 =	vadd.f32 v2, v1;
	_ =	sdelay $0x1  }
0x5be: {  	[tilespmem:s28+$0x10C20] =	vst v2  }
0x5bf: {  	v2 =	vld [tilespmem:s24+$0xFFFFFFF0];
	_ =	sdelay $0x4  }
0x5c0: {  	v2 =	vmul.f32 v2, v0;
	_ =	sdelay $0x1  }
0x5c1: {  	v2 =	vadd.f32 v2, v1;
	_ =	sdelay $0x1  }
0x5c2: {  	[tilespmem:s28+$0x10C30] =	vst v2  }
0x5c3: {  	v2 =	vld [tilespmem:s24+$0x0];
	_ =	sdelay $0x4  }
0x5c4: {  	v2 =	vmul.f32 v2, v0;
	_ =	sdelay $0x1  }
0x5c5: {  	v2 =	vadd.f32 v2, v1;
	_ =	sdelay $0x1  }
0x5c6: {  	[tilespmem:s28+$0x10C40] =	vst v2  }
0x5c7: {  	v2 =	vld [tilespmem:s24+$0x10];
	_ =	sdelay $0x4  }
0x5c8: {  	v2 =	vmul.f32 v2, v0;
	_ =	sdelay $0x1  }
0x5c9: {  	v2 =	vadd.f32 v2, v1;
	_ =	sdelay $0x1  }
0x5ca: {  	[tilespmem:s28+$0x10C50] =	vst v2  }
0x5cb: {  	v2 =	vld [tilespmem:s24+$0x20];
	_ =	sdelay $0x4  }
0x5cc: {  	v2 =	vmul.f32 v2, v0;
	_ =	sdelay $0x1  }
0x5cd: {  	v2 =	vadd.f32 v2, v1;
	_ =	sdelay $0x1  }
0x5ce: {  	[tilespmem:s28+$0x10C60] =	vst v2  }
0x5cf: {  	v2 =	vld [tilespmem:s24+$0x30];
	_ =	sdelay $0x4  }
0x5d0: {  	v2 =	vmul.f32 v2, v0  }
.Ltmp15:
0x5d1: {  	(pc) =	sbr.rel @p0 .LBB2_33-.Ltmp15, $3  }
0x5d2: {  	v2 =	vadd.f32 v2, v1;
	_ =	sdelay $0x1  }
0x5d3: {  	s24 =	sadd.s32 $0x80, s24;
	[tilespmem:s28+$0x10C70] =	vst v2  }
0x5d4: {  	s26 =	sadd.s32 $0x1000, s26;
	v2 =	vld [tilespmem:s24+$0xFFFFFFC0]  }
0x5d5: {  	_ =	sdelay $0x3  }
0x5d6: {  	v2 =	vmul.f32 v2, v0;
	_ =	sdelay $0x1  }
0x5d7: {  	v2 =	vadd.f32 v2, v1  }
0x5d8: {  	s25 =	sshra.s32 s25, $0x2  }
0x5d9: {  	[tilespmem:s25+$0x10C00] =	vst v2  }
0x5da: {  	v2 =	vld [tilespmem:s24+$0xFFFFFFD0];
	_ =	sdelay $0x4  }
0x5db: {  	v2 =	vmul.f32 v2, v0;
	_ =	sdelay $0x1  }
0x5dc: {  	v2 =	vadd.f32 v2, v1;
	_ =	sdelay $0x1  }
0x5dd: {  	[tilespmem:s25+$0x10C10] =	vst v2  }
0x5de: {  	v2 =	vld [tilespmem:s24+$0xFFFFFFE0];
	_ =	sdelay $0x4  }
0x5df: {  	v2 =	vmul.f32 v2, v0;
	_ =	sdelay $0x1  }
0x5e0: {  	v2 =	vadd.f32 v2, v1;
	_ =	sdelay $0x1  }
0x5e1: {  	[tilespmem:s25+$0x10C20] =	vst v2  }
0x5e2: {  	v2 =	vld [tilespmem:s24+$0xFFFFFFF0];
	_ =	sdelay $0x4  }
0x5e3: {  	v2 =	vmul.f32 v2, v0;
	_ =	sdelay $0x1  }
0x5e4: {  	v2 =	vadd.f32 v2, v1;
	_ =	sdelay $0x1  }
0x5e5: {  	[tilespmem:s25+$0x10C30] =	vst v2  }
0x5e6: {  	v2 =	vld [tilespmem:s24+$0x0];
	_ =	sdelay $0x4  }
0x5e7: {  	v2 =	vmul.f32 v2, v0;
	_ =	sdelay $0x1  }
0x5e8: {  	v2 =	vadd.f32 v2, v1;
	_ =	sdelay $0x1  }
0x5e9: {  	[tilespmem:s25+$0x10C40] =	vst v2  }
0x5ea: {  	v2 =	vld [tilespmem:s24+$0x10];
	_ =	sdelay $0x4  }
0x5eb: {  	v2 =	vmul.f32 v2, v0;
	_ =	sdelay $0x1  }
0x5ec: {  	v2 =	vadd.f32 v2, v1;
	_ =	sdelay $0x1  }
0x5ed: {  	[tilespmem:s25+$0x10C50] =	vst v2  }
0x5ee: {  	v2 =	vld [tilespmem:s24+$0x20];
	_ =	sdelay $0x4  }
0x5ef: {  	v2 =	vmul.f32 v2, v0;
	_ =	sdelay $0x1  }
0x5f0: {  	v2 =	vadd.f32 v2, v1;
	_ =	sdelay $0x1  }
0x5f1: {  	[tilespmem:s25+$0x10C60] =	vst v2  }
0x5f2: {  	v2 =	vld [tilespmem:s24+$0x30];
	_ =	sdelay $0x4  }
0x5f3: {  	v2 =	vmul.f32 v2, v0;
	_ =	sdelay $0x1  }
0x5f4: {  	v1 =	vadd.f32 v2, v1;
	_ =	sdelay $0x1  }
0x5f5: {  	[tilespmem:s25+$0x10C70] =	vst v1  }
0x5f6: {  	v1 =	vld [tilespmem:s23+$0x800];
	_ =	sdelay $0x6  }
0x5f7: {  	s24 =	simm.s32 $0x0  }
0x5f8: {  	v2 =	vld.idx.msk [tilespmem:v1+s24+$0x0], $0xffff  }
0x5f9: {  	v3 =	vshll.u32 v1, $0x3  }
0x5fa: {  	v4 =	vld [tilespmem:s23+$0x4800];
	v3 =	vand.u32 $0xFFFFFC00, v3;
	v1 =	vand.u32 $0x7F, v1  }
0x5fb: {  	v1 =	vor.u32 v1, v3  }
0x5fc: {  	v1 =	vadd.s32 $0x4380, v1  }
0x5fd: {  	v2 =	vmul.f32 v2, v0;
	_ =	sdelay $0x1  }
0x5fe: {  	v2 =	vadd.f32 v4, v2;
	_ =	sdelay $0x1  }
0x5ff: {  	s22 =	sadd.s32 s3, s22;
	p0 =	por $0x1, $0x1;
	[tilespmem:v1+s18+$0x0] =	vst.idx.msk $0xffff, v2  }
.LBB2_35:
0x600: {  	s23 =	sshll.u32 s24, $0xE  }
0x601: {  	s28 =	sshll.u32 s24, $0x16;
	s23 =	sand.u32 $0x3FFFC000, s23  }
0x602: {  	s24 =	sadd.s32 s28, s22;
	s25 =	sadd.s32 $0xC880, s23  }
0x603: {  	[hbm4b:s24+s16] =	stream.strided.scatter [tilespmem:s25], [sflag:$0x1], $0x400, s19, s16, $0x38;
	[tilespmem:$0x14880] =	vst v63  }
0x604: {  	s29 =	sadd.s32 $0xCC80, s23;
	s26 =	sadd.s32 $0x80, s24  }
0x605: {  	[hbm4b:s26+s16] =	stream.strided.scatter [tilespmem:s29], [sflag:$0x1], $0x400, s19, s16, $0x38;
	[tilespmem:$0x14880] =	vst v63  }
0x606: {  	s30 =	sadd.s32 $0xD080, s23;
	s31 =	sadd.s32 $0x100, s24  }
0x607: {  	[hbm4b:s31+s16] =	stream.strided.scatter [tilespmem:s30], [sflag:$0x1], $0x400, s19, s16, $0x38;
	[tilespmem:$0x14880] =	vst v63  }
0x608: {  	s28 =	sadd.s32 $0xD480, s23;
	s29 =	sadd.s32 $0x180, s24  }
0x609: {  	[hbm4b:s29+s16] =	stream.strided.scatter [tilespmem:s28], [sflag:$0x1], $0x400, s19, s16, $0x38;
	[tilespmem:$0x14880] =	vst v63  }
0x60a: {  	s30 =	sadd.s32 $0xD880, s23;
	s31 =	sadd.s32 $0x200, s24  }
0x60b: {  	[hbm4b:s31+s16] =	stream.strided.scatter [tilespmem:s30], [sflag:$0x1], $0x400, s19, s16, $0x38;
	[tilespmem:$0x14880] =	vst v63  }
0x60c: {  	s28 =	sadd.s32 $0xDC80, s23;
	s29 =	sadd.s32 $0x280, s24  }
0x60d: {  	[hbm4b:s29+s16] =	stream.strided.scatter [tilespmem:s28], [sflag:$0x1], $0x400, s19, s16, $0x38;
	[tilespmem:$0x14880] =	vst v63  }
0x60e: {  	s30 =	sadd.s32 $0xE080, s23;
	s31 =	sadd.s32 $0x300, s24  }
0x60f: {  	[hbm4b:s31+s16] =	stream.strided.scatter [tilespmem:s30], [sflag:$0x1], $0x400, s19, s16, $0x38;
	[tilespmem:$0x14880] =	vst v63  }
0x610: {  	s28 =	sadd.s32 $0xE480, s23;
	s29 =	sadd.s32 $0x380, s24  }
0x611: {  	[hbm4b:s29+s16] =	stream.strided.scatter [tilespmem:s28], [sflag:$0x1], $0x400, s19, s16, $0x38;
	[tilespmem:$0x14880] =	vst v63  }
0x612: {  	s30 =	sadd.s32 $0xE880, s23;
	s31 =	sadd.s32 $0x400, s24  }
0x613: {  	[hbm4b:s31+s16] =	stream.strided.scatter [tilespmem:s30], [sflag:$0x1], $0x400, s19, s16, $0x38;
	[tilespmem:$0x14880] =	vst v63  }
0x614: {  	s28 =	sadd.s32 $0xEC80, s23;
	s29 =	sadd.s32 $0x480, s24  }
0x615: {  	[hbm4b:s29+s16] =	stream.strided.scatter [tilespmem:s28], [sflag:$0x1], $0x400, s19, s16, $0x38;
	[tilespmem:$0x14880] =	vst v63  }
0x616: {  	s30 =	sadd.s32 $0xF080, s23;
	s31 =	sadd.s32 $0x500, s24  }
0x617: {  	[hbm4b:s31+s16] =	stream.strided.scatter [tilespmem:s30], [sflag:$0x1], $0x400, s19, s16, $0x38;
	[tilespmem:$0x14880] =	vst v63  }
0x618: {  	s28 =	sadd.s32 $0xF480, s23;
	s29 =	sadd.s32 $0x580, s24  }
0x619: {  	[hbm4b:s29+s16] =	stream.strided.scatter [tilespmem:s28], [sflag:$0x1], $0x400, s19, s16, $0x38;
	[tilespmem:$0x14880] =	vst v63  }
0x61a: {  	s30 =	sadd.s32 $0xF880, s23;
	s31 =	sadd.s32 $0x600, s24  }
0x61b: {  	[hbm4b:s31+s16] =	stream.strided.scatter [tilespmem:s30], [sflag:$0x1], $0x400, s19, s16, $0x38;
	[tilespmem:$0x14880] =	vst v63  }
0x61c: {  	p1 =	por p0, p0;
	s28 =	sadd.s32 $0xFC80, s23;
	s29 =	sadd.s32 $0x680, s24  }
0x61d: {  	[hbm4b:s29+s16] =	stream.strided.scatter [tilespmem:s28], [sflag:$0x1], $0x400, s19, s16, $0x38;
	[tilespmem:$0x14880] =	vst v63  }
.Ltmp16:
0x61e: {  	s30 =	sadd.s32 $0x10080, s23;
	s31 =	sadd.s32 $0x700, s24;
	(pc) =	sbr.rel @p1 .LBB2_35-.Ltmp16, $4  }
0x61f: {  	[hbm4b:s31+s16] =	stream.strided.scatter [tilespmem:s30], [sflag:$0x1], $0x400, s19, s16, $0x38;
	[tilespmem:$0x14880] =	vst v63  }
0x620: {  	s23 =	sadd.s32 $0x10480, s23;
	s24 =	sadd.s32 $0x780, s24  }
0x621: {  	[hbm4b:s24+s16] =	stream.strided.scatter [tilespmem:s23], [sflag:$0x1], $0x400, s19, s16, $0x38;
	[tilespmem:$0x14880] =	vst v63  }
0x622: {  	p0 =	por $0x0, $0x0;
	s24 =	simm.s32 $0x1  }
0x623: {  	s21 =	sadd.s32 $0x1, s21  }
0x624: {  	p0 =	sne.s32 s21, $0x40  }
.Ltmp17:
0x625: {  	_ = 	snop;
	(pc) =	sbr.rel @p0 .LBB2_2-.Ltmp17, $4  }
0x626: {  	_ = 	snop  }
0x627: {  	_ =	swait.ge [sflag:s12], $0x8000  }
0x628: {  	[sflag:s12] =	ssyncset.done $0x0  }
0x629: {  	[sflag:s12] =	ssyncadd.s32 $0xFFFF8000  }
0x62a: {  	s20 =	sadd.s32 $0x1, s20  }
0x62b: {  	p0 =	sne.s32 s20, s10  }
.Ltmp18:
0x62c: {  	_ = 	snop;
	(pc) =	sbr.rel @p0 .LBB2_1-.Ltmp18, $1  }
0x62d: {  	_ =	sdelay $0x3  }
0x62e: {  	_ =	sfence.sel $0x180000  }
0x62f: {  	[bflag:$0x0] =	sbarrier.arrive $0xFFFF  }
0x630: {  	p0 =	sne.s32 s2, $0x0;
	_ =	strace $0x90000047  }
0x631: {  	s0 =	sadd.s32 @!p0 $0x100000, s0;
	[bflag:$0x2] =	sbarrier.arrive $0xFFFF  }
0x632: {  	[sflag:s0] =	ssyncadd.tile.s32 @!p0 $0x1;
	_ =	shalt  }
.Lfunc_end2:
_tile_overlayer_lowered:
.L_overlay_start_2:
0x633: {  	(tag) =	ssettag $0x2  }
0x634: {  	s0 =	rddreg [dreg:$0x0];
	s2 =	stileid.u32  }
0x635: {  	s1 =	rddreg [dreg:$0x1];
	p0 =	sne.s32 s2, $0x0  }
0x636: {  	s3 =	rddreg [dreg:$0x2];
	[bflag:$0x3] =	sbarrier.arrive $0xFFFF;
	s2 =	simm.s32 @!p0 $0x1C01  }
0x637: {  	[timem:s3], [sflag:s2] =	dma.local @!p0 [hbm:s0], s1  }
0x638: {  	s0 =	simm.s32 @!p0 $0x1  }
0x639: {  	_ =	swait.ge @!p0 [sflag:s0], s1  }
0x63a: {  	s1 =	ssub.s32 @!p0 $0x0, s1;
	[sflag:s0] =	ssyncset.done @!p0 $0x0  }
0x63b: {  	[sflag:s0] =	ssyncadd.s32 @!p0 s1  }
0x63c: {  	[bflag:$0x3] =	sbarrier.arrive $0xFFFF  }
0x63d: {  	_ =	shalt  }

</sc_bundles>
